<compile_context>
chip_gen: v7x
topology: tpu7x:2x2x1
jax: 0.10.2.dev20260603
libtpu: 0.0.44.dev20260713+nightly
codegen_flags: <defaults>
</compile_context>

<pallas_src>
import functools

import jax
import jax.numpy as jnp
from jax import lax
from jax.experimental import pallas as pl
from jax.experimental.pallas import tpu as pltpu
from jax.experimental.pallas import tpu_sc as plsc

_BATCH = 16384
_OUT_DIM = 32
_NC = 2
_NS = 16
_NW = _NC * _NS
_B_PER_W = _BATCH // _NW
_G = 16
_N_GROUPS = _B_PER_W // _G
_L = 16


def _embed_body(cls_hbm, tabT_hbm, outT_hbm, idx_v, ring_v, stage_v, sem):
    wid = lax.axis_index("s") * _NC + lax.axis_index("c")
    base = wid * _B_PER_W
    pltpu.sync_copy(cls_hbm.at[pl.ds(base, _B_PER_W)], idx_v)

    lanes = lax.iota(jnp.int32, _L)
    rows_lo = lanes
    rows_hi = _L + lanes

    def fire(g, u):
        vec = idx_v[pl.ds(g * _G, _G)]
        vv = pl.multiple_of((vec[u] >> 7) * 128, 128)
        pltpu.async_copy(
            tabT_hbm.at[pl.ds(0, _L), pl.ds(vv, 128)],
            ring_v.at[u, pl.ds(0, _L)],
            sem.at[u],
        )
        pltpu.async_copy(
            tabT_hbm.at[pl.ds(_L, _L), pl.ds(vv, 128)],
            ring_v.at[u, pl.ds(_L, _L)],
            sem.at[u],
        )

    def extract(g, u, c_vec):
        c = jnp.full((_L,), c_vec[u], jnp.int32)
        pos = jnp.full((_L,), g * _G + u, jnp.int32)
        lo = plsc.load_gather(ring_v.at[u], [rows_lo, c])
        hi = plsc.load_gather(ring_v.at[u], [rows_hi, c])
        plsc.store_scatter(stage_v, [rows_lo, pos], lo)
        plsc.store_scatter(stage_v, [rows_hi, pos], hi)

    def wait(u):
        pltpu.make_async_copy(
            tabT_hbm.at[:, pl.ds(0, 128)], ring_v.at[u], sem.at[u]
        ).wait()

    for u in range(_G):
        fire(0, u)

    def group(g, c_prev):
        vec = idx_v[pl.ds(g * _G, _G)]
        for u in range(_G):
            wait(u)
            extract(g - 1, u, c_prev)
            fire(g, u)
        return vec & 127

    c0 = idx_v[pl.ds(0, _G)] & 127
    c_last = lax.fori_loop(1, _N_GROUPS, group, c0)

    for u in range(_G):
        wait(u)
        extract(_N_GROUPS - 1, u, c_last)

    pltpu.sync_copy(stage_v, outT_hbm.at[:, pl.ds(base, _B_PER_W)])


@jax.jit
def kernel(cls, table):
    mesh = plsc.VectorSubcoreMesh(core_axis_name="c", subcore_axis_name="s")
    run = functools.partial(
        pl.kernel,
        mesh=mesh,
        out_type=jax.ShapeDtypeStruct((_OUT_DIM, _BATCH), jnp.float32),
        scratch_types=[
            pltpu.VMEM((_B_PER_W,), jnp.int32),
            pltpu.VMEM((_G, _OUT_DIM, 128), jnp.float32),
            pltpu.VMEM((_OUT_DIM, _B_PER_W), jnp.float32),
            pltpu.SemaphoreType.DMA((_G,)),
        ],
        compiler_params=pltpu.CompilerParams(needs_layout_passes=False),
    )(_embed_body)
    outT = run(cls.astype(jnp.int32), table.T)
    return outT.T

# --- scband reference (transcript-rebuilt; emitter-appended) ---
"""Pipeline reference for scband-class-embed-15436112462632 (READ-ONLY COPY).

The authoritative reference and input builder live on the scoring server;
editing this copy changes nothing except your own understanding.
"""

import jax, jax.numpy as jnp
import numpy as np

NUM_CLASSES = 1000000
OUT_DIM = 32
BATCH = 16384


def setup_inputs(seed: int = 0) -> dict:
    key = jax.random.key(seed)
    k_idx, k_tab = jax.random.split(key)
    cls = jax.random.randint(k_idx, (BATCH,), 0, NUM_CLASSES, dtype=jnp.int64 if jax.config.jax_enable_x64 else jnp.int32)
    # Embedding table (learned parameter), default flax Embed init ~ normal(stddev=1)
    table = jax.random.normal(k_tab, (NUM_CLASSES, OUT_DIM), dtype=jnp.float32)
    return {"cls": cls, "table": table}


def reference(cls, table):
    # flax nn.Embed(num_classes, out_dim)(cls) == table[cls]
    return jnp.take(table, cls, axis=0)

if __name__ == "__main__":
    import jax
    _d = setup_inputs()
    print(jax.jit(kernel)(*tuple(_d.values())))

</pallas_src>

<mosaic_0001>
#map = affine_map<(d0, d1) -> (0)>
#map1 = affine_map<(d0, d1) -> (0, 0)>
module attributes {stable_mosaic.version = 14 : i64} {
  func.func @_embed_body(%arg0: i32, %arg1: i32, %arg2: memref<16384xi32, #tpu.memory_space<hbm>>, %arg3: memref<32x1000000xf32, #tpu.memory_space<hbm>>, %arg4: memref<32x16384xf32, #tpu.memory_space<hbm>>, %arg5: memref<512xi32, #tpu.memory_space<vmem>>, %arg6: memref<16x32x128xf32, #tpu.memory_space<vmem>>, %arg7: memref<32x512xf32, #tpu.memory_space<vmem>>, %arg8: memref<16x!tpu.dma_semaphore, #tpu.memory_space<semaphore_mem>>) attributes {dimension_semantics = [#tpu.dimension_semantics<core_parallel>, #tpu.dimension_semantics<subcore_parallel>], iteration_bounds = array<i64: 2, 16>, scalar_prefetch = 0 : i64, scratch_operands = 4 : i64, tpu.core_type = #tpu.core_type<sc_vector_subcore>, window_params = [{transform_indices = #map}, {transform_indices = #map1}, {transform_indices = #map1}]} {
    %mul3A = arith.constant 2 : i32
    %mul3A_0 = arith.muli %arg1, %mul3A : i32
    %add3A = arith.addi %mul3A_0, %arg0 : i32
    %mul3A_1 = arith.constant 512 : i32
    %mul3A_2 = arith.muli %add3A, %mul3A_1 : i32
    "tpu.region"() ({
      %run_scoped3A = tpu.sem_alloc : memref<!tpu.dma_semaphore, #tpu.memory_space<semaphore_mem>>
      %dma_start3A_1222 = tpu.memref_slice %arg2[%mul3A_2] : memref<16384xi32, #tpu.memory_space<hbm>> -> memref<512xi32, #tpu.memory_space<hbm>>
      %dma_start3A_1223 = tpu.memref_slice %arg2[%mul3A_2] : memref<16384xi32, #tpu.memory_space<hbm>> -> memref<512xi32, #tpu.memory_space<hbm>>
      tpu.enqueue_dma source(%dma_start3A_1223 : memref<512xi32, #tpu.memory_space<hbm>>) target(%arg5 : memref<512xi32, #tpu.memory_space<vmem>>) target_semaphore(%run_scoped3A : memref<!tpu.dma_semaphore, #tpu.memory_space<semaphore_mem>>)
      %dma_wait3A_1224 = tpu.memref_slice %arg2[%mul3A_2] : memref<16384xi32, #tpu.memory_space<hbm>> -> memref<512xi32, #tpu.memory_space<hbm>>
      %dma_wait3A_1225 = tpu.memref_slice %arg2[%mul3A_2] : memref<16384xi32, #tpu.memory_space<hbm>> -> memref<512xi32, #tpu.memory_space<hbm>>
      tpu.wait_dma2 semaphore(%run_scoped3A : memref<!tpu.dma_semaphore, #tpu.memory_space<semaphore_mem>>) src(%dma_wait3A_1225 : memref<512xi32, #tpu.memory_space<hbm>>) dst(%arg5 : memref<512xi32, #tpu.memory_space<vmem>>)
      tpu.yield
    }) : () -> ()
    %iota3A = tpu.iota {dimensions = array<i32: 0>} : vector<16xi32>
    %add3A_3 = arith.constant 16 : i32
    %add3A_4 = vector.broadcast %add3A_3 : i32 to vector<16xi32>
    %add3A_5 = arith.addi %add3A_4, %iota3A : vector<16xi32>
    %get3A = arith.constant 0 : index
    %get3A_6 = tpu.vector_load %arg5[%get3A] {strides = array<i32>} : memref<512xi32, #tpu.memory_space<vmem>>, vector<16xi32>,
    %slice3A = vector.extract_strided_slice %get3A_6 {offsets = [0], sizes = [1], strides = [1]} : vector<16xi32> to vector<1xi32>
    %squeeze3A = vector.extract %slice3A[0] : i32 from vector<1xi32>
    %shift_right_arithmetic3A = arith.constant 7 : i32
    %shift_right_arithmetic3A_7 = arith.shrsi %squeeze3A, %shift_right_arithmetic3A : i32
    %mul3A_8 = arith.constant 128 : i32
    %mul3A_9 = arith.muli %shift_right_arithmetic3A_7, %mul3A_8 : i32
    %multiple_of3A = tpu.assume_multiple %mul3A_9, 128 : i32
    %dma_start3A = arith.constant 0 : i32
    %dma_start3A_10 = arith.constant 0 : i32
    %dma_start3A_11 = arith.constant 0 : i32
    %dma_start3A_12 = arith.constant 0 : i32
    %dma_start3A_13 = tpu.memref_slice %arg6[%dma_start3A, %dma_start3A_11, %dma_start3A_12] : memref<16x32x128xf32, #tpu.memory_space<vmem>> -> memref<1x16x128xf32, #tpu.memory_space<vmem>>
    %dma_start3A_14 = tpu.memref_squeeze %dma_start3A_13 : memref<1x16x128xf32, #tpu.memory_space<vmem>> -> memref<16x128xf32, #tpu.memory_space<vmem>>
    %dma_start3A_15 = arith.constant 0 : i32
    %dma_start3A_16 = tpu.memref_slice %arg3[%dma_start3A_15, %multiple_of3A] : memref<32x1000000xf32, #tpu.memory_space<hbm>> -> memref<16x128xf32, #tpu.memory_space<hbm>>
    %dma_start3A_17 = tpu.memref_slice %arg8[%dma_start3A_10] : memref<16x!tpu.dma_semaphore, #tpu.memory_space<semaphore_mem>> -> memref<1x!tpu.dma_semaphore, #tpu.memory_space<semaphore_mem>>
    %dma_start3A_18 = tpu.memref_squeeze %dma_start3A_17 : memref<1x!tpu.dma_semaphore, #tpu.memory_space<semaphore_mem>> -> memref<!tpu.dma_semaphore, #tpu.memory_space<semaphore_mem>>
    %dma_start3A_19 = arith.constant 0 : i32
    %dma_start3A_20 = arith.constant 0 : i32
    %dma_start3A_21 = tpu.memref_slice %arg6[%dma_start3A, %dma_start3A_19, %dma_start3A_20] : memref<16x32x128xf32, #tpu.memory_space<vmem>> -> memref<1x16x128xf32, #tpu.memory_space<vmem>>
    %dma_start3A_22 = tpu.memref_squeeze %dma_start3A_21 : memref<1x16x128xf32, #tpu.memory_space<vmem>> -> memref<16x128xf32, #tpu.memory_space<vmem>>
    %dma_start3A_23 = arith.constant 0 : i32
    %dma_start3A_24 = tpu.memref_slice %arg3[%dma_start3A_23, %multiple_of3A] : memref<32x1000000xf32, #tpu.memory_space<hbm>> -> memref<16x128xf32, #tpu.memory_space<hbm>>
    tpu.enqueue_dma source(%dma_start3A_24 : memref<16x128xf32, #tpu.memory_space<hbm>>) target(%dma_start3A_22 : memref<16x128xf32, #tpu.memory_space<vmem>>) target_semaphore(%dma_start3A_18 : memref<!tpu.dma_semaphore, #tpu.memory_space<semaphore_mem>>)
    %dma_start3A_25 = arith.constant 0 : i32
    %dma_start3A_26 = arith.constant 0 : i32
    %dma_start3A_27 = arith.constant 16 : i32
    %dma_start3A_28 = arith.constant 0 : i32
    %dma_start3A_29 = tpu.memref_slice %arg6[%dma_start3A_25, %dma_start3A_27, %dma_start3A_28] : memref<16x32x128xf32, #tpu.memory_space<vmem>> -> memref<1x16x128xf32, #tpu.memory_space<vmem>>
    %dma_start3A_30 = tpu.memref_squeeze %dma_start3A_29 : memref<1x16x128xf32, #tpu.memory_space<vmem>> -> memref<16x128xf32, #tpu.memory_space<vmem>>
    %dma_start3A_31 = arith.constant 16 : i32
    %dma_start3A_32 = tpu.memref_slice %arg3[%dma_start3A_31, %multiple_of3A] : memref<32x1000000xf32, #tpu.memory_space<hbm>> -> memref<16x128xf32, #tpu.memory_space<hbm>>
    %dma_start3A_33 = tpu.memref_slice %arg8[%dma_start3A_26] : memref<16x!tpu.dma_semaphore, #tpu.memory_space<semaphore_mem>> -> memref<1x!tpu.dma_semaphore, #tpu.memory_space<semaphore_mem>>
    %dma_start3A_34 = tpu.memref_squeeze %dma_start3A_33 : memref<1x!tpu.dma_semaphore, #tpu.memory_space<semaphore_mem>> -> memref<!tpu.dma_semaphore, #tpu.memory_space<semaphore_mem>>
    %dma_start3A_35 = arith.constant 16 : i32
    %dma_start3A_36 = arith.constant 0 : i32
    %dma_start3A_37 = tpu.memref_slice %arg6[%dma_start3A_25, %dma_start3A_35, %dma_start3A_36] : memref<16x32x128xf32, #tpu.memory_space<vmem>> -> memref<1x16x128xf32, #tpu.memory_space<vmem>>
    %dma_start3A_38 = tpu.memref_squeeze %dma_start3A_37 : memref<1x16x128xf32, #tpu.memory_space<vmem>> -> memref<16x128xf32, #tpu.memory_space<vmem>>
    %dma_start3A_39 = arith.constant 16 : i32
    %dma_start3A_40 = tpu.memref_slice %arg3[%dma_start3A_39, %multiple_of3A] : memref<32x1000000xf32, #tpu.memory_space<hbm>> -> memref<16x128xf32, #tpu.memory_space<hbm>>
    tpu.enqueue_dma source(%dma_start3A_40 : memref<16x128xf32, #tpu.memory_space<hbm>>) target(%dma_start3A_38 : memref<16x128xf32, #tpu.memory_space<vmem>>) target_semaphore(%dma_start3A_34 : memref<!tpu.dma_semaphore, #tpu.memory_space<semaphore_mem>>)
    %get3A_41 = arith.constant 0 : index
    %get3A_42 = tpu.vector_load %arg5[%get3A_41] {strides = array<i32>} : memref<512xi32, #tpu.memory_space<vmem>>, vector<16xi32>,
    %slice3A_43 = vector.extract_strided_slice %get3A_42 {offsets = [1], sizes = [1], strides = [1]} : vector<16xi32> to vector<1xi32>
    %squeeze3A_44 = vector.extract %slice3A_43[0] : i32 from vector<1xi32>
    %shift_right_arithmetic3A_45 = arith.constant 7 : i32
    %shift_right_arithmetic3A_46 = arith.shrsi %squeeze3A_44, %shift_right_arithmetic3A_45 : i32
    %mul3A_47 = arith.constant 128 : i32
    %mul3A_48 = arith.muli %shift_right_arithmetic3A_46, %mul3A_47 : i32
    %multiple_of3A_49 = tpu.assume_multiple %mul3A_48, 128 : i32
    %dma_start3A_50 = arith.constant 1 : i32
    %dma_start3A_51 = arith.constant 1 : i32
    %dma_start3A_52 = arith.constant 0 : i32
    %dma_start3A_53 = arith.constant 0 : i32
    %dma_start3A_54 = tpu.memref_slice %arg6[%dma_start3A_50, %dma_start3A_52, %dma_start3A_53] : memref<16x32x128xf32, #tpu.memory_space<vmem>> -> memref<1x16x128xf32, #tpu.memory_space<vmem>>
    %dma_start3A_55 = tpu.memref_squeeze %dma_start3A_54 : memref<1x16x128xf32, #tpu.memory_space<vmem>> -> memref<16x128xf32, #tpu.memory_space<vmem>>
    %dma_start3A_56 = arith.constant 0 : i32
    %dma_start3A_57 = tpu.memref_slice %arg3[%dma_start3A_56, %multiple_of3A_49] : memref<32x1000000xf32, #tpu.memory_space<hbm>> -> memref<16x128xf32, #tpu.memory_space<hbm>>
    %dma_start3A_58 = tpu.memref_slice %arg8[%dma_start3A_51] : memref<16x!tpu.dma_semaphore, #tpu.memory_space<semaphore_mem>> -> memref<1x!tpu.dma_semaphore, #tpu.memory_space<semaphore_mem>>
    %dma_start3A_59 = tpu.memref_squeeze %dma_start3A_58 : memref<1x!tpu.dma_semaphore, #tpu.memory_space<semaphore_mem>> -> memref<!tpu.dma_semaphore, #tpu.memory_space<semaphore_mem>>
    %dma_start3A_60 = arith.constant 0 : i32
    %dma_start3A_61 = arith.constant 0 : i32
    %dma_start3A_62 = tpu.memref_slice %arg6[%dma_start3A_50, %dma_start3A_60, %dma_start3A_61] : memref<16x32x128xf32, #tpu.memory_space<vmem>> -> memref<1x16x128xf32, #tpu.memory_space<vmem>>
    %dma_start3A_63 = tpu.memref_squeeze %dma_start3A_62 : memref<1x16x128xf32, #tpu.memory_space<vmem>> -> memref<16x128xf32, #tpu.memory_space<vmem>>
    %dma_start3A_64 = arith.constant 0 : i32
    %dma_start3A_65 = tpu.memref_slice %arg3[%dma_start3A_64, %multiple_of3A_49] : memref<32x1000000xf32, #tpu.memory_space<hbm>> -> memref<16x128xf32, #tpu.memory_space<hbm>>
    tpu.enqueue_dma source(%dma_start3A_65 : memref<16x128xf32, #tpu.memory_space<hbm>>) target(%dma_start3A_63 : memref<16x128xf32, #tpu.memory_space<vmem>>) target_semaphore(%dma_start3A_59 : memref<!tpu.dma_semaphore, #tpu.memory_space<semaphore_mem>>)
    %dma_start3A_66 = arith.constant 1 : i32
    %dma_start3A_67 = arith.constant 1 : i32
    %dma_start3A_68 = arith.constant 16 : i32
    %dma_start3A_69 = arith.constant 0 : i32
    %dma_start3A_70 = tpu.memref_slice %arg6[%dma_start3A_66, %dma_start3A_68, %dma_start3A_69] : memref<16x32x128xf32, #tpu.memory_space<vmem>> -> memref<1x16x128xf32, #tpu.memory_space<vmem>>
    %dma_start3A_71 = tpu.memref_squeeze %dma_start3A_70 : memref<1x16x128xf32, #tpu.memory_space<vmem>> -> memref<16x128xf32, #tpu.memory_space<vmem>>
    %dma_start3A_72 = arith.constant 16 : i32
    %dma_start3A_73 = tpu.memref_slice %arg3[%dma_start3A_72, %multiple_of3A_49] : memref<32x1000000xf32, #tpu.memory_space<hbm>> -> memref<16x128xf32, #tpu.memory_space<hbm>>
    %dma_start3A_74 = tpu.memref_slice %arg8[%dma_start3A_67] : memref<16x!tpu.dma_semaphore, #tpu.memory_space<semaphore_mem>> -> memref<1x!tpu.dma_semaphore, #tpu.memory_space<semaphore_mem>>
    %dma_start3A_75 = tpu.memref_squeeze %dma_start3A_74 : memref<1x!tpu.dma_semaphore, #tpu.memory_space<semaphore_mem>> -> memref<!tpu.dma_semaphore, #tpu.memory_space<semaphore_mem>>
    %dma_start3A_76 = arith.constant 16 : i32
    %dma_start3A_77 = arith.constant 0 : i32
    %dma_start3A_78 = tpu.memref_slice %arg6[%dma_start3A_66, %dma_start3A_76, %dma_start3A_77] : memref<16x32x128xf32, #tpu.memory_space<vmem>> -> memref<1x16x128xf32, #tpu.memory_space<vmem>>
    %dma_start3A_79 = tpu.memref_squeeze %dma_start3A_78 : memref<1x16x128xf32, #tpu.memory_space<vmem>> -> memref<16x128xf32, #tpu.memory_space<vmem>>
    %dma_start3A_80 = arith.constant 16 : i32
    %dma_start3A_81 = tpu.memref_slice %arg3[%dma_start3A_80, %multiple_of3A_49] : memref<32x1000000xf32, #tpu.memory_space<hbm>> -> memref<16x128xf32, #tpu.memory_space<hbm>>
    tpu.enqueue_dma source(%dma_start3A_81 : memref<16x128xf32, #tpu.memory_space<hbm>>) target(%dma_start3A_79 : memref<16x128xf32, #tpu.memory_space<vmem>>) target_semaphore(%dma_start3A_75 : memref<!tpu.dma_semaphore, #tpu.memory_space<semaphore_mem>>)
    %get3A_82 = arith.constant 0 : index
    %get3A_83 = tpu.vector_load %arg5[%get3A_82] {strides = array<i32>} : memref<512xi32, #tpu.memory_space<vmem>>, vector<16xi32>,
    %slice3A_84 = vector.extract_strided_slice %get3A_83 {offsets = [2], sizes = [1], strides = [1]} : vector<16xi32> to vector<1xi32>
    %squeeze3A_85 = vector.extract %slice3A_84[0] : i32 from vector<1xi32>
    %shift_right_arithmetic3A_86 = arith.constant 7 : i32
    %shift_right_arithmetic3A_87 = arith.shrsi %squeeze3A_85, %shift_right_arithmetic3A_86 : i32
    %mul3A_88 = arith.constant 128 : i32
    %mul3A_89 = arith.muli %shift_right_arithmetic3A_87, %mul3A_88 : i32
    %multiple_of3A_90 = tpu.assume_multiple %mul3A_89, 128 : i32
    %dma_start3A_91 = arith.constant 2 : i32
    %dma_start3A_92 = arith.constant 2 : i32
    %dma_start3A_93 = arith.constant 0 : i32
    %dma_start3A_94 = arith.constant 0 : i32
    %dma_start3A_95 = tpu.memref_slice %arg6[%dma_start3A_91, %dma_start3A_93, %dma_start3A_94] : memref<16x32x128xf32, #tpu.memory_space<vmem>> -> memref<1x16x128xf32, #tpu.memory_space<vmem>>
    %dma_start3A_96 = tpu.memref_squeeze %dma_start3A_95 : memref<1x16x128xf32, #tpu.memory_space<vmem>> -> memref<16x128xf32, #tpu.memory_space<vmem>>
    %dma_start3A_97 = arith.constant 0 : i32
    %dma_start3A_98 = tpu.memref_slice %arg3[%dma_start3A_97, %multiple_of3A_90] : memref<32x1000000xf32, #tpu.memory_space<hbm>> -> memref<16x128xf32, #tpu.memory_space<hbm>>
    %dma_start3A_99 = tpu.memref_slice %arg8[%dma_start3A_92] : memref<16x!tpu.dma_semaphore, #tpu.memory_space<semaphore_mem>> -> memref<1x!tpu.dma_semaphore, #tpu.memory_space<semaphore_mem>>
    %dma_start3A_100 = tpu.memref_squeeze %dma_start3A_99 : memref<1x!tpu.dma_semaphore, #tpu.memory_space<semaphore_mem>> -> memref<!tpu.dma_semaphore, #tpu.memory_space<semaphore_mem>>
    %dma_start3A_101 = arith.constant 0 : i32
    %dma_start3A_102 = arith.constant 0 : i32
    %dma_start3A_103 = tpu.memref_slice %arg6[%dma_start3A_91, %dma_start3A_101, %dma_start3A_102] : memref<16x32x128xf32, #tpu.memory_space<vmem>> -> memref<1x16x128xf32, #tpu.memory_space<vmem>>
    %dma_start3A_104 = tpu.memref_squeeze %dma_start3A_103 : memref<1x16x128xf32, #tpu.memory_space<vmem>> -> memref<16x128xf32, #tpu.memory_space<vmem>>
    %dma_start3A_105 = arith.constant 0 : i32
    %dma_start3A_106 = tpu.memref_slice %arg3[%dma_start3A_105, %multiple_of3A_90] : memref<32x1000000xf32, #tpu.memory_space<hbm>> -> memref<16x128xf32, #tpu.memory_space<hbm>>
    tpu.enqueue_dma source(%dma_start3A_106 : memref<16x128xf32, #tpu.memory_space<hbm>>) target(%dma_start3A_104 : memref<16x128xf32, #tpu.memory_space<vmem>>) target_semaphore(%dma_start3A_100 : memref<!tpu.dma_semaphore, #tpu.memory_space<semaphore_mem>>)
    %dma_start3A_107 = arith.constant 2 : i32
    %dma_start3A_108 = arith.constant 2 : i32
    %dma_start3A_109 = arith.constant 16 : i32
    %dma_start3A_110 = arith.constant 0 : i32
    %dma_start3A_111 = tpu.memref_slice %arg6[%dma_start3A_107, %dma_start3A_109, %dma_start3A_110] : memref<16x32x128xf32, #tpu.memory_space<vmem>> -> memref<1x16x128xf32, #tpu.memory_space<vmem>>
    %dma_start3A_112 = tpu.memref_squeeze %dma_start3A_111 : memref<1x16x128xf32, #tpu.memory_space<vmem>> -> memref<16x128xf32, #tpu.memory_space<vmem>>
    %dma_start3A_113 = arith.constant 16 : i32
    %dma_start3A_114 = tpu.memref_slice %arg3[%dma_start3A_113, %multiple_of3A_90] : memref<32x1000000xf32, #tpu.memory_space<hbm>> -> memref<16x128xf32, #tpu.memory_space<hbm>>
    %dma_start3A_115 = tpu.memref_slice %arg8[%dma_start3A_108] : memref<16x!tpu.dma_semaphore, #tpu.memory_space<semaphore_mem>> -> memref<1x!tpu.dma_semaphore, #tpu.memory_space<semaphore_mem>>
    %dma_start3A_116 = tpu.memref_squeeze %dma_start3A_115 : memref<1x!tpu.dma_semaphore, #tpu.memory_space<semaphore_mem>> -> memref<!tpu.dma_semaphore, #tpu.memory_space<semaphore_mem>>
    %dma_start3A_117 = arith.constant 16 : i32
    %dma_start3A_118 = arith.constant 0 : i32
    %dma_start3A_119 = tpu.memref_slice %arg6[%dma_start3A_107, %dma_start3A_117, %dma_start3A_118] : memref<16x32x128xf32, #tpu.memory_space<vmem>> -> memref<1x16x128xf32, #tpu.memory_space<vmem>>
    %dma_start3A_120 = tpu.memref_squeeze %dma_start3A_119 : memref<1x16x128xf32, #tpu.memory_space<vmem>> -> memref<16x128xf32, #tpu.memory_space<vmem>>
    %dma_start3A_121 = arith.constant 16 : i32
    %dma_start3A_122 = tpu.memref_slice %arg3[%dma_start3A_121, %multiple_of3A_90] : memref<32x1000000xf32, #tpu.memory_space<hbm>> -> memref<16x128xf32, #tpu.memory_space<hbm>>
    tpu.enqueue_dma source(%dma_start3A_122 : memref<16x128xf32, #tpu.memory_space<hbm>>) target(%dma_start3A_120 : memref<16x128xf32, #tpu.memory_space<vmem>>) target_semaphore(%dma_start3A_116 : memref<!tpu.dma_semaphore, #tpu.memory_space<semaphore_mem>>)
    %get3A_123 = arith.constant 0 : index
    %get3A_124 = tpu.vector_load %arg5[%get3A_123] {strides = array<i32>} : memref<512xi32, #tpu.memory_space<vmem>>, vector<16xi32>,
    %slice3A_125 = vector.extract_strided_slice %get3A_124 {offsets = [3], sizes = [1], strides = [1]} : vector<16xi32> to vector<1xi32>
    %squeeze3A_126 = vector.extract %slice3A_125[0] : i32 from vector<1xi32>
    %shift_right_arithmetic3A_127 = arith.constant 7 : i32
    %shift_right_arithmetic3A_128 = arith.shrsi %squeeze3A_126, %shift_right_arithmetic3A_127 : i32
    %mul3A_129 = arith.constant 128 : i32
    %mul3A_130 = arith.muli %shift_right_arithmetic3A_128, %mul3A_129 : i32
    %multiple_of3A_131 = tpu.assume_multiple %mul3A_130, 128 : i32
    %dma_start3A_132 = arith.constant 3 : i32
    %dma_start3A_133 = arith.constant 3 : i32
    %dma_start3A_134 = arith.constant 0 : i32
    %dma_start3A_135 = arith.constant 0 : i32
    %dma_start3A_136 = tpu.memref_slice %arg6[%dma_start3A_132, %dma_start3A_134, %dma_start3A_135] : memref<16x32x128xf32, #tpu.memory_space<vmem>> -> memref<1x16x128xf32, #tpu.memory_space<vmem>>
    %dma_start3A_137 = tpu.memref_squeeze %dma_start3A_136 : memref<1x16x128xf32, #tpu.memory_space<vmem>> -> memref<16x128xf32, #tpu.memory_space<vmem>>
    %dma_start3A_138 = arith.constant 0 : i32
    %dma_start3A_139 = tpu.memref_slice %arg3[%dma_start3A_138, %multiple_of3A_131] : memref<32x1000000xf32, #tpu.memory_space<hbm>> -> memref<16x128xf32, #tpu.memory_space<hbm>>
    %dma_start3A_140 = tpu.memref_slice %arg8[%dma_start3A_133] : memref<16x!tpu.dma_semaphore, #tpu.memory_space<semaphore_mem>> -> memref<1x!tpu.dma_semaphore, #tpu.memory_space<semaphore_mem>>
    %dma_start3A_141 = tpu.memref_squeeze %dma_start3A_140 : memref<1x!tpu.dma_semaphore, #tpu.memory_space<semaphore_mem>> -> memref<!tpu.dma_semaphore, #tpu.memory_space<semaphore_mem>>
    %dma_start3A_142 = arith.constant 0 : i32
    %dma_start3A_143 = arith.constant 0 : i32
    %dma_start3A_144 = tpu.memref_slice %arg6[%dma_start3A_132, %dma_start3A_142, %dma_start3A_143] : memref<16x32x128xf32, #tpu.memory_space<vmem>> -> memref<1x16x128xf32, #tpu.memory_space<vmem>>
    %dma_start3A_145 = tpu.memref_squeeze %dma_start3A_144 : memref<1x16x128xf32, #tpu.memory_space<vmem>> -> memref<16x128xf32, #tpu.memory_space<vmem>>
    %dma_start3A_146 = arith.constant 0 : i32
    %dma_start3A_147 = tpu.memref_slice %arg3[%dma_start3A_146, %multiple_of3A_131] : memref<32x1000000xf32, #tpu.memory_space<hbm>> -> memref<16x128xf32, #tpu.memory_space<hbm>>
    tpu.enqueue_dma source(%dma_start3A_147 : memref<16x128xf32, #tpu.memory_space<hbm>>) target(%dma_start3A_145 : memref<16x128xf32, #tpu.memory_space<vmem>>) target_semaphore(%dma_start3A_141 : memref<!tpu.dma_semaphore, #tpu.memory_space<semaphore_mem>>)
    %dma_start3A_148 = arith.constant 3 : i32
    %dma_start3A_149 = arith.constant 3 : i32
    %dma_start3A_150 = arith.constant 16 : i32
    %dma_start3A_151 = arith.constant 0 : i32
    %dma_start3A_152 = tpu.memref_slice %arg6[%dma_start3A_148, %dma_start3A_150, %dma_start3A_151] : memref<16x32x128xf32, #tpu.memory_space<vmem>> -> memref<1x16x128xf32, #tpu.memory_space<vmem>>
    %dma_start3A_153 = tpu.memref_squeeze %dma_start3A_152 : memref<1x16x128xf32, #tpu.memory_space<vmem>> -> memref<16x128xf32, #tpu.memory_space<vmem>>
    %dma_start3A_154 = arith.constant 16 : i32
    %dma_start3A_155 = tpu.memref_slice %arg3[%dma_start3A_154, %multiple_of3A_131] : memref<32x1000000xf32, #tpu.memory_space<hbm>> -> memref<16x128xf32, #tpu.memory_space<hbm>>
    %dma_start3A_156 = tpu.memref_slice %arg8[%dma_start3A_149] : memref<16x!tpu.dma_semaphore, #tpu.memory_space<semaphore_mem>> -> memref<1x!tpu.dma_semaphore, #tpu.memory_space<semaphore_mem>>
    %dma_start3A_157 = tpu.memref_squeeze %dma_start3A_156 : memref<1x!tpu.dma_semaphore, #tpu.memory_space<semaphore_mem>> -> memref<!tpu.dma_semaphore, #tpu.memory_space<semaphore_mem>>
    %dma_start3A_158 = arith.constant 16 : i32
    %dma_start3A_159 = arith.constant 0 : i32
    %dma_start3A_160 = tpu.memref_slice %arg6[%dma_start3A_148, %dma_start3A_158, %dma_start3A_159] : memref<16x32x128xf32, #tpu.memory_space<vmem>> -> memref<1x16x128xf32, #tpu.memory_space<vmem>>
    %dma_start3A_161 = tpu.memref_squeeze %dma_start3A_160 : memref<1x16x128xf32, #tpu.memory_space<vmem>> -> memref<16x128xf32, #tpu.memory_space<vmem>>
    %dma_start3A_162 = arith.constant 16 : i32
    %dma_start3A_163 = tpu.memref_slice %arg3[%dma_start3A_162, %multiple_of3A_131] : memref<32x1000000xf32, #tpu.memory_space<hbm>> -> memref<16x128xf32, #tpu.memory_space<hbm>>
    tpu.enqueue_dma source(%dma_start3A_163 : memref<16x128xf32, #tpu.memory_space<hbm>>) target(%dma_start3A_161 : memref<16x128xf32, #tpu.memory_space<vmem>>) target_semaphore(%dma_start3A_157 : memref<!tpu.dma_semaphore, #tpu.memory_space<semaphore_mem>>)
    %get3A_164 = arith.constant 0 : index
    %get3A_165 = tpu.vector_load %arg5[%get3A_164] {strides = array<i32>} : memref<512xi32, #tpu.memory_space<vmem>>, vector<16xi32>,
    %slice3A_166 = vector.extract_strided_slice %get3A_165 {offsets = [4], sizes = [1], strides = [1]} : vector<16xi32> to vector<1xi32>
    %squeeze3A_167 = vector.extract %slice3A_166[0] : i32 from vector<1xi32>
    %shift_right_arithmetic3A_168 = arith.constant 7 : i32
    %shift_right_arithmetic3A_169 = arith.shrsi %squeeze3A_167, %shift_right_arithmetic3A_168 : i32
    %mul3A_170 = arith.constant 128 : i32
    %mul3A_171 = arith.muli %shift_right_arithmetic3A_169, %mul3A_170 : i32
    %multiple_of3A_172 = tpu.assume_multiple %mul3A_171, 128 : i32
    %dma_start3A_173 = arith.constant 4 : i32
    %dma_start3A_174 = arith.constant 4 : i32
    %dma_start3A_175 = arith.constant 0 : i32
    %dma_start3A_176 = arith.constant 0 : i32
    %dma_start3A_177 = tpu.memref_slice %arg6[%dma_start3A_173, %dma_start3A_175, %dma_start3A_176] : memref<16x32x128xf32, #tpu.memory_space<vmem>> -> memref<1x16x128xf32, #tpu.memory_space<vmem>>
    %dma_start3A_178 = tpu.memref_squeeze %dma_start3A_177 : memref<1x16x128xf32, #tpu.memory_space<vmem>> -> memref<16x128xf32, #tpu.memory_space<vmem>>
    %dma_start3A_179 = arith.constant 0 : i32
    %dma_start3A_180 = tpu.memref_slice %arg3[%dma_start3A_179, %multiple_of3A_172] : memref<32x1000000xf32, #tpu.memory_space<hbm>> -> memref<16x128xf32, #tpu.memory_space<hbm>>
    %dma_start3A_181 = tpu.memref_slice %arg8[%dma_start3A_174] : memref<16x!tpu.dma_semaphore, #tpu.memory_space<semaphore_mem>> -> memref<1x!tpu.dma_semaphore, #tpu.memory_space<semaphore_mem>>
    %dma_start3A_182 = tpu.memref_squeeze %dma_start3A_181 : memref<1x!tpu.dma_semaphore, #tpu.memory_space<semaphore_mem>> -> memref<!tpu.dma_semaphore, #tpu.memory_space<semaphore_mem>>
    %dma_start3A_183 = arith.constant 0 : i32
    %dma_start3A_184 = arith.constant 0 : i32
    %dma_start3A_185 = tpu.memref_slice %arg6[%dma_start3A_173, %dma_start3A_183, %dma_start3A_184] : memref<16x32x128xf32, #tpu.memory_space<vmem>> -> memref<1x16x128xf32, #tpu.memory_space<vmem>>
    %dma_start3A_186 = tpu.memref_squeeze %dma_start3A_185 : memref<1x16x128xf32, #tpu.memory_space<vmem>> -> memref<16x128xf32, #tpu.memory_space<vmem>>
    %dma_start3A_187 = arith.constant 0 : i32
    %dma_start3A_188 = tpu.memref_slice %arg3[%dma_start3A_187, %multiple_of3A_172] : memref<32x1000000xf32, #tpu.memory_space<hbm>> -> memref<16x128xf32, #tpu.memory_space<hbm>>
    tpu.enqueue_dma source(%dma_start3A_188 : memref<16x128xf32, #tpu.memory_space<hbm>>) target(%dma_start3A_186 : memref<16x128xf32, #tpu.memory_space<vmem>>) target_semaphore(%dma_start3A_182 : memref<!tpu.dma_semaphore, #tpu.memory_space<semaphore_mem>>)
    %dma_start3A_189 = arith.constant 4 : i32
    %dma_start3A_190 = arith.constant 4 : i32
    %dma_start3A_191 = arith.constant 16 : i32
    %dma_start3A_192 = arith.constant 0 : i32
    %dma_start3A_193 = tpu.memref_slice %arg6[%dma_start3A_189, %dma_start3A_191, %dma_start3A_192] : memref<16x32x128xf32, #tpu.memory_space<vmem>> -> memref<1x16x128xf32, #tpu.memory_space<vmem>>
    %dma_start3A_194 = tpu.memref_squeeze %dma_start3A_193 : memref<1x16x128xf32, #tpu.memory_space<vmem>> -> memref<16x128xf32, #tpu.memory_space<vmem>>
    %dma_start3A_195 = arith.constant 16 : i32
    %dma_start3A_196 = tpu.memref_slice %arg3[%dma_start3A_195, %multiple_of3A_172] : memref<32x1000000xf32, #tpu.memory_space<hbm>> -> memref<16x128xf32, #tpu.memory_space<hbm>>
    %dma_start3A_197 = tpu.memref_slice %arg8[%dma_start3A_190] : memref<16x!tpu.dma_semaphore, #tpu.memory_space<semaphore_mem>> -> memref<1x!tpu.dma_semaphore, #tpu.memory_space<semaphore_mem>>
    %dma_start3A_198 = tpu.memref_squeeze %dma_start3A_197 : memref<1x!tpu.dma_semaphore, #tpu.memory_space<semaphore_mem>> -> memref<!tpu.dma_semaphore, #tpu.memory_space<semaphore_mem>>
    %dma_start3A_199 = arith.constant 16 : i32
    %dma_start3A_200 = arith.constant 0 : i32
    %dma_start3A_201 = tpu.memref_slice %arg6[%dma_start3A_189, %dma_start3A_199, %dma_start3A_200] : memref<16x32x128xf32, #tpu.memory_space<vmem>> -> memref<1x16x128xf32, #tpu.memory_space<vmem>>
    %dma_start3A_202 = tpu.memref_squeeze %dma_start3A_201 : memref<1x16x128xf32, #tpu.memory_space<vmem>> -> memref<16x128xf32, #tpu.memory_space<vmem>>
    %dma_start3A_203 = arith.constant 16 : i32
    %dma_start3A_204 = tpu.memref_slice %arg3[%dma_start3A_203, %multiple_of3A_172] : memref<32x1000000xf32, #tpu.memory_space<hbm>> -> memref<16x128xf32, #tpu.memory_space<hbm>>
    tpu.enqueue_dma source(%dma_start3A_204 : memref<16x128xf32, #tpu.memory_space<hbm>>) target(%dma_start3A_202 : memref<16x128xf32, #tpu.memory_space<vmem>>) target_semaphore(%dma_start3A_198 : memref<!tpu.dma_semaphore, #tpu.memory_space<semaphore_mem>>)
    %get3A_205 = arith.constant 0 : index
    %get3A_206 = tpu.vector_load %arg5[%get3A_205] {strides = array<i32>} : memref<512xi32, #tpu.memory_space<vmem>>, vector<16xi32>,
    %slice3A_207 = vector.extract_strided_slice %get3A_206 {offsets = [5], sizes = [1], strides = [1]} : vector<16xi32> to vector<1xi32>
    %squeeze3A_208 = vector.extract %slice3A_207[0] : i32 from vector<1xi32>
    %shift_right_arithmetic3A_209 = arith.constant 7 : i32
    %shift_right_arithmetic3A_210 = arith.shrsi %squeeze3A_208, %shift_right_arithmetic3A_209 : i32
    %mul3A_211 = arith.constant 128 : i32
    %mul3A_212 = arith.muli %shift_right_arithmetic3A_210, %mul3A_211 : i32
    %multiple_of3A_213 = tpu.assume_multiple %mul3A_212, 128 : i32
    %dma_start3A_214 = arith.constant 5 : i32
    %dma_start3A_215 = arith.constant 5 : i32
    %dma_start3A_216 = arith.constant 0 : i32
    %dma_start3A_217 = arith.constant 0 : i32
    %dma_start3A_218 = tpu.memref_slice %arg6[%dma_start3A_214, %dma_start3A_216, %dma_start3A_217] : memref<16x32x128xf32, #tpu.memory_space<vmem>> -> memref<1x16x128xf32, #tpu.memory_space<vmem>>
    %dma_start3A_219 = tpu.memref_squeeze %dma_start3A_218 : memref<1x16x128xf32, #tpu.memory_space<vmem>> -> memref<16x128xf32, #tpu.memory_space<vmem>>
    %dma_start3A_220 = arith.constant 0 : i32
    %dma_start3A_221 = tpu.memref_slice %arg3[%dma_start3A_220, %multiple_of3A_213] : memref<32x1000000xf32, #tpu.memory_space<hbm>> -> memref<16x128xf32, #tpu.memory_space<hbm>>
    %dma_start3A_222 = tpu.memref_slice %arg8[%dma_start3A_215] : memref<16x!tpu.dma_semaphore, #tpu.memory_space<semaphore_mem>> -> memref<1x!tpu.dma_semaphore, #tpu.memory_space<semaphore_mem>>
    %dma_start3A_223 = tpu.memref_squeeze %dma_start3A_222 : memref<1x!tpu.dma_semaphore, #tpu.memory_space<semaphore_mem>> -> memref<!tpu.dma_semaphore, #tpu.memory_space<semaphore_mem>>
    %dma_start3A_224 = arith.constant 0 : i32
    %dma_start3A_225 = arith.constant 0 : i32
    %dma_start3A_226 = tpu.memref_slice %arg6[%dma_start3A_214, %dma_start3A_224, %dma_start3A_225] : memref<16x32x128xf32, #tpu.memory_space<vmem>> -> memref<1x16x128xf32, #tpu.memory_space<vmem>>
    %dma_start3A_227 = tpu.memref_squeeze %dma_start3A_226 : memref<1x16x128xf32, #tpu.memory_space<vmem>> -> memref<16x128xf32, #tpu.memory_space<vmem>>
    %dma_start3A_228 = arith.constant 0 : i32
    %dma_start3A_229 = tpu.memref_slice %arg3[%dma_start3A_228, %multiple_of3A_213] : memref<32x1000000xf32, #tpu.memory_space<hbm>> -> memref<16x128xf32, #tpu.memory_space<hbm>>
    tpu.enqueue_dma source(%dma_start3A_229 : memref<16x128xf32, #tpu.memory_space<hbm>>) target(%dma_start3A_227 : memref<16x128xf32, #tpu.memory_space<vmem>>) target_semaphore(%dma_start3A_223 : memref<!tpu.dma_semaphore, #tpu.memory_space<semaphore_mem>>)
    %dma_start3A_230 = arith.constant 5 : i32
    %dma_start3A_231 = arith.constant 5 : i32
    %dma_start3A_232 = arith.constant 16 : i32
    %dma_start3A_233 = arith.constant 0 : i32
    %dma_start3A_234 = tpu.memref_slice %arg6[%dma_start3A_230, %dma_start3A_232, %dma_start3A_233] : memref<16x32x128xf32, #tpu.memory_space<vmem>> -> memref<1x16x128xf32, #tpu.memory_space<vmem>>
    %dma_start3A_235 = tpu.memref_squeeze %dma_start3A_234 : memref<1x16x128xf32, #tpu.memory_space<vmem>> -> memref<16x128xf32, #tpu.memory_space<vmem>>
    %dma_start3A_236 = arith.constant 16 : i32
    %dma_start3A_237 = tpu.memref_slice %arg3[%dma_start3A_236, %multiple_of3A_213] : memref<32x1000000xf32, #tpu.memory_space<hbm>> -> memref<16x128xf32, #tpu.memory_space<hbm>>
    %dma_start3A_238 = tpu.memref_slice %arg8[%dma_start3A_231] : memref<16x!tpu.dma_semaphore, #tpu.memory_space<semaphore_mem>> -> memref<1x!tpu.dma_semaphore, #tpu.memory_space<semaphore_mem>>
    %dma_start3A_239 = tpu.memref_squeeze %dma_start3A_238 : memref<1x!tpu.dma_semaphore, #tpu.memory_space<semaphore_mem>> -> memref<!tpu.dma_semaphore, #tpu.memory_space<semaphore_mem>>
    %dma_start3A_240 = arith.constant 16 : i32
    %dma_start3A_241 = arith.constant 0 : i32
    %dma_start3A_242 = tpu.memref_slice %arg6[%dma_start3A_230, %dma_start3A_240, %dma_start3A_241] : memref<16x32x128xf32, #tpu.memory_space<vmem>> -> memref<1x16x128xf32, #tpu.memory_space<vmem>>
    %dma_start3A_243 = tpu.memref_squeeze %dma_start3A_242 : memref<1x16x128xf32, #tpu.memory_space<vmem>> -> memref<16x128xf32, #tpu.memory_space<vmem>>
    %dma_start3A_244 = arith.constant 16 : i32
    %dma_start3A_245 = tpu.memref_slice %arg3[%dma_start3A_244, %multiple_of3A_213] : memref<32x1000000xf32, #tpu.memory_space<hbm>> -> memref<16x128xf32, #tpu.memory_space<hbm>>
    tpu.enqueue_dma source(%dma_start3A_245 : memref<16x128xf32, #tpu.memory_space<hbm>>) target(%dma_start3A_243 : memref<16x128xf32, #tpu.memory_space<vmem>>) target_semaphore(%dma_start3A_239 : memref<!tpu.dma_semaphore, #tpu.memory_space<semaphore_mem>>)
    %get3A_246 = arith.constant 0 : index
    %get3A_247 = tpu.vector_load %arg5[%get3A_246] {strides = array<i32>} : memref<512xi32, #tpu.memory_space<vmem>>, vector<16xi32>,
    %slice3A_248 = vector.extract_strided_slice %get3A_247 {offsets = [6], sizes = [1], strides = [1]} : vector<16xi32> to vector<1xi32>
    %squeeze3A_249 = vector.extract %slice3A_248[0] : i32 from vector<1xi32>
    %shift_right_arithmetic3A_250 = arith.constant 7 : i32
    %shift_right_arithmetic3A_251 = arith.shrsi %squeeze3A_249, %shift_right_arithmetic3A_250 : i32
    %mul3A_252 = arith.constant 128 : i32
    %mul3A_253 = arith.muli %shift_right_arithmetic3A_251, %mul3A_252 : i32
    %multiple_of3A_254 = tpu.assume_multiple %mul3A_253, 128 : i32
    %dma_start3A_255 = arith.constant 6 : i32
    %dma_start3A_256 = arith.constant 6 : i32
    %dma_start3A_257 = arith.constant 0 : i32
    %dma_start3A_258 = arith.constant 0 : i32
    %dma_start3A_259 = tpu.memref_slice %arg6[%dma_start3A_255, %dma_start3A_257, %dma_start3A_258] : memref<16x32x128xf32, #tpu.memory_space<vmem>> -> memref<1x16x128xf32, #tpu.memory_space<vmem>>
    %dma_start3A_260 = tpu.memref_squeeze %dma_start3A_259 : memref<1x16x128xf32, #tpu.memory_space<vmem>> -> memref<16x128xf32, #tpu.memory_space<vmem>>
    %dma_start3A_261 = arith.constant 0 : i32
    %dma_start3A_262 = tpu.memref_slice %arg3[%dma_start3A_261, %multiple_of3A_254] : memref<32x1000000xf32, #tpu.memory_space<hbm>> -> memref<16x128xf32, #tpu.memory_space<hbm>>
    %dma_start3A_263 = tpu.memref_slice %arg8[%dma_start3A_256] : memref<16x!tpu.dma_semaphore, #tpu.memory_space<semaphore_mem>> -> memref<1x!tpu.dma_semaphore, #tpu.memory_space<semaphore_mem>>
    %dma_start3A_264 = tpu.memref_squeeze %dma_start3A_263 : memref<1x!tpu.dma_semaphore, #tpu.memory_space<semaphore_mem>> -> memref<!tpu.dma_semaphore, #tpu.memory_space<semaphore_mem>>
    %dma_start3A_265 = arith.constant 0 : i32
    %dma_start3A_266 = arith.constant 0 : i32
    %dma_start3A_267 = tpu.memref_slice %arg6[%dma_start3A_255, %dma_start3A_265, %dma_start3A_266] : memref<16x32x128xf32, #tpu.memory_space<vmem>> -> memref<1x16x128xf32, #tpu.memory_space<vmem>>
    %dma_start3A_268 = tpu.memref_squeeze %dma_start3A_267 : memref<1x16x128xf32, #tpu.memory_space<vmem>> -> memref<16x128xf32, #tpu.memory_space<vmem>>
    %dma_start3A_269 = arith.constant 0 : i32
    %dma_start3A_270 = tpu.memref_slice %arg3[%dma_start3A_269, %multiple_of3A_254] : memref<32x1000000xf32, #tpu.memory_space<hbm>> -> memref<16x128xf32, #tpu.memory_space<hbm>>
    tpu.enqueue_dma source(%dma_start3A_270 : memref<16x128xf32, #tpu.memory_space<hbm>>) target(%dma_start3A_268 : memref<16x128xf32, #tpu.memory_space<vmem>>) target_semaphore(%dma_start3A_264 : memref<!tpu.dma_semaphore, #tpu.memory_space<semaphore_mem>>)
    %dma_start3A_271 = arith.constant 6 : i32
    %dma_start3A_272 = arith.constant 6 : i32
    %dma_start3A_273 = arith.constant 16 : i32
    %dma_start3A_274 = arith.constant 0 : i32
    %dma_start3A_275 = tpu.memref_slice %arg6[%dma_start3A_271, %dma_start3A_273, %dma_start3A_274] : memref<16x32x128xf32, #tpu.memory_space<vmem>> -> memref<1x16x128xf32, #tpu.memory_space<vmem>>
    %dma_start3A_276 = tpu.memref_squeeze %dma_start3A_275 : memref<1x16x128xf32, #tpu.memory_space<vmem>> -> memref<16x128xf32, #tpu.memory_space<vmem>>
    %dma_start3A_277 = arith.constant 16 : i32
    %dma_start3A_278 = tpu.memref_slice %arg3[%dma_start3A_277, %multiple_of3A_254] : memref<32x1000000xf32, #tpu.memory_space<hbm>> -> memref<16x128xf32, #tpu.memory_space<hbm>>
    %dma_start3A_279 = tpu.memref_slice %arg8[%dma_start3A_272] : memref<16x!tpu.dma_semaphore, #tpu.memory_space<semaphore_mem>> -> memref<1x!tpu.dma_semaphore, #tpu.memory_space<semaphore_mem>>
    %dma_start3A_280 = tpu.memref_squeeze %dma_start3A_279 : memref<1x!tpu.dma_semaphore, #tpu.memory_space<semaphore_mem>> -> memref<!tpu.dma_semaphore, #tpu.memory_space<semaphore_mem>>
    %dma_start3A_281 = arith.constant 16 : i32
    %dma_start3A_282 = arith.constant 0 : i32
    %dma_start3A_283 = tpu.memref_slice %arg6[%dma_start3A_271, %dma_start3A_281, %dma_start3A_282] : memref<16x32x128xf32, #tpu.memory_space<vmem>> -> memref<1x16x128xf32, #tpu.memory_space<vmem>>
    %dma_start3A_284 = tpu.memref_squeeze %dma_start3A_283 : memref<1x16x128xf32, #tpu.memory_space<vmem>> -> memref<16x128xf32, #tpu.memory_space<vmem>>
    %dma_start3A_285 = arith.constant 16 : i32
    %dma_start3A_286 = tpu.memref_slice %arg3[%dma_start3A_285, %multiple_of3A_254] : memref<32x1000000xf32, #tpu.memory_space<hbm>> -> memref<16x128xf32, #tpu.memory_space<hbm>>
    tpu.enqueue_dma source(%dma_start3A_286 : memref<16x128xf32, #tpu.memory_space<hbm>>) target(%dma_start3A_284 : memref<16x128xf32, #tpu.memory_space<vmem>>) target_semaphore(%dma_start3A_280 : memref<!tpu.dma_semaphore, #tpu.memory_space<semaphore_mem>>)
    %get3A_287 = arith.constant 0 : index
    %get3A_288 = tpu.vector_load %arg5[%get3A_287] {strides = array<i32>} : memref<512xi32, #tpu.memory_space<vmem>>, vector<16xi32>,
    %slice3A_289 = vector.extract_strided_slice %get3A_288 {offsets = [7], sizes = [1], strides = [1]} : vector<16xi32> to vector<1xi32>
    %squeeze3A_290 = vector.extract %slice3A_289[0] : i32 from vector<1xi32>
    %shift_right_arithmetic3A_291 = arith.constant 7 : i32
    %shift_right_arithmetic3A_292 = arith.shrsi %squeeze3A_290, %shift_right_arithmetic3A_291 : i32
    %mul3A_293 = arith.constant 128 : i32
    %mul3A_294 = arith.muli %shift_right_arithmetic3A_292, %mul3A_293 : i32
    %multiple_of3A_295 = tpu.assume_multiple %mul3A_294, 128 : i32
    %dma_start3A_296 = arith.constant 7 : i32
    %dma_start3A_297 = arith.constant 7 : i32
    %dma_start3A_298 = arith.constant 0 : i32
    %dma_start3A_299 = arith.constant 0 : i32
    %dma_start3A_300 = tpu.memref_slice %arg6[%dma_start3A_296, %dma_start3A_298, %dma_start3A_299] : memref<16x32x128xf32, #tpu.memory_space<vmem>> -> memref<1x16x128xf32, #tpu.memory_space<vmem>>
    %dma_start3A_301 = tpu.memref_squeeze %dma_start3A_300 : memref<1x16x128xf32, #tpu.memory_space<vmem>> -> memref<16x128xf32, #tpu.memory_space<vmem>>
    %dma_start3A_302 = arith.constant 0 : i32
    %dma_start3A_303 = tpu.memref_slice %arg3[%dma_start3A_302, %multiple_of3A_295] : memref<32x1000000xf32, #tpu.memory_space<hbm>> -> memref<16x128xf32, #tpu.memory_space<hbm>>
    %dma_start3A_304 = tpu.memref_slice %arg8[%dma_start3A_297] : memref<16x!tpu.dma_semaphore, #tpu.memory_space<semaphore_mem>> -> memref<1x!tpu.dma_semaphore, #tpu.memory_space<semaphore_mem>>
    %dma_start3A_305 = tpu.memref_squeeze %dma_start3A_304 : memref<1x!tpu.dma_semaphore, #tpu.memory_space<semaphore_mem>> -> memref<!tpu.dma_semaphore, #tpu.memory_space<semaphore_mem>>
    %dma_start3A_306 = arith.constant 0 : i32
    %dma_start3A_307 = arith.constant 0 : i32
    %dma_start3A_308 = tpu.memref_slice %arg6[%dma_start3A_296, %dma_start3A_306, %dma_start3A_307] : memref<16x32x128xf32, #tpu.memory_space<vmem>> -> memref<1x16x128xf32, #tpu.memory_space<vmem>>
    %dma_start3A_309 = tpu.memref_squeeze %dma_start3A_308 : memref<1x16x128xf32, #tpu.memory_space<vmem>> -> memref<16x128xf32, #tpu.memory_space<vmem>>
    %dma_start3A_310 = arith.constant 0 : i32
    %dma_start3A_311 = tpu.memref_slice %arg3[%dma_start3A_310, %multiple_of3A_295] : memref<32x1000000xf32, #tpu.memory_space<hbm>> -> memref<16x128xf32, #tpu.memory_space<hbm>>
    tpu.enqueue_dma source(%dma_start3A_311 : memref<16x128xf32, #tpu.memory_space<hbm>>) target(%dma_start3A_309 : memref<16x128xf32, #tpu.memory_space<vmem>>) target_semaphore(%dma_start3A_305 : memref<!tpu.dma_semaphore, #tpu.memory_space<semaphore_mem>>)
    %dma_start3A_312 = arith.constant 7 : i32
    %dma_start3A_313 = arith.constant 7 : i32
    %dma_start3A_314 = arith.constant 16 : i32
    %dma_start3A_315 = arith.constant 0 : i32
    %dma_start3A_316 = tpu.memref_slice %arg6[%dma_start3A_312, %dma_start3A_314, %dma_start3A_315] : memref<16x32x128xf32, #tpu.memory_space<vmem>> -> memref<1x16x128xf32, #tpu.memory_space<vmem>>
    %dma_start3A_317 = tpu.memref_squeeze %dma_start3A_316 : memref<1x16x128xf32, #tpu.memory_space<vmem>> -> memref<16x128xf32, #tpu.memory_space<vmem>>
    %dma_start3A_318 = arith.constant 16 : i32
    %dma_start3A_319 = tpu.memref_slice %arg3[%dma_start3A_318, %multiple_of3A_295] : memref<32x1000000xf32, #tpu.memory_space<hbm>> -> memref<16x128xf32, #tpu.memory_space<hbm>>
    %dma_start3A_320 = tpu.memref_slice %arg8[%dma_start3A_313] : memref<16x!tpu.dma_semaphore, #tpu.memory_space<semaphore_mem>> -> memref<1x!tpu.dma_semaphore, #tpu.memory_space<semaphore_mem>>
    %dma_start3A_321 = tpu.memref_squeeze %dma_start3A_320 : memref<1x!tpu.dma_semaphore, #tpu.memory_space<semaphore_mem>> -> memref<!tpu.dma_semaphore, #tpu.memory_space<semaphore_mem>>
    %dma_start3A_322 = arith.constant 16 : i32
    %dma_start3A_323 = arith.constant 0 : i32
    %dma_start3A_324 = tpu.memref_slice %arg6[%dma_start3A_312, %dma_start3A_322, %dma_start3A_323] : memref<16x32x128xf32, #tpu.memory_space<vmem>> -> memref<1x16x128xf32, #tpu.memory_space<vmem>>
    %dma_start3A_325 = tpu.memref_squeeze %dma_start3A_324 : memref<1x16x128xf32, #tpu.memory_space<vmem>> -> memref<16x128xf32, #tpu.memory_space<vmem>>
    %dma_start3A_326 = arith.constant 16 : i32
    %dma_start3A_327 = tpu.memref_slice %arg3[%dma_start3A_326, %multiple_of3A_295] : memref<32x1000000xf32, #tpu.memory_space<hbm>> -> memref<16x128xf32, #tpu.memory_space<hbm>>
    tpu.enqueue_dma source(%dma_start3A_327 : memref<16x128xf32, #tpu.memory_space<hbm>>) target(%dma_start3A_325 : memref<16x128xf32, #tpu.memory_space<vmem>>) target_semaphore(%dma_start3A_321 : memref<!tpu.dma_semaphore, #tpu.memory_space<semaphore_mem>>)
    %get3A_328 = arith.constant 0 : index
    %get3A_329 = tpu.vector_load %arg5[%get3A_328] {strides = array<i32>} : memref<512xi32, #tpu.memory_space<vmem>>, vector<16xi32>,
    %slice3A_330 = vector.extract_strided_slice %get3A_329 {offsets = [8], sizes = [1], strides = [1]} : vector<16xi32> to vector<1xi32>
    %squeeze3A_331 = vector.extract %slice3A_330[0] : i32 from vector<1xi32>
    %shift_right_arithmetic3A_332 = arith.constant 7 : i32
    %shift_right_arithmetic3A_333 = arith.shrsi %squeeze3A_331, %shift_right_arithmetic3A_332 : i32
    %mul3A_334 = arith.constant 128 : i32
    %mul3A_335 = arith.muli %shift_right_arithmetic3A_333, %mul3A_334 : i32
    %multiple_of3A_336 = tpu.assume_multiple %mul3A_335, 128 : i32
    %dma_start3A_337 = arith.constant 8 : i32
    %dma_start3A_338 = arith.constant 8 : i32
    %dma_start3A_339 = arith.constant 0 : i32
    %dma_start3A_340 = arith.constant 0 : i32
    %dma_start3A_341 = tpu.memref_slice %arg6[%dma_start3A_337, %dma_start3A_339, %dma_start3A_340] : memref<16x32x128xf32, #tpu.memory_space<vmem>> -> memref<1x16x128xf32, #tpu.memory_space<vmem>>
    %dma_start3A_342 = tpu.memref_squeeze %dma_start3A_341 : memref<1x16x128xf32, #tpu.memory_space<vmem>> -> memref<16x128xf32, #tpu.memory_space<vmem>>
    %dma_start3A_343 = arith.constant 0 : i32
    %dma_start3A_344 = tpu.memref_slice %arg3[%dma_start3A_343, %multiple_of3A_336] : memref<32x1000000xf32, #tpu.memory_space<hbm>> -> memref<16x128xf32, #tpu.memory_space<hbm>>
    %dma_start3A_345 = tpu.memref_slice %arg8[%dma_start3A_338] : memref<16x!tpu.dma_semaphore, #tpu.memory_space<semaphore_mem>> -> memref<1x!tpu.dma_semaphore, #tpu.memory_space<semaphore_mem>>
    %dma_start3A_346 = tpu.memref_squeeze %dma_start3A_345 : memref<1x!tpu.dma_semaphore, #tpu.memory_space<semaphore_mem>> -> memref<!tpu.dma_semaphore, #tpu.memory_space<semaphore_mem>>
    %dma_start3A_347 = arith.constant 0 : i32
    %dma_start3A_348 = arith.constant 0 : i32
    %dma_start3A_349 = tpu.memref_slice %arg6[%dma_start3A_337, %dma_start3A_347, %dma_start3A_348] : memref<16x32x128xf32, #tpu.memory_space<vmem>> -> memref<1x16x128xf32, #tpu.memory_space<vmem>>
    %dma_start3A_350 = tpu.memref_squeeze %dma_start3A_349 : memref<1x16x128xf32, #tpu.memory_space<vmem>> -> memref<16x128xf32, #tpu.memory_space<vmem>>
    %dma_start3A_351 = arith.constant 0 : i32
    %dma_start3A_352 = tpu.memref_slice %arg3[%dma_start3A_351, %multiple_of3A_336] : memref<32x1000000xf32, #tpu.memory_space<hbm>> -> memref<16x128xf32, #tpu.memory_space<hbm>>
    tpu.enqueue_dma source(%dma_start3A_352 : memref<16x128xf32, #tpu.memory_space<hbm>>) target(%dma_start3A_350 : memref<16x128xf32, #tpu.memory_space<vmem>>) target_semaphore(%dma_start3A_346 : memref<!tpu.dma_semaphore, #tpu.memory_space<semaphore_mem>>)
    %dma_start3A_353 = arith.constant 8 : i32
    %dma_start3A_354 = arith.constant 8 : i32
    %dma_start3A_355 = arith.constant 16 : i32
    %dma_start3A_356 = arith.constant 0 : i32
    %dma_start3A_357 = tpu.memref_slice %arg6[%dma_start3A_353, %dma_start3A_355, %dma_start3A_356] : memref<16x32x128xf32, #tpu.memory_space<vmem>> -> memref<1x16x128xf32, #tpu.memory_space<vmem>>
    %dma_start3A_358 = tpu.memref_squeeze %dma_start3A_357 : memref<1x16x128xf32, #tpu.memory_space<vmem>> -> memref<16x128xf32, #tpu.memory_space<vmem>>
    %dma_start3A_359 = arith.constant 16 : i32
    %dma_start3A_360 = tpu.memref_slice %arg3[%dma_start3A_359, %multiple_of3A_336] : memref<32x1000000xf32, #tpu.memory_space<hbm>> -> memref<16x128xf32, #tpu.memory_space<hbm>>
    %dma_start3A_361 = tpu.memref_slice %arg8[%dma_start3A_354] : memref<16x!tpu.dma_semaphore, #tpu.memory_space<semaphore_mem>> -> memref<1x!tpu.dma_semaphore, #tpu.memory_space<semaphore_mem>>
    %dma_start3A_362 = tpu.memref_squeeze %dma_start3A_361 : memref<1x!tpu.dma_semaphore, #tpu.memory_space<semaphore_mem>> -> memref<!tpu.dma_semaphore, #tpu.memory_space<semaphore_mem>>
    %dma_start3A_363 = arith.constant 16 : i32
    %dma_start3A_364 = arith.constant 0 : i32
    %dma_start3A_365 = tpu.memref_slice %arg6[%dma_start3A_353, %dma_start3A_363, %dma_start3A_364] : memref<16x32x128xf32, #tpu.memory_space<vmem>> -> memref<1x16x128xf32, #tpu.memory_space<vmem>>
    %dma_start3A_366 = tpu.memref_squeeze %dma_start3A_365 : memref<1x16x128xf32, #tpu.memory_space<vmem>> -> memref<16x128xf32, #tpu.memory_space<vmem>>
    %dma_start3A_367 = arith.constant 16 : i32
    %dma_start3A_368 = tpu.memref_slice %arg3[%dma_start3A_367, %multiple_of3A_336] : memref<32x1000000xf32, #tpu.memory_space<hbm>> -> memref<16x128xf32, #tpu.memory_space<hbm>>
    tpu.enqueue_dma source(%dma_start3A_368 : memref<16x128xf32, #tpu.memory_space<hbm>>) target(%dma_start3A_366 : memref<16x128xf32, #tpu.memory_space<vmem>>) target_semaphore(%dma_start3A_362 : memref<!tpu.dma_semaphore, #tpu.memory_space<semaphore_mem>>)
    %get3A_369 = arith.constant 0 : index
    %get3A_370 = tpu.vector_load %arg5[%get3A_369] {strides = array<i32>} : memref<512xi32, #tpu.memory_space<vmem>>, vector<16xi32>,
    %slice3A_371 = vector.extract_strided_slice %get3A_370 {offsets = [9], sizes = [1], strides = [1]} : vector<16xi32> to vector<1xi32>
    %squeeze3A_372 = vector.extract %slice3A_371[0] : i32 from vector<1xi32>
    %shift_right_arithmetic3A_373 = arith.constant 7 : i32
    %shift_right_arithmetic3A_374 = arith.shrsi %squeeze3A_372, %shift_right_arithmetic3A_373 : i32
    %mul3A_375 = arith.constant 128 : i32
    %mul3A_376 = arith.muli %shift_right_arithmetic3A_374, %mul3A_375 : i32
    %multiple_of3A_377 = tpu.assume_multiple %mul3A_376, 128 : i32
    %dma_start3A_378 = arith.constant 9 : i32
    %dma_start3A_379 = arith.constant 9 : i32
    %dma_start3A_380 = arith.constant 0 : i32
    %dma_start3A_381 = arith.constant 0 : i32
    %dma_start3A_382 = tpu.memref_slice %arg6[%dma_start3A_378, %dma_start3A_380, %dma_start3A_381] : memref<16x32x128xf32, #tpu.memory_space<vmem>> -> memref<1x16x128xf32, #tpu.memory_space<vmem>>
    %dma_start3A_383 = tpu.memref_squeeze %dma_start3A_382 : memref<1x16x128xf32, #tpu.memory_space<vmem>> -> memref<16x128xf32, #tpu.memory_space<vmem>>
    %dma_start3A_384 = arith.constant 0 : i32
    %dma_start3A_385 = tpu.memref_slice %arg3[%dma_start3A_384, %multiple_of3A_377] : memref<32x1000000xf32, #tpu.memory_space<hbm>> -> memref<16x128xf32, #tpu.memory_space<hbm>>
    %dma_start3A_386 = tpu.memref_slice %arg8[%dma_start3A_379] : memref<16x!tpu.dma_semaphore, #tpu.memory_space<semaphore_mem>> -> memref<1x!tpu.dma_semaphore, #tpu.memory_space<semaphore_mem>>
    %dma_start3A_387 = tpu.memref_squeeze %dma_start3A_386 : memref<1x!tpu.dma_semaphore, #tpu.memory_space<semaphore_mem>> -> memref<!tpu.dma_semaphore, #tpu.memory_space<semaphore_mem>>
    %dma_start3A_388 = arith.constant 0 : i32
    %dma_start3A_389 = arith.constant 0 : i32
    %dma_start3A_390 = tpu.memref_slice %arg6[%dma_start3A_378, %dma_start3A_388, %dma_start3A_389] : memref<16x32x128xf32, #tpu.memory_space<vmem>> -> memref<1x16x128xf32, #tpu.memory_space<vmem>>
    %dma_start3A_391 = tpu.memref_squeeze %dma_start3A_390 : memref<1x16x128xf32, #tpu.memory_space<vmem>> -> memref<16x128xf32, #tpu.memory_space<vmem>>
    %dma_start3A_392 = arith.constant 0 : i32
    %dma_start3A_393 = tpu.memref_slice %arg3[%dma_start3A_392, %multiple_of3A_377] : memref<32x1000000xf32, #tpu.memory_space<hbm>> -> memref<16x128xf32, #tpu.memory_space<hbm>>
    tpu.enqueue_dma source(%dma_start3A_393 : memref<16x128xf32, #tpu.memory_space<hbm>>) target(%dma_start3A_391 : memref<16x128xf32, #tpu.memory_space<vmem>>) target_semaphore(%dma_start3A_387 : memref<!tpu.dma_semaphore, #tpu.memory_space<semaphore_mem>>)
    %dma_start3A_394 = arith.constant 9 : i32
    %dma_start3A_395 = arith.constant 9 : i32
    %dma_start3A_396 = arith.constant 16 : i32
    %dma_start3A_397 = arith.constant 0 : i32
    %dma_start3A_398 = tpu.memref_slice %arg6[%dma_start3A_394, %dma_start3A_396, %dma_start3A_397] : memref<16x32x128xf32, #tpu.memory_space<vmem>> -> memref<1x16x128xf32, #tpu.memory_space<vmem>>
    %dma_start3A_399 = tpu.memref_squeeze %dma_start3A_398 : memref<1x16x128xf32, #tpu.memory_space<vmem>> -> memref<16x128xf32, #tpu.memory_space<vmem>>
    %dma_start3A_400 = arith.constant 16 : i32
    %dma_start3A_401 = tpu.memref_slice %arg3[%dma_start3A_400, %multiple_of3A_377] : memref<32x1000000xf32, #tpu.memory_space<hbm>> -> memref<16x128xf32, #tpu.memory_space<hbm>>
    %dma_start3A_402 = tpu.memref_slice %arg8[%dma_start3A_395] : memref<16x!tpu.dma_semaphore, #tpu.memory_space<semaphore_mem>> -> memref<1x!tpu.dma_semaphore, #tpu.memory_space<semaphore_mem>>
    %dma_start3A_403 = tpu.memref_squeeze %dma_start3A_402 : memref<1x!tpu.dma_semaphore, #tpu.memory_space<semaphore_mem>> -> memref<!tpu.dma_semaphore, #tpu.memory_space<semaphore_mem>>
    %dma_start3A_404 = arith.constant 16 : i32
    %dma_start3A_405 = arith.constant 0 : i32
    %dma_start3A_406 = tpu.memref_slice %arg6[%dma_start3A_394, %dma_start3A_404, %dma_start3A_405] : memref<16x32x128xf32, #tpu.memory_space<vmem>> -> memref<1x16x128xf32, #tpu.memory_space<vmem>>
    %dma_start3A_407 = tpu.memref_squeeze %dma_start3A_406 : memref<1x16x128xf32, #tpu.memory_space<vmem>> -> memref<16x128xf32, #tpu.memory_space<vmem>>
    %dma_start3A_408 = arith.constant 16 : i32
    %dma_start3A_409 = tpu.memref_slice %arg3[%dma_start3A_408, %multiple_of3A_377] : memref<32x1000000xf32, #tpu.memory_space<hbm>> -> memref<16x128xf32, #tpu.memory_space<hbm>>
    tpu.enqueue_dma source(%dma_start3A_409 : memref<16x128xf32, #tpu.memory_space<hbm>>) target(%dma_start3A_407 : memref<16x128xf32, #tpu.memory_space<vmem>>) target_semaphore(%dma_start3A_403 : memref<!tpu.dma_semaphore, #tpu.memory_space<semaphore_mem>>)
    %get3A_410 = arith.constant 0 : index
    %get3A_411 = tpu.vector_load %arg5[%get3A_410] {strides = array<i32>} : memref<512xi32, #tpu.memory_space<vmem>>, vector<16xi32>,
    %slice3A_412 = vector.extract_strided_slice %get3A_411 {offsets = [10], sizes = [1], strides = [1]} : vector<16xi32> to vector<1xi32>
    %squeeze3A_413 = vector.extract %slice3A_412[0] : i32 from vector<1xi32>
    %shift_right_arithmetic3A_414 = arith.constant 7 : i32
    %shift_right_arithmetic3A_415 = arith.shrsi %squeeze3A_413, %shift_right_arithmetic3A_414 : i32
    %mul3A_416 = arith.constant 128 : i32
    %mul3A_417 = arith.muli %shift_right_arithmetic3A_415, %mul3A_416 : i32
    %multiple_of3A_418 = tpu.assume_multiple %mul3A_417, 128 : i32
    %dma_start3A_419 = arith.constant 10 : i32
    %dma_start3A_420 = arith.constant 10 : i32
    %dma_start3A_421 = arith.constant 0 : i32
    %dma_start3A_422 = arith.constant 0 : i32
    %dma_start3A_423 = tpu.memref_slice %arg6[%dma_start3A_419, %dma_start3A_421, %dma_start3A_422] : memref<16x32x128xf32, #tpu.memory_space<vmem>> -> memref<1x16x128xf32, #tpu.memory_space<vmem>>
    %dma_start3A_424 = tpu.memref_squeeze %dma_start3A_423 : memref<1x16x128xf32, #tpu.memory_space<vmem>> -> memref<16x128xf32, #tpu.memory_space<vmem>>
    %dma_start3A_425 = arith.constant 0 : i32
    %dma_start3A_426 = tpu.memref_slice %arg3[%dma_start3A_425, %multiple_of3A_418] : memref<32x1000000xf32, #tpu.memory_space<hbm>> -> memref<16x128xf32, #tpu.memory_space<hbm>>
    %dma_start3A_427 = tpu.memref_slice %arg8[%dma_start3A_420] : memref<16x!tpu.dma_semaphore, #tpu.memory_space<semaphore_mem>> -> memref<1x!tpu.dma_semaphore, #tpu.memory_space<semaphore_mem>>
    %dma_start3A_428 = tpu.memref_squeeze %dma_start3A_427 : memref<1x!tpu.dma_semaphore, #tpu.memory_space<semaphore_mem>> -> memref<!tpu.dma_semaphore, #tpu.memory_space<semaphore_mem>>
    %dma_start3A_429 = arith.constant 0 : i32
    %dma_start3A_430 = arith.constant 0 : i32
    %dma_start3A_431 = tpu.memref_slice %arg6[%dma_start3A_419, %dma_start3A_429, %dma_start3A_430] : memref<16x32x128xf32, #tpu.memory_space<vmem>> -> memref<1x16x128xf32, #tpu.memory_space<vmem>>
    %dma_start3A_432 = tpu.memref_squeeze %dma_start3A_431 : memref<1x16x128xf32, #tpu.memory_space<vmem>> -> memref<16x128xf32, #tpu.memory_space<vmem>>
    %dma_start3A_433 = arith.constant 0 : i32
    %dma_start3A_434 = tpu.memref_slice %arg3[%dma_start3A_433, %multiple_of3A_418] : memref<32x1000000xf32, #tpu.memory_space<hbm>> -> memref<16x128xf32, #tpu.memory_space<hbm>>
    tpu.enqueue_dma source(%dma_start3A_434 : memref<16x128xf32, #tpu.memory_space<hbm>>) target(%dma_start3A_432 : memref<16x128xf32, #tpu.memory_space<vmem>>) target_semaphore(%dma_start3A_428 : memref<!tpu.dma_semaphore, #tpu.memory_space<semaphore_mem>>)
    %dma_start3A_435 = arith.constant 10 : i32
    %dma_start3A_436 = arith.constant 10 : i32
    %dma_start3A_437 = arith.constant 16 : i32
    %dma_start3A_438 = arith.constant 0 : i32
    %dma_start3A_439 = tpu.memref_slice %arg6[%dma_start3A_435, %dma_start3A_437, %dma_start3A_438] : memref<16x32x128xf32, #tpu.memory_space<vmem>> -> memref<1x16x128xf32, #tpu.memory_space<vmem>>
    %dma_start3A_440 = tpu.memref_squeeze %dma_start3A_439 : memref<1x16x128xf32, #tpu.memory_space<vmem>> -> memref<16x128xf32, #tpu.memory_space<vmem>>
    %dma_start3A_441 = arith.constant 16 : i32
    %dma_start3A_442 = tpu.memref_slice %arg3[%dma_start3A_441, %multiple_of3A_418] : memref<32x1000000xf32, #tpu.memory_space<hbm>> -> memref<16x128xf32, #tpu.memory_space<hbm>>
    %dma_start3A_443 = tpu.memref_slice %arg8[%dma_start3A_436] : memref<16x!tpu.dma_semaphore, #tpu.memory_space<semaphore_mem>> -> memref<1x!tpu.dma_semaphore, #tpu.memory_space<semaphore_mem>>
    %dma_start3A_444 = tpu.memref_squeeze %dma_start3A_443 : memref<1x!tpu.dma_semaphore, #tpu.memory_space<semaphore_mem>> -> memref<!tpu.dma_semaphore, #tpu.memory_space<semaphore_mem>>
    %dma_start3A_445 = arith.constant 16 : i32
    %dma_start3A_446 = arith.constant 0 : i32
    %dma_start3A_447 = tpu.memref_slice %arg6[%dma_start3A_435, %dma_start3A_445, %dma_start3A_446] : memref<16x32x128xf32, #tpu.memory_space<vmem>> -> memref<1x16x128xf32, #tpu.memory_space<vmem>>
    %dma_start3A_448 = tpu.memref_squeeze %dma_start3A_447 : memref<1x16x128xf32, #tpu.memory_space<vmem>> -> memref<16x128xf32, #tpu.memory_space<vmem>>
    %dma_start3A_449 = arith.constant 16 : i32
    %dma_start3A_450 = tpu.memref_slice %arg3[%dma_start3A_449, %multiple_of3A_418] : memref<32x1000000xf32, #tpu.memory_space<hbm>> -> memref<16x128xf32, #tpu.memory_space<hbm>>
    tpu.enqueue_dma source(%dma_start3A_450 : memref<16x128xf32, #tpu.memory_space<hbm>>) target(%dma_start3A_448 : memref<16x128xf32, #tpu.memory_space<vmem>>) target_semaphore(%dma_start3A_444 : memref<!tpu.dma_semaphore, #tpu.memory_space<semaphore_mem>>)
    %get3A_451 = arith.constant 0 : index
    %get3A_452 = tpu.vector_load %arg5[%get3A_451] {strides = array<i32>} : memref<512xi32, #tpu.memory_space<vmem>>, vector<16xi32>,
    %slice3A_453 = vector.extract_strided_slice %get3A_452 {offsets = [11], sizes = [1], strides = [1]} : vector<16xi32> to vector<1xi32>
    %squeeze3A_454 = vector.extract %slice3A_453[0] : i32 from vector<1xi32>
    %shift_right_arithmetic3A_455 = arith.constant 7 : i32
    %shift_right_arithmetic3A_456 = arith.shrsi %squeeze3A_454, %shift_right_arithmetic3A_455 : i32
    %mul3A_457 = arith.constant 128 : i32
    %mul3A_458 = arith.muli %shift_right_arithmetic3A_456, %mul3A_457 : i32
    %multiple_of3A_459 = tpu.assume_multiple %mul3A_458, 128 : i32
    %dma_start3A_460 = arith.constant 11 : i32
    %dma_start3A_461 = arith.constant 11 : i32
    %dma_start3A_462 = arith.constant 0 : i32
    %dma_start3A_463 = arith.constant 0 : i32
    %dma_start3A_464 = tpu.memref_slice %arg6[%dma_start3A_460, %dma_start3A_462, %dma_start3A_463] : memref<16x32x128xf32, #tpu.memory_space<vmem>> -> memref<1x16x128xf32, #tpu.memory_space<vmem>>
    %dma_start3A_465 = tpu.memref_squeeze %dma_start3A_464 : memref<1x16x128xf32, #tpu.memory_space<vmem>> -> memref<16x128xf32, #tpu.memory_space<vmem>>
    %dma_start3A_466 = arith.constant 0 : i32
    %dma_start3A_467 = tpu.memref_slice %arg3[%dma_start3A_466, %multiple_of3A_459] : memref<32x1000000xf32, #tpu.memory_space<hbm>> -> memref<16x128xf32, #tpu.memory_space<hbm>>
    %dma_start3A_468 = tpu.memref_slice %arg8[%dma_start3A_461] : memref<16x!tpu.dma_semaphore, #tpu.memory_space<semaphore_mem>> -> memref<1x!tpu.dma_semaphore, #tpu.memory_space<semaphore_mem>>
    %dma_start3A_469 = tpu.memref_squeeze %dma_start3A_468 : memref<1x!tpu.dma_semaphore, #tpu.memory_space<semaphore_mem>> -> memref<!tpu.dma_semaphore, #tpu.memory_space<semaphore_mem>>
    %dma_start3A_470 = arith.constant 0 : i32
    %dma_start3A_471 = arith.constant 0 : i32
    %dma_start3A_472 = tpu.memref_slice %arg6[%dma_start3A_460, %dma_start3A_470, %dma_start3A_471] : memref<16x32x128xf32, #tpu.memory_space<vmem>> -> memref<1x16x128xf32, #tpu.memory_space<vmem>>
    %dma_start3A_473 = tpu.memref_squeeze %dma_start3A_472 : memref<1x16x128xf32, #tpu.memory_space<vmem>> -> memref<16x128xf32, #tpu.memory_space<vmem>>
    %dma_start3A_474 = arith.constant 0 : i32
    %dma_start3A_475 = tpu.memref_slice %arg3[%dma_start3A_474, %multiple_of3A_459] : memref<32x1000000xf32, #tpu.memory_space<hbm>> -> memref<16x128xf32, #tpu.memory_space<hbm>>
    tpu.enqueue_dma source(%dma_start3A_475 : memref<16x128xf32, #tpu.memory_space<hbm>>) target(%dma_start3A_473 : memref<16x128xf32, #tpu.memory_space<vmem>>) target_semaphore(%dma_start3A_469 : memref<!tpu.dma_semaphore, #tpu.memory_space<semaphore_mem>>)
    %dma_start3A_476 = arith.constant 11 : i32
    %dma_start3A_477 = arith.constant 11 : i32
    %dma_start3A_478 = arith.constant 16 : i32
    %dma_start3A_479 = arith.constant 0 : i32
    %dma_start3A_480 = tpu.memref_slice %arg6[%dma_start3A_476, %dma_start3A_478, %dma_start3A_479] : memref<16x32x128xf32, #tpu.memory_space<vmem>> -> memref<1x16x128xf32, #tpu.memory_space<vmem>>
    %dma_start3A_481 = tpu.memref_squeeze %dma_start3A_480 : memref<1x16x128xf32, #tpu.memory_space<vmem>> -> memref<16x128xf32, #tpu.memory_space<vmem>>
    %dma_start3A_482 = arith.constant 16 : i32
    %dma_start3A_483 = tpu.memref_slice %arg3[%dma_start3A_482, %multiple_of3A_459] : memref<32x1000000xf32, #tpu.memory_space<hbm>> -> memref<16x128xf32, #tpu.memory_space<hbm>>
    %dma_start3A_484 = tpu.memref_slice %arg8[%dma_start3A_477] : memref<16x!tpu.dma_semaphore, #tpu.memory_space<semaphore_mem>> -> memref<1x!tpu.dma_semaphore, #tpu.memory_space<semaphore_mem>>
    %dma_start3A_485 = tpu.memref_squeeze %dma_start3A_484 : memref<1x!tpu.dma_semaphore, #tpu.memory_space<semaphore_mem>> -> memref<!tpu.dma_semaphore, #tpu.memory_space<semaphore_mem>>
    %dma_start3A_486 = arith.constant 16 : i32
    %dma_start3A_487 = arith.constant 0 : i32
    %dma_start3A_488 = tpu.memref_slice %arg6[%dma_start3A_476, %dma_start3A_486, %dma_start3A_487] : memref<16x32x128xf32, #tpu.memory_space<vmem>> -> memref<1x16x128xf32, #tpu.memory_space<vmem>>
    %dma_start3A_489 = tpu.memref_squeeze %dma_start3A_488 : memref<1x16x128xf32, #tpu.memory_space<vmem>> -> memref<16x128xf32, #tpu.memory_space<vmem>>
    %dma_start3A_490 = arith.constant 16 : i32
    %dma_start3A_491 = tpu.memref_slice %arg3[%dma_start3A_490, %multiple_of3A_459] : memref<32x1000000xf32, #tpu.memory_space<hbm>> -> memref<16x128xf32, #tpu.memory_space<hbm>>
    tpu.enqueue_dma source(%dma_start3A_491 : memref<16x128xf32, #tpu.memory_space<hbm>>) target(%dma_start3A_489 : memref<16x128xf32, #tpu.memory_space<vmem>>) target_semaphore(%dma_start3A_485 : memref<!tpu.dma_semaphore, #tpu.memory_space<semaphore_mem>>)
    %get3A_492 = arith.constant 0 : index
    %get3A_493 = tpu.vector_load %arg5[%get3A_492] {strides = array<i32>} : memref<512xi32, #tpu.memory_space<vmem>>, vector<16xi32>,
    %slice3A_494 = vector.extract_strided_slice %get3A_493 {offsets = [12], sizes = [1], strides = [1]} : vector<16xi32> to vector<1xi32>
    %squeeze3A_495 = vector.extract %slice3A_494[0] : i32 from vector<1xi32>
    %shift_right_arithmetic3A_496 = arith.constant 7 : i32
    %shift_right_arithmetic3A_497 = arith.shrsi %squeeze3A_495, %shift_right_arithmetic3A_496 : i32
    %mul3A_498 = arith.constant 128 : i32
    %mul3A_499 = arith.muli %shift_right_arithmetic3A_497, %mul3A_498 : i32
    %multiple_of3A_500 = tpu.assume_multiple %mul3A_499, 128 : i32
    %dma_start3A_501 = arith.constant 12 : i32
    %dma_start3A_502 = arith.constant 12 : i32
    %dma_start3A_503 = arith.constant 0 : i32
    %dma_start3A_504 = arith.constant 0 : i32
    %dma_start3A_505 = tpu.memref_slice %arg6[%dma_start3A_501, %dma_start3A_503, %dma_start3A_504] : memref<16x32x128xf32, #tpu.memory_space<vmem>> -> memref<1x16x128xf32, #tpu.memory_space<vmem>>
    %dma_start3A_506 = tpu.memref_squeeze %dma_start3A_505 : memref<1x16x128xf32, #tpu.memory_space<vmem>> -> memref<16x128xf32, #tpu.memory_space<vmem>>
    %dma_start3A_507 = arith.constant 0 : i32
    %dma_start3A_508 = tpu.memref_slice %arg3[%dma_start3A_507, %multiple_of3A_500] : memref<32x1000000xf32, #tpu.memory_space<hbm>> -> memref<16x128xf32, #tpu.memory_space<hbm>>
    %dma_start3A_509 = tpu.memref_slice %arg8[%dma_start3A_502] : memref<16x!tpu.dma_semaphore, #tpu.memory_space<semaphore_mem>> -> memref<1x!tpu.dma_semaphore, #tpu.memory_space<semaphore_mem>>
    %dma_start3A_510 = tpu.memref_squeeze %dma_start3A_509 : memref<1x!tpu.dma_semaphore, #tpu.memory_space<semaphore_mem>> -> memref<!tpu.dma_semaphore, #tpu.memory_space<semaphore_mem>>
    %dma_start3A_511 = arith.constant 0 : i32
    %dma_start3A_512 = arith.constant 0 : i32
    %dma_start3A_513 = tpu.memref_slice %arg6[%dma_start3A_501, %dma_start3A_511, %dma_start3A_512] : memref<16x32x128xf32, #tpu.memory_space<vmem>> -> memref<1x16x128xf32, #tpu.memory_space<vmem>>
    %dma_start3A_514 = tpu.memref_squeeze %dma_start3A_513 : memref<1x16x128xf32, #tpu.memory_space<vmem>> -> memref<16x128xf32, #tpu.memory_space<vmem>>
    %dma_start3A_515 = arith.constant 0 : i32
    %dma_start3A_516 = tpu.memref_slice %arg3[%dma_start3A_515, %multiple_of3A_500] : memref<32x1000000xf32, #tpu.memory_space<hbm>> -> memref<16x128xf32, #tpu.memory_space<hbm>>
    tpu.enqueue_dma source(%dma_start3A_516 : memref<16x128xf32, #tpu.memory_space<hbm>>) target(%dma_start3A_514 : memref<16x128xf32, #tpu.memory_space<vmem>>) target_semaphore(%dma_start3A_510 : memref<!tpu.dma_semaphore, #tpu.memory_space<semaphore_mem>>)
    %dma_start3A_517 = arith.constant 12 : i32
    %dma_start3A_518 = arith.constant 12 : i32
    %dma_start3A_519 = arith.constant 16 : i32
    %dma_start3A_520 = arith.constant 0 : i32
    %dma_start3A_521 = tpu.memref_slice %arg6[%dma_start3A_517, %dma_start3A_519, %dma_start3A_520] : memref<16x32x128xf32, #tpu.memory_space<vmem>> -> memref<1x16x128xf32, #tpu.memory_space<vmem>>
    %dma_start3A_522 = tpu.memref_squeeze %dma_start3A_521 : memref<1x16x128xf32, #tpu.memory_space<vmem>> -> memref<16x128xf32, #tpu.memory_space<vmem>>
    %dma_start3A_523 = arith.constant 16 : i32
    %dma_start3A_524 = tpu.memref_slice %arg3[%dma_start3A_523, %multiple_of3A_500] : memref<32x1000000xf32, #tpu.memory_space<hbm>> -> memref<16x128xf32, #tpu.memory_space<hbm>>
    %dma_start3A_525 = tpu.memref_slice %arg8[%dma_start3A_518] : memref<16x!tpu.dma_semaphore, #tpu.memory_space<semaphore_mem>> -> memref<1x!tpu.dma_semaphore, #tpu.memory_space<semaphore_mem>>
    %dma_start3A_526 = tpu.memref_squeeze %dma_start3A_525 : memref<1x!tpu.dma_semaphore, #tpu.memory_space<semaphore_mem>> -> memref<!tpu.dma_semaphore, #tpu.memory_space<semaphore_mem>>
    %dma_start3A_527 = arith.constant 16 : i32
    %dma_start3A_528 = arith.constant 0 : i32
    %dma_start3A_529 = tpu.memref_slice %arg6[%dma_start3A_517, %dma_start3A_527, %dma_start3A_528] : memref<16x32x128xf32, #tpu.memory_space<vmem>> -> memref<1x16x128xf32, #tpu.memory_space<vmem>>
    %dma_start3A_530 = tpu.memref_squeeze %dma_start3A_529 : memref<1x16x128xf32, #tpu.memory_space<vmem>> -> memref<16x128xf32, #tpu.memory_space<vmem>>
    %dma_start3A_531 = arith.constant 16 : i32
    %dma_start3A_532 = tpu.memref_slice %arg3[%dma_start3A_531, %multiple_of3A_500] : memref<32x1000000xf32, #tpu.memory_space<hbm>> -> memref<16x128xf32, #tpu.memory_space<hbm>>
    tpu.enqueue_dma source(%dma_start3A_532 : memref<16x128xf32, #tpu.memory_space<hbm>>) target(%dma_start3A_530 : memref<16x128xf32, #tpu.memory_space<vmem>>) target_semaphore(%dma_start3A_526 : memref<!tpu.dma_semaphore, #tpu.memory_space<semaphore_mem>>)
    %get3A_533 = arith.constant 0 : index
    %get3A_534 = tpu.vector_load %arg5[%get3A_533] {strides = array<i32>} : memref<512xi32, #tpu.memory_space<vmem>>, vector<16xi32>,
    %slice3A_535 = vector.extract_strided_slice %get3A_534 {offsets = [13], sizes = [1], strides = [1]} : vector<16xi32> to vector<1xi32>
    %squeeze3A_536 = vector.extract %slice3A_535[0] : i32 from vector<1xi32>
    %shift_right_arithmetic3A_537 = arith.constant 7 : i32
    %shift_right_arithmetic3A_538 = arith.shrsi %squeeze3A_536, %shift_right_arithmetic3A_537 : i32
    %mul3A_539 = arith.constant 128 : i32
    %mul3A_540 = arith.muli %shift_right_arithmetic3A_538, %mul3A_539 : i32
    %multiple_of3A_541 = tpu.assume_multiple %mul3A_540, 128 : i32
    %dma_start3A_542 = arith.constant 13 : i32
    %dma_start3A_543 = arith.constant 13 : i32
    %dma_start3A_544 = arith.constant 0 : i32
    %dma_start3A_545 = arith.constant 0 : i32
    %dma_start3A_546 = tpu.memref_slice %arg6[%dma_start3A_542, %dma_start3A_544, %dma_start3A_545] : memref<16x32x128xf32, #tpu.memory_space<vmem>> -> memref<1x16x128xf32, #tpu.memory_space<vmem>>
    %dma_start3A_547 = tpu.memref_squeeze %dma_start3A_546 : memref<1x16x128xf32, #tpu.memory_space<vmem>> -> memref<16x128xf32, #tpu.memory_space<vmem>>
    %dma_start3A_548 = arith.constant 0 : i32
    %dma_start3A_549 = tpu.memref_slice %arg3[%dma_start3A_548, %multiple_of3A_541] : memref<32x1000000xf32, #tpu.memory_space<hbm>> -> memref<16x128xf32, #tpu.memory_space<hbm>>
    %dma_start3A_550 = tpu.memref_slice %arg8[%dma_start3A_543] : memref<16x!tpu.dma_semaphore, #tpu.memory_space<semaphore_mem>> -> memref<1x!tpu.dma_semaphore, #tpu.memory_space<semaphore_mem>>
    %dma_start3A_551 = tpu.memref_squeeze %dma_start3A_550 : memref<1x!tpu.dma_semaphore, #tpu.memory_space<semaphore_mem>> -> memref<!tpu.dma_semaphore, #tpu.memory_space<semaphore_mem>>
    %dma_start3A_552 = arith.constant 0 : i32
    %dma_start3A_553 = arith.constant 0 : i32
    %dma_start3A_554 = tpu.memref_slice %arg6[%dma_start3A_542, %dma_start3A_552, %dma_start3A_553] : memref<16x32x128xf32, #tpu.memory_space<vmem>> -> memref<1x16x128xf32, #tpu.memory_space<vmem>>
    %dma_start3A_555 = tpu.memref_squeeze %dma_start3A_554 : memref<1x16x128xf32, #tpu.memory_space<vmem>> -> memref<16x128xf32, #tpu.memory_space<vmem>>
    %dma_start3A_556 = arith.constant 0 : i32
    %dma_start3A_557 = tpu.memref_slice %arg3[%dma_start3A_556, %multiple_of3A_541] : memref<32x1000000xf32, #tpu.memory_space<hbm>> -> memref<16x128xf32, #tpu.memory_space<hbm>>
    tpu.enqueue_dma source(%dma_start3A_557 : memref<16x128xf32, #tpu.memory_space<hbm>>) target(%dma_start3A_555 : memref<16x128xf32, #tpu.memory_space<vmem>>) target_semaphore(%dma_start3A_551 : memref<!tpu.dma_semaphore, #tpu.memory_space<semaphore_mem>>)
    %dma_start3A_558 = arith.constant 13 : i32
    %dma_start3A_559 = arith.constant 13 : i32
    %dma_start3A_560 = arith.constant 16 : i32
    %dma_start3A_561 = arith.constant 0 : i32
    %dma_start3A_562 = tpu.memref_slice %arg6[%dma_start3A_558, %dma_start3A_560, %dma_start3A_561] : memref<16x32x128xf32, #tpu.memory_space<vmem>> -> memref<1x16x128xf32, #tpu.memory_space<vmem>>
    %dma_start3A_563 = tpu.memref_squeeze %dma_start3A_562 : memref<1x16x128xf32, #tpu.memory_space<vmem>> -> memref<16x128xf32, #tpu.memory_space<vmem>>
    %dma_start3A_564 = arith.constant 16 : i32
    %dma_start3A_565 = tpu.memref_slice %arg3[%dma_start3A_564, %multiple_of3A_541] : memref<32x1000000xf32, #tpu.memory_space<hbm>> -> memref<16x128xf32, #tpu.memory_space<hbm>>
    %dma_start3A_566 = tpu.memref_slice %arg8[%dma_start3A_559] : memref<16x!tpu.dma_semaphore, #tpu.memory_space<semaphore_mem>> -> memref<1x!tpu.dma_semaphore, #tpu.memory_space<semaphore_mem>>
    %dma_start3A_567 = tpu.memref_squeeze %dma_start3A_566 : memref<1x!tpu.dma_semaphore, #tpu.memory_space<semaphore_mem>> -> memref<!tpu.dma_semaphore, #tpu.memory_space<semaphore_mem>>
    %dma_start3A_568 = arith.constant 16 : i32
    %dma_start3A_569 = arith.constant 0 : i32
    %dma_start3A_570 = tpu.memref_slice %arg6[%dma_start3A_558, %dma_start3A_568, %dma_start3A_569] : memref<16x32x128xf32, #tpu.memory_space<vmem>> -> memref<1x16x128xf32, #tpu.memory_space<vmem>>
    %dma_start3A_571 = tpu.memref_squeeze %dma_start3A_570 : memref<1x16x128xf32, #tpu.memory_space<vmem>> -> memref<16x128xf32, #tpu.memory_space<vmem>>
    %dma_start3A_572 = arith.constant 16 : i32
    %dma_start3A_573 = tpu.memref_slice %arg3[%dma_start3A_572, %multiple_of3A_541] : memref<32x1000000xf32, #tpu.memory_space<hbm>> -> memref<16x128xf32, #tpu.memory_space<hbm>>
    tpu.enqueue_dma source(%dma_start3A_573 : memref<16x128xf32, #tpu.memory_space<hbm>>) target(%dma_start3A_571 : memref<16x128xf32, #tpu.memory_space<vmem>>) target_semaphore(%dma_start3A_567 : memref<!tpu.dma_semaphore, #tpu.memory_space<semaphore_mem>>)
    %get3A_574 = arith.constant 0 : index
    %get3A_575 = tpu.vector_load %arg5[%get3A_574] {strides = array<i32>} : memref<512xi32, #tpu.memory_space<vmem>>, vector<16xi32>,
    %slice3A_576 = vector.extract_strided_slice %get3A_575 {offsets = [14], sizes = [1], strides = [1]} : vector<16xi32> to vector<1xi32>
    %squeeze3A_577 = vector.extract %slice3A_576[0] : i32 from vector<1xi32>
    %shift_right_arithmetic3A_578 = arith.constant 7 : i32
    %shift_right_arithmetic3A_579 = arith.shrsi %squeeze3A_577, %shift_right_arithmetic3A_578 : i32
    %mul3A_580 = arith.constant 128 : i32
    %mul3A_581 = arith.muli %shift_right_arithmetic3A_579, %mul3A_580 : i32
    %multiple_of3A_582 = tpu.assume_multiple %mul3A_581, 128 : i32
    %dma_start3A_583 = arith.constant 14 : i32
    %dma_start3A_584 = arith.constant 14 : i32
    %dma_start3A_585 = arith.constant 0 : i32
    %dma_start3A_586 = arith.constant 0 : i32
    %dma_start3A_587 = tpu.memref_slice %arg6[%dma_start3A_583, %dma_start3A_585, %dma_start3A_586] : memref<16x32x128xf32, #tpu.memory_space<vmem>> -> memref<1x16x128xf32, #tpu.memory_space<vmem>>
    %dma_start3A_588 = tpu.memref_squeeze %dma_start3A_587 : memref<1x16x128xf32, #tpu.memory_space<vmem>> -> memref<16x128xf32, #tpu.memory_space<vmem>>
    %dma_start3A_589 = arith.constant 0 : i32
    %dma_start3A_590 = tpu.memref_slice %arg3[%dma_start3A_589, %multiple_of3A_582] : memref<32x1000000xf32, #tpu.memory_space<hbm>> -> memref<16x128xf32, #tpu.memory_space<hbm>>
    %dma_start3A_591 = tpu.memref_slice %arg8[%dma_start3A_584] : memref<16x!tpu.dma_semaphore, #tpu.memory_space<semaphore_mem>> -> memref<1x!tpu.dma_semaphore, #tpu.memory_space<semaphore_mem>>
    %dma_start3A_592 = tpu.memref_squeeze %dma_start3A_591 : memref<1x!tpu.dma_semaphore, #tpu.memory_space<semaphore_mem>> -> memref<!tpu.dma_semaphore, #tpu.memory_space<semaphore_mem>>
    %dma_start3A_593 = arith.constant 0 : i32
    %dma_start3A_594 = arith.constant 0 : i32
    %dma_start3A_595 = tpu.memref_slice %arg6[%dma_start3A_583, %dma_start3A_593, %dma_start3A_594] : memref<16x32x128xf32, #tpu.memory_space<vmem>> -> memref<1x16x128xf32, #tpu.memory_space<vmem>>
    %dma_start3A_596 = tpu.memref_squeeze %dma_start3A_595 : memref<1x16x128xf32, #tpu.memory_space<vmem>> -> memref<16x128xf32, #tpu.memory_space<vmem>>
    %dma_start3A_597 = arith.constant 0 : i32
    %dma_start3A_598 = tpu.memref_slice %arg3[%dma_start3A_597, %multiple_of3A_582] : memref<32x1000000xf32, #tpu.memory_space<hbm>> -> memref<16x128xf32, #tpu.memory_space<hbm>>
    tpu.enqueue_dma source(%dma_start3A_598 : memref<16x128xf32, #tpu.memory_space<hbm>>) target(%dma_start3A_596 : memref<16x128xf32, #tpu.memory_space<vmem>>) target_semaphore(%dma_start3A_592 : memref<!tpu.dma_semaphore, #tpu.memory_space<semaphore_mem>>)
    %dma_start3A_599 = arith.constant 14 : i32
    %dma_start3A_600 = arith.constant 14 : i32
    %dma_start3A_601 = arith.constant 16 : i32
    %dma_start3A_602 = arith.constant 0 : i32
    %dma_start3A_603 = tpu.memref_slice %arg6[%dma_start3A_599, %dma_start3A_601, %dma_start3A_602] : memref<16x32x128xf32, #tpu.memory_space<vmem>> -> memref<1x16x128xf32, #tpu.memory_space<vmem>>
    %dma_start3A_604 = tpu.memref_squeeze %dma_start3A_603 : memref<1x16x128xf32, #tpu.memory_space<vmem>> -> memref<16x128xf32, #tpu.memory_space<vmem>>
    %dma_start3A_605 = arith.constant 16 : i32
    %dma_start3A_606 = tpu.memref_slice %arg3[%dma_start3A_605, %multiple_of3A_582] : memref<32x1000000xf32, #tpu.memory_space<hbm>> -> memref<16x128xf32, #tpu.memory_space<hbm>>
    %dma_start3A_607 = tpu.memref_slice %arg8[%dma_start3A_600] : memref<16x!tpu.dma_semaphore, #tpu.memory_space<semaphore_mem>> -> memref<1x!tpu.dma_semaphore, #tpu.memory_space<semaphore_mem>>
    %dma_start3A_608 = tpu.memref_squeeze %dma_start3A_607 : memref<1x!tpu.dma_semaphore, #tpu.memory_space<semaphore_mem>> -> memref<!tpu.dma_semaphore, #tpu.memory_space<semaphore_mem>>
    %dma_start3A_609 = arith.constant 16 : i32
    %dma_start3A_610 = arith.constant 0 : i32
    %dma_start3A_611 = tpu.memref_slice %arg6[%dma_start3A_599, %dma_start3A_609, %dma_start3A_610] : memref<16x32x128xf32, #tpu.memory_space<vmem>> -> memref<1x16x128xf32, #tpu.memory_space<vmem>>
    %dma_start3A_612 = tpu.memref_squeeze %dma_start3A_611 : memref<1x16x128xf32, #tpu.memory_space<vmem>> -> memref<16x128xf32, #tpu.memory_space<vmem>>
    %dma_start3A_613 = arith.constant 16 : i32
    %dma_start3A_614 = tpu.memref_slice %arg3[%dma_start3A_613, %multiple_of3A_582] : memref<32x1000000xf32, #tpu.memory_space<hbm>> -> memref<16x128xf32, #tpu.memory_space<hbm>>
    tpu.enqueue_dma source(%dma_start3A_614 : memref<16x128xf32, #tpu.memory_space<hbm>>) target(%dma_start3A_612 : memref<16x128xf32, #tpu.memory_space<vmem>>) target_semaphore(%dma_start3A_608 : memref<!tpu.dma_semaphore, #tpu.memory_space<semaphore_mem>>)
    %get3A_615 = arith.constant 0 : index
    %get3A_616 = tpu.vector_load %arg5[%get3A_615] {strides = array<i32>} : memref<512xi32, #tpu.memory_space<vmem>>, vector<16xi32>,
    %slice3A_617 = vector.extract_strided_slice %get3A_616 {offsets = [15], sizes = [1], strides = [1]} : vector<16xi32> to vector<1xi32>
    %squeeze3A_618 = vector.extract %slice3A_617[0] : i32 from vector<1xi32>
    %shift_right_arithmetic3A_619 = arith.constant 7 : i32
    %shift_right_arithmetic3A_620 = arith.shrsi %squeeze3A_618, %shift_right_arithmetic3A_619 : i32
    %mul3A_621 = arith.constant 128 : i32
    %mul3A_622 = arith.muli %shift_right_arithmetic3A_620, %mul3A_621 : i32
    %multiple_of3A_623 = tpu.assume_multiple %mul3A_622, 128 : i32
    %dma_start3A_624 = arith.constant 15 : i32
    %dma_start3A_625 = arith.constant 15 : i32
    %dma_start3A_626 = arith.constant 0 : i32
    %dma_start3A_627 = arith.constant 0 : i32
    %dma_start3A_628 = tpu.memref_slice %arg6[%dma_start3A_624, %dma_start3A_626, %dma_start3A_627] : memref<16x32x128xf32, #tpu.memory_space<vmem>> -> memref<1x16x128xf32, #tpu.memory_space<vmem>>
    %dma_start3A_629 = tpu.memref_squeeze %dma_start3A_628 : memref<1x16x128xf32, #tpu.memory_space<vmem>> -> memref<16x128xf32, #tpu.memory_space<vmem>>
    %dma_start3A_630 = arith.constant 0 : i32
    %dma_start3A_631 = tpu.memref_slice %arg3[%dma_start3A_630, %multiple_of3A_623] : memref<32x1000000xf32, #tpu.memory_space<hbm>> -> memref<16x128xf32, #tpu.memory_space<hbm>>
    %dma_start3A_632 = tpu.memref_slice %arg8[%dma_start3A_625] : memref<16x!tpu.dma_semaphore, #tpu.memory_space<semaphore_mem>> -> memref<1x!tpu.dma_semaphore, #tpu.memory_space<semaphore_mem>>
    %dma_start3A_633 = tpu.memref_squeeze %dma_start3A_632 : memref<1x!tpu.dma_semaphore, #tpu.memory_space<semaphore_mem>> -> memref<!tpu.dma_semaphore, #tpu.memory_space<semaphore_mem>>
    %dma_start3A_634 = arith.constant 0 : i32
    %dma_start3A_635 = arith.constant 0 : i32
    %dma_start3A_636 = tpu.memref_slice %arg6[%dma_start3A_624, %dma_start3A_634, %dma_start3A_635] : memref<16x32x128xf32, #tpu.memory_space<vmem>> -> memref<1x16x128xf32, #tpu.memory_space<vmem>>
    %dma_start3A_637 = tpu.memref_squeeze %dma_start3A_636 : memref<1x16x128xf32, #tpu.memory_space<vmem>> -> memref<16x128xf32, #tpu.memory_space<vmem>>
    %dma_start3A_638 = arith.constant 0 : i32
    %dma_start3A_639 = tpu.memref_slice %arg3[%dma_start3A_638, %multiple_of3A_623] : memref<32x1000000xf32, #tpu.memory_space<hbm>> -> memref<16x128xf32, #tpu.memory_space<hbm>>
    tpu.enqueue_dma source(%dma_start3A_639 : memref<16x128xf32, #tpu.memory_space<hbm>>) target(%dma_start3A_637 : memref<16x128xf32, #tpu.memory_space<vmem>>) target_semaphore(%dma_start3A_633 : memref<!tpu.dma_semaphore, #tpu.memory_space<semaphore_mem>>)
    %dma_start3A_640 = arith.constant 15 : i32
    %dma_start3A_641 = arith.constant 15 : i32
    %dma_start3A_642 = arith.constant 16 : i32
    %dma_start3A_643 = arith.constant 0 : i32
    %dma_start3A_644 = tpu.memref_slice %arg6[%dma_start3A_640, %dma_start3A_642, %dma_start3A_643] : memref<16x32x128xf32, #tpu.memory_space<vmem>> -> memref<1x16x128xf32, #tpu.memory_space<vmem>>
    %dma_start3A_645 = tpu.memref_squeeze %dma_start3A_644 : memref<1x16x128xf32, #tpu.memory_space<vmem>> -> memref<16x128xf32, #tpu.memory_space<vmem>>
    %dma_start3A_646 = arith.constant 16 : i32
    %dma_start3A_647 = tpu.memref_slice %arg3[%dma_start3A_646, %multiple_of3A_623] : memref<32x1000000xf32, #tpu.memory_space<hbm>> -> memref<16x128xf32, #tpu.memory_space<hbm>>
    %dma_start3A_648 = tpu.memref_slice %arg8[%dma_start3A_641] : memref<16x!tpu.dma_semaphore, #tpu.memory_space<semaphore_mem>> -> memref<1x!tpu.dma_semaphore, #tpu.memory_space<semaphore_mem>>
    %dma_start3A_649 = tpu.memref_squeeze %dma_start3A_648 : memref<1x!tpu.dma_semaphore, #tpu.memory_space<semaphore_mem>> -> memref<!tpu.dma_semaphore, #tpu.memory_space<semaphore_mem>>
    %dma_start3A_650 = arith.constant 16 : i32
    %dma_start3A_651 = arith.constant 0 : i32
    %dma_start3A_652 = tpu.memref_slice %arg6[%dma_start3A_640, %dma_start3A_650, %dma_start3A_651] : memref<16x32x128xf32, #tpu.memory_space<vmem>> -> memref<1x16x128xf32, #tpu.memory_space<vmem>>
    %dma_start3A_653 = tpu.memref_squeeze %dma_start3A_652 : memref<1x16x128xf32, #tpu.memory_space<vmem>> -> memref<16x128xf32, #tpu.memory_space<vmem>>
    %dma_start3A_654 = arith.constant 16 : i32
    %dma_start3A_655 = tpu.memref_slice %arg3[%dma_start3A_654, %multiple_of3A_623] : memref<32x1000000xf32, #tpu.memory_space<hbm>> -> memref<16x128xf32, #tpu.memory_space<hbm>>
    tpu.enqueue_dma source(%dma_start3A_655 : memref<16x128xf32, #tpu.memory_space<hbm>>) target(%dma_start3A_653 : memref<16x128xf32, #tpu.memory_space<vmem>>) target_semaphore(%dma_start3A_649 : memref<!tpu.dma_semaphore, #tpu.memory_space<semaphore_mem>>)
    %get3A_656 = arith.constant 0 : index
    %get3A_657 = tpu.vector_load %arg5[%get3A_656] {strides = array<i32>} : memref<512xi32, #tpu.memory_space<vmem>>, vector<16xi32>,
    %and3A = arith.constant 127 : i32
    %and3A_658 = vector.broadcast %and3A : i32 to vector<16xi32>
    %and3A_659 = arith.andi %get3A_657, %and3A_658 : vector<16xi32>
    %scan3A = arith.constant 1 : i32
    %scan3A_660 = arith.constant 31 : i32
    %scan3A_661 = arith.addi %scan3A, %scan3A_660 : i32
    %scan3A_662 = arith.constant 1 : i32
    %scan3A_663 = scf.for %scan3A_1222 = %scan3A to %scan3A_661 step %scan3A_662 iter_args(%scan3A_1223 = %and3A_659) -> (vector<16xi32>)  : i32 {
      %mul3A_1224 = arith.constant 16 : i32
      %mul3A_1225 = arith.muli %scan3A_1222, %mul3A_1224 : i32
      %get3A_1226 = arith.index_cast %mul3A_1225 : i32 to index
      %get3A_1227 = tpu.vector_load %arg5[%get3A_1226] {strides = array<i32>} : memref<512xi32, #tpu.memory_space<vmem>>, vector<16xi32>,
      %dma_wait3A_1228 = arith.constant 0 : i32
      %dma_wait3A_1229 = arith.constant 0 : i32
      %dma_wait3A_1230 = arith.constant 0 : i32
      %dma_wait3A_1231 = arith.constant 0 : i32
      %dma_wait3A_1232 = tpu.memref_slice %arg6[%dma_wait3A_1228, %dma_wait3A_1230, %dma_wait3A_1231] : memref<16x32x128xf32, #tpu.memory_space<vmem>> -> memref<1x32x128xf32, #tpu.memory_space<vmem>>
      %dma_wait3A_1233 = tpu.memref_squeeze %dma_wait3A_1232 : memref<1x32x128xf32, #tpu.memory_space<vmem>> -> memref<32x128xf32, #tpu.memory_space<vmem>>
      %dma_wait3A_1234 = arith.constant 0 : i32
      %dma_wait3A_1235 = arith.constant 0 : i32
      %dma_wait3A_1236 = tpu.memref_slice %arg3[%dma_wait3A_1234, %dma_wait3A_1235] : memref<32x1000000xf32, #tpu.memory_space<hbm>> -> memref<32x128xf32, #tpu.memory_space<hbm>>
      %dma_wait3A_1237 = tpu.memref_slice %arg8[%dma_wait3A_1229] : memref<16x!tpu.dma_semaphore, #tpu.memory_space<semaphore_mem>> -> memref<1x!tpu.dma_semaphore, #tpu.memory_space<semaphore_mem>>
      %dma_wait3A_1238 = tpu.memref_squeeze %dma_wait3A_1237 : memref<1x!tpu.dma_semaphore, #tpu.memory_space<semaphore_mem>> -> memref<!tpu.dma_semaphore, #tpu.memory_space<semaphore_mem>>
      %dma_wait3A_1239 = arith.constant 0 : i32
      %dma_wait3A_1240 = arith.constant 0 : i32
      %dma_wait3A_1241 = tpu.memref_slice %arg6[%dma_wait3A_1228, %dma_wait3A_1239, %dma_wait3A_1240] : memref<16x32x128xf32, #tpu.memory_space<vmem>> -> memref<1x32x128xf32, #tpu.memory_space<vmem>>
      %dma_wait3A_1242 = tpu.memref_squeeze %dma_wait3A_1241 : memref<1x32x128xf32, #tpu.memory_space<vmem>> -> memref<32x128xf32, #tpu.memory_space<vmem>>
      %dma_wait3A_1243 = arith.constant 0 : i32
      %dma_wait3A_1244 = arith.constant 0 : i32
      %dma_wait3A_1245 = tpu.memref_slice %arg3[%dma_wait3A_1243, %dma_wait3A_1244] : memref<32x1000000xf32, #tpu.memory_space<hbm>> -> memref<32x128xf32, #tpu.memory_space<hbm>>
      tpu.wait_dma2 semaphore(%dma_wait3A_1238 : memref<!tpu.dma_semaphore, #tpu.memory_space<semaphore_mem>>) src(%dma_wait3A_1245 : memref<32x128xf32, #tpu.memory_space<hbm>>) dst(%dma_wait3A_1242 : memref<32x128xf32, #tpu.memory_space<vmem>>)
      %sub3A = arith.constant 1 : i32
      %sub3A_1246 = arith.subi %scan3A_1222, %sub3A : i32
      %slice3A_1247 = vector.extract_strided_slice %scan3A_1223 {offsets = [0], sizes = [1], strides = [1]} : vector<16xi32> to vector<1xi32>
      %squeeze3A_1248 = vector.extract %slice3A_1247[0] : i32 from vector<1xi32>
      %broadcast_in_dim3A_1249 = vector.broadcast %squeeze3A_1248 : i32 to vector<16xi32>
      %mul3A_1250 = arith.constant 16 : i32
      %mul3A_1251 = arith.muli %sub3A_1246, %mul3A_1250 : i32
      %add3A_1252 = arith.constant 0 : i32
      %add3A_1253 = arith.addi %mul3A_1251, %add3A_1252 : i32
      %broadcast_in_dim3A_1254 = vector.broadcast %add3A_1253 : i32 to vector<16xi32>
      %gather3A_1255 = arith.constant 0 : i32
      %gather3A_1256 = arith.constant 0 : i32
      %gather3A_1257 = arith.constant 0 : i32
      %gather3A_1258 = tpu.memref_slice %arg6[%gather3A_1255, %gather3A_1256, %gather3A_1257] : memref<16x32x128xf32, #tpu.memory_space<vmem>> -> memref<1x32x128xf32, #tpu.memory_space<vmem>>
      %gather3A_1259 = tpu.memref_squeeze %gather3A_1258 : memref<1x32x128xf32, #tpu.memory_space<vmem>> -> memref<32x128xf32, #tpu.memory_space<vmem>>
      %gather3A_1260 = tpu.vector_load_idx %gather3A_1259[%iota3A, %broadcast_in_dim3A_1249] : memref<32x128xf32, #tpu.memory_space<vmem>>[vector<16xi32>, vector<16xi32>], vector<16xf32>,
      %gather3A_1261 = arith.constant 0 : i32
      %gather3A_1262 = arith.constant 0 : i32
      %gather3A_1263 = arith.constant 0 : i32
      %gather3A_1264 = tpu.memref_slice %arg6[%gather3A_1261, %gather3A_1262, %gather3A_1263] : memref<16x32x128xf32, #tpu.memory_space<vmem>> -> memref<1x32x128xf32, #tpu.memory_space<vmem>>
      %gather3A_1265 = tpu.memref_squeeze %gather3A_1264 : memref<1x32x128xf32, #tpu.memory_space<vmem>> -> memref<32x128xf32, #tpu.memory_space<vmem>>
      %gather3A_1266 = tpu.vector_load_idx %gather3A_1265[%add3A_5, %broadcast_in_dim3A_1249] : memref<32x128xf32, #tpu.memory_space<vmem>>[vector<16xi32>, vector<16xi32>], vector<16xf32>,
      tpu.vector_store_idx %arg7[%iota3A, %broadcast_in_dim3A_1254], %gather3A_1260 : memref<32x512xf32, #tpu.memory_space<vmem>>[vector<16xi32>, vector<16xi32>], vector<16xf32>,
      tpu.vector_store_idx %arg7[%add3A_5, %broadcast_in_dim3A_1254], %gather3A_1266 : memref<32x512xf32, #tpu.memory_space<vmem>>[vector<16xi32>, vector<16xi32>], vector<16xf32>,
      %mul3A_1267 = arith.constant 16 : i32
      %mul3A_1268 = arith.muli %scan3A_1222, %mul3A_1267 : i32
      %get3A_1269 = arith.index_cast %mul3A_1268 : i32 to index
      %get3A_1270 = tpu.vector_load %arg5[%get3A_1269] {strides = array<i32>} : memref<512xi32, #tpu.memory_space<vmem>>, vector<16xi32>,
      %slice3A_1271 = vector.extract_strided_slice %get3A_1270 {offsets = [0], sizes = [1], strides = [1]} : vector<16xi32> to vector<1xi32>
      %squeeze3A_1272 = vector.extract %slice3A_1271[0] : i32 from vector<1xi32>
      %shift_right_arithmetic3A_1273 = arith.constant 7 : i32
      %shift_right_arithmetic3A_1274 = arith.shrsi %squeeze3A_1272, %shift_right_arithmetic3A_1273 : i32
      %mul3A_1275 = arith.constant 128 : i32
      %mul3A_1276 = arith.muli %shift_right_arithmetic3A_1274, %mul3A_1275 : i32
      %multiple_of3A_1277 = tpu.assume_multiple %mul3A_1276, 128 : i32
      %dma_start3A_1278 = arith.constant 0 : i32
      %dma_start3A_1279 = arith.constant 0 : i32
      %dma_start3A_1280 = arith.constant 0 : i32
      %dma_start3A_1281 = arith.constant 0 : i32
      %dma_start3A_1282 = tpu.memref_slice %arg6[%dma_start3A_1278, %dma_start3A_1280, %dma_start3A_1281] : memref<16x32x128xf32, #tpu.memory_space<vmem>> -> memref<1x16x128xf32, #tpu.memory_space<vmem>>
      %dma_start3A_1283 = tpu.memref_squeeze %dma_start3A_1282 : memref<1x16x128xf32, #tpu.memory_space<vmem>> -> memref<16x128xf32, #tpu.memory_space<vmem>>
      %dma_start3A_1284 = arith.constant 0 : i32
      %dma_start3A_1285 = tpu.memref_slice %arg3[%dma_start3A_1284, %multiple_of3A_1277] : memref<32x1000000xf32, #tpu.memory_space<hbm>> -> memref<16x128xf32, #tpu.memory_space<hbm>>
      %dma_start3A_1286 = tpu.memref_slice %arg8[%dma_start3A_1279] : memref<16x!tpu.dma_semaphore, #tpu.memory_space<semaphore_mem>> -> memref<1x!tpu.dma_semaphore, #tpu.memory_space<semaphore_mem>>
      %dma_start3A_1287 = tpu.memref_squeeze %dma_start3A_1286 : memref<1x!tpu.dma_semaphore, #tpu.memory_space<semaphore_mem>> -> memref<!tpu.dma_semaphore, #tpu.memory_space<semaphore_mem>>
      %dma_start3A_1288 = arith.constant 0 : i32
      %dma_start3A_1289 = arith.constant 0 : i32
      %dma_start3A_1290 = tpu.memref_slice %arg6[%dma_start3A_1278, %dma_start3A_1288, %dma_start3A_1289] : memref<16x32x128xf32, #tpu.memory_space<vmem>> -> memref<1x16x128xf32, #tpu.memory_space<vmem>>
      %dma_start3A_1291 = tpu.memref_squeeze %dma_start3A_1290 : memref<1x16x128xf32, #tpu.memory_space<vmem>> -> memref<16x128xf32, #tpu.memory_space<vmem>>
      %dma_start3A_1292 = arith.constant 0 : i32
      %dma_start3A_1293 = tpu.memref_slice %arg3[%dma_start3A_1292, %multiple_of3A_1277] : memref<32x1000000xf32, #tpu.memory_space<hbm>> -> memref<16x128xf32, #tpu.memory_space<hbm>>
      tpu.enqueue_dma source(%dma_start3A_1293 : memref<16x128xf32, #tpu.memory_space<hbm>>) target(%dma_start3A_1291 : memref<16x128xf32, #tpu.memory_space<vmem>>) target_semaphore(%dma_start3A_1287 : memref<!tpu.dma_semaphore, #tpu.memory_space<semaphore_mem>>)
      %dma_start3A_1294 = arith.constant 0 : i32
      %dma_start3A_1295 = arith.constant 0 : i32
      %dma_start3A_1296 = arith.constant 16 : i32
      %dma_start3A_1297 = arith.constant 0 : i32
      %dma_start3A_1298 = tpu.memref_slice %arg6[%dma_start3A_1294, %dma_start3A_1296, %dma_start3A_1297] : memref<16x32x128xf32, #tpu.memory_space<vmem>> -> memref<1x16x128xf32, #tpu.memory_space<vmem>>
      %dma_start3A_1299 = tpu.memref_squeeze %dma_start3A_1298 : memref<1x16x128xf32, #tpu.memory_space<vmem>> -> memref<16x128xf32, #tpu.memory_space<vmem>>
      %dma_start3A_1300 = arith.constant 16 : i32
      %dma_start3A_1301 = tpu.memref_slice %arg3[%dma_start3A_1300, %multiple_of3A_1277] : memref<32x1000000xf32, #tpu.memory_space<hbm>> -> memref<16x128xf32, #tpu.memory_space<hbm>>
      %dma_start3A_1302 = tpu.memref_slice %arg8[%dma_start3A_1295] : memref<16x!tpu.dma_semaphore, #tpu.memory_space<semaphore_mem>> -> memref<1x!tpu.dma_semaphore, #tpu.memory_space<semaphore_mem>>
      %dma_start3A_1303 = tpu.memref_squeeze %dma_start3A_1302 : memref<1x!tpu.dma_semaphore, #tpu.memory_space<semaphore_mem>> -> memref<!tpu.dma_semaphore, #tpu.memory_space<semaphore_mem>>
      %dma_start3A_1304 = arith.constant 16 : i32
      %dma_start3A_1305 = arith.constant 0 : i32
      %dma_start3A_1306 = tpu.memref_slice %arg6[%dma_start3A_1294, %dma_start3A_1304, %dma_start3A_1305] : memref<16x32x128xf32, #tpu.memory_space<vmem>> -> memref<1x16x128xf32, #tpu.memory_space<vmem>>
      %dma_start3A_1307 = tpu.memref_squeeze %dma_start3A_1306 : memref<1x16x128xf32, #tpu.memory_space<vmem>> -> memref<16x128xf32, #tpu.memory_space<vmem>>
      %dma_start3A_1308 = arith.constant 16 : i32
      %dma_start3A_1309 = tpu.memref_slice %arg3[%dma_start3A_1308, %multiple_of3A_1277] : memref<32x1000000xf32, #tpu.memory_space<hbm>> -> memref<16x128xf32, #tpu.memory_space<hbm>>
      tpu.enqueue_dma source(%dma_start3A_1309 : memref<16x128xf32, #tpu.memory_space<hbm>>) target(%dma_start3A_1307 : memref<16x128xf32, #tpu.memory_space<vmem>>) target_semaphore(%dma_start3A_1303 : memref<!tpu.dma_semaphore, #tpu.memory_space<semaphore_mem>>)
      %dma_wait3A_1310 = arith.constant 1 : i32
      %dma_wait3A_1311 = arith.constant 1 : i32
      %dma_wait3A_1312 = arith.constant 0 : i32
      %dma_wait3A_1313 = arith.constant 0 : i32
      %dma_wait3A_1314 = tpu.memref_slice %arg6[%dma_wait3A_1310, %dma_wait3A_1312, %dma_wait3A_1313] : memref<16x32x128xf32, #tpu.memory_space<vmem>> -> memref<1x32x128xf32, #tpu.memory_space<vmem>>
      %dma_wait3A_1315 = tpu.memref_squeeze %dma_wait3A_1314 : memref<1x32x128xf32, #tpu.memory_space<vmem>> -> memref<32x128xf32, #tpu.memory_space<vmem>>
      %dma_wait3A_1316 = arith.constant 0 : i32
      %dma_wait3A_1317 = arith.constant 0 : i32
      %dma_wait3A_1318 = tpu.memref_slice %arg3[%dma_wait3A_1316, %dma_wait3A_1317] : memref<32x1000000xf32, #tpu.memory_space<hbm>> -> memref<32x128xf32, #tpu.memory_space<hbm>>
      %dma_wait3A_1319 = tpu.memref_slice %arg8[%dma_wait3A_1311] : memref<16x!tpu.dma_semaphore, #tpu.memory_space<semaphore_mem>> -> memref<1x!tpu.dma_semaphore, #tpu.memory_space<semaphore_mem>>
      %dma_wait3A_1320 = tpu.memref_squeeze %dma_wait3A_1319 : memref<1x!tpu.dma_semaphore, #tpu.memory_space<semaphore_mem>> -> memref<!tpu.dma_semaphore, #tpu.memory_space<semaphore_mem>>
      %dma_wait3A_1321 = arith.constant 0 : i32
      %dma_wait3A_1322 = arith.constant 0 : i32
      %dma_wait3A_1323 = tpu.memref_slice %arg6[%dma_wait3A_1310, %dma_wait3A_1321, %dma_wait3A_1322] : memref<16x32x128xf32, #tpu.memory_space<vmem>> -> memref<1x32x128xf32, #tpu.memory_space<vmem>>
      %dma_wait3A_1324 = tpu.memref_squeeze %dma_wait3A_1323 : memref<1x32x128xf32, #tpu.memory_space<vmem>> -> memref<32x128xf32, #tpu.memory_space<vmem>>
      %dma_wait3A_1325 = arith.constant 0 : i32
      %dma_wait3A_1326 = arith.constant 0 : i32
      %dma_wait3A_1327 = tpu.memref_slice %arg3[%dma_wait3A_1325, %dma_wait3A_1326] : memref<32x1000000xf32, #tpu.memory_space<hbm>> -> memref<32x128xf32, #tpu.memory_space<hbm>>
      tpu.wait_dma2 semaphore(%dma_wait3A_1320 : memref<!tpu.dma_semaphore, #tpu.memory_space<semaphore_mem>>) src(%dma_wait3A_1327 : memref<32x128xf32, #tpu.memory_space<hbm>>) dst(%dma_wait3A_1324 : memref<32x128xf32, #tpu.memory_space<vmem>>)
      %sub3A_1328 = arith.constant 1 : i32
      %sub3A_1329 = arith.subi %scan3A_1222, %sub3A_1328 : i32
      %slice3A_1330 = vector.extract_strided_slice %scan3A_1223 {offsets = [1], sizes = [1], strides = [1]} : vector<16xi32> to vector<1xi32>
      %squeeze3A_1331 = vector.extract %slice3A_1330[0] : i32 from vector<1xi32>
      %broadcast_in_dim3A_1332 = vector.broadcast %squeeze3A_1331 : i32 to vector<16xi32>
      %mul3A_1333 = arith.constant 16 : i32
      %mul3A_1334 = arith.muli %sub3A_1329, %mul3A_1333 : i32
      %add3A_1335 = arith.constant 1 : i32
      %add3A_1336 = arith.addi %mul3A_1334, %add3A_1335 : i32
      %broadcast_in_dim3A_1337 = vector.broadcast %add3A_1336 : i32 to vector<16xi32>
      %gather3A_1338 = arith.constant 1 : i32
      %gather3A_1339 = arith.constant 0 : i32
      %gather3A_1340 = arith.constant 0 : i32
      %gather3A_1341 = tpu.memref_slice %arg6[%gather3A_1338, %gather3A_1339, %gather3A_1340] : memref<16x32x128xf32, #tpu.memory_space<vmem>> -> memref<1x32x128xf32, #tpu.memory_space<vmem>>
      %gather3A_1342 = tpu.memref_squeeze %gather3A_1341 : memref<1x32x128xf32, #tpu.memory_space<vmem>> -> memref<32x128xf32, #tpu.memory_space<vmem>>
      %gather3A_1343 = tpu.vector_load_idx %gather3A_1342[%iota3A, %broadcast_in_dim3A_1332] : memref<32x128xf32, #tpu.memory_space<vmem>>[vector<16xi32>, vector<16xi32>], vector<16xf32>,
      %gather3A_1344 = arith.constant 1 : i32
      %gather3A_1345 = arith.constant 0 : i32
      %gather3A_1346 = arith.constant 0 : i32
      %gather3A_1347 = tpu.memref_slice %arg6[%gather3A_1344, %gather3A_1345, %gather3A_1346] : memref<16x32x128xf32, #tpu.memory_space<vmem>> -> memref<1x32x128xf32, #tpu.memory_space<vmem>>
      %gather3A_1348 = tpu.memref_squeeze %gather3A_1347 : memref<1x32x128xf32, #tpu.memory_space<vmem>> -> memref<32x128xf32, #tpu.memory_space<vmem>>
      %gather3A_1349 = tpu.vector_load_idx %gather3A_1348[%add3A_5, %broadcast_in_dim3A_1332] : memref<32x128xf32, #tpu.memory_space<vmem>>[vector<16xi32>, vector<16xi32>], vector<16xf32>,
      tpu.vector_store_idx %arg7[%iota3A, %broadcast_in_dim3A_1337], %gather3A_1343 : memref<32x512xf32, #tpu.memory_space<vmem>>[vector<16xi32>, vector<16xi32>], vector<16xf32>,
      tpu.vector_store_idx %arg7[%add3A_5, %broadcast_in_dim3A_1337], %gather3A_1349 : memref<32x512xf32, #tpu.memory_space<vmem>>[vector<16xi32>, vector<16xi32>], vector<16xf32>,
      %mul3A_1350 = arith.constant 16 : i32
      %mul3A_1351 = arith.muli %scan3A_1222, %mul3A_1350 : i32
      %get3A_1352 = arith.index_cast %mul3A_1351 : i32 to index
      %get3A_1353 = tpu.vector_load %arg5[%get3A_1352] {strides = array<i32>} : memref<512xi32, #tpu.memory_space<vmem>>, vector<16xi32>,
      %slice3A_1354 = vector.extract_strided_slice %get3A_1353 {offsets = [1], sizes = [1], strides = [1]} : vector<16xi32> to vector<1xi32>
      %squeeze3A_1355 = vector.extract %slice3A_1354[0] : i32 from vector<1xi32>
      %shift_right_arithmetic3A_1356 = arith.constant 7 : i32
      %shift_right_arithmetic3A_1357 = arith.shrsi %squeeze3A_1355, %shift_right_arithmetic3A_1356 : i32
      %mul3A_1358 = arith.constant 128 : i32
      %mul3A_1359 = arith.muli %shift_right_arithmetic3A_1357, %mul3A_1358 : i32
      %multiple_of3A_1360 = tpu.assume_multiple %mul3A_1359, 128 : i32
      %dma_start3A_1361 = arith.constant 1 : i32
      %dma_start3A_1362 = arith.constant 1 : i32
      %dma_start3A_1363 = arith.constant 0 : i32
      %dma_start3A_1364 = arith.constant 0 : i32
      %dma_start3A_1365 = tpu.memref_slice %arg6[%dma_start3A_1361, %dma_start3A_1363, %dma_start3A_1364] : memref<16x32x128xf32, #tpu.memory_space<vmem>> -> memref<1x16x128xf32, #tpu.memory_space<vmem>>
      %dma_start3A_1366 = tpu.memref_squeeze %dma_start3A_1365 : memref<1x16x128xf32, #tpu.memory_space<vmem>> -> memref<16x128xf32, #tpu.memory_space<vmem>>
      %dma_start3A_1367 = arith.constant 0 : i32
      %dma_start3A_1368 = tpu.memref_slice %arg3[%dma_start3A_1367, %multiple_of3A_1360] : memref<32x1000000xf32, #tpu.memory_space<hbm>> -> memref<16x128xf32, #tpu.memory_space<hbm>>
      %dma_start3A_1369 = tpu.memref_slice %arg8[%dma_start3A_1362] : memref<16x!tpu.dma_semaphore, #tpu.memory_space<semaphore_mem>> -> memref<1x!tpu.dma_semaphore, #tpu.memory_space<semaphore_mem>>
      %dma_start3A_1370 = tpu.memref_squeeze %dma_start3A_1369 : memref<1x!tpu.dma_semaphore, #tpu.memory_space<semaphore_mem>> -> memref<!tpu.dma_semaphore, #tpu.memory_space<semaphore_mem>>
      %dma_start3A_1371 = arith.constant 0 : i32
      %dma_start3A_1372 = arith.constant 0 : i32
      %dma_start3A_1373 = tpu.memref_slice %arg6[%dma_start3A_1361, %dma_start3A_1371, %dma_start3A_1372] : memref<16x32x128xf32, #tpu.memory_space<vmem>> -> memref<1x16x128xf32, #tpu.memory_space<vmem>>
      %dma_start3A_1374 = tpu.memref_squeeze %dma_start3A_1373 : memref<1x16x128xf32, #tpu.memory_space<vmem>> -> memref<16x128xf32, #tpu.memory_space<vmem>>
      %dma_start3A_1375 = arith.constant 0 : i32
      %dma_start3A_1376 = tpu.memref_slice %arg3[%dma_start3A_1375, %multiple_of3A_1360] : memref<32x1000000xf32, #tpu.memory_space<hbm>> -> memref<16x128xf32, #tpu.memory_space<hbm>>
      tpu.enqueue_dma source(%dma_start3A_1376 : memref<16x128xf32, #tpu.memory_space<hbm>>) target(%dma_start3A_1374 : memref<16x128xf32, #tpu.memory_space<vmem>>) target_semaphore(%dma_start3A_1370 : memref<!tpu.dma_semaphore, #tpu.memory_space<semaphore_mem>>)
      %dma_start3A_1377 = arith.constant 1 : i32
      %dma_start3A_1378 = arith.constant 1 : i32
      %dma_start3A_1379 = arith.constant 16 : i32
      %dma_start3A_1380 = arith.constant 0 : i32
      %dma_start3A_1381 = tpu.memref_slice %arg6[%dma_start3A_1377, %dma_start3A_1379, %dma_start3A_1380] : memref<16x32x128xf32, #tpu.memory_space<vmem>> -> memref<1x16x128xf32, #tpu.memory_space<vmem>>
      %dma_start3A_1382 = tpu.memref_squeeze %dma_start3A_1381 : memref<1x16x128xf32, #tpu.memory_space<vmem>> -> memref<16x128xf32, #tpu.memory_space<vmem>>
      %dma_start3A_1383 = arith.constant 16 : i32
      %dma_start3A_1384 = tpu.memref_slice %arg3[%dma_start3A_1383, %multiple_of3A_1360] : memref<32x1000000xf32, #tpu.memory_space<hbm>> -> memref<16x128xf32, #tpu.memory_space<hbm>>
      %dma_start3A_1385 = tpu.memref_slice %arg8[%dma_start3A_1378] : memref<16x!tpu.dma_semaphore, #tpu.memory_space<semaphore_mem>> -> memref<1x!tpu.dma_semaphore, #tpu.memory_space<semaphore_mem>>
      %dma_start3A_1386 = tpu.memref_squeeze %dma_start3A_1385 : memref<1x!tpu.dma_semaphore, #tpu.memory_space<semaphore_mem>> -> memref<!tpu.dma_semaphore, #tpu.memory_space<semaphore_mem>>
      %dma_start3A_1387 = arith.constant 16 : i32
      %dma_start3A_1388 = arith.constant 0 : i32
      %dma_start3A_1389 = tpu.memref_slice %arg6[%dma_start3A_1377, %dma_start3A_1387, %dma_start3A_1388] : memref<16x32x128xf32, #tpu.memory_space<vmem>> -> memref<1x16x128xf32, #tpu.memory_space<vmem>>
      %dma_start3A_1390 = tpu.memref_squeeze %dma_start3A_1389 : memref<1x16x128xf32, #tpu.memory_space<vmem>> -> memref<16x128xf32, #tpu.memory_space<vmem>>
      %dma_start3A_1391 = arith.constant 16 : i32
      %dma_start3A_1392 = tpu.memref_slice %arg3[%dma_start3A_1391, %multiple_of3A_1360] : memref<32x1000000xf32, #tpu.memory_space<hbm>> -> memref<16x128xf32, #tpu.memory_space<hbm>>
      tpu.enqueue_dma source(%dma_start3A_1392 : memref<16x128xf32, #tpu.memory_space<hbm>>) target(%dma_start3A_1390 : memref<16x128xf32, #tpu.memory_space<vmem>>) target_semaphore(%dma_start3A_1386 : memref<!tpu.dma_semaphore, #tpu.memory_space<semaphore_mem>>)
      %dma_wait3A_1393 = arith.constant 2 : i32
      %dma_wait3A_1394 = arith.constant 2 : i32
      %dma_wait3A_1395 = arith.constant 0 : i32
      %dma_wait3A_1396 = arith.constant 0 : i32
      %dma_wait3A_1397 = tpu.memref_slice %arg6[%dma_wait3A_1393, %dma_wait3A_1395, %dma_wait3A_1396] : memref<16x32x128xf32, #tpu.memory_space<vmem>> -> memref<1x32x128xf32, #tpu.memory_space<vmem>>
      %dma_wait3A_1398 = tpu.memref_squeeze %dma_wait3A_1397 : memref<1x32x128xf32, #tpu.memory_space<vmem>> -> memref<32x128xf32, #tpu.memory_space<vmem>>
      %dma_wait3A_1399 = arith.constant 0 : i32
      %dma_wait3A_1400 = arith.constant 0 : i32
      %dma_wait3A_1401 = tpu.memref_slice %arg3[%dma_wait3A_1399, %dma_wait3A_1400] : memref<32x1000000xf32, #tpu.memory_space<hbm>> -> memref<32x128xf32, #tpu.memory_space<hbm>>
      %dma_wait3A_1402 = tpu.memref_slice %arg8[%dma_wait3A_1394] : memref<16x!tpu.dma_semaphore, #tpu.memory_space<semaphore_mem>> -> memref<1x!tpu.dma_semaphore, #tpu.memory_space<semaphore_mem>>
      %dma_wait3A_1403 = tpu.memref_squeeze %dma_wait3A_1402 : memref<1x!tpu.dma_semaphore, #tpu.memory_space<semaphore_mem>> -> memref<!tpu.dma_semaphore, #tpu.memory_space<semaphore_mem>>
      %dma_wait3A_1404 = arith.constant 0 : i32
      %dma_wait3A_1405 = arith.constant 0 : i32
      %dma_wait3A_1406 = tpu.memref_slice %arg6[%dma_wait3A_1393, %dma_wait3A_1404, %dma_wait3A_1405] : memref<16x32x128xf32, #tpu.memory_space<vmem>> -> memref<1x32x128xf32, #tpu.memory_space<vmem>>
      %dma_wait3A_1407 = tpu.memref_squeeze %dma_wait3A_1406 : memref<1x32x128xf32, #tpu.memory_space<vmem>> -> memref<32x128xf32, #tpu.memory_space<vmem>>
      %dma_wait3A_1408 = arith.constant 0 : i32
      %dma_wait3A_1409 = arith.constant 0 : i32
      %dma_wait3A_1410 = tpu.memref_slice %arg3[%dma_wait3A_1408, %dma_wait3A_1409] : memref<32x1000000xf32, #tpu.memory_space<hbm>> -> memref<32x128xf32, #tpu.memory_space<hbm>>
      tpu.wait_dma2 semaphore(%dma_wait3A_1403 : memref<!tpu.dma_semaphore, #tpu.memory_space<semaphore_mem>>) src(%dma_wait3A_1410 : memref<32x128xf32, #tpu.memory_space<hbm>>) dst(%dma_wait3A_1407 : memref<32x128xf32, #tpu.memory_space<vmem>>)
      %sub3A_1411 = arith.constant 1 : i32
      %sub3A_1412 = arith.subi %scan3A_1222, %sub3A_1411 : i32
      %slice3A_1413 = vector.extract_strided_slice %scan3A_1223 {offsets = [2], sizes = [1], strides = [1]} : vector<16xi32> to vector<1xi32>
      %squeeze3A_1414 = vector.extract %slice3A_1413[0] : i32 from vector<1xi32>
      %broadcast_in_dim3A_1415 = vector.broadcast %squeeze3A_1414 : i32 to vector<16xi32>
      %mul3A_1416 = arith.constant 16 : i32
      %mul3A_1417 = arith.muli %sub3A_1412, %mul3A_1416 : i32
      %add3A_1418 = arith.constant 2 : i32
      %add3A_1419 = arith.addi %mul3A_1417, %add3A_1418 : i32
      %broadcast_in_dim3A_1420 = vector.broadcast %add3A_1419 : i32 to vector<16xi32>
      %gather3A_1421 = arith.constant 2 : i32
      %gather3A_1422 = arith.constant 0 : i32
      %gather3A_1423 = arith.constant 0 : i32
      %gather3A_1424 = tpu.memref_slice %arg6[%gather3A_1421, %gather3A_1422, %gather3A_1423] : memref<16x32x128xf32, #tpu.memory_space<vmem>> -> memref<1x32x128xf32, #tpu.memory_space<vmem>>
      %gather3A_1425 = tpu.memref_squeeze %gather3A_1424 : memref<1x32x128xf32, #tpu.memory_space<vmem>> -> memref<32x128xf32, #tpu.memory_space<vmem>>
      %gather3A_1426 = tpu.vector_load_idx %gather3A_1425[%iota3A, %broadcast_in_dim3A_1415] : memref<32x128xf32, #tpu.memory_space<vmem>>[vector<16xi32>, vector<16xi32>], vector<16xf32>,
      %gather3A_1427 = arith.constant 2 : i32
      %gather3A_1428 = arith.constant 0 : i32
      %gather3A_1429 = arith.constant 0 : i32
      %gather3A_1430 = tpu.memref_slice %arg6[%gather3A_1427, %gather3A_1428, %gather3A_1429] : memref<16x32x128xf32, #tpu.memory_space<vmem>> -> memref<1x32x128xf32, #tpu.memory_space<vmem>>
      %gather3A_1431 = tpu.memref_squeeze %gather3A_1430 : memref<1x32x128xf32, #tpu.memory_space<vmem>> -> memref<32x128xf32, #tpu.memory_space<vmem>>
      %gather3A_1432 = tpu.vector_load_idx %gather3A_1431[%add3A_5, %broadcast_in_dim3A_1415] : memref<32x128xf32, #tpu.memory_space<vmem>>[vector<16xi32>, vector<16xi32>], vector<16xf32>,
      tpu.vector_store_idx %arg7[%iota3A, %broadcast_in_dim3A_1420], %gather3A_1426 : memref<32x512xf32, #tpu.memory_space<vmem>>[vector<16xi32>, vector<16xi32>], vector<16xf32>,
      tpu.vector_store_idx %arg7[%add3A_5, %broadcast_in_dim3A_1420], %gather3A_1432 : memref<32x512xf32, #tpu.memory_space<vmem>>[vector<16xi32>, vector<16xi32>], vector<16xf32>,
      %mul3A_1433 = arith.constant 16 : i32
      %mul3A_1434 = arith.muli %scan3A_1222, %mul3A_1433 : i32
      %get3A_1435 = arith.index_cast %mul3A_1434 : i32 to index
      %get3A_1436 = tpu.vector_load %arg5[%get3A_1435] {strides = array<i32>} : memref<512xi32, #tpu.memory_space<vmem>>, vector<16xi32>,
      %slice3A_1437 = vector.extract_strided_slice %get3A_1436 {offsets = [2], sizes = [1], strides = [1]} : vector<16xi32> to vector<1xi32>
      %squeeze3A_1438 = vector.extract %slice3A_1437[0] : i32 from vector<1xi32>
      %shift_right_arithmetic3A_1439 = arith.constant 7 : i32
      %shift_right_arithmetic3A_1440 = arith.shrsi %squeeze3A_1438, %shift_right_arithmetic3A_1439 : i32
      %mul3A_1441 = arith.constant 128 : i32
      %mul3A_1442 = arith.muli %shift_right_arithmetic3A_1440, %mul3A_1441 : i32
      %multiple_of3A_1443 = tpu.assume_multiple %mul3A_1442, 128 : i32
      %dma_start3A_1444 = arith.constant 2 : i32
      %dma_start3A_1445 = arith.constant 2 : i32
      %dma_start3A_1446 = arith.constant 0 : i32
      %dma_start3A_1447 = arith.constant 0 : i32
      %dma_start3A_1448 = tpu.memref_slice %arg6[%dma_start3A_1444, %dma_start3A_1446, %dma_start3A_1447] : memref<16x32x128xf32, #tpu.memory_space<vmem>> -> memref<1x16x128xf32, #tpu.memory_space<vmem>>
      %dma_start3A_1449 = tpu.memref_squeeze %dma_start3A_1448 : memref<1x16x128xf32, #tpu.memory_space<vmem>> -> memref<16x128xf32, #tpu.memory_space<vmem>>
      %dma_start3A_1450 = arith.constant 0 : i32
      %dma_start3A_1451 = tpu.memref_slice %arg3[%dma_start3A_1450, %multiple_of3A_1443] : memref<32x1000000xf32, #tpu.memory_space<hbm>> -> memref<16x128xf32, #tpu.memory_space<hbm>>
      %dma_start3A_1452 = tpu.memref_slice %arg8[%dma_start3A_1445] : memref<16x!tpu.dma_semaphore, #tpu.memory_space<semaphore_mem>> -> memref<1x!tpu.dma_semaphore, #tpu.memory_space<semaphore_mem>>
      %dma_start3A_1453 = tpu.memref_squeeze %dma_start3A_1452 : memref<1x!tpu.dma_semaphore, #tpu.memory_space<semaphore_mem>> -> memref<!tpu.dma_semaphore, #tpu.memory_space<semaphore_mem>>
      %dma_start3A_1454 = arith.constant 0 : i32
      %dma_start3A_1455 = arith.constant 0 : i32
      %dma_start3A_1456 = tpu.memref_slice %arg6[%dma_start3A_1444, %dma_start3A_1454, %dma_start3A_1455] : memref<16x32x128xf32, #tpu.memory_space<vmem>> -> memref<1x16x128xf32, #tpu.memory_space<vmem>>
      %dma_start3A_1457 = tpu.memref_squeeze %dma_start3A_1456 : memref<1x16x128xf32, #tpu.memory_space<vmem>> -> memref<16x128xf32, #tpu.memory_space<vmem>>
      %dma_start3A_1458 = arith.constant 0 : i32
      %dma_start3A_1459 = tpu.memref_slice %arg3[%dma_start3A_1458, %multiple_of3A_1443] : memref<32x1000000xf32, #tpu.memory_space<hbm>> -> memref<16x128xf32, #tpu.memory_space<hbm>>
      tpu.enqueue_dma source(%dma_start3A_1459 : memref<16x128xf32, #tpu.memory_space<hbm>>) target(%dma_start3A_1457 : memref<16x128xf32, #tpu.memory_space<vmem>>) target_semaphore(%dma_start3A_1453 : memref<!tpu.dma_semaphore, #tpu.memory_space<semaphore_mem>>)
      %dma_start3A_1460 = arith.constant 2 : i32
      %dma_start3A_1461 = arith.constant 2 : i32
      %dma_start3A_1462 = arith.constant 16 : i32
      %dma_start3A_1463 = arith.constant 0 : i32
      %dma_start3A_1464 = tpu.memref_slice %arg6[%dma_start3A_1460, %dma_start3A_1462, %dma_start3A_1463] : memref<16x32x128xf32, #tpu.memory_space<vmem>> -> memref<1x16x128xf32, #tpu.memory_space<vmem>>
      %dma_start3A_1465 = tpu.memref_squeeze %dma_start3A_1464 : memref<1x16x128xf32, #tpu.memory_space<vmem>> -> memref<16x128xf32, #tpu.memory_space<vmem>>
      %dma_start3A_1466 = arith.constant 16 : i32
      %dma_start3A_1467 = tpu.memref_slice %arg3[%dma_start3A_1466, %multiple_of3A_1443] : memref<32x1000000xf32, #tpu.memory_space<hbm>> -> memref<16x128xf32, #tpu.memory_space<hbm>>
      %dma_start3A_1468 = tpu.memref_slice %arg8[%dma_start3A_1461] : memref<16x!tpu.dma_semaphore, #tpu.memory_space<semaphore_mem>> -> memref<1x!tpu.dma_semaphore, #tpu.memory_space<semaphore_mem>>
      %dma_start3A_1469 = tpu.memref_squeeze %dma_start3A_1468 : memref<1x!tpu.dma_semaphore, #tpu.memory_space<semaphore_mem>> -> memref<!tpu.dma_semaphore, #tpu.memory_space<semaphore_mem>>
      %dma_start3A_1470 = arith.constant 16 : i32
      %dma_start3A_1471 = arith.constant 0 : i32
      %dma_start3A_1472 = tpu.memref_slice %arg6[%dma_start3A_1460, %dma_start3A_1470, %dma_start3A_1471] : memref<16x32x128xf32, #tpu.memory_space<vmem>> -> memref<1x16x128xf32, #tpu.memory_space<vmem>>
      %dma_start3A_1473 = tpu.memref_squeeze %dma_start3A_1472 : memref<1x16x128xf32, #tpu.memory_space<vmem>> -> memref<16x128xf32, #tpu.memory_space<vmem>>
      %dma_start3A_1474 = arith.constant 16 : i32
      %dma_start3A_1475 = tpu.memref_slice %arg3[%dma_start3A_1474, %multiple_of3A_1443] : memref<32x1000000xf32, #tpu.memory_space<hbm>> -> memref<16x128xf32, #tpu.memory_space<hbm>>
      tpu.enqueue_dma source(%dma_start3A_1475 : memref<16x128xf32, #tpu.memory_space<hbm>>) target(%dma_start3A_1473 : memref<16x128xf32, #tpu.memory_space<vmem>>) target_semaphore(%dma_start3A_1469 : memref<!tpu.dma_semaphore, #tpu.memory_space<semaphore_mem>>)
      %dma_wait3A_1476 = arith.constant 3 : i32
      %dma_wait3A_1477 = arith.constant 3 : i32
      %dma_wait3A_1478 = arith.constant 0 : i32
      %dma_wait3A_1479 = arith.constant 0 : i32
      %dma_wait3A_1480 = tpu.memref_slice %arg6[%dma_wait3A_1476, %dma_wait3A_1478, %dma_wait3A_1479] : memref<16x32x128xf32, #tpu.memory_space<vmem>> -> memref<1x32x128xf32, #tpu.memory_space<vmem>>
      %dma_wait3A_1481 = tpu.memref_squeeze %dma_wait3A_1480 : memref<1x32x128xf32, #tpu.memory_space<vmem>> -> memref<32x128xf32, #tpu.memory_space<vmem>>
      %dma_wait3A_1482 = arith.constant 0 : i32
      %dma_wait3A_1483 = arith.constant 0 : i32
      %dma_wait3A_1484 = tpu.memref_slice %arg3[%dma_wait3A_1482, %dma_wait3A_1483] : memref<32x1000000xf32, #tpu.memory_space<hbm>> -> memref<32x128xf32, #tpu.memory_space<hbm>>
      %dma_wait3A_1485 = tpu.memref_slice %arg8[%dma_wait3A_1477] : memref<16x!tpu.dma_semaphore, #tpu.memory_space<semaphore_mem>> -> memref<1x!tpu.dma_semaphore, #tpu.memory_space<semaphore_mem>>
      %dma_wait3A_1486 = tpu.memref_squeeze %dma_wait3A_1485 : memref<1x!tpu.dma_semaphore, #tpu.memory_space<semaphore_mem>> -> memref<!tpu.dma_semaphore, #tpu.memory_space<semaphore_mem>>
      %dma_wait3A_1487 = arith.constant 0 : i32
      %dma_wait3A_1488 = arith.constant 0 : i32
      %dma_wait3A_1489 = tpu.memref_slice %arg6[%dma_wait3A_1476, %dma_wait3A_1487, %dma_wait3A_1488] : memref<16x32x128xf32, #tpu.memory_space<vmem>> -> memref<1x32x128xf32, #tpu.memory_space<vmem>>
      %dma_wait3A_1490 = tpu.memref_squeeze %dma_wait3A_1489 : memref<1x32x128xf32, #tpu.memory_space<vmem>> -> memref<32x128xf32, #tpu.memory_space<vmem>>
      %dma_wait3A_1491 = arith.constant 0 : i32
      %dma_wait3A_1492 = arith.constant 0 : i32
      %dma_wait3A_1493 = tpu.memref_slice %arg3[%dma_wait3A_1491, %dma_wait3A_1492] : memref<32x1000000xf32, #tpu.memory_space<hbm>> -> memref<32x128xf32, #tpu.memory_space<hbm>>
      tpu.wait_dma2 semaphore(%dma_wait3A_1486 : memref<!tpu.dma_semaphore, #tpu.memory_space<semaphore_mem>>) src(%dma_wait3A_1493 : memref<32x128xf32, #tpu.memory_space<hbm>>) dst(%dma_wait3A_1490 : memref<32x128xf32, #tpu.memory_space<vmem>>)
      %sub3A_1494 = arith.constant 1 : i32
      %sub3A_1495 = arith.subi %scan3A_1222, %sub3A_1494 : i32
      %slice3A_1496 = vector.extract_strided_slice %scan3A_1223 {offsets = [3], sizes = [1], strides = [1]} : vector<16xi32> to vector<1xi32>
      %squeeze3A_1497 = vector.extract %slice3A_1496[0] : i32 from vector<1xi32>
      %broadcast_in_dim3A_1498 = vector.broadcast %squeeze3A_1497 : i32 to vector<16xi32>
      %mul3A_1499 = arith.constant 16 : i32
      %mul3A_1500 = arith.muli %sub3A_1495, %mul3A_1499 : i32
      %add3A_1501 = arith.constant 3 : i32
      %add3A_1502 = arith.addi %mul3A_1500, %add3A_1501 : i32
      %broadcast_in_dim3A_1503 = vector.broadcast %add3A_1502 : i32 to vector<16xi32>
      %gather3A_1504 = arith.constant 3 : i32
      %gather3A_1505 = arith.constant 0 : i32
      %gather3A_1506 = arith.constant 0 : i32
      %gather3A_1507 = tpu.memref_slice %arg6[%gather3A_1504, %gather3A_1505, %gather3A_1506] : memref<16x32x128xf32, #tpu.memory_space<vmem>> -> memref<1x32x128xf32, #tpu.memory_space<vmem>>
      %gather3A_1508 = tpu.memref_squeeze %gather3A_1507 : memref<1x32x128xf32, #tpu.memory_space<vmem>> -> memref<32x128xf32, #tpu.memory_space<vmem>>
      %gather3A_1509 = tpu.vector_load_idx %gather3A_1508[%iota3A, %broadcast_in_dim3A_1498] : memref<32x128xf32, #tpu.memory_space<vmem>>[vector<16xi32>, vector<16xi32>], vector<16xf32>,
      %gather3A_1510 = arith.constant 3 : i32
      %gather3A_1511 = arith.constant 0 : i32
      %gather3A_1512 = arith.constant 0 : i32
      %gather3A_1513 = tpu.memref_slice %arg6[%gather3A_1510, %gather3A_1511, %gather3A_1512] : memref<16x32x128xf32, #tpu.memory_space<vmem>> -> memref<1x32x128xf32, #tpu.memory_space<vmem>>
      %gather3A_1514 = tpu.memref_squeeze %gather3A_1513 : memref<1x32x128xf32, #tpu.memory_space<vmem>> -> memref<32x128xf32, #tpu.memory_space<vmem>>
      %gather3A_1515 = tpu.vector_load_idx %gather3A_1514[%add3A_5, %broadcast_in_dim3A_1498] : memref<32x128xf32, #tpu.memory_space<vmem>>[vector<16xi32>, vector<16xi32>], vector<16xf32>,
      tpu.vector_store_idx %arg7[%iota3A, %broadcast_in_dim3A_1503], %gather3A_1509 : memref<32x512xf32, #tpu.memory_space<vmem>>[vector<16xi32>, vector<16xi32>], vector<16xf32>,
      tpu.vector_store_idx %arg7[%add3A_5, %broadcast_in_dim3A_1503], %gather3A_1515 : memref<32x512xf32, #tpu.memory_space<vmem>>[vector<16xi32>, vector<16xi32>], vector<16xf32>,
      %mul3A_1516 = arith.constant 16 : i32
      %mul3A_1517 = arith.muli %scan3A_1222, %mul3A_1516 : i32
      %get3A_1518 = arith.index_cast %mul3A_1517 : i32 to index
      %get3A_1519 = tpu.vector_load %arg5[%get3A_1518] {strides = array<i32>} : memref<512xi32, #tpu.memory_space<vmem>>, vector<16xi32>,
      %slice3A_1520 = vector.extract_strided_slice %get3A_1519 {offsets = [3], sizes = [1], strides = [1]} : vector<16xi32> to vector<1xi32>
      %squeeze3A_1521 = vector.extract %slice3A_1520[0] : i32 from vector<1xi32>
      %shift_right_arithmetic3A_1522 = arith.constant 7 : i32
      %shift_right_arithmetic3A_1523 = arith.shrsi %squeeze3A_1521, %shift_right_arithmetic3A_1522 : i32
      %mul3A_1524 = arith.constant 128 : i32
      %mul3A_1525 = arith.muli %shift_right_arithmetic3A_1523, %mul3A_1524 : i32
      %multiple_of3A_1526 = tpu.assume_multiple %mul3A_1525, 128 : i32
      %dma_start3A_1527 = arith.constant 3 : i32
      %dma_start3A_1528 = arith.constant 3 : i32
      %dma_start3A_1529 = arith.constant 0 : i32
      %dma_start3A_1530 = arith.constant 0 : i32
      %dma_start3A_1531 = tpu.memref_slice %arg6[%dma_start3A_1527, %dma_start3A_1529, %dma_start3A_1530] : memref<16x32x128xf32, #tpu.memory_space<vmem>> -> memref<1x16x128xf32, #tpu.memory_space<vmem>>
      %dma_start3A_1532 = tpu.memref_squeeze %dma_start3A_1531 : memref<1x16x128xf32, #tpu.memory_space<vmem>> -> memref<16x128xf32, #tpu.memory_space<vmem>>
      %dma_start3A_1533 = arith.constant 0 : i32
      %dma_start3A_1534 = tpu.memref_slice %arg3[%dma_start3A_1533, %multiple_of3A_1526] : memref<32x1000000xf32, #tpu.memory_space<hbm>> -> memref<16x128xf32, #tpu.memory_space<hbm>>
      %dma_start3A_1535 = tpu.memref_slice %arg8[%dma_start3A_1528] : memref<16x!tpu.dma_semaphore, #tpu.memory_space<semaphore_mem>> -> memref<1x!tpu.dma_semaphore, #tpu.memory_space<semaphore_mem>>
      %dma_start3A_1536 = tpu.memref_squeeze %dma_start3A_1535 : memref<1x!tpu.dma_semaphore, #tpu.memory_space<semaphore_mem>> -> memref<!tpu.dma_semaphore, #tpu.memory_space<semaphore_mem>>
      %dma_start3A_1537 = arith.constant 0 : i32
      %dma_start3A_1538 = arith.constant 0 : i32
      %dma_start3A_1539 = tpu.memref_slice %arg6[%dma_start3A_1527, %dma_start3A_1537, %dma_start3A_1538] : memref<16x32x128xf32, #tpu.memory_space<vmem>> -> memref<1x16x128xf32, #tpu.memory_space<vmem>>
      %dma_start3A_1540 = tpu.memref_squeeze %dma_start3A_1539 : memref<1x16x128xf32, #tpu.memory_space<vmem>> -> memref<16x128xf32, #tpu.memory_space<vmem>>
      %dma_start3A_1541 = arith.constant 0 : i32
      %dma_start3A_1542 = tpu.memref_slice %arg3[%dma_start3A_1541, %multiple_of3A_1526] : memref<32x1000000xf32, #tpu.memory_space<hbm>> -> memref<16x128xf32, #tpu.memory_space<hbm>>
      tpu.enqueue_dma source(%dma_start3A_1542 : memref<16x128xf32, #tpu.memory_space<hbm>>) target(%dma_start3A_1540 : memref<16x128xf32, #tpu.memory_space<vmem>>) target_semaphore(%dma_start3A_1536 : memref<!tpu.dma_semaphore, #tpu.memory_space<semaphore_mem>>)
      %dma_start3A_1543 = arith.constant 3 : i32
      %dma_start3A_1544 = arith.constant 3 : i32
      %dma_start3A_1545 = arith.constant 16 : i32
      %dma_start3A_1546 = arith.constant 0 : i32
      %dma_start3A_1547 = tpu.memref_slice %arg6[%dma_start3A_1543, %dma_start3A_1545, %dma_start3A_1546] : memref<16x32x128xf32, #tpu.memory_space<vmem>> -> memref<1x16x128xf32, #tpu.memory_space<vmem>>
      %dma_start3A_1548 = tpu.memref_squeeze %dma_start3A_1547 : memref<1x16x128xf32, #tpu.memory_space<vmem>> -> memref<16x128xf32, #tpu.memory_space<vmem>>
      %dma_start3A_1549 = arith.constant 16 : i32
      %dma_start3A_1550 = tpu.memref_slice %arg3[%dma_start3A_1549, %multiple_of3A_1526] : memref<32x1000000xf32, #tpu.memory_space<hbm>> -> memref<16x128xf32, #tpu.memory_space<hbm>>
      %dma_start3A_1551 = tpu.memref_slice %arg8[%dma_start3A_1544] : memref<16x!tpu.dma_semaphore, #tpu.memory_space<semaphore_mem>> -> memref<1x!tpu.dma_semaphore, #tpu.memory_space<semaphore_mem>>
      %dma_start3A_1552 = tpu.memref_squeeze %dma_start3A_1551 : memref<1x!tpu.dma_semaphore, #tpu.memory_space<semaphore_mem>> -> memref<!tpu.dma_semaphore, #tpu.memory_space<semaphore_mem>>
      %dma_start3A_1553 = arith.constant 16 : i32
      %dma_start3A_1554 = arith.constant 0 : i32
      %dma_start3A_1555 = tpu.memref_slice %arg6[%dma_start3A_1543, %dma_start3A_1553, %dma_start3A_1554] : memref<16x32x128xf32, #tpu.memory_space<vmem>> -> memref<1x16x128xf32, #tpu.memory_space<vmem>>
      %dma_start3A_1556 = tpu.memref_squeeze %dma_start3A_1555 : memref<1x16x128xf32, #tpu.memory_space<vmem>> -> memref<16x128xf32, #tpu.memory_space<vmem>>
      %dma_start3A_1557 = arith.constant 16 : i32
      %dma_start3A_1558 = tpu.memref_slice %arg3[%dma_start3A_1557, %multiple_of3A_1526] : memref<32x1000000xf32, #tpu.memory_space<hbm>> -> memref<16x128xf32, #tpu.memory_space<hbm>>
      tpu.enqueue_dma source(%dma_start3A_1558 : memref<16x128xf32, #tpu.memory_space<hbm>>) target(%dma_start3A_1556 : memref<16x128xf32, #tpu.memory_space<vmem>>) target_semaphore(%dma_start3A_1552 : memref<!tpu.dma_semaphore, #tpu.memory_space<semaphore_mem>>)
      %dma_wait3A_1559 = arith.constant 4 : i32
      %dma_wait3A_1560 = arith.constant 4 : i32
      %dma_wait3A_1561 = arith.constant 0 : i32
      %dma_wait3A_1562 = arith.constant 0 : i32
      %dma_wait3A_1563 = tpu.memref_slice %arg6[%dma_wait3A_1559, %dma_wait3A_1561, %dma_wait3A_1562] : memref<16x32x128xf32, #tpu.memory_space<vmem>> -> memref<1x32x128xf32, #tpu.memory_space<vmem>>
      %dma_wait3A_1564 = tpu.memref_squeeze %dma_wait3A_1563 : memref<1x32x128xf32, #tpu.memory_space<vmem>> -> memref<32x128xf32, #tpu.memory_space<vmem>>
      %dma_wait3A_1565 = arith.constant 0 : i32
      %dma_wait3A_1566 = arith.constant 0 : i32
      %dma_wait3A_1567 = tpu.memref_slice %arg3[%dma_wait3A_1565, %dma_wait3A_1566] : memref<32x1000000xf32, #tpu.memory_space<hbm>> -> memref<32x128xf32, #tpu.memory_space<hbm>>
      %dma_wait3A_1568 = tpu.memref_slice %arg8[%dma_wait3A_1560] : memref<16x!tpu.dma_semaphore, #tpu.memory_space<semaphore_mem>> -> memref<1x!tpu.dma_semaphore, #tpu.memory_space<semaphore_mem>>
      %dma_wait3A_1569 = tpu.memref_squeeze %dma_wait3A_1568 : memref<1x!tpu.dma_semaphore, #tpu.memory_space<semaphore_mem>> -> memref<!tpu.dma_semaphore, #tpu.memory_space<semaphore_mem>>
      %dma_wait3A_1570 = arith.constant 0 : i32
      %dma_wait3A_1571 = arith.constant 0 : i32
      %dma_wait3A_1572 = tpu.memref_slice %arg6[%dma_wait3A_1559, %dma_wait3A_1570, %dma_wait3A_1571] : memref<16x32x128xf32, #tpu.memory_space<vmem>> -> memref<1x32x128xf32, #tpu.memory_space<vmem>>
      %dma_wait3A_1573 = tpu.memref_squeeze %dma_wait3A_1572 : memref<1x32x128xf32, #tpu.memory_space<vmem>> -> memref<32x128xf32, #tpu.memory_space<vmem>>
      %dma_wait3A_1574 = arith.constant 0 : i32
      %dma_wait3A_1575 = arith.constant 0 : i32
      %dma_wait3A_1576 = tpu.memref_slice %arg3[%dma_wait3A_1574, %dma_wait3A_1575] : memref<32x1000000xf32, #tpu.memory_space<hbm>> -> memref<32x128xf32, #tpu.memory_space<hbm>>
      tpu.wait_dma2 semaphore(%dma_wait3A_1569 : memref<!tpu.dma_semaphore, #tpu.memory_space<semaphore_mem>>) src(%dma_wait3A_1576 : memref<32x128xf32, #tpu.memory_space<hbm>>) dst(%dma_wait3A_1573 : memref<32x128xf32, #tpu.memory_space<vmem>>)
      %sub3A_1577 = arith.constant 1 : i32
      %sub3A_1578 = arith.subi %scan3A_1222, %sub3A_1577 : i32
      %slice3A_1579 = vector.extract_strided_slice %scan3A_1223 {offsets = [4], sizes = [1], strides = [1]} : vector<16xi32> to vector<1xi32>
      %squeeze3A_1580 = vector.extract %slice3A_1579[0] : i32 from vector<1xi32>
      %broadcast_in_dim3A_1581 = vector.broadcast %squeeze3A_1580 : i32 to vector<16xi32>
      %mul3A_1582 = arith.constant 16 : i32
      %mul3A_1583 = arith.muli %sub3A_1578, %mul3A_1582 : i32
      %add3A_1584 = arith.constant 4 : i32
      %add3A_1585 = arith.addi %mul3A_1583, %add3A_1584 : i32
      %broadcast_in_dim3A_1586 = vector.broadcast %add3A_1585 : i32 to vector<16xi32>
      %gather3A_1587 = arith.constant 4 : i32
      %gather3A_1588 = arith.constant 0 : i32
      %gather3A_1589 = arith.constant 0 : i32
      %gather3A_1590 = tpu.memref_slice %arg6[%gather3A_1587, %gather3A_1588, %gather3A_1589] : memref<16x32x128xf32, #tpu.memory_space<vmem>> -> memref<1x32x128xf32, #tpu.memory_space<vmem>>
      %gather3A_1591 = tpu.memref_squeeze %gather3A_1590 : memref<1x32x128xf32, #tpu.memory_space<vmem>> -> memref<32x128xf32, #tpu.memory_space<vmem>>
      %gather3A_1592 = tpu.vector_load_idx %gather3A_1591[%iota3A, %broadcast_in_dim3A_1581] : memref<32x128xf32, #tpu.memory_space<vmem>>[vector<16xi32>, vector<16xi32>], vector<16xf32>,
      %gather3A_1593 = arith.constant 4 : i32
      %gather3A_1594 = arith.constant 0 : i32
      %gather3A_1595 = arith.constant 0 : i32
      %gather3A_1596 = tpu.memref_slice %arg6[%gather3A_1593, %gather3A_1594, %gather3A_1595] : memref<16x32x128xf32, #tpu.memory_space<vmem>> -> memref<1x32x128xf32, #tpu.memory_space<vmem>>
      %gather3A_1597 = tpu.memref_squeeze %gather3A_1596 : memref<1x32x128xf32, #tpu.memory_space<vmem>> -> memref<32x128xf32, #tpu.memory_space<vmem>>
      %gather3A_1598 = tpu.vector_load_idx %gather3A_1597[%add3A_5, %broadcast_in_dim3A_1581] : memref<32x128xf32, #tpu.memory_space<vmem>>[vector<16xi32>, vector<16xi32>], vector<16xf32>,
      tpu.vector_store_idx %arg7[%iota3A, %broadcast_in_dim3A_1586], %gather3A_1592 : memref<32x512xf32, #tpu.memory_space<vmem>>[vector<16xi32>, vector<16xi32>], vector<16xf32>,
      tpu.vector_store_idx %arg7[%add3A_5, %broadcast_in_dim3A_1586], %gather3A_1598 : memref<32x512xf32, #tpu.memory_space<vmem>>[vector<16xi32>, vector<16xi32>], vector<16xf32>,
      %mul3A_1599 = arith.constant 16 : i32
      %mul3A_1600 = arith.muli %scan3A_1222, %mul3A_1599 : i32
      %get3A_1601 = arith.index_cast %mul3A_1600 : i32 to index
      %get3A_1602 = tpu.vector_load %arg5[%get3A_1601] {strides = array<i32>} : memref<512xi32, #tpu.memory_space<vmem>>, vector<16xi32>,
      %slice3A_1603 = vector.extract_strided_slice %get3A_1602 {offsets = [4], sizes = [1], strides = [1]} : vector<16xi32> to vector<1xi32>
      %squeeze3A_1604 = vector.extract %slice3A_1603[0] : i32 from vector<1xi32>
      %shift_right_arithmetic3A_1605 = arith.constant 7 : i32
      %shift_right_arithmetic3A_1606 = arith.shrsi %squeeze3A_1604, %shift_right_arithmetic3A_1605 : i32
      %mul3A_1607 = arith.constant 128 : i32
      %mul3A_1608 = arith.muli %shift_right_arithmetic3A_1606, %mul3A_1607 : i32
      %multiple_of3A_1609 = tpu.assume_multiple %mul3A_1608, 128 : i32
      %dma_start3A_1610 = arith.constant 4 : i32
      %dma_start3A_1611 = arith.constant 4 : i32
      %dma_start3A_1612 = arith.constant 0 : i32
      %dma_start3A_1613 = arith.constant 0 : i32
      %dma_start3A_1614 = tpu.memref_slice %arg6[%dma_start3A_1610, %dma_start3A_1612, %dma_start3A_1613] : memref<16x32x128xf32, #tpu.memory_space<vmem>> -> memref<1x16x128xf32, #tpu.memory_space<vmem>>
      %dma_start3A_1615 = tpu.memref_squeeze %dma_start3A_1614 : memref<1x16x128xf32, #tpu.memory_space<vmem>> -> memref<16x128xf32, #tpu.memory_space<vmem>>
      %dma_start3A_1616 = arith.constant 0 : i32
      %dma_start3A_1617 = tpu.memref_slice %arg3[%dma_start3A_1616, %multiple_of3A_1609] : memref<32x1000000xf32, #tpu.memory_space<hbm>> -> memref<16x128xf32, #tpu.memory_space<hbm>>
      %dma_start3A_1618 = tpu.memref_slice %arg8[%dma_start3A_1611] : memref<16x!tpu.dma_semaphore, #tpu.memory_space<semaphore_mem>> -> memref<1x!tpu.dma_semaphore, #tpu.memory_space<semaphore_mem>>
      %dma_start3A_1619 = tpu.memref_squeeze %dma_start3A_1618 : memref<1x!tpu.dma_semaphore, #tpu.memory_space<semaphore_mem>> -> memref<!tpu.dma_semaphore, #tpu.memory_space<semaphore_mem>>
      %dma_start3A_1620 = arith.constant 0 : i32
      %dma_start3A_1621 = arith.constant 0 : i32
      %dma_start3A_1622 = tpu.memref_slice %arg6[%dma_start3A_1610, %dma_start3A_1620, %dma_start3A_1621] : memref<16x32x128xf32, #tpu.memory_space<vmem>> -> memref<1x16x128xf32, #tpu.memory_space<vmem>>
      %dma_start3A_1623 = tpu.memref_squeeze %dma_start3A_1622 : memref<1x16x128xf32, #tpu.memory_space<vmem>> -> memref<16x128xf32, #tpu.memory_space<vmem>>
      %dma_start3A_1624 = arith.constant 0 : i32
      %dma_start3A_1625 = tpu.memref_slice %arg3[%dma_start3A_1624, %multiple_of3A_1609] : memref<32x1000000xf32, #tpu.memory_space<hbm>> -> memref<16x128xf32, #tpu.memory_space<hbm>>
      tpu.enqueue_dma source(%dma_start3A_1625 : memref<16x128xf32, #tpu.memory_space<hbm>>) target(%dma_start3A_1623 : memref<16x128xf32, #tpu.memory_space<vmem>>) target_semaphore(%dma_start3A_1619 : memref<!tpu.dma_semaphore, #tpu.memory_space<semaphore_mem>>)
      %dma_start3A_1626 = arith.constant 4 : i32
      %dma_start3A_1627 = arith.constant 4 : i32
      %dma_start3A_1628 = arith.constant 16 : i32
      %dma_start3A_1629 = arith.constant 0 : i32
      %dma_start3A_1630 = tpu.memref_slice %arg6[%dma_start3A_1626, %dma_start3A_1628, %dma_start3A_1629] : memref<16x32x128xf32, #tpu.memory_space<vmem>> -> memref<1x16x128xf32, #tpu.memory_space<vmem>>
      %dma_start3A_1631 = tpu.memref_squeeze %dma_start3A_1630 : memref<1x16x128xf32, #tpu.memory_space<vmem>> -> memref<16x128xf32, #tpu.memory_space<vmem>>
      %dma_start3A_1632 = arith.constant 16 : i32
      %dma_start3A_1633 = tpu.memref_slice %arg3[%dma_start3A_1632, %multiple_of3A_1609] : memref<32x1000000xf32, #tpu.memory_space<hbm>> -> memref<16x128xf32, #tpu.memory_space<hbm>>
      %dma_start3A_1634 = tpu.memref_slice %arg8[%dma_start3A_1627] : memref<16x!tpu.dma_semaphore, #tpu.memory_space<semaphore_mem>> -> memref<1x!tpu.dma_semaphore, #tpu.memory_space<semaphore_mem>>
      %dma_start3A_1635 = tpu.memref_squeeze %dma_start3A_1634 : memref<1x!tpu.dma_semaphore, #tpu.memory_space<semaphore_mem>> -> memref<!tpu.dma_semaphore, #tpu.memory_space<semaphore_mem>>
      %dma_start3A_1636 = arith.constant 16 : i32
      %dma_start3A_1637 = arith.constant 0 : i32
      %dma_start3A_1638 = tpu.memref_slice %arg6[%dma_start3A_1626, %dma_start3A_1636, %dma_start3A_1637] : memref<16x32x128xf32, #tpu.memory_space<vmem>> -> memref<1x16x128xf32, #tpu.memory_space<vmem>>
      %dma_start3A_1639 = tpu.memref_squeeze %dma_start3A_1638 : memref<1x16x128xf32, #tpu.memory_space<vmem>> -> memref<16x128xf32, #tpu.memory_space<vmem>>
      %dma_start3A_1640 = arith.constant 16 : i32
      %dma_start3A_1641 = tpu.memref_slice %arg3[%dma_start3A_1640, %multiple_of3A_1609] : memref<32x1000000xf32, #tpu.memory_space<hbm>> -> memref<16x128xf32, #tpu.memory_space<hbm>>
      tpu.enqueue_dma source(%dma_start3A_1641 : memref<16x128xf32, #tpu.memory_space<hbm>>) target(%dma_start3A_1639 : memref<16x128xf32, #tpu.memory_space<vmem>>) target_semaphore(%dma_start3A_1635 : memref<!tpu.dma_semaphore, #tpu.memory_space<semaphore_mem>>)
      %dma_wait3A_1642 = arith.constant 5 : i32
      %dma_wait3A_1643 = arith.constant 5 : i32
      %dma_wait3A_1644 = arith.constant 0 : i32
      %dma_wait3A_1645 = arith.constant 0 : i32
      %dma_wait3A_1646 = tpu.memref_slice %arg6[%dma_wait3A_1642, %dma_wait3A_1644, %dma_wait3A_1645] : memref<16x32x128xf32, #tpu.memory_space<vmem>> -> memref<1x32x128xf32, #tpu.memory_space<vmem>>
      %dma_wait3A_1647 = tpu.memref_squeeze %dma_wait3A_1646 : memref<1x32x128xf32, #tpu.memory_space<vmem>> -> memref<32x128xf32, #tpu.memory_space<vmem>>
      %dma_wait3A_1648 = arith.constant 0 : i32
      %dma_wait3A_1649 = arith.constant 0 : i32
      %dma_wait3A_1650 = tpu.memref_slice %arg3[%dma_wait3A_1648, %dma_wait3A_1649] : memref<32x1000000xf32, #tpu.memory_space<hbm>> -> memref<32x128xf32, #tpu.memory_space<hbm>>
      %dma_wait3A_1651 = tpu.memref_slice %arg8[%dma_wait3A_1643] : memref<16x!tpu.dma_semaphore, #tpu.memory_space<semaphore_mem>> -> memref<1x!tpu.dma_semaphore, #tpu.memory_space<semaphore_mem>>
      %dma_wait3A_1652 = tpu.memref_squeeze %dma_wait3A_1651 : memref<1x!tpu.dma_semaphore, #tpu.memory_space<semaphore_mem>> -> memref<!tpu.dma_semaphore, #tpu.memory_space<semaphore_mem>>
      %dma_wait3A_1653 = arith.constant 0 : i32
      %dma_wait3A_1654 = arith.constant 0 : i32
      %dma_wait3A_1655 = tpu.memref_slice %arg6[%dma_wait3A_1642, %dma_wait3A_1653, %dma_wait3A_1654] : memref<16x32x128xf32, #tpu.memory_space<vmem>> -> memref<1x32x128xf32, #tpu.memory_space<vmem>>
      %dma_wait3A_1656 = tpu.memref_squeeze %dma_wait3A_1655 : memref<1x32x128xf32, #tpu.memory_space<vmem>> -> memref<32x128xf32, #tpu.memory_space<vmem>>
      %dma_wait3A_1657 = arith.constant 0 : i32
      %dma_wait3A_1658 = arith.constant 0 : i32
      %dma_wait3A_1659 = tpu.memref_slice %arg3[%dma_wait3A_1657, %dma_wait3A_1658] : memref<32x1000000xf32, #tpu.memory_space<hbm>> -> memref<32x128xf32, #tpu.memory_space<hbm>>
      tpu.wait_dma2 semaphore(%dma_wait3A_1652 : memref<!tpu.dma_semaphore, #tpu.memory_space<semaphore_mem>>) src(%dma_wait3A_1659 : memref<32x128xf32, #tpu.memory_space<hbm>>) dst(%dma_wait3A_1656 : memref<32x128xf32, #tpu.memory_space<vmem>>)
      %sub3A_1660 = arith.constant 1 : i32
      %sub3A_1661 = arith.subi %scan3A_1222, %sub3A_1660 : i32
      %slice3A_1662 = vector.extract_strided_slice %scan3A_1223 {offsets = [5], sizes = [1], strides = [1]} : vector<16xi32> to vector<1xi32>
      %squeeze3A_1663 = vector.extract %slice3A_1662[0] : i32 from vector<1xi32>
      %broadcast_in_dim3A_1664 = vector.broadcast %squeeze3A_1663 : i32 to vector<16xi32>
      %mul3A_1665 = arith.constant 16 : i32
      %mul3A_1666 = arith.muli %sub3A_1661, %mul3A_1665 : i32
      %add3A_1667 = arith.constant 5 : i32
      %add3A_1668 = arith.addi %mul3A_1666, %add3A_1667 : i32
      %broadcast_in_dim3A_1669 = vector.broadcast %add3A_1668 : i32 to vector<16xi32>
      %gather3A_1670 = arith.constant 5 : i32
      %gather3A_1671 = arith.constant 0 : i32
      %gather3A_1672 = arith.constant 0 : i32
      %gather3A_1673 = tpu.memref_slice %arg6[%gather3A_1670, %gather3A_1671, %gather3A_1672] : memref<16x32x128xf32, #tpu.memory_space<vmem>> -> memref<1x32x128xf32, #tpu.memory_space<vmem>>
      %gather3A_1674 = tpu.memref_squeeze %gather3A_1673 : memref<1x32x128xf32, #tpu.memory_space<vmem>> -> memref<32x128xf32, #tpu.memory_space<vmem>>
      %gather3A_1675 = tpu.vector_load_idx %gather3A_1674[%iota3A, %broadcast_in_dim3A_1664] : memref<32x128xf32, #tpu.memory_space<vmem>>[vector<16xi32>, vector<16xi32>], vector<16xf32>,
      %gather3A_1676 = arith.constant 5 : i32
      %gather3A_1677 = arith.constant 0 : i32
      %gather3A_1678 = arith.constant 0 : i32
      %gather3A_1679 = tpu.memref_slice %arg6[%gather3A_1676, %gather3A_1677, %gather3A_1678] : memref<16x32x128xf32, #tpu.memory_space<vmem>> -> memref<1x32x128xf32, #tpu.memory_space<vmem>>
      %gather3A_1680 = tpu.memref_squeeze %gather3A_1679 : memref<1x32x128xf32, #tpu.memory_space<vmem>> -> memref<32x128xf32, #tpu.memory_space<vmem>>
      %gather3A_1681 = tpu.vector_load_idx %gather3A_1680[%add3A_5, %broadcast_in_dim3A_1664] : memref<32x128xf32, #tpu.memory_space<vmem>>[vector<16xi32>, vector<16xi32>], vector<16xf32>,
      tpu.vector_store_idx %arg7[%iota3A, %broadcast_in_dim3A_1669], %gather3A_1675 : memref<32x512xf32, #tpu.memory_space<vmem>>[vector<16xi32>, vector<16xi32>], vector<16xf32>,
      tpu.vector_store_idx %arg7[%add3A_5, %broadcast_in_dim3A_1669], %gather3A_1681 : memref<32x512xf32, #tpu.memory_space<vmem>>[vector<16xi32>, vector<16xi32>], vector<16xf32>,
      %mul3A_1682 = arith.constant 16 : i32
      %mul3A_1683 = arith.muli %scan3A_1222, %mul3A_1682 : i32
      %get3A_1684 = arith.index_cast %mul3A_1683 : i32 to index
      %get3A_1685 = tpu.vector_load %arg5[%get3A_1684] {strides = array<i32>} : memref<512xi32, #tpu.memory_space<vmem>>, vector<16xi32>,
      %slice3A_1686 = vector.extract_strided_slice %get3A_1685 {offsets = [5], sizes = [1], strides = [1]} : vector<16xi32> to vector<1xi32>
      %squeeze3A_1687 = vector.extract %slice3A_1686[0] : i32 from vector<1xi32>
      %shift_right_arithmetic3A_1688 = arith.constant 7 : i32
      %shift_right_arithmetic3A_1689 = arith.shrsi %squeeze3A_1687, %shift_right_arithmetic3A_1688 : i32
      %mul3A_1690 = arith.constant 128 : i32
      %mul3A_1691 = arith.muli %shift_right_arithmetic3A_1689, %mul3A_1690 : i32
      %multiple_of3A_1692 = tpu.assume_multiple %mul3A_1691, 128 : i32
      %dma_start3A_1693 = arith.constant 5 : i32
      %dma_start3A_1694 = arith.constant 5 : i32
      %dma_start3A_1695 = arith.constant 0 : i32
      %dma_start3A_1696 = arith.constant 0 : i32
      %dma_start3A_1697 = tpu.memref_slice %arg6[%dma_start3A_1693, %dma_start3A_1695, %dma_start3A_1696] : memref<16x32x128xf32, #tpu.memory_space<vmem>> -> memref<1x16x128xf32, #tpu.memory_space<vmem>>
      %dma_start3A_1698 = tpu.memref_squeeze %dma_start3A_1697 : memref<1x16x128xf32, #tpu.memory_space<vmem>> -> memref<16x128xf32, #tpu.memory_space<vmem>>
      %dma_start3A_1699 = arith.constant 0 : i32
      %dma_start3A_1700 = tpu.memref_slice %arg3[%dma_start3A_1699, %multiple_of3A_1692] : memref<32x1000000xf32, #tpu.memory_space<hbm>> -> memref<16x128xf32, #tpu.memory_space<hbm>>
      %dma_start3A_1701 = tpu.memref_slice %arg8[%dma_start3A_1694] : memref<16x!tpu.dma_semaphore, #tpu.memory_space<semaphore_mem>> -> memref<1x!tpu.dma_semaphore, #tpu.memory_space<semaphore_mem>>
      %dma_start3A_1702 = tpu.memref_squeeze %dma_start3A_1701 : memref<1x!tpu.dma_semaphore, #tpu.memory_space<semaphore_mem>> -> memref<!tpu.dma_semaphore, #tpu.memory_space<semaphore_mem>>
      %dma_start3A_1703 = arith.constant 0 : i32
      %dma_start3A_1704 = arith.constant 0 : i32
      %dma_start3A_1705 = tpu.memref_slice %arg6[%dma_start3A_1693, %dma_start3A_1703, %dma_start3A_1704] : memref<16x32x128xf32, #tpu.memory_space<vmem>> -> memref<1x16x128xf32, #tpu.memory_space<vmem>>
      %dma_start3A_1706 = tpu.memref_squeeze %dma_start3A_1705 : memref<1x16x128xf32, #tpu.memory_space<vmem>> -> memref<16x128xf32, #tpu.memory_space<vmem>>
      %dma_start3A_1707 = arith.constant 0 : i32
      %dma_start3A_1708 = tpu.memref_slice %arg3[%dma_start3A_1707, %multiple_of3A_1692] : memref<32x1000000xf32, #tpu.memory_space<hbm>> -> memref<16x128xf32, #tpu.memory_space<hbm>>
      tpu.enqueue_dma source(%dma_start3A_1708 : memref<16x128xf32, #tpu.memory_space<hbm>>) target(%dma_start3A_1706 : memref<16x128xf32, #tpu.memory_space<vmem>>) target_semaphore(%dma_start3A_1702 : memref<!tpu.dma_semaphore, #tpu.memory_space<semaphore_mem>>)
      %dma_start3A_1709 = arith.constant 5 : i32
      %dma_start3A_1710 = arith.constant 5 : i32
      %dma_start3A_1711 = arith.constant 16 : i32
      %dma_start3A_1712 = arith.constant 0 : i32
      %dma_start3A_1713 = tpu.memref_slice %arg6[%dma_start3A_1709, %dma_start3A_1711, %dma_start3A_1712] : memref<16x32x128xf32, #tpu.memory_space<vmem>> -> memref<1x16x128xf32, #tpu.memory_space<vmem>>
      %dma_start3A_1714 = tpu.memref_squeeze %dma_start3A_1713 : memref<1x16x128xf32, #tpu.memory_space<vmem>> -> memref<16x128xf32, #tpu.memory_space<vmem>>
      %dma_start3A_1715 = arith.constant 16 : i32
      %dma_start3A_1716 = tpu.memref_slice %arg3[%dma_start3A_1715, %multiple_of3A_1692] : memref<32x1000000xf32, #tpu.memory_space<hbm>> -> memref<16x128xf32, #tpu.memory_space<hbm>>
      %dma_start3A_1717 = tpu.memref_slice %arg8[%dma_start3A_1710] : memref<16x!tpu.dma_semaphore, #tpu.memory_space<semaphore_mem>> -> memref<1x!tpu.dma_semaphore, #tpu.memory_space<semaphore_mem>>
      %dma_start3A_1718 = tpu.memref_squeeze %dma_start3A_1717 : memref<1x!tpu.dma_semaphore, #tpu.memory_space<semaphore_mem>> -> memref<!tpu.dma_semaphore, #tpu.memory_space<semaphore_mem>>
      %dma_start3A_1719 = arith.constant 16 : i32
      %dma_start3A_1720 = arith.constant 0 : i32
      %dma_start3A_1721 = tpu.memref_slice %arg6[%dma_start3A_1709, %dma_start3A_1719, %dma_start3A_1720] : memref<16x32x128xf32, #tpu.memory_space<vmem>> -> memref<1x16x128xf32, #tpu.memory_space<vmem>>
      %dma_start3A_1722 = tpu.memref_squeeze %dma_start3A_1721 : memref<1x16x128xf32, #tpu.memory_space<vmem>> -> memref<16x128xf32, #tpu.memory_space<vmem>>
      %dma_start3A_1723 = arith.constant 16 : i32
      %dma_start3A_1724 = tpu.memref_slice %arg3[%dma_start3A_1723, %multiple_of3A_1692] : memref<32x1000000xf32, #tpu.memory_space<hbm>> -> memref<16x128xf32, #tpu.memory_space<hbm>>
      tpu.enqueue_dma source(%dma_start3A_1724 : memref<16x128xf32, #tpu.memory_space<hbm>>) target(%dma_start3A_1722 : memref<16x128xf32, #tpu.memory_space<vmem>>) target_semaphore(%dma_start3A_1718 : memref<!tpu.dma_semaphore, #tpu.memory_space<semaphore_mem>>)
      %dma_wait3A_1725 = arith.constant 6 : i32
      %dma_wait3A_1726 = arith.constant 6 : i32
      %dma_wait3A_1727 = arith.constant 0 : i32
      %dma_wait3A_1728 = arith.constant 0 : i32
      %dma_wait3A_1729 = tpu.memref_slice %arg6[%dma_wait3A_1725, %dma_wait3A_1727, %dma_wait3A_1728] : memref<16x32x128xf32, #tpu.memory_space<vmem>> -> memref<1x32x128xf32, #tpu.memory_space<vmem>>
      %dma_wait3A_1730 = tpu.memref_squeeze %dma_wait3A_1729 : memref<1x32x128xf32, #tpu.memory_space<vmem>> -> memref<32x128xf32, #tpu.memory_space<vmem>>
      %dma_wait3A_1731 = arith.constant 0 : i32
      %dma_wait3A_1732 = arith.constant 0 : i32
      %dma_wait3A_1733 = tpu.memref_slice %arg3[%dma_wait3A_1731, %dma_wait3A_1732] : memref<32x1000000xf32, #tpu.memory_space<hbm>> -> memref<32x128xf32, #tpu.memory_space<hbm>>
      %dma_wait3A_1734 = tpu.memref_slice %arg8[%dma_wait3A_1726] : memref<16x!tpu.dma_semaphore, #tpu.memory_space<semaphore_mem>> -> memref<1x!tpu.dma_semaphore, #tpu.memory_space<semaphore_mem>>
      %dma_wait3A_1735 = tpu.memref_squeeze %dma_wait3A_1734 : memref<1x!tpu.dma_semaphore, #tpu.memory_space<semaphore_mem>> -> memref<!tpu.dma_semaphore, #tpu.memory_space<semaphore_mem>>
      %dma_wait3A_1736 = arith.constant 0 : i32
      %dma_wait3A_1737 = arith.constant 0 : i32
      %dma_wait3A_1738 = tpu.memref_slice %arg6[%dma_wait3A_1725, %dma_wait3A_1736, %dma_wait3A_1737] : memref<16x32x128xf32, #tpu.memory_space<vmem>> -> memref<1x32x128xf32, #tpu.memory_space<vmem>>
      %dma_wait3A_1739 = tpu.memref_squeeze %dma_wait3A_1738 : memref<1x32x128xf32, #tpu.memory_space<vmem>> -> memref<32x128xf32, #tpu.memory_space<vmem>>
      %dma_wait3A_1740 = arith.constant 0 : i32
      %dma_wait3A_1741 = arith.constant 0 : i32
      %dma_wait3A_1742 = tpu.memref_slice %arg3[%dma_wait3A_1740, %dma_wait3A_1741] : memref<32x1000000xf32, #tpu.memory_space<hbm>> -> memref<32x128xf32, #tpu.memory_space<hbm>>
      tpu.wait_dma2 semaphore(%dma_wait3A_1735 : memref<!tpu.dma_semaphore, #tpu.memory_space<semaphore_mem>>) src(%dma_wait3A_1742 : memref<32x128xf32, #tpu.memory_space<hbm>>) dst(%dma_wait3A_1739 : memref<32x128xf32, #tpu.memory_space<vmem>>)
      %sub3A_1743 = arith.constant 1 : i32
      %sub3A_1744 = arith.subi %scan3A_1222, %sub3A_1743 : i32
      %slice3A_1745 = vector.extract_strided_slice %scan3A_1223 {offsets = [6], sizes = [1], strides = [1]} : vector<16xi32> to vector<1xi32>
      %squeeze3A_1746 = vector.extract %slice3A_1745[0] : i32 from vector<1xi32>
      %broadcast_in_dim3A_1747 = vector.broadcast %squeeze3A_1746 : i32 to vector<16xi32>
      %mul3A_1748 = arith.constant 16 : i32
      %mul3A_1749 = arith.muli %sub3A_1744, %mul3A_1748 : i32
      %add3A_1750 = arith.constant 6 : i32
      %add3A_1751 = arith.addi %mul3A_1749, %add3A_1750 : i32
      %broadcast_in_dim3A_1752 = vector.broadcast %add3A_1751 : i32 to vector<16xi32>
      %gather3A_1753 = arith.constant 6 : i32
      %gather3A_1754 = arith.constant 0 : i32
      %gather3A_1755 = arith.constant 0 : i32
      %gather3A_1756 = tpu.memref_slice %arg6[%gather3A_1753, %gather3A_1754, %gather3A_1755] : memref<16x32x128xf32, #tpu.memory_space<vmem>> -> memref<1x32x128xf32, #tpu.memory_space<vmem>>
      %gather3A_1757 = tpu.memref_squeeze %gather3A_1756 : memref<1x32x128xf32, #tpu.memory_space<vmem>> -> memref<32x128xf32, #tpu.memory_space<vmem>>
      %gather3A_1758 = tpu.vector_load_idx %gather3A_1757[%iota3A, %broadcast_in_dim3A_1747] : memref<32x128xf32, #tpu.memory_space<vmem>>[vector<16xi32>, vector<16xi32>], vector<16xf32>,
      %gather3A_1759 = arith.constant 6 : i32
      %gather3A_1760 = arith.constant 0 : i32
      %gather3A_1761 = arith.constant 0 : i32
      %gather3A_1762 = tpu.memref_slice %arg6[%gather3A_1759, %gather3A_1760, %gather3A_1761] : memref<16x32x128xf32, #tpu.memory_space<vmem>> -> memref<1x32x128xf32, #tpu.memory_space<vmem>>
      %gather3A_1763 = tpu.memref_squeeze %gather3A_1762 : memref<1x32x128xf32, #tpu.memory_space<vmem>> -> memref<32x128xf32, #tpu.memory_space<vmem>>
      %gather3A_1764 = tpu.vector_load_idx %gather3A_1763[%add3A_5, %broadcast_in_dim3A_1747] : memref<32x128xf32, #tpu.memory_space<vmem>>[vector<16xi32>, vector<16xi32>], vector<16xf32>,
      tpu.vector_store_idx %arg7[%iota3A, %broadcast_in_dim3A_1752], %gather3A_1758 : memref<32x512xf32, #tpu.memory_space<vmem>>[vector<16xi32>, vector<16xi32>], vector<16xf32>,
      tpu.vector_store_idx %arg7[%add3A_5, %broadcast_in_dim3A_1752], %gather3A_1764 : memref<32x512xf32, #tpu.memory_space<vmem>>[vector<16xi32>, vector<16xi32>], vector<16xf32>,
      %mul3A_1765 = arith.constant 16 : i32
      %mul3A_1766 = arith.muli %scan3A_1222, %mul3A_1765 : i32
      %get3A_1767 = arith.index_cast %mul3A_1766 : i32 to index
      %get3A_1768 = tpu.vector_load %arg5[%get3A_1767] {strides = array<i32>} : memref<512xi32, #tpu.memory_space<vmem>>, vector<16xi32>,
      %slice3A_1769 = vector.extract_strided_slice %get3A_1768 {offsets = [6], sizes = [1], strides = [1]} : vector<16xi32> to vector<1xi32>
      %squeeze3A_1770 = vector.extract %slice3A_1769[0] : i32 from vector<1xi32>
      %shift_right_arithmetic3A_1771 = arith.constant 7 : i32
      %shift_right_arithmetic3A_1772 = arith.shrsi %squeeze3A_1770, %shift_right_arithmetic3A_1771 : i32
      %mul3A_1773 = arith.constant 128 : i32
      %mul3A_1774 = arith.muli %shift_right_arithmetic3A_1772, %mul3A_1773 : i32
      %multiple_of3A_1775 = tpu.assume_multiple %mul3A_1774, 128 : i32
      %dma_start3A_1776 = arith.constant 6 : i32
      %dma_start3A_1777 = arith.constant 6 : i32
      %dma_start3A_1778 = arith.constant 0 : i32
      %dma_start3A_1779 = arith.constant 0 : i32
      %dma_start3A_1780 = tpu.memref_slice %arg6[%dma_start3A_1776, %dma_start3A_1778, %dma_start3A_1779] : memref<16x32x128xf32, #tpu.memory_space<vmem>> -> memref<1x16x128xf32, #tpu.memory_space<vmem>>
      %dma_start3A_1781 = tpu.memref_squeeze %dma_start3A_1780 : memref<1x16x128xf32, #tpu.memory_space<vmem>> -> memref<16x128xf32, #tpu.memory_space<vmem>>
      %dma_start3A_1782 = arith.constant 0 : i32
      %dma_start3A_1783 = tpu.memref_slice %arg3[%dma_start3A_1782, %multiple_of3A_1775] : memref<32x1000000xf32, #tpu.memory_space<hbm>> -> memref<16x128xf32, #tpu.memory_space<hbm>>
      %dma_start3A_1784 = tpu.memref_slice %arg8[%dma_start3A_1777] : memref<16x!tpu.dma_semaphore, #tpu.memory_space<semaphore_mem>> -> memref<1x!tpu.dma_semaphore, #tpu.memory_space<semaphore_mem>>
      %dma_start3A_1785 = tpu.memref_squeeze %dma_start3A_1784 : memref<1x!tpu.dma_semaphore, #tpu.memory_space<semaphore_mem>> -> memref<!tpu.dma_semaphore, #tpu.memory_space<semaphore_mem>>
      %dma_start3A_1786 = arith.constant 0 : i32
      %dma_start3A_1787 = arith.constant 0 : i32
      %dma_start3A_1788 = tpu.memref_slice %arg6[%dma_start3A_1776, %dma_start3A_1786, %dma_start3A_1787] : memref<16x32x128xf32, #tpu.memory_space<vmem>> -> memref<1x16x128xf32, #tpu.memory_space<vmem>>
      %dma_start3A_1789 = tpu.memref_squeeze %dma_start3A_1788 : memref<1x16x128xf32, #tpu.memory_space<vmem>> -> memref<16x128xf32, #tpu.memory_space<vmem>>
      %dma_start3A_1790 = arith.constant 0 : i32
      %dma_start3A_1791 = tpu.memref_slice %arg3[%dma_start3A_1790, %multiple_of3A_1775] : memref<32x1000000xf32, #tpu.memory_space<hbm>> -> memref<16x128xf32, #tpu.memory_space<hbm>>
      tpu.enqueue_dma source(%dma_start3A_1791 : memref<16x128xf32, #tpu.memory_space<hbm>>) target(%dma_start3A_1789 : memref<16x128xf32, #tpu.memory_space<vmem>>) target_semaphore(%dma_start3A_1785 : memref<!tpu.dma_semaphore, #tpu.memory_space<semaphore_mem>>)
      %dma_start3A_1792 = arith.constant 6 : i32
      %dma_start3A_1793 = arith.constant 6 : i32
      %dma_start3A_1794 = arith.constant 16 : i32
      %dma_start3A_1795 = arith.constant 0 : i32
      %dma_start3A_1796 = tpu.memref_slice %arg6[%dma_start3A_1792, %dma_start3A_1794, %dma_start3A_1795] : memref<16x32x128xf32, #tpu.memory_space<vmem>> -> memref<1x16x128xf32, #tpu.memory_space<vmem>>
      %dma_start3A_1797 = tpu.memref_squeeze %dma_start3A_1796 : memref<1x16x128xf32, #tpu.memory_space<vmem>> -> memref<16x128xf32, #tpu.memory_space<vmem>>
      %dma_start3A_1798 = arith.constant 16 : i32
      %dma_start3A_1799 = tpu.memref_slice %arg3[%dma_start3A_1798, %multiple_of3A_1775] : memref<32x1000000xf32, #tpu.memory_space<hbm>> -> memref<16x128xf32, #tpu.memory_space<hbm>>
      %dma_start3A_1800 = tpu.memref_slice %arg8[%dma_start3A_1793] : memref<16x!tpu.dma_semaphore, #tpu.memory_space<semaphore_mem>> -> memref<1x!tpu.dma_semaphore, #tpu.memory_space<semaphore_mem>>
      %dma_start3A_1801 = tpu.memref_squeeze %dma_start3A_1800 : memref<1x!tpu.dma_semaphore, #tpu.memory_space<semaphore_mem>> -> memref<!tpu.dma_semaphore, #tpu.memory_space<semaphore_mem>>
      %dma_start3A_1802 = arith.constant 16 : i32
      %dma_start3A_1803 = arith.constant 0 : i32
      %dma_start3A_1804 = tpu.memref_slice %arg6[%dma_start3A_1792, %dma_start3A_1802, %dma_start3A_1803] : memref<16x32x128xf32, #tpu.memory_space<vmem>> -> memref<1x16x128xf32, #tpu.memory_space<vmem>>
      %dma_start3A_1805 = tpu.memref_squeeze %dma_start3A_1804 : memref<1x16x128xf32, #tpu.memory_space<vmem>> -> memref<16x128xf32, #tpu.memory_space<vmem>>
      %dma_start3A_1806 = arith.constant 16 : i32
      %dma_start3A_1807 = tpu.memref_slice %arg3[%dma_start3A_1806, %multiple_of3A_1775] : memref<32x1000000xf32, #tpu.memory_space<hbm>> -> memref<16x128xf32, #tpu.memory_space<hbm>>
      tpu.enqueue_dma source(%dma_start3A_1807 : memref<16x128xf32, #tpu.memory_space<hbm>>) target(%dma_start3A_1805 : memref<16x128xf32, #tpu.memory_space<vmem>>) target_semaphore(%dma_start3A_1801 : memref<!tpu.dma_semaphore, #tpu.memory_space<semaphore_mem>>)
      %dma_wait3A_1808 = arith.constant 7 : i32
      %dma_wait3A_1809 = arith.constant 7 : i32
      %dma_wait3A_1810 = arith.constant 0 : i32
      %dma_wait3A_1811 = arith.constant 0 : i32
      %dma_wait3A_1812 = tpu.memref_slice %arg6[%dma_wait3A_1808, %dma_wait3A_1810, %dma_wait3A_1811] : memref<16x32x128xf32, #tpu.memory_space<vmem>> -> memref<1x32x128xf32, #tpu.memory_space<vmem>>
      %dma_wait3A_1813 = tpu.memref_squeeze %dma_wait3A_1812 : memref<1x32x128xf32, #tpu.memory_space<vmem>> -> memref<32x128xf32, #tpu.memory_space<vmem>>
      %dma_wait3A_1814 = arith.constant 0 : i32
      %dma_wait3A_1815 = arith.constant 0 : i32
      %dma_wait3A_1816 = tpu.memref_slice %arg3[%dma_wait3A_1814, %dma_wait3A_1815] : memref<32x1000000xf32, #tpu.memory_space<hbm>> -> memref<32x128xf32, #tpu.memory_space<hbm>>
      %dma_wait3A_1817 = tpu.memref_slice %arg8[%dma_wait3A_1809] : memref<16x!tpu.dma_semaphore, #tpu.memory_space<semaphore_mem>> -> memref<1x!tpu.dma_semaphore, #tpu.memory_space<semaphore_mem>>
      %dma_wait3A_1818 = tpu.memref_squeeze %dma_wait3A_1817 : memref<1x!tpu.dma_semaphore, #tpu.memory_space<semaphore_mem>> -> memref<!tpu.dma_semaphore, #tpu.memory_space<semaphore_mem>>
      %dma_wait3A_1819 = arith.constant 0 : i32
      %dma_wait3A_1820 = arith.constant 0 : i32
      %dma_wait3A_1821 = tpu.memref_slice %arg6[%dma_wait3A_1808, %dma_wait3A_1819, %dma_wait3A_1820] : memref<16x32x128xf32, #tpu.memory_space<vmem>> -> memref<1x32x128xf32, #tpu.memory_space<vmem>>
      %dma_wait3A_1822 = tpu.memref_squeeze %dma_wait3A_1821 : memref<1x32x128xf32, #tpu.memory_space<vmem>> -> memref<32x128xf32, #tpu.memory_space<vmem>>
      %dma_wait3A_1823 = arith.constant 0 : i32
      %dma_wait3A_1824 = arith.constant 0 : i32
      %dma_wait3A_1825 = tpu.memref_slice %arg3[%dma_wait3A_1823, %dma_wait3A_1824] : memref<32x1000000xf32, #tpu.memory_space<hbm>> -> memref<32x128xf32, #tpu.memory_space<hbm>>
      tpu.wait_dma2 semaphore(%dma_wait3A_1818 : memref<!tpu.dma_semaphore, #tpu.memory_space<semaphore_mem>>) src(%dma_wait3A_1825 : memref<32x128xf32, #tpu.memory_space<hbm>>) dst(%dma_wait3A_1822 : memref<32x128xf32, #tpu.memory_space<vmem>>)
      %sub3A_1826 = arith.constant 1 : i32
      %sub3A_1827 = arith.subi %scan3A_1222, %sub3A_1826 : i32
      %slice3A_1828 = vector.extract_strided_slice %scan3A_1223 {offsets = [7], sizes = [1], strides = [1]} : vector<16xi32> to vector<1xi32>
      %squeeze3A_1829 = vector.extract %slice3A_1828[0] : i32 from vector<1xi32>
      %broadcast_in_dim3A_1830 = vector.broadcast %squeeze3A_1829 : i32 to vector<16xi32>
      %mul3A_1831 = arith.constant 16 : i32
      %mul3A_1832 = arith.muli %sub3A_1827, %mul3A_1831 : i32
      %add3A_1833 = arith.constant 7 : i32
      %add3A_1834 = arith.addi %mul3A_1832, %add3A_1833 : i32
      %broadcast_in_dim3A_1835 = vector.broadcast %add3A_1834 : i32 to vector<16xi32>
      %gather3A_1836 = arith.constant 7 : i32
      %gather3A_1837 = arith.constant 0 : i32
      %gather3A_1838 = arith.constant 0 : i32
      %gather3A_1839 = tpu.memref_slice %arg6[%gather3A_1836, %gather3A_1837, %gather3A_1838] : memref<16x32x128xf32, #tpu.memory_space<vmem>> -> memref<1x32x128xf32, #tpu.memory_space<vmem>>
      %gather3A_1840 = tpu.memref_squeeze %gather3A_1839 : memref<1x32x128xf32, #tpu.memory_space<vmem>> -> memref<32x128xf32, #tpu.memory_space<vmem>>
      %gather3A_1841 = tpu.vector_load_idx %gather3A_1840[%iota3A, %broadcast_in_dim3A_1830] : memref<32x128xf32, #tpu.memory_space<vmem>>[vector<16xi32>, vector<16xi32>], vector<16xf32>,
      %gather3A_1842 = arith.constant 7 : i32
      %gather3A_1843 = arith.constant 0 : i32
      %gather3A_1844 = arith.constant 0 : i32
      %gather3A_1845 = tpu.memref_slice %arg6[%gather3A_1842, %gather3A_1843, %gather3A_1844] : memref<16x32x128xf32, #tpu.memory_space<vmem>> -> memref<1x32x128xf32, #tpu.memory_space<vmem>>
      %gather3A_1846 = tpu.memref_squeeze %gather3A_1845 : memref<1x32x128xf32, #tpu.memory_space<vmem>> -> memref<32x128xf32, #tpu.memory_space<vmem>>
      %gather3A_1847 = tpu.vector_load_idx %gather3A_1846[%add3A_5, %broadcast_in_dim3A_1830] : memref<32x128xf32, #tpu.memory_space<vmem>>[vector<16xi32>, vector<16xi32>], vector<16xf32>,
      tpu.vector_store_idx %arg7[%iota3A, %broadcast_in_dim3A_1835], %gather3A_1841 : memref<32x512xf32, #tpu.memory_space<vmem>>[vector<16xi32>, vector<16xi32>], vector<16xf32>,
      tpu.vector_store_idx %arg7[%add3A_5, %broadcast_in_dim3A_1835], %gather3A_1847 : memref<32x512xf32, #tpu.memory_space<vmem>>[vector<16xi32>, vector<16xi32>], vector<16xf32>,
      %mul3A_1848 = arith.constant 16 : i32
      %mul3A_1849 = arith.muli %scan3A_1222, %mul3A_1848 : i32
      %get3A_1850 = arith.index_cast %mul3A_1849 : i32 to index
      %get3A_1851 = tpu.vector_load %arg5[%get3A_1850] {strides = array<i32>} : memref<512xi32, #tpu.memory_space<vmem>>, vector<16xi32>,
      %slice3A_1852 = vector.extract_strided_slice %get3A_1851 {offsets = [7], sizes = [1], strides = [1]} : vector<16xi32> to vector<1xi32>
      %squeeze3A_1853 = vector.extract %slice3A_1852[0] : i32 from vector<1xi32>
      %shift_right_arithmetic3A_1854 = arith.constant 7 : i32
      %shift_right_arithmetic3A_1855 = arith.shrsi %squeeze3A_1853, %shift_right_arithmetic3A_1854 : i32
      %mul3A_1856 = arith.constant 128 : i32
      %mul3A_1857 = arith.muli %shift_right_arithmetic3A_1855, %mul3A_1856 : i32
      %multiple_of3A_1858 = tpu.assume_multiple %mul3A_1857, 128 : i32
      %dma_start3A_1859 = arith.constant 7 : i32
      %dma_start3A_1860 = arith.constant 7 : i32
      %dma_start3A_1861 = arith.constant 0 : i32
      %dma_start3A_1862 = arith.constant 0 : i32
      %dma_start3A_1863 = tpu.memref_slice %arg6[%dma_start3A_1859, %dma_start3A_1861, %dma_start3A_1862] : memref<16x32x128xf32, #tpu.memory_space<vmem>> -> memref<1x16x128xf32, #tpu.memory_space<vmem>>
      %dma_start3A_1864 = tpu.memref_squeeze %dma_start3A_1863 : memref<1x16x128xf32, #tpu.memory_space<vmem>> -> memref<16x128xf32, #tpu.memory_space<vmem>>
      %dma_start3A_1865 = arith.constant 0 : i32
      %dma_start3A_1866 = tpu.memref_slice %arg3[%dma_start3A_1865, %multiple_of3A_1858] : memref<32x1000000xf32, #tpu.memory_space<hbm>> -> memref<16x128xf32, #tpu.memory_space<hbm>>
      %dma_start3A_1867 = tpu.memref_slice %arg8[%dma_start3A_1860] : memref<16x!tpu.dma_semaphore, #tpu.memory_space<semaphore_mem>> -> memref<1x!tpu.dma_semaphore, #tpu.memory_space<semaphore_mem>>
      %dma_start3A_1868 = tpu.memref_squeeze %dma_start3A_1867 : memref<1x!tpu.dma_semaphore, #tpu.memory_space<semaphore_mem>> -> memref<!tpu.dma_semaphore, #tpu.memory_space<semaphore_mem>>
      %dma_start3A_1869 = arith.constant 0 : i32
      %dma_start3A_1870 = arith.constant 0 : i32
      %dma_start3A_1871 = tpu.memref_slice %arg6[%dma_start3A_1859, %dma_start3A_1869, %dma_start3A_1870] : memref<16x32x128xf32, #tpu.memory_space<vmem>> -> memref<1x16x128xf32, #tpu.memory_space<vmem>>
      %dma_start3A_1872 = tpu.memref_squeeze %dma_start3A_1871 : memref<1x16x128xf32, #tpu.memory_space<vmem>> -> memref<16x128xf32, #tpu.memory_space<vmem>>
      %dma_start3A_1873 = arith.constant 0 : i32
      %dma_start3A_1874 = tpu.memref_slice %arg3[%dma_start3A_1873, %multiple_of3A_1858] : memref<32x1000000xf32, #tpu.memory_space<hbm>> -> memref<16x128xf32, #tpu.memory_space<hbm>>
      tpu.enqueue_dma source(%dma_start3A_1874 : memref<16x128xf32, #tpu.memory_space<hbm>>) target(%dma_start3A_1872 : memref<16x128xf32, #tpu.memory_space<vmem>>) target_semaphore(%dma_start3A_1868 : memref<!tpu.dma_semaphore, #tpu.memory_space<semaphore_mem>>)
      %dma_start3A_1875 = arith.constant 7 : i32
      %dma_start3A_1876 = arith.constant 7 : i32
      %dma_start3A_1877 = arith.constant 16 : i32
      %dma_start3A_1878 = arith.constant 0 : i32
      %dma_start3A_1879 = tpu.memref_slice %arg6[%dma_start3A_1875, %dma_start3A_1877, %dma_start3A_1878] : memref<16x32x128xf32, #tpu.memory_space<vmem>> -> memref<1x16x128xf32, #tpu.memory_space<vmem>>
      %dma_start3A_1880 = tpu.memref_squeeze %dma_start3A_1879 : memref<1x16x128xf32, #tpu.memory_space<vmem>> -> memref<16x128xf32, #tpu.memory_space<vmem>>
      %dma_start3A_1881 = arith.constant 16 : i32
      %dma_start3A_1882 = tpu.memref_slice %arg3[%dma_start3A_1881, %multiple_of3A_1858] : memref<32x1000000xf32, #tpu.memory_space<hbm>> -> memref<16x128xf32, #tpu.memory_space<hbm>>
      %dma_start3A_1883 = tpu.memref_slice %arg8[%dma_start3A_1876] : memref<16x!tpu.dma_semaphore, #tpu.memory_space<semaphore_mem>> -> memref<1x!tpu.dma_semaphore, #tpu.memory_space<semaphore_mem>>
      %dma_start3A_1884 = tpu.memref_squeeze %dma_start3A_1883 : memref<1x!tpu.dma_semaphore, #tpu.memory_space<semaphore_mem>> -> memref<!tpu.dma_semaphore, #tpu.memory_space<semaphore_mem>>
      %dma_start3A_1885 = arith.constant 16 : i32
      %dma_start3A_1886 = arith.constant 0 : i32
      %dma_start3A_1887 = tpu.memref_slice %arg6[%dma_start3A_1875, %dma_start3A_1885, %dma_start3A_1886] : memref<16x32x128xf32, #tpu.memory_space<vmem>> -> memref<1x16x128xf32, #tpu.memory_space<vmem>>
      %dma_start3A_1888 = tpu.memref_squeeze %dma_start3A_1887 : memref<1x16x128xf32, #tpu.memory_space<vmem>> -> memref<16x128xf32, #tpu.memory_space<vmem>>
      %dma_start3A_1889 = arith.constant 16 : i32
      %dma_start3A_1890 = tpu.memref_slice %arg3[%dma_start3A_1889, %multiple_of3A_1858] : memref<32x1000000xf32, #tpu.memory_space<hbm>> -> memref<16x128xf32, #tpu.memory_space<hbm>>
      tpu.enqueue_dma source(%dma_start3A_1890 : memref<16x128xf32, #tpu.memory_space<hbm>>) target(%dma_start3A_1888 : memref<16x128xf32, #tpu.memory_space<vmem>>) target_semaphore(%dma_start3A_1884 : memref<!tpu.dma_semaphore, #tpu.memory_space<semaphore_mem>>)
      %dma_wait3A_1891 = arith.constant 8 : i32
      %dma_wait3A_1892 = arith.constant 8 : i32
      %dma_wait3A_1893 = arith.constant 0 : i32
      %dma_wait3A_1894 = arith.constant 0 : i32
      %dma_wait3A_1895 = tpu.memref_slice %arg6[%dma_wait3A_1891, %dma_wait3A_1893, %dma_wait3A_1894] : memref<16x32x128xf32, #tpu.memory_space<vmem>> -> memref<1x32x128xf32, #tpu.memory_space<vmem>>
      %dma_wait3A_1896 = tpu.memref_squeeze %dma_wait3A_1895 : memref<1x32x128xf32, #tpu.memory_space<vmem>> -> memref<32x128xf32, #tpu.memory_space<vmem>>
      %dma_wait3A_1897 = arith.constant 0 : i32
      %dma_wait3A_1898 = arith.constant 0 : i32
      %dma_wait3A_1899 = tpu.memref_slice %arg3[%dma_wait3A_1897, %dma_wait3A_1898] : memref<32x1000000xf32, #tpu.memory_space<hbm>> -> memref<32x128xf32, #tpu.memory_space<hbm>>
      %dma_wait3A_1900 = tpu.memref_slice %arg8[%dma_wait3A_1892] : memref<16x!tpu.dma_semaphore, #tpu.memory_space<semaphore_mem>> -> memref<1x!tpu.dma_semaphore, #tpu.memory_space<semaphore_mem>>
      %dma_wait3A_1901 = tpu.memref_squeeze %dma_wait3A_1900 : memref<1x!tpu.dma_semaphore, #tpu.memory_space<semaphore_mem>> -> memref<!tpu.dma_semaphore, #tpu.memory_space<semaphore_mem>>
      %dma_wait3A_1902 = arith.constant 0 : i32
      %dma_wait3A_1903 = arith.constant 0 : i32
      %dma_wait3A_1904 = tpu.memref_slice %arg6[%dma_wait3A_1891, %dma_wait3A_1902, %dma_wait3A_1903] : memref<16x32x128xf32, #tpu.memory_space<vmem>> -> memref<1x32x128xf32, #tpu.memory_space<vmem>>
      %dma_wait3A_1905 = tpu.memref_squeeze %dma_wait3A_1904 : memref<1x32x128xf32, #tpu.memory_space<vmem>> -> memref<32x128xf32, #tpu.memory_space<vmem>>
      %dma_wait3A_1906 = arith.constant 0 : i32
      %dma_wait3A_1907 = arith.constant 0 : i32
      %dma_wait3A_1908 = tpu.memref_slice %arg3[%dma_wait3A_1906, %dma_wait3A_1907] : memref<32x1000000xf32, #tpu.memory_space<hbm>> -> memref<32x128xf32, #tpu.memory_space<hbm>>
      tpu.wait_dma2 semaphore(%dma_wait3A_1901 : memref<!tpu.dma_semaphore, #tpu.memory_space<semaphore_mem>>) src(%dma_wait3A_1908 : memref<32x128xf32, #tpu.memory_space<hbm>>) dst(%dma_wait3A_1905 : memref<32x128xf32, #tpu.memory_space<vmem>>)
      %sub3A_1909 = arith.constant 1 : i32
      %sub3A_1910 = arith.subi %scan3A_1222, %sub3A_1909 : i32
      %slice3A_1911 = vector.extract_strided_slice %scan3A_1223 {offsets = [8], sizes = [1], strides = [1]} : vector<16xi32> to vector<1xi32>
      %squeeze3A_1912 = vector.extract %slice3A_1911[0] : i32 from vector<1xi32>
      %broadcast_in_dim3A_1913 = vector.broadcast %squeeze3A_1912 : i32 to vector<16xi32>
      %mul3A_1914 = arith.constant 16 : i32
      %mul3A_1915 = arith.muli %sub3A_1910, %mul3A_1914 : i32
      %add3A_1916 = arith.constant 8 : i32
      %add3A_1917 = arith.addi %mul3A_1915, %add3A_1916 : i32
      %broadcast_in_dim3A_1918 = vector.broadcast %add3A_1917 : i32 to vector<16xi32>
      %gather3A_1919 = arith.constant 8 : i32
      %gather3A_1920 = arith.constant 0 : i32
      %gather3A_1921 = arith.constant 0 : i32
      %gather3A_1922 = tpu.memref_slice %arg6[%gather3A_1919, %gather3A_1920, %gather3A_1921] : memref<16x32x128xf32, #tpu.memory_space<vmem>> -> memref<1x32x128xf32, #tpu.memory_space<vmem>>
      %gather3A_1923 = tpu.memref_squeeze %gather3A_1922 : memref<1x32x128xf32, #tpu.memory_space<vmem>> -> memref<32x128xf32, #tpu.memory_space<vmem>>
      %gather3A_1924 = tpu.vector_load_idx %gather3A_1923[%iota3A, %broadcast_in_dim3A_1913] : memref<32x128xf32, #tpu.memory_space<vmem>>[vector<16xi32>, vector<16xi32>], vector<16xf32>,
      %gather3A_1925 = arith.constant 8 : i32
      %gather3A_1926 = arith.constant 0 : i32
      %gather3A_1927 = arith.constant 0 : i32
      %gather3A_1928 = tpu.memref_slice %arg6[%gather3A_1925, %gather3A_1926, %gather3A_1927] : memref<16x32x128xf32, #tpu.memory_space<vmem>> -> memref<1x32x128xf32, #tpu.memory_space<vmem>>
      %gather3A_1929 = tpu.memref_squeeze %gather3A_1928 : memref<1x32x128xf32, #tpu.memory_space<vmem>> -> memref<32x128xf32, #tpu.memory_space<vmem>>
      %gather3A_1930 = tpu.vector_load_idx %gather3A_1929[%add3A_5, %broadcast_in_dim3A_1913] : memref<32x128xf32, #tpu.memory_space<vmem>>[vector<16xi32>, vector<16xi32>], vector<16xf32>,
      tpu.vector_store_idx %arg7[%iota3A, %broadcast_in_dim3A_1918], %gather3A_1924 : memref<32x512xf32, #tpu.memory_space<vmem>>[vector<16xi32>, vector<16xi32>], vector<16xf32>,
      tpu.vector_store_idx %arg7[%add3A_5, %broadcast_in_dim3A_1918], %gather3A_1930 : memref<32x512xf32, #tpu.memory_space<vmem>>[vector<16xi32>, vector<16xi32>], vector<16xf32>,
      %mul3A_1931 = arith.constant 16 : i32
      %mul3A_1932 = arith.muli %scan3A_1222, %mul3A_1931 : i32
      %get3A_1933 = arith.index_cast %mul3A_1932 : i32 to index
      %get3A_1934 = tpu.vector_load %arg5[%get3A_1933] {strides = array<i32>} : memref<512xi32, #tpu.memory_space<vmem>>, vector<16xi32>,
      %slice3A_1935 = vector.extract_strided_slice %get3A_1934 {offsets = [8], sizes = [1], strides = [1]} : vector<16xi32> to vector<1xi32>
      %squeeze3A_1936 = vector.extract %slice3A_1935[0] : i32 from vector<1xi32>
      %shift_right_arithmetic3A_1937 = arith.constant 7 : i32
      %shift_right_arithmetic3A_1938 = arith.shrsi %squeeze3A_1936, %shift_right_arithmetic3A_1937 : i32
      %mul3A_1939 = arith.constant 128 : i32
      %mul3A_1940 = arith.muli %shift_right_arithmetic3A_1938, %mul3A_1939 : i32
      %multiple_of3A_1941 = tpu.assume_multiple %mul3A_1940, 128 : i32
      %dma_start3A_1942 = arith.constant 8 : i32
      %dma_start3A_1943 = arith.constant 8 : i32
      %dma_start3A_1944 = arith.constant 0 : i32
      %dma_start3A_1945 = arith.constant 0 : i32
      %dma_start3A_1946 = tpu.memref_slice %arg6[%dma_start3A_1942, %dma_start3A_1944, %dma_start3A_1945] : memref<16x32x128xf32, #tpu.memory_space<vmem>> -> memref<1x16x128xf32, #tpu.memory_space<vmem>>
      %dma_start3A_1947 = tpu.memref_squeeze %dma_start3A_1946 : memref<1x16x128xf32, #tpu.memory_space<vmem>> -> memref<16x128xf32, #tpu.memory_space<vmem>>
      %dma_start3A_1948 = arith.constant 0 : i32
      %dma_start3A_1949 = tpu.memref_slice %arg3[%dma_start3A_1948, %multiple_of3A_1941] : memref<32x1000000xf32, #tpu.memory_space<hbm>> -> memref<16x128xf32, #tpu.memory_space<hbm>>
      %dma_start3A_1950 = tpu.memref_slice %arg8[%dma_start3A_1943] : memref<16x!tpu.dma_semaphore, #tpu.memory_space<semaphore_mem>> -> memref<1x!tpu.dma_semaphore, #tpu.memory_space<semaphore_mem>>
      %dma_start3A_1951 = tpu.memref_squeeze %dma_start3A_1950 : memref<1x!tpu.dma_semaphore, #tpu.memory_space<semaphore_mem>> -> memref<!tpu.dma_semaphore, #tpu.memory_space<semaphore_mem>>
      %dma_start3A_1952 = arith.constant 0 : i32
      %dma_start3A_1953 = arith.constant 0 : i32
      %dma_start3A_1954 = tpu.memref_slice %arg6[%dma_start3A_1942, %dma_start3A_1952, %dma_start3A_1953] : memref<16x32x128xf32, #tpu.memory_space<vmem>> -> memref<1x16x128xf32, #tpu.memory_space<vmem>>
      %dma_start3A_1955 = tpu.memref_squeeze %dma_start3A_1954 : memref<1x16x128xf32, #tpu.memory_space<vmem>> -> memref<16x128xf32, #tpu.memory_space<vmem>>
      %dma_start3A_1956 = arith.constant 0 : i32
      %dma_start3A_1957 = tpu.memref_slice %arg3[%dma_start3A_1956, %multiple_of3A_1941] : memref<32x1000000xf32, #tpu.memory_space<hbm>> -> memref<16x128xf32, #tpu.memory_space<hbm>>
      tpu.enqueue_dma source(%dma_start3A_1957 : memref<16x128xf32, #tpu.memory_space<hbm>>) target(%dma_start3A_1955 : memref<16x128xf32, #tpu.memory_space<vmem>>) target_semaphore(%dma_start3A_1951 : memref<!tpu.dma_semaphore, #tpu.memory_space<semaphore_mem>>)
      %dma_start3A_1958 = arith.constant 8 : i32
      %dma_start3A_1959 = arith.constant 8 : i32
      %dma_start3A_1960 = arith.constant 16 : i32
      %dma_start3A_1961 = arith.constant 0 : i32
      %dma_start3A_1962 = tpu.memref_slice %arg6[%dma_start3A_1958, %dma_start3A_1960, %dma_start3A_1961] : memref<16x32x128xf32, #tpu.memory_space<vmem>> -> memref<1x16x128xf32, #tpu.memory_space<vmem>>
      %dma_start3A_1963 = tpu.memref_squeeze %dma_start3A_1962 : memref<1x16x128xf32, #tpu.memory_space<vmem>> -> memref<16x128xf32, #tpu.memory_space<vmem>>
      %dma_start3A_1964 = arith.constant 16 : i32
      %dma_start3A_1965 = tpu.memref_slice %arg3[%dma_start3A_1964, %multiple_of3A_1941] : memref<32x1000000xf32, #tpu.memory_space<hbm>> -> memref<16x128xf32, #tpu.memory_space<hbm>>
      %dma_start3A_1966 = tpu.memref_slice %arg8[%dma_start3A_1959] : memref<16x!tpu.dma_semaphore, #tpu.memory_space<semaphore_mem>> -> memref<1x!tpu.dma_semaphore, #tpu.memory_space<semaphore_mem>>
      %dma_start3A_1967 = tpu.memref_squeeze %dma_start3A_1966 : memref<1x!tpu.dma_semaphore, #tpu.memory_space<semaphore_mem>> -> memref<!tpu.dma_semaphore, #tpu.memory_space<semaphore_mem>>
      %dma_start3A_1968 = arith.constant 16 : i32
      %dma_start3A_1969 = arith.constant 0 : i32
      %dma_start3A_1970 = tpu.memref_slice %arg6[%dma_start3A_1958, %dma_start3A_1968, %dma_start3A_1969] : memref<16x32x128xf32, #tpu.memory_space<vmem>> -> memref<1x16x128xf32, #tpu.memory_space<vmem>>
      %dma_start3A_1971 = tpu.memref_squeeze %dma_start3A_1970 : memref<1x16x128xf32, #tpu.memory_space<vmem>> -> memref<16x128xf32, #tpu.memory_space<vmem>>
      %dma_start3A_1972 = arith.constant 16 : i32
      %dma_start3A_1973 = tpu.memref_slice %arg3[%dma_start3A_1972, %multiple_of3A_1941] : memref<32x1000000xf32, #tpu.memory_space<hbm>> -> memref<16x128xf32, #tpu.memory_space<hbm>>
      tpu.enqueue_dma source(%dma_start3A_1973 : memref<16x128xf32, #tpu.memory_space<hbm>>) target(%dma_start3A_1971 : memref<16x128xf32, #tpu.memory_space<vmem>>) target_semaphore(%dma_start3A_1967 : memref<!tpu.dma_semaphore, #tpu.memory_space<semaphore_mem>>)
      %dma_wait3A_1974 = arith.constant 9 : i32
      %dma_wait3A_1975 = arith.constant 9 : i32
      %dma_wait3A_1976 = arith.constant 0 : i32
      %dma_wait3A_1977 = arith.constant 0 : i32
      %dma_wait3A_1978 = tpu.memref_slice %arg6[%dma_wait3A_1974, %dma_wait3A_1976, %dma_wait3A_1977] : memref<16x32x128xf32, #tpu.memory_space<vmem>> -> memref<1x32x128xf32, #tpu.memory_space<vmem>>
      %dma_wait3A_1979 = tpu.memref_squeeze %dma_wait3A_1978 : memref<1x32x128xf32, #tpu.memory_space<vmem>> -> memref<32x128xf32, #tpu.memory_space<vmem>>
      %dma_wait3A_1980 = arith.constant 0 : i32
      %dma_wait3A_1981 = arith.constant 0 : i32
      %dma_wait3A_1982 = tpu.memref_slice %arg3[%dma_wait3A_1980, %dma_wait3A_1981] : memref<32x1000000xf32, #tpu.memory_space<hbm>> -> memref<32x128xf32, #tpu.memory_space<hbm>>
      %dma_wait3A_1983 = tpu.memref_slice %arg8[%dma_wait3A_1975] : memref<16x!tpu.dma_semaphore, #tpu.memory_space<semaphore_mem>> -> memref<1x!tpu.dma_semaphore, #tpu.memory_space<semaphore_mem>>
      %dma_wait3A_1984 = tpu.memref_squeeze %dma_wait3A_1983 : memref<1x!tpu.dma_semaphore, #tpu.memory_space<semaphore_mem>> -> memref<!tpu.dma_semaphore, #tpu.memory_space<semaphore_mem>>
      %dma_wait3A_1985 = arith.constant 0 : i32
      %dma_wait3A_1986 = arith.constant 0 : i32
      %dma_wait3A_1987 = tpu.memref_slice %arg6[%dma_wait3A_1974, %dma_wait3A_1985, %dma_wait3A_1986] : memref<16x32x128xf32, #tpu.memory_space<vmem>> -> memref<1x32x128xf32, #tpu.memory_space<vmem>>
      %dma_wait3A_1988 = tpu.memref_squeeze %dma_wait3A_1987 : memref<1x32x128xf32, #tpu.memory_space<vmem>> -> memref<32x128xf32, #tpu.memory_space<vmem>>
      %dma_wait3A_1989 = arith.constant 0 : i32
      %dma_wait3A_1990 = arith.constant 0 : i32
      %dma_wait3A_1991 = tpu.memref_slice %arg3[%dma_wait3A_1989, %dma_wait3A_1990] : memref<32x1000000xf32, #tpu.memory_space<hbm>> -> memref<32x128xf32, #tpu.memory_space<hbm>>
      tpu.wait_dma2 semaphore(%dma_wait3A_1984 : memref<!tpu.dma_semaphore, #tpu.memory_space<semaphore_mem>>) src(%dma_wait3A_1991 : memref<32x128xf32, #tpu.memory_space<hbm>>) dst(%dma_wait3A_1988 : memref<32x128xf32, #tpu.memory_space<vmem>>)
      %sub3A_1992 = arith.constant 1 : i32
      %sub3A_1993 = arith.subi %scan3A_1222, %sub3A_1992 : i32
      %slice3A_1994 = vector.extract_strided_slice %scan3A_1223 {offsets = [9], sizes = [1], strides = [1]} : vector<16xi32> to vector<1xi32>
      %squeeze3A_1995 = vector.extract %slice3A_1994[0] : i32 from vector<1xi32>
      %broadcast_in_dim3A_1996 = vector.broadcast %squeeze3A_1995 : i32 to vector<16xi32>
      %mul3A_1997 = arith.constant 16 : i32
      %mul3A_1998 = arith.muli %sub3A_1993, %mul3A_1997 : i32
      %add3A_1999 = arith.constant 9 : i32
      %add3A_2000 = arith.addi %mul3A_1998, %add3A_1999 : i32
      %broadcast_in_dim3A_2001 = vector.broadcast %add3A_2000 : i32 to vector<16xi32>
      %gather3A_2002 = arith.constant 9 : i32
      %gather3A_2003 = arith.constant 0 : i32
      %gather3A_2004 = arith.constant 0 : i32
      %gather3A_2005 = tpu.memref_slice %arg6[%gather3A_2002, %gather3A_2003, %gather3A_2004] : memref<16x32x128xf32, #tpu.memory_space<vmem>> -> memref<1x32x128xf32, #tpu.memory_space<vmem>>
      %gather3A_2006 = tpu.memref_squeeze %gather3A_2005 : memref<1x32x128xf32, #tpu.memory_space<vmem>> -> memref<32x128xf32, #tpu.memory_space<vmem>>
      %gather3A_2007 = tpu.vector_load_idx %gather3A_2006[%iota3A, %broadcast_in_dim3A_1996] : memref<32x128xf32, #tpu.memory_space<vmem>>[vector<16xi32>, vector<16xi32>], vector<16xf32>,
      %gather3A_2008 = arith.constant 9 : i32
      %gather3A_2009 = arith.constant 0 : i32
      %gather3A_2010 = arith.constant 0 : i32
      %gather3A_2011 = tpu.memref_slice %arg6[%gather3A_2008, %gather3A_2009, %gather3A_2010] : memref<16x32x128xf32, #tpu.memory_space<vmem>> -> memref<1x32x128xf32, #tpu.memory_space<vmem>>
      %gather3A_2012 = tpu.memref_squeeze %gather3A_2011 : memref<1x32x128xf32, #tpu.memory_space<vmem>> -> memref<32x128xf32, #tpu.memory_space<vmem>>
      %gather3A_2013 = tpu.vector_load_idx %gather3A_2012[%add3A_5, %broadcast_in_dim3A_1996] : memref<32x128xf32, #tpu.memory_space<vmem>>[vector<16xi32>, vector<16xi32>], vector<16xf32>,
      tpu.vector_store_idx %arg7[%iota3A, %broadcast_in_dim3A_2001], %gather3A_2007 : memref<32x512xf32, #tpu.memory_space<vmem>>[vector<16xi32>, vector<16xi32>], vector<16xf32>,
      tpu.vector_store_idx %arg7[%add3A_5, %broadcast_in_dim3A_2001], %gather3A_2013 : memref<32x512xf32, #tpu.memory_space<vmem>>[vector<16xi32>, vector<16xi32>], vector<16xf32>,
      %mul3A_2014 = arith.constant 16 : i32
      %mul3A_2015 = arith.muli %scan3A_1222, %mul3A_2014 : i32
      %get3A_2016 = arith.index_cast %mul3A_2015 : i32 to index
      %get3A_2017 = tpu.vector_load %arg5[%get3A_2016] {strides = array<i32>} : memref<512xi32, #tpu.memory_space<vmem>>, vector<16xi32>,
      %slice3A_2018 = vector.extract_strided_slice %get3A_2017 {offsets = [9], sizes = [1], strides = [1]} : vector<16xi32> to vector<1xi32>
      %squeeze3A_2019 = vector.extract %slice3A_2018[0] : i32 from vector<1xi32>
      %shift_right_arithmetic3A_2020 = arith.constant 7 : i32
      %shift_right_arithmetic3A_2021 = arith.shrsi %squeeze3A_2019, %shift_right_arithmetic3A_2020 : i32
      %mul3A_2022 = arith.constant 128 : i32
      %mul3A_2023 = arith.muli %shift_right_arithmetic3A_2021, %mul3A_2022 : i32
      %multiple_of3A_2024 = tpu.assume_multiple %mul3A_2023, 128 : i32
      %dma_start3A_2025 = arith.constant 9 : i32
      %dma_start3A_2026 = arith.constant 9 : i32
      %dma_start3A_2027 = arith.constant 0 : i32
      %dma_start3A_2028 = arith.constant 0 : i32
      %dma_start3A_2029 = tpu.memref_slice %arg6[%dma_start3A_2025, %dma_start3A_2027, %dma_start3A_2028] : memref<16x32x128xf32, #tpu.memory_space<vmem>> -> memref<1x16x128xf32, #tpu.memory_space<vmem>>
      %dma_start3A_2030 = tpu.memref_squeeze %dma_start3A_2029 : memref<1x16x128xf32, #tpu.memory_space<vmem>> -> memref<16x128xf32, #tpu.memory_space<vmem>>
      %dma_start3A_2031 = arith.constant 0 : i32
      %dma_start3A_2032 = tpu.memref_slice %arg3[%dma_start3A_2031, %multiple_of3A_2024] : memref<32x1000000xf32, #tpu.memory_space<hbm>> -> memref<16x128xf32, #tpu.memory_space<hbm>>
      %dma_start3A_2033 = tpu.memref_slice %arg8[%dma_start3A_2026] : memref<16x!tpu.dma_semaphore, #tpu.memory_space<semaphore_mem>> -> memref<1x!tpu.dma_semaphore, #tpu.memory_space<semaphore_mem>>
      %dma_start3A_2034 = tpu.memref_squeeze %dma_start3A_2033 : memref<1x!tpu.dma_semaphore, #tpu.memory_space<semaphore_mem>> -> memref<!tpu.dma_semaphore, #tpu.memory_space<semaphore_mem>>
      %dma_start3A_2035 = arith.constant 0 : i32
      %dma_start3A_2036 = arith.constant 0 : i32
      %dma_start3A_2037 = tpu.memref_slice %arg6[%dma_start3A_2025, %dma_start3A_2035, %dma_start3A_2036] : memref<16x32x128xf32, #tpu.memory_space<vmem>> -> memref<1x16x128xf32, #tpu.memory_space<vmem>>
      %dma_start3A_2038 = tpu.memref_squeeze %dma_start3A_2037 : memref<1x16x128xf32, #tpu.memory_space<vmem>> -> memref<16x128xf32, #tpu.memory_space<vmem>>
      %dma_start3A_2039 = arith.constant 0 : i32
      %dma_start3A_2040 = tpu.memref_slice %arg3[%dma_start3A_2039, %multiple_of3A_2024] : memref<32x1000000xf32, #tpu.memory_space<hbm>> -> memref<16x128xf32, #tpu.memory_space<hbm>>
      tpu.enqueue_dma source(%dma_start3A_2040 : memref<16x128xf32, #tpu.memory_space<hbm>>) target(%dma_start3A_2038 : memref<16x128xf32, #tpu.memory_space<vmem>>) target_semaphore(%dma_start3A_2034 : memref<!tpu.dma_semaphore, #tpu.memory_space<semaphore_mem>>)
      %dma_start3A_2041 = arith.constant 9 : i32
      %dma_start3A_2042 = arith.constant 9 : i32
      %dma_start3A_2043 = arith.constant 16 : i32
      %dma_start3A_2044 = arith.constant 0 : i32
      %dma_start3A_2045 = tpu.memref_slice %arg6[%dma_start3A_2041, %dma_start3A_2043, %dma_start3A_2044] : memref<16x32x128xf32, #tpu.memory_space<vmem>> -> memref<1x16x128xf32, #tpu.memory_space<vmem>>
      %dma_start3A_2046 = tpu.memref_squeeze %dma_start3A_2045 : memref<1x16x128xf32, #tpu.memory_space<vmem>> -> memref<16x128xf32, #tpu.memory_space<vmem>>
      %dma_start3A_2047 = arith.constant 16 : i32
      %dma_start3A_2048 = tpu.memref_slice %arg3[%dma_start3A_2047, %multiple_of3A_2024] : memref<32x1000000xf32, #tpu.memory_space<hbm>> -> memref<16x128xf32, #tpu.memory_space<hbm>>
      %dma_start3A_2049 = tpu.memref_slice %arg8[%dma_start3A_2042] : memref<16x!tpu.dma_semaphore, #tpu.memory_space<semaphore_mem>> -> memref<1x!tpu.dma_semaphore, #tpu.memory_space<semaphore_mem>>
      %dma_start3A_2050 = tpu.memref_squeeze %dma_start3A_2049 : memref<1x!tpu.dma_semaphore, #tpu.memory_space<semaphore_mem>> -> memref<!tpu.dma_semaphore, #tpu.memory_space<semaphore_mem>>
      %dma_start3A_2051 = arith.constant 16 : i32
      %dma_start3A_2052 = arith.constant 0 : i32
      %dma_start3A_2053 = tpu.memref_slice %arg6[%dma_start3A_2041, %dma_start3A_2051, %dma_start3A_2052] : memref<16x32x128xf32, #tpu.memory_space<vmem>> -> memref<1x16x128xf32, #tpu.memory_space<vmem>>
      %dma_start3A_2054 = tpu.memref_squeeze %dma_start3A_2053 : memref<1x16x128xf32, #tpu.memory_space<vmem>> -> memref<16x128xf32, #tpu.memory_space<vmem>>
      %dma_start3A_2055 = arith.constant 16 : i32
      %dma_start3A_2056 = tpu.memref_slice %arg3[%dma_start3A_2055, %multiple_of3A_2024] : memref<32x1000000xf32, #tpu.memory_space<hbm>> -> memref<16x128xf32, #tpu.memory_space<hbm>>
      tpu.enqueue_dma source(%dma_start3A_2056 : memref<16x128xf32, #tpu.memory_space<hbm>>) target(%dma_start3A_2054 : memref<16x128xf32, #tpu.memory_space<vmem>>) target_semaphore(%dma_start3A_2050 : memref<!tpu.dma_semaphore, #tpu.memory_space<semaphore_mem>>)
      %dma_wait3A_2057 = arith.constant 10 : i32
      %dma_wait3A_2058 = arith.constant 10 : i32
      %dma_wait3A_2059 = arith.constant 0 : i32
      %dma_wait3A_2060 = arith.constant 0 : i32
      %dma_wait3A_2061 = tpu.memref_slice %arg6[%dma_wait3A_2057, %dma_wait3A_2059, %dma_wait3A_2060] : memref<16x32x128xf32, #tpu.memory_space<vmem>> -> memref<1x32x128xf32, #tpu.memory_space<vmem>>
      %dma_wait3A_2062 = tpu.memref_squeeze %dma_wait3A_2061 : memref<1x32x128xf32, #tpu.memory_space<vmem>> -> memref<32x128xf32, #tpu.memory_space<vmem>>
      %dma_wait3A_2063 = arith.constant 0 : i32
      %dma_wait3A_2064 = arith.constant 0 : i32
      %dma_wait3A_2065 = tpu.memref_slice %arg3[%dma_wait3A_2063, %dma_wait3A_2064] : memref<32x1000000xf32, #tpu.memory_space<hbm>> -> memref<32x128xf32, #tpu.memory_space<hbm>>
      %dma_wait3A_2066 = tpu.memref_slice %arg8[%dma_wait3A_2058] : memref<16x!tpu.dma_semaphore, #tpu.memory_space<semaphore_mem>> -> memref<1x!tpu.dma_semaphore, #tpu.memory_space<semaphore_mem>>
      %dma_wait3A_2067 = tpu.memref_squeeze %dma_wait3A_2066 : memref<1x!tpu.dma_semaphore, #tpu.memory_space<semaphore_mem>> -> memref<!tpu.dma_semaphore, #tpu.memory_space<semaphore_mem>>
      %dma_wait3A_2068 = arith.constant 0 : i32
      %dma_wait3A_2069 = arith.constant 0 : i32
      %dma_wait3A_2070 = tpu.memref_slice %arg6[%dma_wait3A_2057, %dma_wait3A_2068, %dma_wait3A_2069] : memref<16x32x128xf32, #tpu.memory_space<vmem>> -> memref<1x32x128xf32, #tpu.memory_space<vmem>>
      %dma_wait3A_2071 = tpu.memref_squeeze %dma_wait3A_2070 : memref<1x32x128xf32, #tpu.memory_space<vmem>> -> memref<32x128xf32, #tpu.memory_space<vmem>>
      %dma_wait3A_2072 = arith.constant 0 : i32
      %dma_wait3A_2073 = arith.constant 0 : i32
      %dma_wait3A_2074 = tpu.memref_slice %arg3[%dma_wait3A_2072, %dma_wait3A_2073] : memref<32x1000000xf32, #tpu.memory_space<hbm>> -> memref<32x128xf32, #tpu.memory_space<hbm>>
      tpu.wait_dma2 semaphore(%dma_wait3A_2067 : memref<!tpu.dma_semaphore, #tpu.memory_space<semaphore_mem>>) src(%dma_wait3A_2074 : memref<32x128xf32, #tpu.memory_space<hbm>>) dst(%dma_wait3A_2071 : memref<32x128xf32, #tpu.memory_space<vmem>>)
      %sub3A_2075 = arith.constant 1 : i32
      %sub3A_2076 = arith.subi %scan3A_1222, %sub3A_2075 : i32
      %slice3A_2077 = vector.extract_strided_slice %scan3A_1223 {offsets = [10], sizes = [1], strides = [1]} : vector<16xi32> to vector<1xi32>
      %squeeze3A_2078 = vector.extract %slice3A_2077[0] : i32 from vector<1xi32>
      %broadcast_in_dim3A_2079 = vector.broadcast %squeeze3A_2078 : i32 to vector<16xi32>
      %mul3A_2080 = arith.constant 16 : i32
      %mul3A_2081 = arith.muli %sub3A_2076, %mul3A_2080 : i32
      %add3A_2082 = arith.constant 10 : i32
      %add3A_2083 = arith.addi %mul3A_2081, %add3A_2082 : i32
      %broadcast_in_dim3A_2084 = vector.broadcast %add3A_2083 : i32 to vector<16xi32>
      %gather3A_2085 = arith.constant 10 : i32
      %gather3A_2086 = arith.constant 0 : i32
      %gather3A_2087 = arith.constant 0 : i32
      %gather3A_2088 = tpu.memref_slice %arg6[%gather3A_2085, %gather3A_2086, %gather3A_2087] : memref<16x32x128xf32, #tpu.memory_space<vmem>> -> memref<1x32x128xf32, #tpu.memory_space<vmem>>
      %gather3A_2089 = tpu.memref_squeeze %gather3A_2088 : memref<1x32x128xf32, #tpu.memory_space<vmem>> -> memref<32x128xf32, #tpu.memory_space<vmem>>
      %gather3A_2090 = tpu.vector_load_idx %gather3A_2089[%iota3A, %broadcast_in_dim3A_2079] : memref<32x128xf32, #tpu.memory_space<vmem>>[vector<16xi32>, vector<16xi32>], vector<16xf32>,
      %gather3A_2091 = arith.constant 10 : i32
      %gather3A_2092 = arith.constant 0 : i32
      %gather3A_2093 = arith.constant 0 : i32
      %gather3A_2094 = tpu.memref_slice %arg6[%gather3A_2091, %gather3A_2092, %gather3A_2093] : memref<16x32x128xf32, #tpu.memory_space<vmem>> -> memref<1x32x128xf32, #tpu.memory_space<vmem>>
      %gather3A_2095 = tpu.memref_squeeze %gather3A_2094 : memref<1x32x128xf32, #tpu.memory_space<vmem>> -> memref<32x128xf32, #tpu.memory_space<vmem>>
      %gather3A_2096 = tpu.vector_load_idx %gather3A_2095[%add3A_5, %broadcast_in_dim3A_2079] : memref<32x128xf32, #tpu.memory_space<vmem>>[vector<16xi32>, vector<16xi32>], vector<16xf32>,
      tpu.vector_store_idx %arg7[%iota3A, %broadcast_in_dim3A_2084], %gather3A_2090 : memref<32x512xf32, #tpu.memory_space<vmem>>[vector<16xi32>, vector<16xi32>], vector<16xf32>,
      tpu.vector_store_idx %arg7[%add3A_5, %broadcast_in_dim3A_2084], %gather3A_2096 : memref<32x512xf32, #tpu.memory_space<vmem>>[vector<16xi32>, vector<16xi32>], vector<16xf32>,
      %mul3A_2097 = arith.constant 16 : i32
      %mul3A_2098 = arith.muli %scan3A_1222, %mul3A_2097 : i32
      %get3A_2099 = arith.index_cast %mul3A_2098 : i32 to index
      %get3A_2100 = tpu.vector_load %arg5[%get3A_2099] {strides = array<i32>} : memref<512xi32, #tpu.memory_space<vmem>>, vector<16xi32>,
      %slice3A_2101 = vector.extract_strided_slice %get3A_2100 {offsets = [10], sizes = [1], strides = [1]} : vector<16xi32> to vector<1xi32>
      %squeeze3A_2102 = vector.extract %slice3A_2101[0] : i32 from vector<1xi32>
      %shift_right_arithmetic3A_2103 = arith.constant 7 : i32
      %shift_right_arithmetic3A_2104 = arith.shrsi %squeeze3A_2102, %shift_right_arithmetic3A_2103 : i32
      %mul3A_2105 = arith.constant 128 : i32
      %mul3A_2106 = arith.muli %shift_right_arithmetic3A_2104, %mul3A_2105 : i32
      %multiple_of3A_2107 = tpu.assume_multiple %mul3A_2106, 128 : i32
      %dma_start3A_2108 = arith.constant 10 : i32
      %dma_start3A_2109 = arith.constant 10 : i32
      %dma_start3A_2110 = arith.constant 0 : i32
      %dma_start3A_2111 = arith.constant 0 : i32
      %dma_start3A_2112 = tpu.memref_slice %arg6[%dma_start3A_2108, %dma_start3A_2110, %dma_start3A_2111] : memref<16x32x128xf32, #tpu.memory_space<vmem>> -> memref<1x16x128xf32, #tpu.memory_space<vmem>>
      %dma_start3A_2113 = tpu.memref_squeeze %dma_start3A_2112 : memref<1x16x128xf32, #tpu.memory_space<vmem>> -> memref<16x128xf32, #tpu.memory_space<vmem>>
      %dma_start3A_2114 = arith.constant 0 : i32
      %dma_start3A_2115 = tpu.memref_slice %arg3[%dma_start3A_2114, %multiple_of3A_2107] : memref<32x1000000xf32, #tpu.memory_space<hbm>> -> memref<16x128xf32, #tpu.memory_space<hbm>>
      %dma_start3A_2116 = tpu.memref_slice %arg8[%dma_start3A_2109] : memref<16x!tpu.dma_semaphore, #tpu.memory_space<semaphore_mem>> -> memref<1x!tpu.dma_semaphore, #tpu.memory_space<semaphore_mem>>
      %dma_start3A_2117 = tpu.memref_squeeze %dma_start3A_2116 : memref<1x!tpu.dma_semaphore, #tpu.memory_space<semaphore_mem>> -> memref<!tpu.dma_semaphore, #tpu.memory_space<semaphore_mem>>
      %dma_start3A_2118 = arith.constant 0 : i32
      %dma_start3A_2119 = arith.constant 0 : i32
      %dma_start3A_2120 = tpu.memref_slice %arg6[%dma_start3A_2108, %dma_start3A_2118, %dma_start3A_2119] : memref<16x32x128xf32, #tpu.memory_space<vmem>> -> memref<1x16x128xf32, #tpu.memory_space<vmem>>
      %dma_start3A_2121 = tpu.memref_squeeze %dma_start3A_2120 : memref<1x16x128xf32, #tpu.memory_space<vmem>> -> memref<16x128xf32, #tpu.memory_space<vmem>>
      %dma_start3A_2122 = arith.constant 0 : i32
      %dma_start3A_2123 = tpu.memref_slice %arg3[%dma_start3A_2122, %multiple_of3A_2107] : memref<32x1000000xf32, #tpu.memory_space<hbm>> -> memref<16x128xf32, #tpu.memory_space<hbm>>
      tpu.enqueue_dma source(%dma_start3A_2123 : memref<16x128xf32, #tpu.memory_space<hbm>>) target(%dma_start3A_2121 : memref<16x128xf32, #tpu.memory_space<vmem>>) target_semaphore(%dma_start3A_2117 : memref<!tpu.dma_semaphore, #tpu.memory_space<semaphore_mem>>)
      %dma_start3A_2124 = arith.constant 10 : i32
      %dma_start3A_2125 = arith.constant 10 : i32
      %dma_start3A_2126 = arith.constant 16 : i32
      %dma_start3A_2127 = arith.constant 0 : i32
      %dma_start3A_2128 = tpu.memref_slice %arg6[%dma_start3A_2124, %dma_start3A_2126, %dma_start3A_2127] : memref<16x32x128xf32, #tpu.memory_space<vmem>> -> memref<1x16x128xf32, #tpu.memory_space<vmem>>
      %dma_start3A_2129 = tpu.memref_squeeze %dma_start3A_2128 : memref<1x16x128xf32, #tpu.memory_space<vmem>> -> memref<16x128xf32, #tpu.memory_space<vmem>>
      %dma_start3A_2130 = arith.constant 16 : i32
      %dma_start3A_2131 = tpu.memref_slice %arg3[%dma_start3A_2130, %multiple_of3A_2107] : memref<32x1000000xf32, #tpu.memory_space<hbm>> -> memref<16x128xf32, #tpu.memory_space<hbm>>
      %dma_start3A_2132 = tpu.memref_slice %arg8[%dma_start3A_2125] : memref<16x!tpu.dma_semaphore, #tpu.memory_space<semaphore_mem>> -> memref<1x!tpu.dma_semaphore, #tpu.memory_space<semaphore_mem>>
      %dma_start3A_2133 = tpu.memref_squeeze %dma_start3A_2132 : memref<1x!tpu.dma_semaphore, #tpu.memory_space<semaphore_mem>> -> memref<!tpu.dma_semaphore, #tpu.memory_space<semaphore_mem>>
      %dma_start3A_2134 = arith.constant 16 : i32
      %dma_start3A_2135 = arith.constant 0 : i32
      %dma_start3A_2136 = tpu.memref_slice %arg6[%dma_start3A_2124, %dma_start3A_2134, %dma_start3A_2135] : memref<16x32x128xf32, #tpu.memory_space<vmem>> -> memref<1x16x128xf32, #tpu.memory_space<vmem>>
      %dma_start3A_2137 = tpu.memref_squeeze %dma_start3A_2136 : memref<1x16x128xf32, #tpu.memory_space<vmem>> -> memref<16x128xf32, #tpu.memory_space<vmem>>
      %dma_start3A_2138 = arith.constant 16 : i32
      %dma_start3A_2139 = tpu.memref_slice %arg3[%dma_start3A_2138, %multiple_of3A_2107] : memref<32x1000000xf32, #tpu.memory_space<hbm>> -> memref<16x128xf32, #tpu.memory_space<hbm>>
      tpu.enqueue_dma source(%dma_start3A_2139 : memref<16x128xf32, #tpu.memory_space<hbm>>) target(%dma_start3A_2137 : memref<16x128xf32, #tpu.memory_space<vmem>>) target_semaphore(%dma_start3A_2133 : memref<!tpu.dma_semaphore, #tpu.memory_space<semaphore_mem>>)
      %dma_wait3A_2140 = arith.constant 11 : i32
      %dma_wait3A_2141 = arith.constant 11 : i32
      %dma_wait3A_2142 = arith.constant 0 : i32
      %dma_wait3A_2143 = arith.constant 0 : i32
      %dma_wait3A_2144 = tpu.memref_slice %arg6[%dma_wait3A_2140, %dma_wait3A_2142, %dma_wait3A_2143] : memref<16x32x128xf32, #tpu.memory_space<vmem>> -> memref<1x32x128xf32, #tpu.memory_space<vmem>>
      %dma_wait3A_2145 = tpu.memref_squeeze %dma_wait3A_2144 : memref<1x32x128xf32, #tpu.memory_space<vmem>> -> memref<32x128xf32, #tpu.memory_space<vmem>>
      %dma_wait3A_2146 = arith.constant 0 : i32
      %dma_wait3A_2147 = arith.constant 0 : i32
      %dma_wait3A_2148 = tpu.memref_slice %arg3[%dma_wait3A_2146, %dma_wait3A_2147] : memref<32x1000000xf32, #tpu.memory_space<hbm>> -> memref<32x128xf32, #tpu.memory_space<hbm>>
      %dma_wait3A_2149 = tpu.memref_slice %arg8[%dma_wait3A_2141] : memref<16x!tpu.dma_semaphore, #tpu.memory_space<semaphore_mem>> -> memref<1x!tpu.dma_semaphore, #tpu.memory_space<semaphore_mem>>
      %dma_wait3A_2150 = tpu.memref_squeeze %dma_wait3A_2149 : memref<1x!tpu.dma_semaphore, #tpu.memory_space<semaphore_mem>> -> memref<!tpu.dma_semaphore, #tpu.memory_space<semaphore_mem>>
      %dma_wait3A_2151 = arith.constant 0 : i32
      %dma_wait3A_2152 = arith.constant 0 : i32
      %dma_wait3A_2153 = tpu.memref_slice %arg6[%dma_wait3A_2140, %dma_wait3A_2151, %dma_wait3A_2152] : memref<16x32x128xf32, #tpu.memory_space<vmem>> -> memref<1x32x128xf32, #tpu.memory_space<vmem>>
      %dma_wait3A_2154 = tpu.memref_squeeze %dma_wait3A_2153 : memref<1x32x128xf32, #tpu.memory_space<vmem>> -> memref<32x128xf32, #tpu.memory_space<vmem>>
      %dma_wait3A_2155 = arith.constant 0 : i32
      %dma_wait3A_2156 = arith.constant 0 : i32
      %dma_wait3A_2157 = tpu.memref_slice %arg3[%dma_wait3A_2155, %dma_wait3A_2156] : memref<32x1000000xf32, #tpu.memory_space<hbm>> -> memref<32x128xf32, #tpu.memory_space<hbm>>
      tpu.wait_dma2 semaphore(%dma_wait3A_2150 : memref<!tpu.dma_semaphore, #tpu.memory_space<semaphore_mem>>) src(%dma_wait3A_2157 : memref<32x128xf32, #tpu.memory_space<hbm>>) dst(%dma_wait3A_2154 : memref<32x128xf32, #tpu.memory_space<vmem>>)
      %sub3A_2158 = arith.constant 1 : i32
      %sub3A_2159 = arith.subi %scan3A_1222, %sub3A_2158 : i32
      %slice3A_2160 = vector.extract_strided_slice %scan3A_1223 {offsets = [11], sizes = [1], strides = [1]} : vector<16xi32> to vector<1xi32>
      %squeeze3A_2161 = vector.extract %slice3A_2160[0] : i32 from vector<1xi32>
      %broadcast_in_dim3A_2162 = vector.broadcast %squeeze3A_2161 : i32 to vector<16xi32>
      %mul3A_2163 = arith.constant 16 : i32
      %mul3A_2164 = arith.muli %sub3A_2159, %mul3A_2163 : i32
      %add3A_2165 = arith.constant 11 : i32
      %add3A_2166 = arith.addi %mul3A_2164, %add3A_2165 : i32
      %broadcast_in_dim3A_2167 = vector.broadcast %add3A_2166 : i32 to vector<16xi32>
      %gather3A_2168 = arith.constant 11 : i32
      %gather3A_2169 = arith.constant 0 : i32
      %gather3A_2170 = arith.constant 0 : i32
      %gather3A_2171 = tpu.memref_slice %arg6[%gather3A_2168, %gather3A_2169, %gather3A_2170] : memref<16x32x128xf32, #tpu.memory_space<vmem>> -> memref<1x32x128xf32, #tpu.memory_space<vmem>>
      %gather3A_2172 = tpu.memref_squeeze %gather3A_2171 : memref<1x32x128xf32, #tpu.memory_space<vmem>> -> memref<32x128xf32, #tpu.memory_space<vmem>>
      %gather3A_2173 = tpu.vector_load_idx %gather3A_2172[%iota3A, %broadcast_in_dim3A_2162] : memref<32x128xf32, #tpu.memory_space<vmem>>[vector<16xi32>, vector<16xi32>], vector<16xf32>,
      %gather3A_2174 = arith.constant 11 : i32
      %gather3A_2175 = arith.constant 0 : i32
      %gather3A_2176 = arith.constant 0 : i32
      %gather3A_2177 = tpu.memref_slice %arg6[%gather3A_2174, %gather3A_2175, %gather3A_2176] : memref<16x32x128xf32, #tpu.memory_space<vmem>> -> memref<1x32x128xf32, #tpu.memory_space<vmem>>
      %gather3A_2178 = tpu.memref_squeeze %gather3A_2177 : memref<1x32x128xf32, #tpu.memory_space<vmem>> -> memref<32x128xf32, #tpu.memory_space<vmem>>
      %gather3A_2179 = tpu.vector_load_idx %gather3A_2178[%add3A_5, %broadcast_in_dim3A_2162] : memref<32x128xf32, #tpu.memory_space<vmem>>[vector<16xi32>, vector<16xi32>], vector<16xf32>,
      tpu.vector_store_idx %arg7[%iota3A, %broadcast_in_dim3A_2167], %gather3A_2173 : memref<32x512xf32, #tpu.memory_space<vmem>>[vector<16xi32>, vector<16xi32>], vector<16xf32>,
      tpu.vector_store_idx %arg7[%add3A_5, %broadcast_in_dim3A_2167], %gather3A_2179 : memref<32x512xf32, #tpu.memory_space<vmem>>[vector<16xi32>, vector<16xi32>], vector<16xf32>,
      %mul3A_2180 = arith.constant 16 : i32
      %mul3A_2181 = arith.muli %scan3A_1222, %mul3A_2180 : i32
      %get3A_2182 = arith.index_cast %mul3A_2181 : i32 to index
      %get3A_2183 = tpu.vector_load %arg5[%get3A_2182] {strides = array<i32>} : memref<512xi32, #tpu.memory_space<vmem>>, vector<16xi32>,
      %slice3A_2184 = vector.extract_strided_slice %get3A_2183 {offsets = [11], sizes = [1], strides = [1]} : vector<16xi32> to vector<1xi32>
      %squeeze3A_2185 = vector.extract %slice3A_2184[0] : i32 from vector<1xi32>
      %shift_right_arithmetic3A_2186 = arith.constant 7 : i32
      %shift_right_arithmetic3A_2187 = arith.shrsi %squeeze3A_2185, %shift_right_arithmetic3A_2186 : i32
      %mul3A_2188 = arith.constant 128 : i32
      %mul3A_2189 = arith.muli %shift_right_arithmetic3A_2187, %mul3A_2188 : i32
      %multiple_of3A_2190 = tpu.assume_multiple %mul3A_2189, 128 : i32
      %dma_start3A_2191 = arith.constant 11 : i32
      %dma_start3A_2192 = arith.constant 11 : i32
      %dma_start3A_2193 = arith.constant 0 : i32
      %dma_start3A_2194 = arith.constant 0 : i32
      %dma_start3A_2195 = tpu.memref_slice %arg6[%dma_start3A_2191, %dma_start3A_2193, %dma_start3A_2194] : memref<16x32x128xf32, #tpu.memory_space<vmem>> -> memref<1x16x128xf32, #tpu.memory_space<vmem>>
      %dma_start3A_2196 = tpu.memref_squeeze %dma_start3A_2195 : memref<1x16x128xf32, #tpu.memory_space<vmem>> -> memref<16x128xf32, #tpu.memory_space<vmem>>
      %dma_start3A_2197 = arith.constant 0 : i32
      %dma_start3A_2198 = tpu.memref_slice %arg3[%dma_start3A_2197, %multiple_of3A_2190] : memref<32x1000000xf32, #tpu.memory_space<hbm>> -> memref<16x128xf32, #tpu.memory_space<hbm>>
      %dma_start3A_2199 = tpu.memref_slice %arg8[%dma_start3A_2192] : memref<16x!tpu.dma_semaphore, #tpu.memory_space<semaphore_mem>> -> memref<1x!tpu.dma_semaphore, #tpu.memory_space<semaphore_mem>>
      %dma_start3A_2200 = tpu.memref_squeeze %dma_start3A_2199 : memref<1x!tpu.dma_semaphore, #tpu.memory_space<semaphore_mem>> -> memref<!tpu.dma_semaphore, #tpu.memory_space<semaphore_mem>>
      %dma_start3A_2201 = arith.constant 0 : i32
      %dma_start3A_2202 = arith.constant 0 : i32
      %dma_start3A_2203 = tpu.memref_slice %arg6[%dma_start3A_2191, %dma_start3A_2201, %dma_start3A_2202] : memref<16x32x128xf32, #tpu.memory_space<vmem>> -> memref<1x16x128xf32, #tpu.memory_space<vmem>>
      %dma_start3A_2204 = tpu.memref_squeeze %dma_start3A_2203 : memref<1x16x128xf32, #tpu.memory_space<vmem>> -> memref<16x128xf32, #tpu.memory_space<vmem>>
      %dma_start3A_2205 = arith.constant 0 : i32
      %dma_start3A_2206 = tpu.memref_slice %arg3[%dma_start3A_2205, %multiple_of3A_2190] : memref<32x1000000xf32, #tpu.memory_space<hbm>> -> memref<16x128xf32, #tpu.memory_space<hbm>>
      tpu.enqueue_dma source(%dma_start3A_2206 : memref<16x128xf32, #tpu.memory_space<hbm>>) target(%dma_start3A_2204 : memref<16x128xf32, #tpu.memory_space<vmem>>) target_semaphore(%dma_start3A_2200 : memref<!tpu.dma_semaphore, #tpu.memory_space<semaphore_mem>>)
      %dma_start3A_2207 = arith.constant 11 : i32
      %dma_start3A_2208 = arith.constant 11 : i32
      %dma_start3A_2209 = arith.constant 16 : i32
      %dma_start3A_2210 = arith.constant 0 : i32
      %dma_start3A_2211 = tpu.memref_slice %arg6[%dma_start3A_2207, %dma_start3A_2209, %dma_start3A_2210] : memref<16x32x128xf32, #tpu.memory_space<vmem>> -> memref<1x16x128xf32, #tpu.memory_space<vmem>>
      %dma_start3A_2212 = tpu.memref_squeeze %dma_start3A_2211 : memref<1x16x128xf32, #tpu.memory_space<vmem>> -> memref<16x128xf32, #tpu.memory_space<vmem>>
      %dma_start3A_2213 = arith.constant 16 : i32
      %dma_start3A_2214 = tpu.memref_slice %arg3[%dma_start3A_2213, %multiple_of3A_2190] : memref<32x1000000xf32, #tpu.memory_space<hbm>> -> memref<16x128xf32, #tpu.memory_space<hbm>>
      %dma_start3A_2215 = tpu.memref_slice %arg8[%dma_start3A_2208] : memref<16x!tpu.dma_semaphore, #tpu.memory_space<semaphore_mem>> -> memref<1x!tpu.dma_semaphore, #tpu.memory_space<semaphore_mem>>
      %dma_start3A_2216 = tpu.memref_squeeze %dma_start3A_2215 : memref<1x!tpu.dma_semaphore, #tpu.memory_space<semaphore_mem>> -> memref<!tpu.dma_semaphore, #tpu.memory_space<semaphore_mem>>
      %dma_start3A_2217 = arith.constant 16 : i32
      %dma_start3A_2218 = arith.constant 0 : i32
      %dma_start3A_2219 = tpu.memref_slice %arg6[%dma_start3A_2207, %dma_start3A_2217, %dma_start3A_2218] : memref<16x32x128xf32, #tpu.memory_space<vmem>> -> memref<1x16x128xf32, #tpu.memory_space<vmem>>
      %dma_start3A_2220 = tpu.memref_squeeze %dma_start3A_2219 : memref<1x16x128xf32, #tpu.memory_space<vmem>> -> memref<16x128xf32, #tpu.memory_space<vmem>>
      %dma_start3A_2221 = arith.constant 16 : i32
      %dma_start3A_2222 = tpu.memref_slice %arg3[%dma_start3A_2221, %multiple_of3A_2190] : memref<32x1000000xf32, #tpu.memory_space<hbm>> -> memref<16x128xf32, #tpu.memory_space<hbm>>
      tpu.enqueue_dma source(%dma_start3A_2222 : memref<16x128xf32, #tpu.memory_space<hbm>>) target(%dma_start3A_2220 : memref<16x128xf32, #tpu.memory_space<vmem>>) target_semaphore(%dma_start3A_2216 : memref<!tpu.dma_semaphore, #tpu.memory_space<semaphore_mem>>)
      %dma_wait3A_2223 = arith.constant 12 : i32
      %dma_wait3A_2224 = arith.constant 12 : i32
      %dma_wait3A_2225 = arith.constant 0 : i32
      %dma_wait3A_2226 = arith.constant 0 : i32
      %dma_wait3A_2227 = tpu.memref_slice %arg6[%dma_wait3A_2223, %dma_wait3A_2225, %dma_wait3A_2226] : memref<16x32x128xf32, #tpu.memory_space<vmem>> -> memref<1x32x128xf32, #tpu.memory_space<vmem>>
      %dma_wait3A_2228 = tpu.memref_squeeze %dma_wait3A_2227 : memref<1x32x128xf32, #tpu.memory_space<vmem>> -> memref<32x128xf32, #tpu.memory_space<vmem>>
      %dma_wait3A_2229 = arith.constant 0 : i32
      %dma_wait3A_2230 = arith.constant 0 : i32
      %dma_wait3A_2231 = tpu.memref_slice %arg3[%dma_wait3A_2229, %dma_wait3A_2230] : memref<32x1000000xf32, #tpu.memory_space<hbm>> -> memref<32x128xf32, #tpu.memory_space<hbm>>
      %dma_wait3A_2232 = tpu.memref_slice %arg8[%dma_wait3A_2224] : memref<16x!tpu.dma_semaphore, #tpu.memory_space<semaphore_mem>> -> memref<1x!tpu.dma_semaphore, #tpu.memory_space<semaphore_mem>>
      %dma_wait3A_2233 = tpu.memref_squeeze %dma_wait3A_2232 : memref<1x!tpu.dma_semaphore, #tpu.memory_space<semaphore_mem>> -> memref<!tpu.dma_semaphore, #tpu.memory_space<semaphore_mem>>
      %dma_wait3A_2234 = arith.constant 0 : i32
      %dma_wait3A_2235 = arith.constant 0 : i32
      %dma_wait3A_2236 = tpu.memref_slice %arg6[%dma_wait3A_2223, %dma_wait3A_2234, %dma_wait3A_2235] : memref<16x32x128xf32, #tpu.memory_space<vmem>> -> memref<1x32x128xf32, #tpu.memory_space<vmem>>
      %dma_wait3A_2237 = tpu.memref_squeeze %dma_wait3A_2236 : memref<1x32x128xf32, #tpu.memory_space<vmem>> -> memref<32x128xf32, #tpu.memory_space<vmem>>
      %dma_wait3A_2238 = arith.constant 0 : i32
      %dma_wait3A_2239 = arith.constant 0 : i32
      %dma_wait3A_2240 = tpu.memref_slice %arg3[%dma_wait3A_2238, %dma_wait3A_2239] : memref<32x1000000xf32, #tpu.memory_space<hbm>> -> memref<32x128xf32, #tpu.memory_space<hbm>>
      tpu.wait_dma2 semaphore(%dma_wait3A_2233 : memref<!tpu.dma_semaphore, #tpu.memory_space<semaphore_mem>>) src(%dma_wait3A_2240 : memref<32x128xf32, #tpu.memory_space<hbm>>) dst(%dma_wait3A_2237 : memref<32x128xf32, #tpu.memory_space<vmem>>)
      %sub3A_2241 = arith.constant 1 : i32
      %sub3A_2242 = arith.subi %scan3A_1222, %sub3A_2241 : i32
      %slice3A_2243 = vector.extract_strided_slice %scan3A_1223 {offsets = [12], sizes = [1], strides = [1]} : vector<16xi32> to vector<1xi32>
      %squeeze3A_2244 = vector.extract %slice3A_2243[0] : i32 from vector<1xi32>
      %broadcast_in_dim3A_2245 = vector.broadcast %squeeze3A_2244 : i32 to vector<16xi32>
      %mul3A_2246 = arith.constant 16 : i32
      %mul3A_2247 = arith.muli %sub3A_2242, %mul3A_2246 : i32
      %add3A_2248 = arith.constant 12 : i32
      %add3A_2249 = arith.addi %mul3A_2247, %add3A_2248 : i32
      %broadcast_in_dim3A_2250 = vector.broadcast %add3A_2249 : i32 to vector<16xi32>
      %gather3A_2251 = arith.constant 12 : i32
      %gather3A_2252 = arith.constant 0 : i32
      %gather3A_2253 = arith.constant 0 : i32
      %gather3A_2254 = tpu.memref_slice %arg6[%gather3A_2251, %gather3A_2252, %gather3A_2253] : memref<16x32x128xf32, #tpu.memory_space<vmem>> -> memref<1x32x128xf32, #tpu.memory_space<vmem>>
      %gather3A_2255 = tpu.memref_squeeze %gather3A_2254 : memref<1x32x128xf32, #tpu.memory_space<vmem>> -> memref<32x128xf32, #tpu.memory_space<vmem>>
      %gather3A_2256 = tpu.vector_load_idx %gather3A_2255[%iota3A, %broadcast_in_dim3A_2245] : memref<32x128xf32, #tpu.memory_space<vmem>>[vector<16xi32>, vector<16xi32>], vector<16xf32>,
      %gather3A_2257 = arith.constant 12 : i32
      %gather3A_2258 = arith.constant 0 : i32
      %gather3A_2259 = arith.constant 0 : i32
      %gather3A_2260 = tpu.memref_slice %arg6[%gather3A_2257, %gather3A_2258, %gather3A_2259] : memref<16x32x128xf32, #tpu.memory_space<vmem>> -> memref<1x32x128xf32, #tpu.memory_space<vmem>>
      %gather3A_2261 = tpu.memref_squeeze %gather3A_2260 : memref<1x32x128xf32, #tpu.memory_space<vmem>> -> memref<32x128xf32, #tpu.memory_space<vmem>>
      %gather3A_2262 = tpu.vector_load_idx %gather3A_2261[%add3A_5, %broadcast_in_dim3A_2245] : memref<32x128xf32, #tpu.memory_space<vmem>>[vector<16xi32>, vector<16xi32>], vector<16xf32>,
      tpu.vector_store_idx %arg7[%iota3A, %broadcast_in_dim3A_2250], %gather3A_2256 : memref<32x512xf32, #tpu.memory_space<vmem>>[vector<16xi32>, vector<16xi32>], vector<16xf32>,
      tpu.vector_store_idx %arg7[%add3A_5, %broadcast_in_dim3A_2250], %gather3A_2262 : memref<32x512xf32, #tpu.memory_space<vmem>>[vector<16xi32>, vector<16xi32>], vector<16xf32>,
      %mul3A_2263 = arith.constant 16 : i32
      %mul3A_2264 = arith.muli %scan3A_1222, %mul3A_2263 : i32
      %get3A_2265 = arith.index_cast %mul3A_2264 : i32 to index
      %get3A_2266 = tpu.vector_load %arg5[%get3A_2265] {strides = array<i32>} : memref<512xi32, #tpu.memory_space<vmem>>, vector<16xi32>,
      %slice3A_2267 = vector.extract_strided_slice %get3A_2266 {offsets = [12], sizes = [1], strides = [1]} : vector<16xi32> to vector<1xi32>
      %squeeze3A_2268 = vector.extract %slice3A_2267[0] : i32 from vector<1xi32>
      %shift_right_arithmetic3A_2269 = arith.constant 7 : i32
      %shift_right_arithmetic3A_2270 = arith.shrsi %squeeze3A_2268, %shift_right_arithmetic3A_2269 : i32
      %mul3A_2271 = arith.constant 128 : i32
      %mul3A_2272 = arith.muli %shift_right_arithmetic3A_2270, %mul3A_2271 : i32
      %multiple_of3A_2273 = tpu.assume_multiple %mul3A_2272, 128 : i32
      %dma_start3A_2274 = arith.constant 12 : i32
      %dma_start3A_2275 = arith.constant 12 : i32
      %dma_start3A_2276 = arith.constant 0 : i32
      %dma_start3A_2277 = arith.constant 0 : i32
      %dma_start3A_2278 = tpu.memref_slice %arg6[%dma_start3A_2274, %dma_start3A_2276, %dma_start3A_2277] : memref<16x32x128xf32, #tpu.memory_space<vmem>> -> memref<1x16x128xf32, #tpu.memory_space<vmem>>
      %dma_start3A_2279 = tpu.memref_squeeze %dma_start3A_2278 : memref<1x16x128xf32, #tpu.memory_space<vmem>> -> memref<16x128xf32, #tpu.memory_space<vmem>>
      %dma_start3A_2280 = arith.constant 0 : i32
      %dma_start3A_2281 = tpu.memref_slice %arg3[%dma_start3A_2280, %multiple_of3A_2273] : memref<32x1000000xf32, #tpu.memory_space<hbm>> -> memref<16x128xf32, #tpu.memory_space<hbm>>
      %dma_start3A_2282 = tpu.memref_slice %arg8[%dma_start3A_2275] : memref<16x!tpu.dma_semaphore, #tpu.memory_space<semaphore_mem>> -> memref<1x!tpu.dma_semaphore, #tpu.memory_space<semaphore_mem>>
      %dma_start3A_2283 = tpu.memref_squeeze %dma_start3A_2282 : memref<1x!tpu.dma_semaphore, #tpu.memory_space<semaphore_mem>> -> memref<!tpu.dma_semaphore, #tpu.memory_space<semaphore_mem>>
      %dma_start3A_2284 = arith.constant 0 : i32
      %dma_start3A_2285 = arith.constant 0 : i32
      %dma_start3A_2286 = tpu.memref_slice %arg6[%dma_start3A_2274, %dma_start3A_2284, %dma_start3A_2285] : memref<16x32x128xf32, #tpu.memory_space<vmem>> -> memref<1x16x128xf32, #tpu.memory_space<vmem>>
      %dma_start3A_2287 = tpu.memref_squeeze %dma_start3A_2286 : memref<1x16x128xf32, #tpu.memory_space<vmem>> -> memref<16x128xf32, #tpu.memory_space<vmem>>
      %dma_start3A_2288 = arith.constant 0 : i32
      %dma_start3A_2289 = tpu.memref_slice %arg3[%dma_start3A_2288, %multiple_of3A_2273] : memref<32x1000000xf32, #tpu.memory_space<hbm>> -> memref<16x128xf32, #tpu.memory_space<hbm>>
      tpu.enqueue_dma source(%dma_start3A_2289 : memref<16x128xf32, #tpu.memory_space<hbm>>) target(%dma_start3A_2287 : memref<16x128xf32, #tpu.memory_space<vmem>>) target_semaphore(%dma_start3A_2283 : memref<!tpu.dma_semaphore, #tpu.memory_space<semaphore_mem>>)
      %dma_start3A_2290 = arith.constant 12 : i32
      %dma_start3A_2291 = arith.constant 12 : i32
      %dma_start3A_2292 = arith.constant 16 : i32
      %dma_start3A_2293 = arith.constant 0 : i32
      %dma_start3A_2294 = tpu.memref_slice %arg6[%dma_start3A_2290, %dma_start3A_2292, %dma_start3A_2293] : memref<16x32x128xf32, #tpu.memory_space<vmem>> -> memref<1x16x128xf32, #tpu.memory_space<vmem>>
      %dma_start3A_2295 = tpu.memref_squeeze %dma_start3A_2294 : memref<1x16x128xf32, #tpu.memory_space<vmem>> -> memref<16x128xf32, #tpu.memory_space<vmem>>
      %dma_start3A_2296 = arith.constant 16 : i32
      %dma_start3A_2297 = tpu.memref_slice %arg3[%dma_start3A_2296, %multiple_of3A_2273] : memref<32x1000000xf32, #tpu.memory_space<hbm>> -> memref<16x128xf32, #tpu.memory_space<hbm>>
      %dma_start3A_2298 = tpu.memref_slice %arg8[%dma_start3A_2291] : memref<16x!tpu.dma_semaphore, #tpu.memory_space<semaphore_mem>> -> memref<1x!tpu.dma_semaphore, #tpu.memory_space<semaphore_mem>>
      %dma_start3A_2299 = tpu.memref_squeeze %dma_start3A_2298 : memref<1x!tpu.dma_semaphore, #tpu.memory_space<semaphore_mem>> -> memref<!tpu.dma_semaphore, #tpu.memory_space<semaphore_mem>>
      %dma_start3A_2300 = arith.constant 16 : i32
      %dma_start3A_2301 = arith.constant 0 : i32
      %dma_start3A_2302 = tpu.memref_slice %arg6[%dma_start3A_2290, %dma_start3A_2300, %dma_start3A_2301] : memref<16x32x128xf32, #tpu.memory_space<vmem>> -> memref<1x16x128xf32, #tpu.memory_space<vmem>>
      %dma_start3A_2303 = tpu.memref_squeeze %dma_start3A_2302 : memref<1x16x128xf32, #tpu.memory_space<vmem>> -> memref<16x128xf32, #tpu.memory_space<vmem>>
      %dma_start3A_2304 = arith.constant 16 : i32
      %dma_start3A_2305 = tpu.memref_slice %arg3[%dma_start3A_2304, %multiple_of3A_2273] : memref<32x1000000xf32, #tpu.memory_space<hbm>> -> memref<16x128xf32, #tpu.memory_space<hbm>>
      tpu.enqueue_dma source(%dma_start3A_2305 : memref<16x128xf32, #tpu.memory_space<hbm>>) target(%dma_start3A_2303 : memref<16x128xf32, #tpu.memory_space<vmem>>) target_semaphore(%dma_start3A_2299 : memref<!tpu.dma_semaphore, #tpu.memory_space<semaphore_mem>>)
      %dma_wait3A_2306 = arith.constant 13 : i32
      %dma_wait3A_2307 = arith.constant 13 : i32
      %dma_wait3A_2308 = arith.constant 0 : i32
      %dma_wait3A_2309 = arith.constant 0 : i32
      %dma_wait3A_2310 = tpu.memref_slice %arg6[%dma_wait3A_2306, %dma_wait3A_2308, %dma_wait3A_2309] : memref<16x32x128xf32, #tpu.memory_space<vmem>> -> memref<1x32x128xf32, #tpu.memory_space<vmem>>
      %dma_wait3A_2311 = tpu.memref_squeeze %dma_wait3A_2310 : memref<1x32x128xf32, #tpu.memory_space<vmem>> -> memref<32x128xf32, #tpu.memory_space<vmem>>
      %dma_wait3A_2312 = arith.constant 0 : i32
      %dma_wait3A_2313 = arith.constant 0 : i32
      %dma_wait3A_2314 = tpu.memref_slice %arg3[%dma_wait3A_2312, %dma_wait3A_2313] : memref<32x1000000xf32, #tpu.memory_space<hbm>> -> memref<32x128xf32, #tpu.memory_space<hbm>>
      %dma_wait3A_2315 = tpu.memref_slice %arg8[%dma_wait3A_2307] : memref<16x!tpu.dma_semaphore, #tpu.memory_space<semaphore_mem>> -> memref<1x!tpu.dma_semaphore, #tpu.memory_space<semaphore_mem>>
      %dma_wait3A_2316 = tpu.memref_squeeze %dma_wait3A_2315 : memref<1x!tpu.dma_semaphore, #tpu.memory_space<semaphore_mem>> -> memref<!tpu.dma_semaphore, #tpu.memory_space<semaphore_mem>>
      %dma_wait3A_2317 = arith.constant 0 : i32
      %dma_wait3A_2318 = arith.constant 0 : i32
      %dma_wait3A_2319 = tpu.memref_slice %arg6[%dma_wait3A_2306, %dma_wait3A_2317, %dma_wait3A_2318] : memref<16x32x128xf32, #tpu.memory_space<vmem>> -> memref<1x32x128xf32, #tpu.memory_space<vmem>>
      %dma_wait3A_2320 = tpu.memref_squeeze %dma_wait3A_2319 : memref<1x32x128xf32, #tpu.memory_space<vmem>> -> memref<32x128xf32, #tpu.memory_space<vmem>>
      %dma_wait3A_2321 = arith.constant 0 : i32
      %dma_wait3A_2322 = arith.constant 0 : i32
      %dma_wait3A_2323 = tpu.memref_slice %arg3[%dma_wait3A_2321, %dma_wait3A_2322] : memref<32x1000000xf32, #tpu.memory_space<hbm>> -> memref<32x128xf32, #tpu.memory_space<hbm>>
      tpu.wait_dma2 semaphore(%dma_wait3A_2316 : memref<!tpu.dma_semaphore, #tpu.memory_space<semaphore_mem>>) src(%dma_wait3A_2323 : memref<32x128xf32, #tpu.memory_space<hbm>>) dst(%dma_wait3A_2320 : memref<32x128xf32, #tpu.memory_space<vmem>>)
      %sub3A_2324 = arith.constant 1 : i32
      %sub3A_2325 = arith.subi %scan3A_1222, %sub3A_2324 : i32
      %slice3A_2326 = vector.extract_strided_slice %scan3A_1223 {offsets = [13], sizes = [1], strides = [1]} : vector<16xi32> to vector<1xi32>
      %squeeze3A_2327 = vector.extract %slice3A_2326[0] : i32 from vector<1xi32>
      %broadcast_in_dim3A_2328 = vector.broadcast %squeeze3A_2327 : i32 to vector<16xi32>
      %mul3A_2329 = arith.constant 16 : i32
      %mul3A_2330 = arith.muli %sub3A_2325, %mul3A_2329 : i32
      %add3A_2331 = arith.constant 13 : i32
      %add3A_2332 = arith.addi %mul3A_2330, %add3A_2331 : i32
      %broadcast_in_dim3A_2333 = vector.broadcast %add3A_2332 : i32 to vector<16xi32>
      %gather3A_2334 = arith.constant 13 : i32
      %gather3A_2335 = arith.constant 0 : i32
      %gather3A_2336 = arith.constant 0 : i32
      %gather3A_2337 = tpu.memref_slice %arg6[%gather3A_2334, %gather3A_2335, %gather3A_2336] : memref<16x32x128xf32, #tpu.memory_space<vmem>> -> memref<1x32x128xf32, #tpu.memory_space<vmem>>
      %gather3A_2338 = tpu.memref_squeeze %gather3A_2337 : memref<1x32x128xf32, #tpu.memory_space<vmem>> -> memref<32x128xf32, #tpu.memory_space<vmem>>
      %gather3A_2339 = tpu.vector_load_idx %gather3A_2338[%iota3A, %broadcast_in_dim3A_2328] : memref<32x128xf32, #tpu.memory_space<vmem>>[vector<16xi32>, vector<16xi32>], vector<16xf32>,
      %gather3A_2340 = arith.constant 13 : i32
      %gather3A_2341 = arith.constant 0 : i32
      %gather3A_2342 = arith.constant 0 : i32
      %gather3A_2343 = tpu.memref_slice %arg6[%gather3A_2340, %gather3A_2341, %gather3A_2342] : memref<16x32x128xf32, #tpu.memory_space<vmem>> -> memref<1x32x128xf32, #tpu.memory_space<vmem>>
      %gather3A_2344 = tpu.memref_squeeze %gather3A_2343 : memref<1x32x128xf32, #tpu.memory_space<vmem>> -> memref<32x128xf32, #tpu.memory_space<vmem>>
      %gather3A_2345 = tpu.vector_load_idx %gather3A_2344[%add3A_5, %broadcast_in_dim3A_2328] : memref<32x128xf32, #tpu.memory_space<vmem>>[vector<16xi32>, vector<16xi32>], vector<16xf32>,
      tpu.vector_store_idx %arg7[%iota3A, %broadcast_in_dim3A_2333], %gather3A_2339 : memref<32x512xf32, #tpu.memory_space<vmem>>[vector<16xi32>, vector<16xi32>], vector<16xf32>,
      tpu.vector_store_idx %arg7[%add3A_5, %broadcast_in_dim3A_2333], %gather3A_2345 : memref<32x512xf32, #tpu.memory_space<vmem>>[vector<16xi32>, vector<16xi32>], vector<16xf32>,
      %mul3A_2346 = arith.constant 16 : i32
      %mul3A_2347 = arith.muli %scan3A_1222, %mul3A_2346 : i32
      %get3A_2348 = arith.index_cast %mul3A_2347 : i32 to index
      %get3A_2349 = tpu.vector_load %arg5[%get3A_2348] {strides = array<i32>} : memref<512xi32, #tpu.memory_space<vmem>>, vector<16xi32>,
      %slice3A_2350 = vector.extract_strided_slice %get3A_2349 {offsets = [13], sizes = [1], strides = [1]} : vector<16xi32> to vector<1xi32>
      %squeeze3A_2351 = vector.extract %slice3A_2350[0] : i32 from vector<1xi32>
      %shift_right_arithmetic3A_2352 = arith.constant 7 : i32
      %shift_right_arithmetic3A_2353 = arith.shrsi %squeeze3A_2351, %shift_right_arithmetic3A_2352 : i32
      %mul3A_2354 = arith.constant 128 : i32
      %mul3A_2355 = arith.muli %shift_right_arithmetic3A_2353, %mul3A_2354 : i32
      %multiple_of3A_2356 = tpu.assume_multiple %mul3A_2355, 128 : i32
      %dma_start3A_2357 = arith.constant 13 : i32
      %dma_start3A_2358 = arith.constant 13 : i32
      %dma_start3A_2359 = arith.constant 0 : i32
      %dma_start3A_2360 = arith.constant 0 : i32
      %dma_start3A_2361 = tpu.memref_slice %arg6[%dma_start3A_2357, %dma_start3A_2359, %dma_start3A_2360] : memref<16x32x128xf32, #tpu.memory_space<vmem>> -> memref<1x16x128xf32, #tpu.memory_space<vmem>>
      %dma_start3A_2362 = tpu.memref_squeeze %dma_start3A_2361 : memref<1x16x128xf32, #tpu.memory_space<vmem>> -> memref<16x128xf32, #tpu.memory_space<vmem>>
      %dma_start3A_2363 = arith.constant 0 : i32
      %dma_start3A_2364 = tpu.memref_slice %arg3[%dma_start3A_2363, %multiple_of3A_2356] : memref<32x1000000xf32, #tpu.memory_space<hbm>> -> memref<16x128xf32, #tpu.memory_space<hbm>>
      %dma_start3A_2365 = tpu.memref_slice %arg8[%dma_start3A_2358] : memref<16x!tpu.dma_semaphore, #tpu.memory_space<semaphore_mem>> -> memref<1x!tpu.dma_semaphore, #tpu.memory_space<semaphore_mem>>
      %dma_start3A_2366 = tpu.memref_squeeze %dma_start3A_2365 : memref<1x!tpu.dma_semaphore, #tpu.memory_space<semaphore_mem>> -> memref<!tpu.dma_semaphore, #tpu.memory_space<semaphore_mem>>
      %dma_start3A_2367 = arith.constant 0 : i32
      %dma_start3A_2368 = arith.constant 0 : i32
      %dma_start3A_2369 = tpu.memref_slice %arg6[%dma_start3A_2357, %dma_start3A_2367, %dma_start3A_2368] : memref<16x32x128xf32, #tpu.memory_space<vmem>> -> memref<1x16x128xf32, #tpu.memory_space<vmem>>
      %dma_start3A_2370 = tpu.memref_squeeze %dma_start3A_2369 : memref<1x16x128xf32, #tpu.memory_space<vmem>> -> memref<16x128xf32, #tpu.memory_space<vmem>>
      %dma_start3A_2371 = arith.constant 0 : i32
      %dma_start3A_2372 = tpu.memref_slice %arg3[%dma_start3A_2371, %multiple_of3A_2356] : memref<32x1000000xf32, #tpu.memory_space<hbm>> -> memref<16x128xf32, #tpu.memory_space<hbm>>
      tpu.enqueue_dma source(%dma_start3A_2372 : memref<16x128xf32, #tpu.memory_space<hbm>>) target(%dma_start3A_2370 : memref<16x128xf32, #tpu.memory_space<vmem>>) target_semaphore(%dma_start3A_2366 : memref<!tpu.dma_semaphore, #tpu.memory_space<semaphore_mem>>)
      %dma_start3A_2373 = arith.constant 13 : i32
      %dma_start3A_2374 = arith.constant 13 : i32
      %dma_start3A_2375 = arith.constant 16 : i32
      %dma_start3A_2376 = arith.constant 0 : i32
      %dma_start3A_2377 = tpu.memref_slice %arg6[%dma_start3A_2373, %dma_start3A_2375, %dma_start3A_2376] : memref<16x32x128xf32, #tpu.memory_space<vmem>> -> memref<1x16x128xf32, #tpu.memory_space<vmem>>
      %dma_start3A_2378 = tpu.memref_squeeze %dma_start3A_2377 : memref<1x16x128xf32, #tpu.memory_space<vmem>> -> memref<16x128xf32, #tpu.memory_space<vmem>>
      %dma_start3A_2379 = arith.constant 16 : i32
      %dma_start3A_2380 = tpu.memref_slice %arg3[%dma_start3A_2379, %multiple_of3A_2356] : memref<32x1000000xf32, #tpu.memory_space<hbm>> -> memref<16x128xf32, #tpu.memory_space<hbm>>
      %dma_start3A_2381 = tpu.memref_slice %arg8[%dma_start3A_2374] : memref<16x!tpu.dma_semaphore, #tpu.memory_space<semaphore_mem>> -> memref<1x!tpu.dma_semaphore, #tpu.memory_space<semaphore_mem>>
      %dma_start3A_2382 = tpu.memref_squeeze %dma_start3A_2381 : memref<1x!tpu.dma_semaphore, #tpu.memory_space<semaphore_mem>> -> memref<!tpu.dma_semaphore, #tpu.memory_space<semaphore_mem>>
      %dma_start3A_2383 = arith.constant 16 : i32
      %dma_start3A_2384 = arith.constant 0 : i32
      %dma_start3A_2385 = tpu.memref_slice %arg6[%dma_start3A_2373, %dma_start3A_2383, %dma_start3A_2384] : memref<16x32x128xf32, #tpu.memory_space<vmem>> -> memref<1x16x128xf32, #tpu.memory_space<vmem>>
      %dma_start3A_2386 = tpu.memref_squeeze %dma_start3A_2385 : memref<1x16x128xf32, #tpu.memory_space<vmem>> -> memref<16x128xf32, #tpu.memory_space<vmem>>
      %dma_start3A_2387 = arith.constant 16 : i32
      %dma_start3A_2388 = tpu.memref_slice %arg3[%dma_start3A_2387, %multiple_of3A_2356] : memref<32x1000000xf32, #tpu.memory_space<hbm>> -> memref<16x128xf32, #tpu.memory_space<hbm>>
      tpu.enqueue_dma source(%dma_start3A_2388 : memref<16x128xf32, #tpu.memory_space<hbm>>) target(%dma_start3A_2386 : memref<16x128xf32, #tpu.memory_space<vmem>>) target_semaphore(%dma_start3A_2382 : memref<!tpu.dma_semaphore, #tpu.memory_space<semaphore_mem>>)
      %dma_wait3A_2389 = arith.constant 14 : i32
      %dma_wait3A_2390 = arith.constant 14 : i32
      %dma_wait3A_2391 = arith.constant 0 : i32
      %dma_wait3A_2392 = arith.constant 0 : i32
      %dma_wait3A_2393 = tpu.memref_slice %arg6[%dma_wait3A_2389, %dma_wait3A_2391, %dma_wait3A_2392] : memref<16x32x128xf32, #tpu.memory_space<vmem>> -> memref<1x32x128xf32, #tpu.memory_space<vmem>>
      %dma_wait3A_2394 = tpu.memref_squeeze %dma_wait3A_2393 : memref<1x32x128xf32, #tpu.memory_space<vmem>> -> memref<32x128xf32, #tpu.memory_space<vmem>>
      %dma_wait3A_2395 = arith.constant 0 : i32
      %dma_wait3A_2396 = arith.constant 0 : i32
      %dma_wait3A_2397 = tpu.memref_slice %arg3[%dma_wait3A_2395, %dma_wait3A_2396] : memref<32x1000000xf32, #tpu.memory_space<hbm>> -> memref<32x128xf32, #tpu.memory_space<hbm>>
      %dma_wait3A_2398 = tpu.memref_slice %arg8[%dma_wait3A_2390] : memref<16x!tpu.dma_semaphore, #tpu.memory_space<semaphore_mem>> -> memref<1x!tpu.dma_semaphore, #tpu.memory_space<semaphore_mem>>
      %dma_wait3A_2399 = tpu.memref_squeeze %dma_wait3A_2398 : memref<1x!tpu.dma_semaphore, #tpu.memory_space<semaphore_mem>> -> memref<!tpu.dma_semaphore, #tpu.memory_space<semaphore_mem>>
      %dma_wait3A_2400 = arith.constant 0 : i32
      %dma_wait3A_2401 = arith.constant 0 : i32
      %dma_wait3A_2402 = tpu.memref_slice %arg6[%dma_wait3A_2389, %dma_wait3A_2400, %dma_wait3A_2401] : memref<16x32x128xf32, #tpu.memory_space<vmem>> -> memref<1x32x128xf32, #tpu.memory_space<vmem>>
      %dma_wait3A_2403 = tpu.memref_squeeze %dma_wait3A_2402 : memref<1x32x128xf32, #tpu.memory_space<vmem>> -> memref<32x128xf32, #tpu.memory_space<vmem>>
      %dma_wait3A_2404 = arith.constant 0 : i32
      %dma_wait3A_2405 = arith.constant 0 : i32
      %dma_wait3A_2406 = tpu.memref_slice %arg3[%dma_wait3A_2404, %dma_wait3A_2405] : memref<32x1000000xf32, #tpu.memory_space<hbm>> -> memref<32x128xf32, #tpu.memory_space<hbm>>
      tpu.wait_dma2 semaphore(%dma_wait3A_2399 : memref<!tpu.dma_semaphore, #tpu.memory_space<semaphore_mem>>) src(%dma_wait3A_2406 : memref<32x128xf32, #tpu.memory_space<hbm>>) dst(%dma_wait3A_2403 : memref<32x128xf32, #tpu.memory_space<vmem>>)
      %sub3A_2407 = arith.constant 1 : i32
      %sub3A_2408 = arith.subi %scan3A_1222, %sub3A_2407 : i32
      %slice3A_2409 = vector.extract_strided_slice %scan3A_1223 {offsets = [14], sizes = [1], strides = [1]} : vector<16xi32> to vector<1xi32>
      %squeeze3A_2410 = vector.extract %slice3A_2409[0] : i32 from vector<1xi32>
      %broadcast_in_dim3A_2411 = vector.broadcast %squeeze3A_2410 : i32 to vector<16xi32>
      %mul3A_2412 = arith.constant 16 : i32
      %mul3A_2413 = arith.muli %sub3A_2408, %mul3A_2412 : i32
      %add3A_2414 = arith.constant 14 : i32
      %add3A_2415 = arith.addi %mul3A_2413, %add3A_2414 : i32
      %broadcast_in_dim3A_2416 = vector.broadcast %add3A_2415 : i32 to vector<16xi32>
      %gather3A_2417 = arith.constant 14 : i32
      %gather3A_2418 = arith.constant 0 : i32
      %gather3A_2419 = arith.constant 0 : i32
      %gather3A_2420 = tpu.memref_slice %arg6[%gather3A_2417, %gather3A_2418, %gather3A_2419] : memref<16x32x128xf32, #tpu.memory_space<vmem>> -> memref<1x32x128xf32, #tpu.memory_space<vmem>>
      %gather3A_2421 = tpu.memref_squeeze %gather3A_2420 : memref<1x32x128xf32, #tpu.memory_space<vmem>> -> memref<32x128xf32, #tpu.memory_space<vmem>>
      %gather3A_2422 = tpu.vector_load_idx %gather3A_2421[%iota3A, %broadcast_in_dim3A_2411] : memref<32x128xf32, #tpu.memory_space<vmem>>[vector<16xi32>, vector<16xi32>], vector<16xf32>,
      %gather3A_2423 = arith.constant 14 : i32
      %gather3A_2424 = arith.constant 0 : i32
      %gather3A_2425 = arith.constant 0 : i32
      %gather3A_2426 = tpu.memref_slice %arg6[%gather3A_2423, %gather3A_2424, %gather3A_2425] : memref<16x32x128xf32, #tpu.memory_space<vmem>> -> memref<1x32x128xf32, #tpu.memory_space<vmem>>
      %gather3A_2427 = tpu.memref_squeeze %gather3A_2426 : memref<1x32x128xf32, #tpu.memory_space<vmem>> -> memref<32x128xf32, #tpu.memory_space<vmem>>
      %gather3A_2428 = tpu.vector_load_idx %gather3A_2427[%add3A_5, %broadcast_in_dim3A_2411] : memref<32x128xf32, #tpu.memory_space<vmem>>[vector<16xi32>, vector<16xi32>], vector<16xf32>,
      tpu.vector_store_idx %arg7[%iota3A, %broadcast_in_dim3A_2416], %gather3A_2422 : memref<32x512xf32, #tpu.memory_space<vmem>>[vector<16xi32>, vector<16xi32>], vector<16xf32>,
      tpu.vector_store_idx %arg7[%add3A_5, %broadcast_in_dim3A_2416], %gather3A_2428 : memref<32x512xf32, #tpu.memory_space<vmem>>[vector<16xi32>, vector<16xi32>], vector<16xf32>,
      %mul3A_2429 = arith.constant 16 : i32
      %mul3A_2430 = arith.muli %scan3A_1222, %mul3A_2429 : i32
      %get3A_2431 = arith.index_cast %mul3A_2430 : i32 to index
      %get3A_2432 = tpu.vector_load %arg5[%get3A_2431] {strides = array<i32>} : memref<512xi32, #tpu.memory_space<vmem>>, vector<16xi32>,
      %slice3A_2433 = vector.extract_strided_slice %get3A_2432 {offsets = [14], sizes = [1], strides = [1]} : vector<16xi32> to vector<1xi32>
      %squeeze3A_2434 = vector.extract %slice3A_2433[0] : i32 from vector<1xi32>
      %shift_right_arithmetic3A_2435 = arith.constant 7 : i32
      %shift_right_arithmetic3A_2436 = arith.shrsi %squeeze3A_2434, %shift_right_arithmetic3A_2435 : i32
      %mul3A_2437 = arith.constant 128 : i32
      %mul3A_2438 = arith.muli %shift_right_arithmetic3A_2436, %mul3A_2437 : i32
      %multiple_of3A_2439 = tpu.assume_multiple %mul3A_2438, 128 : i32
      %dma_start3A_2440 = arith.constant 14 : i32
      %dma_start3A_2441 = arith.constant 14 : i32
      %dma_start3A_2442 = arith.constant 0 : i32
      %dma_start3A_2443 = arith.constant 0 : i32
      %dma_start3A_2444 = tpu.memref_slice %arg6[%dma_start3A_2440, %dma_start3A_2442, %dma_start3A_2443] : memref<16x32x128xf32, #tpu.memory_space<vmem>> -> memref<1x16x128xf32, #tpu.memory_space<vmem>>
      %dma_start3A_2445 = tpu.memref_squeeze %dma_start3A_2444 : memref<1x16x128xf32, #tpu.memory_space<vmem>> -> memref<16x128xf32, #tpu.memory_space<vmem>>
      %dma_start3A_2446 = arith.constant 0 : i32
      %dma_start3A_2447 = tpu.memref_slice %arg3[%dma_start3A_2446, %multiple_of3A_2439] : memref<32x1000000xf32, #tpu.memory_space<hbm>> -> memref<16x128xf32, #tpu.memory_space<hbm>>
      %dma_start3A_2448 = tpu.memref_slice %arg8[%dma_start3A_2441] : memref<16x!tpu.dma_semaphore, #tpu.memory_space<semaphore_mem>> -> memref<1x!tpu.dma_semaphore, #tpu.memory_space<semaphore_mem>>
      %dma_start3A_2449 = tpu.memref_squeeze %dma_start3A_2448 : memref<1x!tpu.dma_semaphore, #tpu.memory_space<semaphore_mem>> -> memref<!tpu.dma_semaphore, #tpu.memory_space<semaphore_mem>>
      %dma_start3A_2450 = arith.constant 0 : i32
      %dma_start3A_2451 = arith.constant 0 : i32
      %dma_start3A_2452 = tpu.memref_slice %arg6[%dma_start3A_2440, %dma_start3A_2450, %dma_start3A_2451] : memref<16x32x128xf32, #tpu.memory_space<vmem>> -> memref<1x16x128xf32, #tpu.memory_space<vmem>>
      %dma_start3A_2453 = tpu.memref_squeeze %dma_start3A_2452 : memref<1x16x128xf32, #tpu.memory_space<vmem>> -> memref<16x128xf32, #tpu.memory_space<vmem>>
      %dma_start3A_2454 = arith.constant 0 : i32
      %dma_start3A_2455 = tpu.memref_slice %arg3[%dma_start3A_2454, %multiple_of3A_2439] : memref<32x1000000xf32, #tpu.memory_space<hbm>> -> memref<16x128xf32, #tpu.memory_space<hbm>>
      tpu.enqueue_dma source(%dma_start3A_2455 : memref<16x128xf32, #tpu.memory_space<hbm>>) target(%dma_start3A_2453 : memref<16x128xf32, #tpu.memory_space<vmem>>) target_semaphore(%dma_start3A_2449 : memref<!tpu.dma_semaphore, #tpu.memory_space<semaphore_mem>>)
      %dma_start3A_2456 = arith.constant 14 : i32
      %dma_start3A_2457 = arith.constant 14 : i32
      %dma_start3A_2458 = arith.constant 16 : i32
      %dma_start3A_2459 = arith.constant 0 : i32
      %dma_start3A_2460 = tpu.memref_slice %arg6[%dma_start3A_2456, %dma_start3A_2458, %dma_start3A_2459] : memref<16x32x128xf32, #tpu.memory_space<vmem>> -> memref<1x16x128xf32, #tpu.memory_space<vmem>>
      %dma_start3A_2461 = tpu.memref_squeeze %dma_start3A_2460 : memref<1x16x128xf32, #tpu.memory_space<vmem>> -> memref<16x128xf32, #tpu.memory_space<vmem>>
      %dma_start3A_2462 = arith.constant 16 : i32
      %dma_start3A_2463 = tpu.memref_slice %arg3[%dma_start3A_2462, %multiple_of3A_2439] : memref<32x1000000xf32, #tpu.memory_space<hbm>> -> memref<16x128xf32, #tpu.memory_space<hbm>>
      %dma_start3A_2464 = tpu.memref_slice %arg8[%dma_start3A_2457] : memref<16x!tpu.dma_semaphore, #tpu.memory_space<semaphore_mem>> -> memref<1x!tpu.dma_semaphore, #tpu.memory_space<semaphore_mem>>
      %dma_start3A_2465 = tpu.memref_squeeze %dma_start3A_2464 : memref<1x!tpu.dma_semaphore, #tpu.memory_space<semaphore_mem>> -> memref<!tpu.dma_semaphore, #tpu.memory_space<semaphore_mem>>
      %dma_start3A_2466 = arith.constant 16 : i32
      %dma_start3A_2467 = arith.constant 0 : i32
      %dma_start3A_2468 = tpu.memref_slice %arg6[%dma_start3A_2456, %dma_start3A_2466, %dma_start3A_2467] : memref<16x32x128xf32, #tpu.memory_space<vmem>> -> memref<1x16x128xf32, #tpu.memory_space<vmem>>
      %dma_start3A_2469 = tpu.memref_squeeze %dma_start3A_2468 : memref<1x16x128xf32, #tpu.memory_space<vmem>> -> memref<16x128xf32, #tpu.memory_space<vmem>>
      %dma_start3A_2470 = arith.constant 16 : i32
      %dma_start3A_2471 = tpu.memref_slice %arg3[%dma_start3A_2470, %multiple_of3A_2439] : memref<32x1000000xf32, #tpu.memory_space<hbm>> -> memref<16x128xf32, #tpu.memory_space<hbm>>
      tpu.enqueue_dma source(%dma_start3A_2471 : memref<16x128xf32, #tpu.memory_space<hbm>>) target(%dma_start3A_2469 : memref<16x128xf32, #tpu.memory_space<vmem>>) target_semaphore(%dma_start3A_2465 : memref<!tpu.dma_semaphore, #tpu.memory_space<semaphore_mem>>)
      %dma_wait3A_2472 = arith.constant 15 : i32
      %dma_wait3A_2473 = arith.constant 15 : i32
      %dma_wait3A_2474 = arith.constant 0 : i32
      %dma_wait3A_2475 = arith.constant 0 : i32
      %dma_wait3A_2476 = tpu.memref_slice %arg6[%dma_wait3A_2472, %dma_wait3A_2474, %dma_wait3A_2475] : memref<16x32x128xf32, #tpu.memory_space<vmem>> -> memref<1x32x128xf32, #tpu.memory_space<vmem>>
      %dma_wait3A_2477 = tpu.memref_squeeze %dma_wait3A_2476 : memref<1x32x128xf32, #tpu.memory_space<vmem>> -> memref<32x128xf32, #tpu.memory_space<vmem>>
      %dma_wait3A_2478 = arith.constant 0 : i32
      %dma_wait3A_2479 = arith.constant 0 : i32
      %dma_wait3A_2480 = tpu.memref_slice %arg3[%dma_wait3A_2478, %dma_wait3A_2479] : memref<32x1000000xf32, #tpu.memory_space<hbm>> -> memref<32x128xf32, #tpu.memory_space<hbm>>
      %dma_wait3A_2481 = tpu.memref_slice %arg8[%dma_wait3A_2473] : memref<16x!tpu.dma_semaphore, #tpu.memory_space<semaphore_mem>> -> memref<1x!tpu.dma_semaphore, #tpu.memory_space<semaphore_mem>>
      %dma_wait3A_2482 = tpu.memref_squeeze %dma_wait3A_2481 : memref<1x!tpu.dma_semaphore, #tpu.memory_space<semaphore_mem>> -> memref<!tpu.dma_semaphore, #tpu.memory_space<semaphore_mem>>
      %dma_wait3A_2483 = arith.constant 0 : i32
      %dma_wait3A_2484 = arith.constant 0 : i32
      %dma_wait3A_2485 = tpu.memref_slice %arg6[%dma_wait3A_2472, %dma_wait3A_2483, %dma_wait3A_2484] : memref<16x32x128xf32, #tpu.memory_space<vmem>> -> memref<1x32x128xf32, #tpu.memory_space<vmem>>
      %dma_wait3A_2486 = tpu.memref_squeeze %dma_wait3A_2485 : memref<1x32x128xf32, #tpu.memory_space<vmem>> -> memref<32x128xf32, #tpu.memory_space<vmem>>
      %dma_wait3A_2487 = arith.constant 0 : i32
      %dma_wait3A_2488 = arith.constant 0 : i32
      %dma_wait3A_2489 = tpu.memref_slice %arg3[%dma_wait3A_2487, %dma_wait3A_2488] : memref<32x1000000xf32, #tpu.memory_space<hbm>> -> memref<32x128xf32, #tpu.memory_space<hbm>>
      tpu.wait_dma2 semaphore(%dma_wait3A_2482 : memref<!tpu.dma_semaphore, #tpu.memory_space<semaphore_mem>>) src(%dma_wait3A_2489 : memref<32x128xf32, #tpu.memory_space<hbm>>) dst(%dma_wait3A_2486 : memref<32x128xf32, #tpu.memory_space<vmem>>)
      %sub3A_2490 = arith.constant 1 : i32
      %sub3A_2491 = arith.subi %scan3A_1222, %sub3A_2490 : i32
      %slice3A_2492 = vector.extract_strided_slice %scan3A_1223 {offsets = [15], sizes = [1], strides = [1]} : vector<16xi32> to vector<1xi32>
      %squeeze3A_2493 = vector.extract %slice3A_2492[0] : i32 from vector<1xi32>
      %broadcast_in_dim3A_2494 = vector.broadcast %squeeze3A_2493 : i32 to vector<16xi32>
      %mul3A_2495 = arith.constant 16 : i32
      %mul3A_2496 = arith.muli %sub3A_2491, %mul3A_2495 : i32
      %add3A_2497 = arith.constant 15 : i32
      %add3A_2498 = arith.addi %mul3A_2496, %add3A_2497 : i32
      %broadcast_in_dim3A_2499 = vector.broadcast %add3A_2498 : i32 to vector<16xi32>
      %gather3A_2500 = arith.constant 15 : i32
      %gather3A_2501 = arith.constant 0 : i32
      %gather3A_2502 = arith.constant 0 : i32
      %gather3A_2503 = tpu.memref_slice %arg6[%gather3A_2500, %gather3A_2501, %gather3A_2502] : memref<16x32x128xf32, #tpu.memory_space<vmem>> -> memref<1x32x128xf32, #tpu.memory_space<vmem>>
      %gather3A_2504 = tpu.memref_squeeze %gather3A_2503 : memref<1x32x128xf32, #tpu.memory_space<vmem>> -> memref<32x128xf32, #tpu.memory_space<vmem>>
      %gather3A_2505 = tpu.vector_load_idx %gather3A_2504[%iota3A, %broadcast_in_dim3A_2494] : memref<32x128xf32, #tpu.memory_space<vmem>>[vector<16xi32>, vector<16xi32>], vector<16xf32>,
      %gather3A_2506 = arith.constant 15 : i32
      %gather3A_2507 = arith.constant 0 : i32
      %gather3A_2508 = arith.constant 0 : i32
      %gather3A_2509 = tpu.memref_slice %arg6[%gather3A_2506, %gather3A_2507, %gather3A_2508] : memref<16x32x128xf32, #tpu.memory_space<vmem>> -> memref<1x32x128xf32, #tpu.memory_space<vmem>>
      %gather3A_2510 = tpu.memref_squeeze %gather3A_2509 : memref<1x32x128xf32, #tpu.memory_space<vmem>> -> memref<32x128xf32, #tpu.memory_space<vmem>>
      %gather3A_2511 = tpu.vector_load_idx %gather3A_2510[%add3A_5, %broadcast_in_dim3A_2494] : memref<32x128xf32, #tpu.memory_space<vmem>>[vector<16xi32>, vector<16xi32>], vector<16xf32>,
      tpu.vector_store_idx %arg7[%iota3A, %broadcast_in_dim3A_2499], %gather3A_2505 : memref<32x512xf32, #tpu.memory_space<vmem>>[vector<16xi32>, vector<16xi32>], vector<16xf32>,
      tpu.vector_store_idx %arg7[%add3A_5, %broadcast_in_dim3A_2499], %gather3A_2511 : memref<32x512xf32, #tpu.memory_space<vmem>>[vector<16xi32>, vector<16xi32>], vector<16xf32>,
      %mul3A_2512 = arith.constant 16 : i32
      %mul3A_2513 = arith.muli %scan3A_1222, %mul3A_2512 : i32
      %get3A_2514 = arith.index_cast %mul3A_2513 : i32 to index
      %get3A_2515 = tpu.vector_load %arg5[%get3A_2514] {strides = array<i32>} : memref<512xi32, #tpu.memory_space<vmem>>, vector<16xi32>,
      %slice3A_2516 = vector.extract_strided_slice %get3A_2515 {offsets = [15], sizes = [1], strides = [1]} : vector<16xi32> to vector<1xi32>
      %squeeze3A_2517 = vector.extract %slice3A_2516[0] : i32 from vector<1xi32>
      %shift_right_arithmetic3A_2518 = arith.constant 7 : i32
      %shift_right_arithmetic3A_2519 = arith.shrsi %squeeze3A_2517, %shift_right_arithmetic3A_2518 : i32
      %mul3A_2520 = arith.constant 128 : i32
      %mul3A_2521 = arith.muli %shift_right_arithmetic3A_2519, %mul3A_2520 : i32
      %multiple_of3A_2522 = tpu.assume_multiple %mul3A_2521, 128 : i32
      %dma_start3A_2523 = arith.constant 15 : i32
      %dma_start3A_2524 = arith.constant 15 : i32
      %dma_start3A_2525 = arith.constant 0 : i32
      %dma_start3A_2526 = arith.constant 0 : i32
      %dma_start3A_2527 = tpu.memref_slice %arg6[%dma_start3A_2523, %dma_start3A_2525, %dma_start3A_2526] : memref<16x32x128xf32, #tpu.memory_space<vmem>> -> memref<1x16x128xf32, #tpu.memory_space<vmem>>
      %dma_start3A_2528 = tpu.memref_squeeze %dma_start3A_2527 : memref<1x16x128xf32, #tpu.memory_space<vmem>> -> memref<16x128xf32, #tpu.memory_space<vmem>>
      %dma_start3A_2529 = arith.constant 0 : i32
      %dma_start3A_2530 = tpu.memref_slice %arg3[%dma_start3A_2529, %multiple_of3A_2522] : memref<32x1000000xf32, #tpu.memory_space<hbm>> -> memref<16x128xf32, #tpu.memory_space<hbm>>
      %dma_start3A_2531 = tpu.memref_slice %arg8[%dma_start3A_2524] : memref<16x!tpu.dma_semaphore, #tpu.memory_space<semaphore_mem>> -> memref<1x!tpu.dma_semaphore, #tpu.memory_space<semaphore_mem>>
      %dma_start3A_2532 = tpu.memref_squeeze %dma_start3A_2531 : memref<1x!tpu.dma_semaphore, #tpu.memory_space<semaphore_mem>> -> memref<!tpu.dma_semaphore, #tpu.memory_space<semaphore_mem>>
      %dma_start3A_2533 = arith.constant 0 : i32
      %dma_start3A_2534 = arith.constant 0 : i32
      %dma_start3A_2535 = tpu.memref_slice %arg6[%dma_start3A_2523, %dma_start3A_2533, %dma_start3A_2534] : memref<16x32x128xf32, #tpu.memory_space<vmem>> -> memref<1x16x128xf32, #tpu.memory_space<vmem>>
      %dma_start3A_2536 = tpu.memref_squeeze %dma_start3A_2535 : memref<1x16x128xf32, #tpu.memory_space<vmem>> -> memref<16x128xf32, #tpu.memory_space<vmem>>
      %dma_start3A_2537 = arith.constant 0 : i32
      %dma_start3A_2538 = tpu.memref_slice %arg3[%dma_start3A_2537, %multiple_of3A_2522] : memref<32x1000000xf32, #tpu.memory_space<hbm>> -> memref<16x128xf32, #tpu.memory_space<hbm>>
      tpu.enqueue_dma source(%dma_start3A_2538 : memref<16x128xf32, #tpu.memory_space<hbm>>) target(%dma_start3A_2536 : memref<16x128xf32, #tpu.memory_space<vmem>>) target_semaphore(%dma_start3A_2532 : memref<!tpu.dma_semaphore, #tpu.memory_space<semaphore_mem>>)
      %dma_start3A_2539 = arith.constant 15 : i32
      %dma_start3A_2540 = arith.constant 15 : i32
      %dma_start3A_2541 = arith.constant 16 : i32
      %dma_start3A_2542 = arith.constant 0 : i32
      %dma_start3A_2543 = tpu.memref_slice %arg6[%dma_start3A_2539, %dma_start3A_2541, %dma_start3A_2542] : memref<16x32x128xf32, #tpu.memory_space<vmem>> -> memref<1x16x128xf32, #tpu.memory_space<vmem>>
      %dma_start3A_2544 = tpu.memref_squeeze %dma_start3A_2543 : memref<1x16x128xf32, #tpu.memory_space<vmem>> -> memref<16x128xf32, #tpu.memory_space<vmem>>
      %dma_start3A_2545 = arith.constant 16 : i32
      %dma_start3A_2546 = tpu.memref_slice %arg3[%dma_start3A_2545, %multiple_of3A_2522] : memref<32x1000000xf32, #tpu.memory_space<hbm>> -> memref<16x128xf32, #tpu.memory_space<hbm>>
      %dma_start3A_2547 = tpu.memref_slice %arg8[%dma_start3A_2540] : memref<16x!tpu.dma_semaphore, #tpu.memory_space<semaphore_mem>> -> memref<1x!tpu.dma_semaphore, #tpu.memory_space<semaphore_mem>>
      %dma_start3A_2548 = tpu.memref_squeeze %dma_start3A_2547 : memref<1x!tpu.dma_semaphore, #tpu.memory_space<semaphore_mem>> -> memref<!tpu.dma_semaphore, #tpu.memory_space<semaphore_mem>>
      %dma_start3A_2549 = arith.constant 16 : i32
      %dma_start3A_2550 = arith.constant 0 : i32
      %dma_start3A_2551 = tpu.memref_slice %arg6[%dma_start3A_2539, %dma_start3A_2549, %dma_start3A_2550] : memref<16x32x128xf32, #tpu.memory_space<vmem>> -> memref<1x16x128xf32, #tpu.memory_space<vmem>>
      %dma_start3A_2552 = tpu.memref_squeeze %dma_start3A_2551 : memref<1x16x128xf32, #tpu.memory_space<vmem>> -> memref<16x128xf32, #tpu.memory_space<vmem>>
      %dma_start3A_2553 = arith.constant 16 : i32
      %dma_start3A_2554 = tpu.memref_slice %arg3[%dma_start3A_2553, %multiple_of3A_2522] : memref<32x1000000xf32, #tpu.memory_space<hbm>> -> memref<16x128xf32, #tpu.memory_space<hbm>>
      tpu.enqueue_dma source(%dma_start3A_2554 : memref<16x128xf32, #tpu.memory_space<hbm>>) target(%dma_start3A_2552 : memref<16x128xf32, #tpu.memory_space<vmem>>) target_semaphore(%dma_start3A_2548 : memref<!tpu.dma_semaphore, #tpu.memory_space<semaphore_mem>>)
      %and3A_2555 = arith.constant 127 : i32
      %and3A_2556 = vector.broadcast %and3A_2555 : i32 to vector<16xi32>
      %and3A_2557 = arith.andi %get3A_1227, %and3A_2556 : vector<16xi32>
      scf.yield %and3A_2557 : vector<16xi32>
    }
    %scan3A_664 = arith.constant 31 : i32
    %dma_wait3A = arith.constant 0 : i32
    %dma_wait3A_665 = arith.constant 0 : i32
    %dma_wait3A_666 = arith.constant 0 : i32
    %dma_wait3A_667 = arith.constant 0 : i32
    %dma_wait3A_668 = tpu.memref_slice %arg6[%dma_wait3A, %dma_wait3A_666, %dma_wait3A_667] : memref<16x32x128xf32, #tpu.memory_space<vmem>> -> memref<1x32x128xf32, #tpu.memory_space<vmem>>
    %dma_wait3A_669 = tpu.memref_squeeze %dma_wait3A_668 : memref<1x32x128xf32, #tpu.memory_space<vmem>> -> memref<32x128xf32, #tpu.memory_space<vmem>>
    %dma_wait3A_670 = arith.constant 0 : i32
    %dma_wait3A_671 = arith.constant 0 : i32
    %dma_wait3A_672 = tpu.memref_slice %arg3[%dma_wait3A_670, %dma_wait3A_671] : memref<32x1000000xf32, #tpu.memory_space<hbm>> -> memref<32x128xf32, #tpu.memory_space<hbm>>
    %dma_wait3A_673 = tpu.memref_slice %arg8[%dma_wait3A_665] : memref<16x!tpu.dma_semaphore, #tpu.memory_space<semaphore_mem>> -> memref<1x!tpu.dma_semaphore, #tpu.memory_space<semaphore_mem>>
    %dma_wait3A_674 = tpu.memref_squeeze %dma_wait3A_673 : memref<1x!tpu.dma_semaphore, #tpu.memory_space<semaphore_mem>> -> memref<!tpu.dma_semaphore, #tpu.memory_space<semaphore_mem>>
    %dma_wait3A_675 = arith.constant 0 : i32
    %dma_wait3A_676 = arith.constant 0 : i32
    %dma_wait3A_677 = tpu.memref_slice %arg6[%dma_wait3A, %dma_wait3A_675, %dma_wait3A_676] : memref<16x32x128xf32, #tpu.memory_space<vmem>> -> memref<1x32x128xf32, #tpu.memory_space<vmem>>
    %dma_wait3A_678 = tpu.memref_squeeze %dma_wait3A_677 : memref<1x32x128xf32, #tpu.memory_space<vmem>> -> memref<32x128xf32, #tpu.memory_space<vmem>>
    %dma_wait3A_679 = arith.constant 0 : i32
    %dma_wait3A_680 = arith.constant 0 : i32
    %dma_wait3A_681 = tpu.memref_slice %arg3[%dma_wait3A_679, %dma_wait3A_680] : memref<32x1000000xf32, #tpu.memory_space<hbm>> -> memref<32x128xf32, #tpu.memory_space<hbm>>
    tpu.wait_dma2 semaphore(%dma_wait3A_674 : memref<!tpu.dma_semaphore, #tpu.memory_space<semaphore_mem>>) src(%dma_wait3A_681 : memref<32x128xf32, #tpu.memory_space<hbm>>) dst(%dma_wait3A_678 : memref<32x128xf32, #tpu.memory_space<vmem>>)
    %slice3A_682 = vector.extract_strided_slice %scan3A_663 {offsets = [0], sizes = [1], strides = [1]} : vector<16xi32> to vector<1xi32>
    %squeeze3A_683 = vector.extract %slice3A_682[0] : i32 from vector<1xi32>
    %broadcast_in_dim3A = vector.broadcast %squeeze3A_683 : i32 to vector<16xi32>
    %broadcast_in_dim3A_684 = arith.constant 496 : i32
    %broadcast_in_dim3A_685 = vector.broadcast %broadcast_in_dim3A_684 : i32 to vector<16xi32>
    %gather3A = arith.constant 0 : i32
    %gather3A_686 = arith.constant 0 : i32
    %gather3A_687 = arith.constant 0 : i32
    %gather3A_688 = tpu.memref_slice %arg6[%gather3A, %gather3A_686, %gather3A_687] : memref<16x32x128xf32, #tpu.memory_space<vmem>> -> memref<1x32x128xf32, #tpu.memory_space<vmem>>
    %gather3A_689 = tpu.memref_squeeze %gather3A_688 : memref<1x32x128xf32, #tpu.memory_space<vmem>> -> memref<32x128xf32, #tpu.memory_space<vmem>>
    %gather3A_690 = tpu.vector_load_idx %gather3A_689[%iota3A, %broadcast_in_dim3A] : memref<32x128xf32, #tpu.memory_space<vmem>>[vector<16xi32>, vector<16xi32>], vector<16xf32>,
    %gather3A_691 = arith.constant 0 : i32
    %gather3A_692 = arith.constant 0 : i32
    %gather3A_693 = arith.constant 0 : i32
    %gather3A_694 = tpu.memref_slice %arg6[%gather3A_691, %gather3A_692, %gather3A_693] : memref<16x32x128xf32, #tpu.memory_space<vmem>> -> memref<1x32x128xf32, #tpu.memory_space<vmem>>
    %gather3A_695 = tpu.memref_squeeze %gather3A_694 : memref<1x32x128xf32, #tpu.memory_space<vmem>> -> memref<32x128xf32, #tpu.memory_space<vmem>>
    %gather3A_696 = tpu.vector_load_idx %gather3A_695[%add3A_5, %broadcast_in_dim3A] : memref<32x128xf32, #tpu.memory_space<vmem>>[vector<16xi32>, vector<16xi32>], vector<16xf32>,
    tpu.vector_store_idx %arg7[%iota3A, %broadcast_in_dim3A_685], %gather3A_690 : memref<32x512xf32, #tpu.memory_space<vmem>>[vector<16xi32>, vector<16xi32>], vector<16xf32>,
    tpu.vector_store_idx %arg7[%add3A_5, %broadcast_in_dim3A_685], %gather3A_696 : memref<32x512xf32, #tpu.memory_space<vmem>>[vector<16xi32>, vector<16xi32>], vector<16xf32>,
    %dma_wait3A_697 = arith.constant 1 : i32
    %dma_wait3A_698 = arith.constant 1 : i32
    %dma_wait3A_699 = arith.constant 0 : i32
    %dma_wait3A_700 = arith.constant 0 : i32
    %dma_wait3A_701 = tpu.memref_slice %arg6[%dma_wait3A_697, %dma_wait3A_699, %dma_wait3A_700] : memref<16x32x128xf32, #tpu.memory_space<vmem>> -> memref<1x32x128xf32, #tpu.memory_space<vmem>>
    %dma_wait3A_702 = tpu.memref_squeeze %dma_wait3A_701 : memref<1x32x128xf32, #tpu.memory_space<vmem>> -> memref<32x128xf32, #tpu.memory_space<vmem>>
    %dma_wait3A_703 = arith.constant 0 : i32
    %dma_wait3A_704 = arith.constant 0 : i32
    %dma_wait3A_705 = tpu.memref_slice %arg3[%dma_wait3A_703, %dma_wait3A_704] : memref<32x1000000xf32, #tpu.memory_space<hbm>> -> memref<32x128xf32, #tpu.memory_space<hbm>>
    %dma_wait3A_706 = tpu.memref_slice %arg8[%dma_wait3A_698] : memref<16x!tpu.dma_semaphore, #tpu.memory_space<semaphore_mem>> -> memref<1x!tpu.dma_semaphore, #tpu.memory_space<semaphore_mem>>
    %dma_wait3A_707 = tpu.memref_squeeze %dma_wait3A_706 : memref<1x!tpu.dma_semaphore, #tpu.memory_space<semaphore_mem>> -> memref<!tpu.dma_semaphore, #tpu.memory_space<semaphore_mem>>
    %dma_wait3A_708 = arith.constant 0 : i32
    %dma_wait3A_709 = arith.constant 0 : i32
    %dma_wait3A_710 = tpu.memref_slice %arg6[%dma_wait3A_697, %dma_wait3A_708, %dma_wait3A_709] : memref<16x32x128xf32, #tpu.memory_space<vmem>> -> memref<1x32x128xf32, #tpu.memory_space<vmem>>
    %dma_wait3A_711 = tpu.memref_squeeze %dma_wait3A_710 : memref<1x32x128xf32, #tpu.memory_space<vmem>> -> memref<32x128xf32, #tpu.memory_space<vmem>>
    %dma_wait3A_712 = arith.constant 0 : i32
    %dma_wait3A_713 = arith.constant 0 : i32
    %dma_wait3A_714 = tpu.memref_slice %arg3[%dma_wait3A_712, %dma_wait3A_713] : memref<32x1000000xf32, #tpu.memory_space<hbm>> -> memref<32x128xf32, #tpu.memory_space<hbm>>
    tpu.wait_dma2 semaphore(%dma_wait3A_707 : memref<!tpu.dma_semaphore, #tpu.memory_space<semaphore_mem>>) src(%dma_wait3A_714 : memref<32x128xf32, #tpu.memory_space<hbm>>) dst(%dma_wait3A_711 : memref<32x128xf32, #tpu.memory_space<vmem>>)
    %slice3A_715 = vector.extract_strided_slice %scan3A_663 {offsets = [1], sizes = [1], strides = [1]} : vector<16xi32> to vector<1xi32>
    %squeeze3A_716 = vector.extract %slice3A_715[0] : i32 from vector<1xi32>
    %broadcast_in_dim3A_717 = vector.broadcast %squeeze3A_716 : i32 to vector<16xi32>
    %broadcast_in_dim3A_718 = arith.constant 497 : i32
    %broadcast_in_dim3A_719 = vector.broadcast %broadcast_in_dim3A_718 : i32 to vector<16xi32>
    %gather3A_720 = arith.constant 1 : i32
    %gather3A_721 = arith.constant 0 : i32
    %gather3A_722 = arith.constant 0 : i32
    %gather3A_723 = tpu.memref_slice %arg6[%gather3A_720, %gather3A_721, %gather3A_722] : memref<16x32x128xf32, #tpu.memory_space<vmem>> -> memref<1x32x128xf32, #tpu.memory_space<vmem>>
    %gather3A_724 = tpu.memref_squeeze %gather3A_723 : memref<1x32x128xf32, #tpu.memory_space<vmem>> -> memref<32x128xf32, #tpu.memory_space<vmem>>
    %gather3A_725 = tpu.vector_load_idx %gather3A_724[%iota3A, %broadcast_in_dim3A_717] : memref<32x128xf32, #tpu.memory_space<vmem>>[vector<16xi32>, vector<16xi32>], vector<16xf32>,
    %gather3A_726 = arith.constant 1 : i32
    %gather3A_727 = arith.constant 0 : i32
    %gather3A_728 = arith.constant 0 : i32
    %gather3A_729 = tpu.memref_slice %arg6[%gather3A_726, %gather3A_727, %gather3A_728] : memref<16x32x128xf32, #tpu.memory_space<vmem>> -> memref<1x32x128xf32, #tpu.memory_space<vmem>>
    %gather3A_730 = tpu.memref_squeeze %gather3A_729 : memref<1x32x128xf32, #tpu.memory_space<vmem>> -> memref<32x128xf32, #tpu.memory_space<vmem>>
    %gather3A_731 = tpu.vector_load_idx %gather3A_730[%add3A_5, %broadcast_in_dim3A_717] : memref<32x128xf32, #tpu.memory_space<vmem>>[vector<16xi32>, vector<16xi32>], vector<16xf32>,
    tpu.vector_store_idx %arg7[%iota3A, %broadcast_in_dim3A_719], %gather3A_725 : memref<32x512xf32, #tpu.memory_space<vmem>>[vector<16xi32>, vector<16xi32>], vector<16xf32>,
    tpu.vector_store_idx %arg7[%add3A_5, %broadcast_in_dim3A_719], %gather3A_731 : memref<32x512xf32, #tpu.memory_space<vmem>>[vector<16xi32>, vector<16xi32>], vector<16xf32>,
    %dma_wait3A_732 = arith.constant 2 : i32
    %dma_wait3A_733 = arith.constant 2 : i32
    %dma_wait3A_734 = arith.constant 0 : i32
    %dma_wait3A_735 = arith.constant 0 : i32
    %dma_wait3A_736 = tpu.memref_slice %arg6[%dma_wait3A_732, %dma_wait3A_734, %dma_wait3A_735] : memref<16x32x128xf32, #tpu.memory_space<vmem>> -> memref<1x32x128xf32, #tpu.memory_space<vmem>>
    %dma_wait3A_737 = tpu.memref_squeeze %dma_wait3A_736 : memref<1x32x128xf32, #tpu.memory_space<vmem>> -> memref<32x128xf32, #tpu.memory_space<vmem>>
    %dma_wait3A_738 = arith.constant 0 : i32
    %dma_wait3A_739 = arith.constant 0 : i32
    %dma_wait3A_740 = tpu.memref_slice %arg3[%dma_wait3A_738, %dma_wait3A_739] : memref<32x1000000xf32, #tpu.memory_space<hbm>> -> memref<32x128xf32, #tpu.memory_space<hbm>>
    %dma_wait3A_741 = tpu.memref_slice %arg8[%dma_wait3A_733] : memref<16x!tpu.dma_semaphore, #tpu.memory_space<semaphore_mem>> -> memref<1x!tpu.dma_semaphore, #tpu.memory_space<semaphore_mem>>
    %dma_wait3A_742 = tpu.memref_squeeze %dma_wait3A_741 : memref<1x!tpu.dma_semaphore, #tpu.memory_space<semaphore_mem>> -> memref<!tpu.dma_semaphore, #tpu.memory_space<semaphore_mem>>
    %dma_wait3A_743 = arith.constant 0 : i32
    %dma_wait3A_744 = arith.constant 0 : i32
    %dma_wait3A_745 = tpu.memref_slice %arg6[%dma_wait3A_732, %dma_wait3A_743, %dma_wait3A_744] : memref<16x32x128xf32, #tpu.memory_space<vmem>> -> memref<1x32x128xf32, #tpu.memory_space<vmem>>
    %dma_wait3A_746 = tpu.memref_squeeze %dma_wait3A_745 : memref<1x32x128xf32, #tpu.memory_space<vmem>> -> memref<32x128xf32, #tpu.memory_space<vmem>>
    %dma_wait3A_747 = arith.constant 0 : i32
    %dma_wait3A_748 = arith.constant 0 : i32
    %dma_wait3A_749 = tpu.memref_slice %arg3[%dma_wait3A_747, %dma_wait3A_748] : memref<32x1000000xf32, #tpu.memory_space<hbm>> -> memref<32x128xf32, #tpu.memory_space<hbm>>
    tpu.wait_dma2 semaphore(%dma_wait3A_742 : memref<!tpu.dma_semaphore, #tpu.memory_space<semaphore_mem>>) src(%dma_wait3A_749 : memref<32x128xf32, #tpu.memory_space<hbm>>) dst(%dma_wait3A_746 : memref<32x128xf32, #tpu.memory_space<vmem>>)
    %slice3A_750 = vector.extract_strided_slice %scan3A_663 {offsets = [2], sizes = [1], strides = [1]} : vector<16xi32> to vector<1xi32>
    %squeeze3A_751 = vector.extract %slice3A_750[0] : i32 from vector<1xi32>
    %broadcast_in_dim3A_752 = vector.broadcast %squeeze3A_751 : i32 to vector<16xi32>
    %broadcast_in_dim3A_753 = arith.constant 498 : i32
    %broadcast_in_dim3A_754 = vector.broadcast %broadcast_in_dim3A_753 : i32 to vector<16xi32>
    %gather3A_755 = arith.constant 2 : i32
    %gather3A_756 = arith.constant 0 : i32
    %gather3A_757 = arith.constant 0 : i32
    %gather3A_758 = tpu.memref_slice %arg6[%gather3A_755, %gather3A_756, %gather3A_757] : memref<16x32x128xf32, #tpu.memory_space<vmem>> -> memref<1x32x128xf32, #tpu.memory_space<vmem>>
    %gather3A_759 = tpu.memref_squeeze %gather3A_758 : memref<1x32x128xf32, #tpu.memory_space<vmem>> -> memref<32x128xf32, #tpu.memory_space<vmem>>
    %gather3A_760 = tpu.vector_load_idx %gather3A_759[%iota3A, %broadcast_in_dim3A_752] : memref<32x128xf32, #tpu.memory_space<vmem>>[vector<16xi32>, vector<16xi32>], vector<16xf32>,
    %gather3A_761 = arith.constant 2 : i32
    %gather3A_762 = arith.constant 0 : i32
    %gather3A_763 = arith.constant 0 : i32
    %gather3A_764 = tpu.memref_slice %arg6[%gather3A_761, %gather3A_762, %gather3A_763] : memref<16x32x128xf32, #tpu.memory_space<vmem>> -> memref<1x32x128xf32, #tpu.memory_space<vmem>>
    %gather3A_765 = tpu.memref_squeeze %gather3A_764 : memref<1x32x128xf32, #tpu.memory_space<vmem>> -> memref<32x128xf32, #tpu.memory_space<vmem>>
    %gather3A_766 = tpu.vector_load_idx %gather3A_765[%add3A_5, %broadcast_in_dim3A_752] : memref<32x128xf32, #tpu.memory_space<vmem>>[vector<16xi32>, vector<16xi32>], vector<16xf32>,
    tpu.vector_store_idx %arg7[%iota3A, %broadcast_in_dim3A_754], %gather3A_760 : memref<32x512xf32, #tpu.memory_space<vmem>>[vector<16xi32>, vector<16xi32>], vector<16xf32>,
    tpu.vector_store_idx %arg7[%add3A_5, %broadcast_in_dim3A_754], %gather3A_766 : memref<32x512xf32, #tpu.memory_space<vmem>>[vector<16xi32>, vector<16xi32>], vector<16xf32>,
    %dma_wait3A_767 = arith.constant 3 : i32
    %dma_wait3A_768 = arith.constant 3 : i32
    %dma_wait3A_769 = arith.constant 0 : i32
    %dma_wait3A_770 = arith.constant 0 : i32
    %dma_wait3A_771 = tpu.memref_slice %arg6[%dma_wait3A_767, %dma_wait3A_769, %dma_wait3A_770] : memref<16x32x128xf32, #tpu.memory_space<vmem>> -> memref<1x32x128xf32, #tpu.memory_space<vmem>>
    %dma_wait3A_772 = tpu.memref_squeeze %dma_wait3A_771 : memref<1x32x128xf32, #tpu.memory_space<vmem>> -> memref<32x128xf32, #tpu.memory_space<vmem>>
    %dma_wait3A_773 = arith.constant 0 : i32
    %dma_wait3A_774 = arith.constant 0 : i32
    %dma_wait3A_775 = tpu.memref_slice %arg3[%dma_wait3A_773, %dma_wait3A_774] : memref<32x1000000xf32, #tpu.memory_space<hbm>> -> memref<32x128xf32, #tpu.memory_space<hbm>>
    %dma_wait3A_776 = tpu.memref_slice %arg8[%dma_wait3A_768] : memref<16x!tpu.dma_semaphore, #tpu.memory_space<semaphore_mem>> -> memref<1x!tpu.dma_semaphore, #tpu.memory_space<semaphore_mem>>
    %dma_wait3A_777 = tpu.memref_squeeze %dma_wait3A_776 : memref<1x!tpu.dma_semaphore, #tpu.memory_space<semaphore_mem>> -> memref<!tpu.dma_semaphore, #tpu.memory_space<semaphore_mem>>
    %dma_wait3A_778 = arith.constant 0 : i32
    %dma_wait3A_779 = arith.constant 0 : i32
    %dma_wait3A_780 = tpu.memref_slice %arg6[%dma_wait3A_767, %dma_wait3A_778, %dma_wait3A_779] : memref<16x32x128xf32, #tpu.memory_space<vmem>> -> memref<1x32x128xf32, #tpu.memory_space<vmem>>
    %dma_wait3A_781 = tpu.memref_squeeze %dma_wait3A_780 : memref<1x32x128xf32, #tpu.memory_space<vmem>> -> memref<32x128xf32, #tpu.memory_space<vmem>>
    %dma_wait3A_782 = arith.constant 0 : i32
    %dma_wait3A_783 = arith.constant 0 : i32
    %dma_wait3A_784 = tpu.memref_slice %arg3[%dma_wait3A_782, %dma_wait3A_783] : memref<32x1000000xf32, #tpu.memory_space<hbm>> -> memref<32x128xf32, #tpu.memory_space<hbm>>
    tpu.wait_dma2 semaphore(%dma_wait3A_777 : memref<!tpu.dma_semaphore, #tpu.memory_space<semaphore_mem>>) src(%dma_wait3A_784 : memref<32x128xf32, #tpu.memory_space<hbm>>) dst(%dma_wait3A_781 : memref<32x128xf32, #tpu.memory_space<vmem>>)
    %slice3A_785 = vector.extract_strided_slice %scan3A_663 {offsets = [3], sizes = [1], strides = [1]} : vector<16xi32> to vector<1xi32>
    %squeeze3A_786 = vector.extract %slice3A_785[0] : i32 from vector<1xi32>
    %broadcast_in_dim3A_787 = vector.broadcast %squeeze3A_786 : i32 to vector<16xi32>
    %broadcast_in_dim3A_788 = arith.constant 499 : i32
    %broadcast_in_dim3A_789 = vector.broadcast %broadcast_in_dim3A_788 : i32 to vector<16xi32>
    %gather3A_790 = arith.constant 3 : i32
    %gather3A_791 = arith.constant 0 : i32
    %gather3A_792 = arith.constant 0 : i32
    %gather3A_793 = tpu.memref_slice %arg6[%gather3A_790, %gather3A_791, %gather3A_792] : memref<16x32x128xf32, #tpu.memory_space<vmem>> -> memref<1x32x128xf32, #tpu.memory_space<vmem>>
    %gather3A_794 = tpu.memref_squeeze %gather3A_793 : memref<1x32x128xf32, #tpu.memory_space<vmem>> -> memref<32x128xf32, #tpu.memory_space<vmem>>
    %gather3A_795 = tpu.vector_load_idx %gather3A_794[%iota3A, %broadcast_in_dim3A_787] : memref<32x128xf32, #tpu.memory_space<vmem>>[vector<16xi32>, vector<16xi32>], vector<16xf32>,
    %gather3A_796 = arith.constant 3 : i32
    %gather3A_797 = arith.constant 0 : i32
    %gather3A_798 = arith.constant 0 : i32
    %gather3A_799 = tpu.memref_slice %arg6[%gather3A_796, %gather3A_797, %gather3A_798] : memref<16x32x128xf32, #tpu.memory_space<vmem>> -> memref<1x32x128xf32, #tpu.memory_space<vmem>>
    %gather3A_800 = tpu.memref_squeeze %gather3A_799 : memref<1x32x128xf32, #tpu.memory_space<vmem>> -> memref<32x128xf32, #tpu.memory_space<vmem>>
    %gather3A_801 = tpu.vector_load_idx %gather3A_800[%add3A_5, %broadcast_in_dim3A_787] : memref<32x128xf32, #tpu.memory_space<vmem>>[vector<16xi32>, vector<16xi32>], vector<16xf32>,
    tpu.vector_store_idx %arg7[%iota3A, %broadcast_in_dim3A_789], %gather3A_795 : memref<32x512xf32, #tpu.memory_space<vmem>>[vector<16xi32>, vector<16xi32>], vector<16xf32>,
    tpu.vector_store_idx %arg7[%add3A_5, %broadcast_in_dim3A_789], %gather3A_801 : memref<32x512xf32, #tpu.memory_space<vmem>>[vector<16xi32>, vector<16xi32>], vector<16xf32>,
    %dma_wait3A_802 = arith.constant 4 : i32
    %dma_wait3A_803 = arith.constant 4 : i32
    %dma_wait3A_804 = arith.constant 0 : i32
    %dma_wait3A_805 = arith.constant 0 : i32
    %dma_wait3A_806 = tpu.memref_slice %arg6[%dma_wait3A_802, %dma_wait3A_804, %dma_wait3A_805] : memref<16x32x128xf32, #tpu.memory_space<vmem>> -> memref<1x32x128xf32, #tpu.memory_space<vmem>>
    %dma_wait3A_807 = tpu.memref_squeeze %dma_wait3A_806 : memref<1x32x128xf32, #tpu.memory_space<vmem>> -> memref<32x128xf32, #tpu.memory_space<vmem>>
    %dma_wait3A_808 = arith.constant 0 : i32
    %dma_wait3A_809 = arith.constant 0 : i32
    %dma_wait3A_810 = tpu.memref_slice %arg3[%dma_wait3A_808, %dma_wait3A_809] : memref<32x1000000xf32, #tpu.memory_space<hbm>> -> memref<32x128xf32, #tpu.memory_space<hbm>>
    %dma_wait3A_811 = tpu.memref_slice %arg8[%dma_wait3A_803] : memref<16x!tpu.dma_semaphore, #tpu.memory_space<semaphore_mem>> -> memref<1x!tpu.dma_semaphore, #tpu.memory_space<semaphore_mem>>
    %dma_wait3A_812 = tpu.memref_squeeze %dma_wait3A_811 : memref<1x!tpu.dma_semaphore, #tpu.memory_space<semaphore_mem>> -> memref<!tpu.dma_semaphore, #tpu.memory_space<semaphore_mem>>
    %dma_wait3A_813 = arith.constant 0 : i32
    %dma_wait3A_814 = arith.constant 0 : i32
    %dma_wait3A_815 = tpu.memref_slice %arg6[%dma_wait3A_802, %dma_wait3A_813, %dma_wait3A_814] : memref<16x32x128xf32, #tpu.memory_space<vmem>> -> memref<1x32x128xf32, #tpu.memory_space<vmem>>
    %dma_wait3A_816 = tpu.memref_squeeze %dma_wait3A_815 : memref<1x32x128xf32, #tpu.memory_space<vmem>> -> memref<32x128xf32, #tpu.memory_space<vmem>>
    %dma_wait3A_817 = arith.constant 0 : i32
    %dma_wait3A_818 = arith.constant 0 : i32
    %dma_wait3A_819 = tpu.memref_slice %arg3[%dma_wait3A_817, %dma_wait3A_818] : memref<32x1000000xf32, #tpu.memory_space<hbm>> -> memref<32x128xf32, #tpu.memory_space<hbm>>
    tpu.wait_dma2 semaphore(%dma_wait3A_812 : memref<!tpu.dma_semaphore, #tpu.memory_space<semaphore_mem>>) src(%dma_wait3A_819 : memref<32x128xf32, #tpu.memory_space<hbm>>) dst(%dma_wait3A_816 : memref<32x128xf32, #tpu.memory_space<vmem>>)
    %slice3A_820 = vector.extract_strided_slice %scan3A_663 {offsets = [4], sizes = [1], strides = [1]} : vector<16xi32> to vector<1xi32>
    %squeeze3A_821 = vector.extract %slice3A_820[0] : i32 from vector<1xi32>
    %broadcast_in_dim3A_822 = vector.broadcast %squeeze3A_821 : i32 to vector<16xi32>
    %broadcast_in_dim3A_823 = arith.constant 500 : i32
    %broadcast_in_dim3A_824 = vector.broadcast %broadcast_in_dim3A_823 : i32 to vector<16xi32>
    %gather3A_825 = arith.constant 4 : i32
    %gather3A_826 = arith.constant 0 : i32
    %gather3A_827 = arith.constant 0 : i32
    %gather3A_828 = tpu.memref_slice %arg6[%gather3A_825, %gather3A_826, %gather3A_827] : memref<16x32x128xf32, #tpu.memory_space<vmem>> -> memref<1x32x128xf32, #tpu.memory_space<vmem>>
    %gather3A_829 = tpu.memref_squeeze %gather3A_828 : memref<1x32x128xf32, #tpu.memory_space<vmem>> -> memref<32x128xf32, #tpu.memory_space<vmem>>
    %gather3A_830 = tpu.vector_load_idx %gather3A_829[%iota3A, %broadcast_in_dim3A_822] : memref<32x128xf32, #tpu.memory_space<vmem>>[vector<16xi32>, vector<16xi32>], vector<16xf32>,
    %gather3A_831 = arith.constant 4 : i32
    %gather3A_832 = arith.constant 0 : i32
    %gather3A_833 = arith.constant 0 : i32
    %gather3A_834 = tpu.memref_slice %arg6[%gather3A_831, %gather3A_832, %gather3A_833] : memref<16x32x128xf32, #tpu.memory_space<vmem>> -> memref<1x32x128xf32, #tpu.memory_space<vmem>>
    %gather3A_835 = tpu.memref_squeeze %gather3A_834 : memref<1x32x128xf32, #tpu.memory_space<vmem>> -> memref<32x128xf32, #tpu.memory_space<vmem>>
    %gather3A_836 = tpu.vector_load_idx %gather3A_835[%add3A_5, %broadcast_in_dim3A_822] : memref<32x128xf32, #tpu.memory_space<vmem>>[vector<16xi32>, vector<16xi32>], vector<16xf32>,
    tpu.vector_store_idx %arg7[%iota3A, %broadcast_in_dim3A_824], %gather3A_830 : memref<32x512xf32, #tpu.memory_space<vmem>>[vector<16xi32>, vector<16xi32>], vector<16xf32>,
    tpu.vector_store_idx %arg7[%add3A_5, %broadcast_in_dim3A_824], %gather3A_836 : memref<32x512xf32, #tpu.memory_space<vmem>>[vector<16xi32>, vector<16xi32>], vector<16xf32>,
    %dma_wait3A_837 = arith.constant 5 : i32
    %dma_wait3A_838 = arith.constant 5 : i32
    %dma_wait3A_839 = arith.constant 0 : i32
    %dma_wait3A_840 = arith.constant 0 : i32
    %dma_wait3A_841 = tpu.memref_slice %arg6[%dma_wait3A_837, %dma_wait3A_839, %dma_wait3A_840] : memref<16x32x128xf32, #tpu.memory_space<vmem>> -> memref<1x32x128xf32, #tpu.memory_space<vmem>>
    %dma_wait3A_842 = tpu.memref_squeeze %dma_wait3A_841 : memref<1x32x128xf32, #tpu.memory_space<vmem>> -> memref<32x128xf32, #tpu.memory_space<vmem>>
    %dma_wait3A_843 = arith.constant 0 : i32
    %dma_wait3A_844 = arith.constant 0 : i32
    %dma_wait3A_845 = tpu.memref_slice %arg3[%dma_wait3A_843, %dma_wait3A_844] : memref<32x1000000xf32, #tpu.memory_space<hbm>> -> memref<32x128xf32, #tpu.memory_space<hbm>>
    %dma_wait3A_846 = tpu.memref_slice %arg8[%dma_wait3A_838] : memref<16x!tpu.dma_semaphore, #tpu.memory_space<semaphore_mem>> -> memref<1x!tpu.dma_semaphore, #tpu.memory_space<semaphore_mem>>
    %dma_wait3A_847 = tpu.memref_squeeze %dma_wait3A_846 : memref<1x!tpu.dma_semaphore, #tpu.memory_space<semaphore_mem>> -> memref<!tpu.dma_semaphore, #tpu.memory_space<semaphore_mem>>
    %dma_wait3A_848 = arith.constant 0 : i32
    %dma_wait3A_849 = arith.constant 0 : i32
    %dma_wait3A_850 = tpu.memref_slice %arg6[%dma_wait3A_837, %dma_wait3A_848, %dma_wait3A_849] : memref<16x32x128xf32, #tpu.memory_space<vmem>> -> memref<1x32x128xf32, #tpu.memory_space<vmem>>
    %dma_wait3A_851 = tpu.memref_squeeze %dma_wait3A_850 : memref<1x32x128xf32, #tpu.memory_space<vmem>> -> memref<32x128xf32, #tpu.memory_space<vmem>>
    %dma_wait3A_852 = arith.constant 0 : i32
    %dma_wait3A_853 = arith.constant 0 : i32
    %dma_wait3A_854 = tpu.memref_slice %arg3[%dma_wait3A_852, %dma_wait3A_853] : memref<32x1000000xf32, #tpu.memory_space<hbm>> -> memref<32x128xf32, #tpu.memory_space<hbm>>
    tpu.wait_dma2 semaphore(%dma_wait3A_847 : memref<!tpu.dma_semaphore, #tpu.memory_space<semaphore_mem>>) src(%dma_wait3A_854 : memref<32x128xf32, #tpu.memory_space<hbm>>) dst(%dma_wait3A_851 : memref<32x128xf32, #tpu.memory_space<vmem>>)
    %slice3A_855 = vector.extract_strided_slice %scan3A_663 {offsets = [5], sizes = [1], strides = [1]} : vector<16xi32> to vector<1xi32>
    %squeeze3A_856 = vector.extract %slice3A_855[0] : i32 from vector<1xi32>
    %broadcast_in_dim3A_857 = vector.broadcast %squeeze3A_856 : i32 to vector<16xi32>
    %broadcast_in_dim3A_858 = arith.constant 501 : i32
    %broadcast_in_dim3A_859 = vector.broadcast %broadcast_in_dim3A_858 : i32 to vector<16xi32>
    %gather3A_860 = arith.constant 5 : i32
    %gather3A_861 = arith.constant 0 : i32
    %gather3A_862 = arith.constant 0 : i32
    %gather3A_863 = tpu.memref_slice %arg6[%gather3A_860, %gather3A_861, %gather3A_862] : memref<16x32x128xf32, #tpu.memory_space<vmem>> -> memref<1x32x128xf32, #tpu.memory_space<vmem>>
    %gather3A_864 = tpu.memref_squeeze %gather3A_863 : memref<1x32x128xf32, #tpu.memory_space<vmem>> -> memref<32x128xf32, #tpu.memory_space<vmem>>
    %gather3A_865 = tpu.vector_load_idx %gather3A_864[%iota3A, %broadcast_in_dim3A_857] : memref<32x128xf32, #tpu.memory_space<vmem>>[vector<16xi32>, vector<16xi32>], vector<16xf32>,
    %gather3A_866 = arith.constant 5 : i32
    %gather3A_867 = arith.constant 0 : i32
    %gather3A_868 = arith.constant 0 : i32
    %gather3A_869 = tpu.memref_slice %arg6[%gather3A_866, %gather3A_867, %gather3A_868] : memref<16x32x128xf32, #tpu.memory_space<vmem>> -> memref<1x32x128xf32, #tpu.memory_space<vmem>>
    %gather3A_870 = tpu.memref_squeeze %gather3A_869 : memref<1x32x128xf32, #tpu.memory_space<vmem>> -> memref<32x128xf32, #tpu.memory_space<vmem>>
    %gather3A_871 = tpu.vector_load_idx %gather3A_870[%add3A_5, %broadcast_in_dim3A_857] : memref<32x128xf32, #tpu.memory_space<vmem>>[vector<16xi32>, vector<16xi32>], vector<16xf32>,
    tpu.vector_store_idx %arg7[%iota3A, %broadcast_in_dim3A_859], %gather3A_865 : memref<32x512xf32, #tpu.memory_space<vmem>>[vector<16xi32>, vector<16xi32>], vector<16xf32>,
    tpu.vector_store_idx %arg7[%add3A_5, %broadcast_in_dim3A_859], %gather3A_871 : memref<32x512xf32, #tpu.memory_space<vmem>>[vector<16xi32>, vector<16xi32>], vector<16xf32>,
    %dma_wait3A_872 = arith.constant 6 : i32
    %dma_wait3A_873 = arith.constant 6 : i32
    %dma_wait3A_874 = arith.constant 0 : i32
    %dma_wait3A_875 = arith.constant 0 : i32
    %dma_wait3A_876 = tpu.memref_slice %arg6[%dma_wait3A_872, %dma_wait3A_874, %dma_wait3A_875] : memref<16x32x128xf32, #tpu.memory_space<vmem>> -> memref<1x32x128xf32, #tpu.memory_space<vmem>>
    %dma_wait3A_877 = tpu.memref_squeeze %dma_wait3A_876 : memref<1x32x128xf32, #tpu.memory_space<vmem>> -> memref<32x128xf32, #tpu.memory_space<vmem>>
    %dma_wait3A_878 = arith.constant 0 : i32
    %dma_wait3A_879 = arith.constant 0 : i32
    %dma_wait3A_880 = tpu.memref_slice %arg3[%dma_wait3A_878, %dma_wait3A_879] : memref<32x1000000xf32, #tpu.memory_space<hbm>> -> memref<32x128xf32, #tpu.memory_space<hbm>>
    %dma_wait3A_881 = tpu.memref_slice %arg8[%dma_wait3A_873] : memref<16x!tpu.dma_semaphore, #tpu.memory_space<semaphore_mem>> -> memref<1x!tpu.dma_semaphore, #tpu.memory_space<semaphore_mem>>
    %dma_wait3A_882 = tpu.memref_squeeze %dma_wait3A_881 : memref<1x!tpu.dma_semaphore, #tpu.memory_space<semaphore_mem>> -> memref<!tpu.dma_semaphore, #tpu.memory_space<semaphore_mem>>
    %dma_wait3A_883 = arith.constant 0 : i32
    %dma_wait3A_884 = arith.constant 0 : i32
    %dma_wait3A_885 = tpu.memref_slice %arg6[%dma_wait3A_872, %dma_wait3A_883, %dma_wait3A_884] : memref<16x32x128xf32, #tpu.memory_space<vmem>> -> memref<1x32x128xf32, #tpu.memory_space<vmem>>
    %dma_wait3A_886 = tpu.memref_squeeze %dma_wait3A_885 : memref<1x32x128xf32, #tpu.memory_space<vmem>> -> memref<32x128xf32, #tpu.memory_space<vmem>>
    %dma_wait3A_887 = arith.constant 0 : i32
    %dma_wait3A_888 = arith.constant 0 : i32
    %dma_wait3A_889 = tpu.memref_slice %arg3[%dma_wait3A_887, %dma_wait3A_888] : memref<32x1000000xf32, #tpu.memory_space<hbm>> -> memref<32x128xf32, #tpu.memory_space<hbm>>
    tpu.wait_dma2 semaphore(%dma_wait3A_882 : memref<!tpu.dma_semaphore, #tpu.memory_space<semaphore_mem>>) src(%dma_wait3A_889 : memref<32x128xf32, #tpu.memory_space<hbm>>) dst(%dma_wait3A_886 : memref<32x128xf32, #tpu.memory_space<vmem>>)
    %slice3A_890 = vector.extract_strided_slice %scan3A_663 {offsets = [6], sizes = [1], strides = [1]} : vector<16xi32> to vector<1xi32>
    %squeeze3A_891 = vector.extract %slice3A_890[0] : i32 from vector<1xi32>
    %broadcast_in_dim3A_892 = vector.broadcast %squeeze3A_891 : i32 to vector<16xi32>
    %broadcast_in_dim3A_893 = arith.constant 502 : i32
    %broadcast_in_dim3A_894 = vector.broadcast %broadcast_in_dim3A_893 : i32 to vector<16xi32>
    %gather3A_895 = arith.constant 6 : i32
    %gather3A_896 = arith.constant 0 : i32
    %gather3A_897 = arith.constant 0 : i32
    %gather3A_898 = tpu.memref_slice %arg6[%gather3A_895, %gather3A_896, %gather3A_897] : memref<16x32x128xf32, #tpu.memory_space<vmem>> -> memref<1x32x128xf32, #tpu.memory_space<vmem>>
    %gather3A_899 = tpu.memref_squeeze %gather3A_898 : memref<1x32x128xf32, #tpu.memory_space<vmem>> -> memref<32x128xf32, #tpu.memory_space<vmem>>
    %gather3A_900 = tpu.vector_load_idx %gather3A_899[%iota3A, %broadcast_in_dim3A_892] : memref<32x128xf32, #tpu.memory_space<vmem>>[vector<16xi32>, vector<16xi32>], vector<16xf32>,
    %gather3A_901 = arith.constant 6 : i32
    %gather3A_902 = arith.constant 0 : i32
    %gather3A_903 = arith.constant 0 : i32
    %gather3A_904 = tpu.memref_slice %arg6[%gather3A_901, %gather3A_902, %gather3A_903] : memref<16x32x128xf32, #tpu.memory_space<vmem>> -> memref<1x32x128xf32, #tpu.memory_space<vmem>>
    %gather3A_905 = tpu.memref_squeeze %gather3A_904 : memref<1x32x128xf32, #tpu.memory_space<vmem>> -> memref<32x128xf32, #tpu.memory_space<vmem>>
    %gather3A_906 = tpu.vector_load_idx %gather3A_905[%add3A_5, %broadcast_in_dim3A_892] : memref<32x128xf32, #tpu.memory_space<vmem>>[vector<16xi32>, vector<16xi32>], vector<16xf32>,
    tpu.vector_store_idx %arg7[%iota3A, %broadcast_in_dim3A_894], %gather3A_900 : memref<32x512xf32, #tpu.memory_space<vmem>>[vector<16xi32>, vector<16xi32>], vector<16xf32>,
    tpu.vector_store_idx %arg7[%add3A_5, %broadcast_in_dim3A_894], %gather3A_906 : memref<32x512xf32, #tpu.memory_space<vmem>>[vector<16xi32>, vector<16xi32>], vector<16xf32>,
    %dma_wait3A_907 = arith.constant 7 : i32
    %dma_wait3A_908 = arith.constant 7 : i32
    %dma_wait3A_909 = arith.constant 0 : i32
    %dma_wait3A_910 = arith.constant 0 : i32
    %dma_wait3A_911 = tpu.memref_slice %arg6[%dma_wait3A_907, %dma_wait3A_909, %dma_wait3A_910] : memref<16x32x128xf32, #tpu.memory_space<vmem>> -> memref<1x32x128xf32, #tpu.memory_space<vmem>>
    %dma_wait3A_912 = tpu.memref_squeeze %dma_wait3A_911 : memref<1x32x128xf32, #tpu.memory_space<vmem>> -> memref<32x128xf32, #tpu.memory_space<vmem>>
    %dma_wait3A_913 = arith.constant 0 : i32
    %dma_wait3A_914 = arith.constant 0 : i32
    %dma_wait3A_915 = tpu.memref_slice %arg3[%dma_wait3A_913, %dma_wait3A_914] : memref<32x1000000xf32, #tpu.memory_space<hbm>> -> memref<32x128xf32, #tpu.memory_space<hbm>>
    %dma_wait3A_916 = tpu.memref_slice %arg8[%dma_wait3A_908] : memref<16x!tpu.dma_semaphore, #tpu.memory_space<semaphore_mem>> -> memref<1x!tpu.dma_semaphore, #tpu.memory_space<semaphore_mem>>
    %dma_wait3A_917 = tpu.memref_squeeze %dma_wait3A_916 : memref<1x!tpu.dma_semaphore, #tpu.memory_space<semaphore_mem>> -> memref<!tpu.dma_semaphore, #tpu.memory_space<semaphore_mem>>
    %dma_wait3A_918 = arith.constant 0 : i32
    %dma_wait3A_919 = arith.constant 0 : i32
    %dma_wait3A_920 = tpu.memref_slice %arg6[%dma_wait3A_907, %dma_wait3A_918, %dma_wait3A_919] : memref<16x32x128xf32, #tpu.memory_space<vmem>> -> memref<1x32x128xf32, #tpu.memory_space<vmem>>
    %dma_wait3A_921 = tpu.memref_squeeze %dma_wait3A_920 : memref<1x32x128xf32, #tpu.memory_space<vmem>> -> memref<32x128xf32, #tpu.memory_space<vmem>>
    %dma_wait3A_922 = arith.constant 0 : i32
    %dma_wait3A_923 = arith.constant 0 : i32
    %dma_wait3A_924 = tpu.memref_slice %arg3[%dma_wait3A_922, %dma_wait3A_923] : memref<32x1000000xf32, #tpu.memory_space<hbm>> -> memref<32x128xf32, #tpu.memory_space<hbm>>
    tpu.wait_dma2 semaphore(%dma_wait3A_917 : memref<!tpu.dma_semaphore, #tpu.memory_space<semaphore_mem>>) src(%dma_wait3A_924 : memref<32x128xf32, #tpu.memory_space<hbm>>) dst(%dma_wait3A_921 : memref<32x128xf32, #tpu.memory_space<vmem>>)
    %slice3A_925 = vector.extract_strided_slice %scan3A_663 {offsets = [7], sizes = [1], strides = [1]} : vector<16xi32> to vector<1xi32>
    %squeeze3A_926 = vector.extract %slice3A_925[0] : i32 from vector<1xi32>
    %broadcast_in_dim3A_927 = vector.broadcast %squeeze3A_926 : i32 to vector<16xi32>
    %broadcast_in_dim3A_928 = arith.constant 503 : i32
    %broadcast_in_dim3A_929 = vector.broadcast %broadcast_in_dim3A_928 : i32 to vector<16xi32>
    %gather3A_930 = arith.constant 7 : i32
    %gather3A_931 = arith.constant 0 : i32
    %gather3A_932 = arith.constant 0 : i32
    %gather3A_933 = tpu.memref_slice %arg6[%gather3A_930, %gather3A_931, %gather3A_932] : memref<16x32x128xf32, #tpu.memory_space<vmem>> -> memref<1x32x128xf32, #tpu.memory_space<vmem>>
    %gather3A_934 = tpu.memref_squeeze %gather3A_933 : memref<1x32x128xf32, #tpu.memory_space<vmem>> -> memref<32x128xf32, #tpu.memory_space<vmem>>
    %gather3A_935 = tpu.vector_load_idx %gather3A_934[%iota3A, %broadcast_in_dim3A_927] : memref<32x128xf32, #tpu.memory_space<vmem>>[vector<16xi32>, vector<16xi32>], vector<16xf32>,
    %gather3A_936 = arith.constant 7 : i32
    %gather3A_937 = arith.constant 0 : i32
    %gather3A_938 = arith.constant 0 : i32
    %gather3A_939 = tpu.memref_slice %arg6[%gather3A_936, %gather3A_937, %gather3A_938] : memref<16x32x128xf32, #tpu.memory_space<vmem>> -> memref<1x32x128xf32, #tpu.memory_space<vmem>>
    %gather3A_940 = tpu.memref_squeeze %gather3A_939 : memref<1x32x128xf32, #tpu.memory_space<vmem>> -> memref<32x128xf32, #tpu.memory_space<vmem>>
    %gather3A_941 = tpu.vector_load_idx %gather3A_940[%add3A_5, %broadcast_in_dim3A_927] : memref<32x128xf32, #tpu.memory_space<vmem>>[vector<16xi32>, vector<16xi32>], vector<16xf32>,
    tpu.vector_store_idx %arg7[%iota3A, %broadcast_in_dim3A_929], %gather3A_935 : memref<32x512xf32, #tpu.memory_space<vmem>>[vector<16xi32>, vector<16xi32>], vector<16xf32>,
    tpu.vector_store_idx %arg7[%add3A_5, %broadcast_in_dim3A_929], %gather3A_941 : memref<32x512xf32, #tpu.memory_space<vmem>>[vector<16xi32>, vector<16xi32>], vector<16xf32>,
    %dma_wait3A_942 = arith.constant 8 : i32
    %dma_wait3A_943 = arith.constant 8 : i32
    %dma_wait3A_944 = arith.constant 0 : i32
    %dma_wait3A_945 = arith.constant 0 : i32
    %dma_wait3A_946 = tpu.memref_slice %arg6[%dma_wait3A_942, %dma_wait3A_944, %dma_wait3A_945] : memref<16x32x128xf32, #tpu.memory_space<vmem>> -> memref<1x32x128xf32, #tpu.memory_space<vmem>>
    %dma_wait3A_947 = tpu.memref_squeeze %dma_wait3A_946 : memref<1x32x128xf32, #tpu.memory_space<vmem>> -> memref<32x128xf32, #tpu.memory_space<vmem>>
    %dma_wait3A_948 = arith.constant 0 : i32
    %dma_wait3A_949 = arith.constant 0 : i32
    %dma_wait3A_950 = tpu.memref_slice %arg3[%dma_wait3A_948, %dma_wait3A_949] : memref<32x1000000xf32, #tpu.memory_space<hbm>> -> memref<32x128xf32, #tpu.memory_space<hbm>>
    %dma_wait3A_951 = tpu.memref_slice %arg8[%dma_wait3A_943] : memref<16x!tpu.dma_semaphore, #tpu.memory_space<semaphore_mem>> -> memref<1x!tpu.dma_semaphore, #tpu.memory_space<semaphore_mem>>
    %dma_wait3A_952 = tpu.memref_squeeze %dma_wait3A_951 : memref<1x!tpu.dma_semaphore, #tpu.memory_space<semaphore_mem>> -> memref<!tpu.dma_semaphore, #tpu.memory_space<semaphore_mem>>
    %dma_wait3A_953 = arith.constant 0 : i32
    %dma_wait3A_954 = arith.constant 0 : i32
    %dma_wait3A_955 = tpu.memref_slice %arg6[%dma_wait3A_942, %dma_wait3A_953, %dma_wait3A_954] : memref<16x32x128xf32, #tpu.memory_space<vmem>> -> memref<1x32x128xf32, #tpu.memory_space<vmem>>
    %dma_wait3A_956 = tpu.memref_squeeze %dma_wait3A_955 : memref<1x32x128xf32, #tpu.memory_space<vmem>> -> memref<32x128xf32, #tpu.memory_space<vmem>>
    %dma_wait3A_957 = arith.constant 0 : i32
    %dma_wait3A_958 = arith.constant 0 : i32
    %dma_wait3A_959 = tpu.memref_slice %arg3[%dma_wait3A_957, %dma_wait3A_958] : memref<32x1000000xf32, #tpu.memory_space<hbm>> -> memref<32x128xf32, #tpu.memory_space<hbm>>
    tpu.wait_dma2 semaphore(%dma_wait3A_952 : memref<!tpu.dma_semaphore, #tpu.memory_space<semaphore_mem>>) src(%dma_wait3A_959 : memref<32x128xf32, #tpu.memory_space<hbm>>) dst(%dma_wait3A_956 : memref<32x128xf32, #tpu.memory_space<vmem>>)
    %slice3A_960 = vector.extract_strided_slice %scan3A_663 {offsets = [8], sizes = [1], strides = [1]} : vector<16xi32> to vector<1xi32>
    %squeeze3A_961 = vector.extract %slice3A_960[0] : i32 from vector<1xi32>
    %broadcast_in_dim3A_962 = vector.broadcast %squeeze3A_961 : i32 to vector<16xi32>
    %broadcast_in_dim3A_963 = arith.constant 504 : i32
    %broadcast_in_dim3A_964 = vector.broadcast %broadcast_in_dim3A_963 : i32 to vector<16xi32>
    %gather3A_965 = arith.constant 8 : i32
    %gather3A_966 = arith.constant 0 : i32
    %gather3A_967 = arith.constant 0 : i32
    %gather3A_968 = tpu.memref_slice %arg6[%gather3A_965, %gather3A_966, %gather3A_967] : memref<16x32x128xf32, #tpu.memory_space<vmem>> -> memref<1x32x128xf32, #tpu.memory_space<vmem>>
    %gather3A_969 = tpu.memref_squeeze %gather3A_968 : memref<1x32x128xf32, #tpu.memory_space<vmem>> -> memref<32x128xf32, #tpu.memory_space<vmem>>
    %gather3A_970 = tpu.vector_load_idx %gather3A_969[%iota3A, %broadcast_in_dim3A_962] : memref<32x128xf32, #tpu.memory_space<vmem>>[vector<16xi32>, vector<16xi32>], vector<16xf32>,
    %gather3A_971 = arith.constant 8 : i32
    %gather3A_972 = arith.constant 0 : i32
    %gather3A_973 = arith.constant 0 : i32
    %gather3A_974 = tpu.memref_slice %arg6[%gather3A_971, %gather3A_972, %gather3A_973] : memref<16x32x128xf32, #tpu.memory_space<vmem>> -> memref<1x32x128xf32, #tpu.memory_space<vmem>>
    %gather3A_975 = tpu.memref_squeeze %gather3A_974 : memref<1x32x128xf32, #tpu.memory_space<vmem>> -> memref<32x128xf32, #tpu.memory_space<vmem>>
    %gather3A_976 = tpu.vector_load_idx %gather3A_975[%add3A_5, %broadcast_in_dim3A_962] : memref<32x128xf32, #tpu.memory_space<vmem>>[vector<16xi32>, vector<16xi32>], vector<16xf32>,
    tpu.vector_store_idx %arg7[%iota3A, %broadcast_in_dim3A_964], %gather3A_970 : memref<32x512xf32, #tpu.memory_space<vmem>>[vector<16xi32>, vector<16xi32>], vector<16xf32>,
    tpu.vector_store_idx %arg7[%add3A_5, %broadcast_in_dim3A_964], %gather3A_976 : memref<32x512xf32, #tpu.memory_space<vmem>>[vector<16xi32>, vector<16xi32>], vector<16xf32>,
    %dma_wait3A_977 = arith.constant 9 : i32
    %dma_wait3A_978 = arith.constant 9 : i32
    %dma_wait3A_979 = arith.constant 0 : i32
    %dma_wait3A_980 = arith.constant 0 : i32
    %dma_wait3A_981 = tpu.memref_slice %arg6[%dma_wait3A_977, %dma_wait3A_979, %dma_wait3A_980] : memref<16x32x128xf32, #tpu.memory_space<vmem>> -> memref<1x32x128xf32, #tpu.memory_space<vmem>>
    %dma_wait3A_982 = tpu.memref_squeeze %dma_wait3A_981 : memref<1x32x128xf32, #tpu.memory_space<vmem>> -> memref<32x128xf32, #tpu.memory_space<vmem>>
    %dma_wait3A_983 = arith.constant 0 : i32
    %dma_wait3A_984 = arith.constant 0 : i32
    %dma_wait3A_985 = tpu.memref_slice %arg3[%dma_wait3A_983, %dma_wait3A_984] : memref<32x1000000xf32, #tpu.memory_space<hbm>> -> memref<32x128xf32, #tpu.memory_space<hbm>>
    %dma_wait3A_986 = tpu.memref_slice %arg8[%dma_wait3A_978] : memref<16x!tpu.dma_semaphore, #tpu.memory_space<semaphore_mem>> -> memref<1x!tpu.dma_semaphore, #tpu.memory_space<semaphore_mem>>
    %dma_wait3A_987 = tpu.memref_squeeze %dma_wait3A_986 : memref<1x!tpu.dma_semaphore, #tpu.memory_space<semaphore_mem>> -> memref<!tpu.dma_semaphore, #tpu.memory_space<semaphore_mem>>
    %dma_wait3A_988 = arith.constant 0 : i32
    %dma_wait3A_989 = arith.constant 0 : i32
    %dma_wait3A_990 = tpu.memref_slice %arg6[%dma_wait3A_977, %dma_wait3A_988, %dma_wait3A_989] : memref<16x32x128xf32, #tpu.memory_space<vmem>> -> memref<1x32x128xf32, #tpu.memory_space<vmem>>
    %dma_wait3A_991 = tpu.memref_squeeze %dma_wait3A_990 : memref<1x32x128xf32, #tpu.memory_space<vmem>> -> memref<32x128xf32, #tpu.memory_space<vmem>>
    %dma_wait3A_992 = arith.constant 0 : i32
    %dma_wait3A_993 = arith.constant 0 : i32
    %dma_wait3A_994 = tpu.memref_slice %arg3[%dma_wait3A_992, %dma_wait3A_993] : memref<32x1000000xf32, #tpu.memory_space<hbm>> -> memref<32x128xf32, #tpu.memory_space<hbm>>
    tpu.wait_dma2 semaphore(%dma_wait3A_987 : memref<!tpu.dma_semaphore, #tpu.memory_space<semaphore_mem>>) src(%dma_wait3A_994 : memref<32x128xf32, #tpu.memory_space<hbm>>) dst(%dma_wait3A_991 : memref<32x128xf32, #tpu.memory_space<vmem>>)
    %slice3A_995 = vector.extract_strided_slice %scan3A_663 {offsets = [9], sizes = [1], strides = [1]} : vector<16xi32> to vector<1xi32>
    %squeeze3A_996 = vector.extract %slice3A_995[0] : i32 from vector<1xi32>
    %broadcast_in_dim3A_997 = vector.broadcast %squeeze3A_996 : i32 to vector<16xi32>
    %broadcast_in_dim3A_998 = arith.constant 505 : i32
    %broadcast_in_dim3A_999 = vector.broadcast %broadcast_in_dim3A_998 : i32 to vector<16xi32>
    %gather3A_1000 = arith.constant 9 : i32
    %gather3A_1001 = arith.constant 0 : i32
    %gather3A_1002 = arith.constant 0 : i32
    %gather3A_1003 = tpu.memref_slice %arg6[%gather3A_1000, %gather3A_1001, %gather3A_1002] : memref<16x32x128xf32, #tpu.memory_space<vmem>> -> memref<1x32x128xf32, #tpu.memory_space<vmem>>
    %gather3A_1004 = tpu.memref_squeeze %gather3A_1003 : memref<1x32x128xf32, #tpu.memory_space<vmem>> -> memref<32x128xf32, #tpu.memory_space<vmem>>
    %gather3A_1005 = tpu.vector_load_idx %gather3A_1004[%iota3A, %broadcast_in_dim3A_997] : memref<32x128xf32, #tpu.memory_space<vmem>>[vector<16xi32>, vector<16xi32>], vector<16xf32>,
    %gather3A_1006 = arith.constant 9 : i32
    %gather3A_1007 = arith.constant 0 : i32
    %gather3A_1008 = arith.constant 0 : i32
    %gather3A_1009 = tpu.memref_slice %arg6[%gather3A_1006, %gather3A_1007, %gather3A_1008] : memref<16x32x128xf32, #tpu.memory_space<vmem>> -> memref<1x32x128xf32, #tpu.memory_space<vmem>>
    %gather3A_1010 = tpu.memref_squeeze %gather3A_1009 : memref<1x32x128xf32, #tpu.memory_space<vmem>> -> memref<32x128xf32, #tpu.memory_space<vmem>>
    %gather3A_1011 = tpu.vector_load_idx %gather3A_1010[%add3A_5, %broadcast_in_dim3A_997] : memref<32x128xf32, #tpu.memory_space<vmem>>[vector<16xi32>, vector<16xi32>], vector<16xf32>,
    tpu.vector_store_idx %arg7[%iota3A, %broadcast_in_dim3A_999], %gather3A_1005 : memref<32x512xf32, #tpu.memory_space<vmem>>[vector<16xi32>, vector<16xi32>], vector<16xf32>,
    tpu.vector_store_idx %arg7[%add3A_5, %broadcast_in_dim3A_999], %gather3A_1011 : memref<32x512xf32, #tpu.memory_space<vmem>>[vector<16xi32>, vector<16xi32>], vector<16xf32>,
    %dma_wait3A_1012 = arith.constant 10 : i32
    %dma_wait3A_1013 = arith.constant 10 : i32
    %dma_wait3A_1014 = arith.constant 0 : i32
    %dma_wait3A_1015 = arith.constant 0 : i32
    %dma_wait3A_1016 = tpu.memref_slice %arg6[%dma_wait3A_1012, %dma_wait3A_1014, %dma_wait3A_1015] : memref<16x32x128xf32, #tpu.memory_space<vmem>> -> memref<1x32x128xf32, #tpu.memory_space<vmem>>
    %dma_wait3A_1017 = tpu.memref_squeeze %dma_wait3A_1016 : memref<1x32x128xf32, #tpu.memory_space<vmem>> -> memref<32x128xf32, #tpu.memory_space<vmem>>
    %dma_wait3A_1018 = arith.constant 0 : i32
    %dma_wait3A_1019 = arith.constant 0 : i32
    %dma_wait3A_1020 = tpu.memref_slice %arg3[%dma_wait3A_1018, %dma_wait3A_1019] : memref<32x1000000xf32, #tpu.memory_space<hbm>> -> memref<32x128xf32, #tpu.memory_space<hbm>>
    %dma_wait3A_1021 = tpu.memref_slice %arg8[%dma_wait3A_1013] : memref<16x!tpu.dma_semaphore, #tpu.memory_space<semaphore_mem>> -> memref<1x!tpu.dma_semaphore, #tpu.memory_space<semaphore_mem>>
    %dma_wait3A_1022 = tpu.memref_squeeze %dma_wait3A_1021 : memref<1x!tpu.dma_semaphore, #tpu.memory_space<semaphore_mem>> -> memref<!tpu.dma_semaphore, #tpu.memory_space<semaphore_mem>>
    %dma_wait3A_1023 = arith.constant 0 : i32
    %dma_wait3A_1024 = arith.constant 0 : i32
    %dma_wait3A_1025 = tpu.memref_slice %arg6[%dma_wait3A_1012, %dma_wait3A_1023, %dma_wait3A_1024] : memref<16x32x128xf32, #tpu.memory_space<vmem>> -> memref<1x32x128xf32, #tpu.memory_space<vmem>>
    %dma_wait3A_1026 = tpu.memref_squeeze %dma_wait3A_1025 : memref<1x32x128xf32, #tpu.memory_space<vmem>> -> memref<32x128xf32, #tpu.memory_space<vmem>>
    %dma_wait3A_1027 = arith.constant 0 : i32
    %dma_wait3A_1028 = arith.constant 0 : i32
    %dma_wait3A_1029 = tpu.memref_slice %arg3[%dma_wait3A_1027, %dma_wait3A_1028] : memref<32x1000000xf32, #tpu.memory_space<hbm>> -> memref<32x128xf32, #tpu.memory_space<hbm>>
    tpu.wait_dma2 semaphore(%dma_wait3A_1022 : memref<!tpu.dma_semaphore, #tpu.memory_space<semaphore_mem>>) src(%dma_wait3A_1029 : memref<32x128xf32, #tpu.memory_space<hbm>>) dst(%dma_wait3A_1026 : memref<32x128xf32, #tpu.memory_space<vmem>>)
    %slice3A_1030 = vector.extract_strided_slice %scan3A_663 {offsets = [10], sizes = [1], strides = [1]} : vector<16xi32> to vector<1xi32>
    %squeeze3A_1031 = vector.extract %slice3A_1030[0] : i32 from vector<1xi32>
    %broadcast_in_dim3A_1032 = vector.broadcast %squeeze3A_1031 : i32 to vector<16xi32>
    %broadcast_in_dim3A_1033 = arith.constant 506 : i32
    %broadcast_in_dim3A_1034 = vector.broadcast %broadcast_in_dim3A_1033 : i32 to vector<16xi32>
    %gather3A_1035 = arith.constant 10 : i32
    %gather3A_1036 = arith.constant 0 : i32
    %gather3A_1037 = arith.constant 0 : i32
    %gather3A_1038 = tpu.memref_slice %arg6[%gather3A_1035, %gather3A_1036, %gather3A_1037] : memref<16x32x128xf32, #tpu.memory_space<vmem>> -> memref<1x32x128xf32, #tpu.memory_space<vmem>>
    %gather3A_1039 = tpu.memref_squeeze %gather3A_1038 : memref<1x32x128xf32, #tpu.memory_space<vmem>> -> memref<32x128xf32, #tpu.memory_space<vmem>>
    %gather3A_1040 = tpu.vector_load_idx %gather3A_1039[%iota3A, %broadcast_in_dim3A_1032] : memref<32x128xf32, #tpu.memory_space<vmem>>[vector<16xi32>, vector<16xi32>], vector<16xf32>,
    %gather3A_1041 = arith.constant 10 : i32
    %gather3A_1042 = arith.constant 0 : i32
    %gather3A_1043 = arith.constant 0 : i32
    %gather3A_1044 = tpu.memref_slice %arg6[%gather3A_1041, %gather3A_1042, %gather3A_1043] : memref<16x32x128xf32, #tpu.memory_space<vmem>> -> memref<1x32x128xf32, #tpu.memory_space<vmem>>
    %gather3A_1045 = tpu.memref_squeeze %gather3A_1044 : memref<1x32x128xf32, #tpu.memory_space<vmem>> -> memref<32x128xf32, #tpu.memory_space<vmem>>
    %gather3A_1046 = tpu.vector_load_idx %gather3A_1045[%add3A_5, %broadcast_in_dim3A_1032] : memref<32x128xf32, #tpu.memory_space<vmem>>[vector<16xi32>, vector<16xi32>], vector<16xf32>,
    tpu.vector_store_idx %arg7[%iota3A, %broadcast_in_dim3A_1034], %gather3A_1040 : memref<32x512xf32, #tpu.memory_space<vmem>>[vector<16xi32>, vector<16xi32>], vector<16xf32>,
    tpu.vector_store_idx %arg7[%add3A_5, %broadcast_in_dim3A_1034], %gather3A_1046 : memref<32x512xf32, #tpu.memory_space<vmem>>[vector<16xi32>, vector<16xi32>], vector<16xf32>,
    %dma_wait3A_1047 = arith.constant 11 : i32
    %dma_wait3A_1048 = arith.constant 11 : i32
    %dma_wait3A_1049 = arith.constant 0 : i32
    %dma_wait3A_1050 = arith.constant 0 : i32
    %dma_wait3A_1051 = tpu.memref_slice %arg6[%dma_wait3A_1047, %dma_wait3A_1049, %dma_wait3A_1050] : memref<16x32x128xf32, #tpu.memory_space<vmem>> -> memref<1x32x128xf32, #tpu.memory_space<vmem>>
    %dma_wait3A_1052 = tpu.memref_squeeze %dma_wait3A_1051 : memref<1x32x128xf32, #tpu.memory_space<vmem>> -> memref<32x128xf32, #tpu.memory_space<vmem>>
    %dma_wait3A_1053 = arith.constant 0 : i32
    %dma_wait3A_1054 = arith.constant 0 : i32
    %dma_wait3A_1055 = tpu.memref_slice %arg3[%dma_wait3A_1053, %dma_wait3A_1054] : memref<32x1000000xf32, #tpu.memory_space<hbm>> -> memref<32x128xf32, #tpu.memory_space<hbm>>
    %dma_wait3A_1056 = tpu.memref_slice %arg8[%dma_wait3A_1048] : memref<16x!tpu.dma_semaphore, #tpu.memory_space<semaphore_mem>> -> memref<1x!tpu.dma_semaphore, #tpu.memory_space<semaphore_mem>>
    %dma_wait3A_1057 = tpu.memref_squeeze %dma_wait3A_1056 : memref<1x!tpu.dma_semaphore, #tpu.memory_space<semaphore_mem>> -> memref<!tpu.dma_semaphore, #tpu.memory_space<semaphore_mem>>
    %dma_wait3A_1058 = arith.constant 0 : i32
    %dma_wait3A_1059 = arith.constant 0 : i32
    %dma_wait3A_1060 = tpu.memref_slice %arg6[%dma_wait3A_1047, %dma_wait3A_1058, %dma_wait3A_1059] : memref<16x32x128xf32, #tpu.memory_space<vmem>> -> memref<1x32x128xf32, #tpu.memory_space<vmem>>
    %dma_wait3A_1061 = tpu.memref_squeeze %dma_wait3A_1060 : memref<1x32x128xf32, #tpu.memory_space<vmem>> -> memref<32x128xf32, #tpu.memory_space<vmem>>
    %dma_wait3A_1062 = arith.constant 0 : i32
    %dma_wait3A_1063 = arith.constant 0 : i32
    %dma_wait3A_1064 = tpu.memref_slice %arg3[%dma_wait3A_1062, %dma_wait3A_1063] : memref<32x1000000xf32, #tpu.memory_space<hbm>> -> memref<32x128xf32, #tpu.memory_space<hbm>>
    tpu.wait_dma2 semaphore(%dma_wait3A_1057 : memref<!tpu.dma_semaphore, #tpu.memory_space<semaphore_mem>>) src(%dma_wait3A_1064 : memref<32x128xf32, #tpu.memory_space<hbm>>) dst(%dma_wait3A_1061 : memref<32x128xf32, #tpu.memory_space<vmem>>)
    %slice3A_1065 = vector.extract_strided_slice %scan3A_663 {offsets = [11], sizes = [1], strides = [1]} : vector<16xi32> to vector<1xi32>
    %squeeze3A_1066 = vector.extract %slice3A_1065[0] : i32 from vector<1xi32>
    %broadcast_in_dim3A_1067 = vector.broadcast %squeeze3A_1066 : i32 to vector<16xi32>
    %broadcast_in_dim3A_1068 = arith.constant 507 : i32
    %broadcast_in_dim3A_1069 = vector.broadcast %broadcast_in_dim3A_1068 : i32 to vector<16xi32>
    %gather3A_1070 = arith.constant 11 : i32
    %gather3A_1071 = arith.constant 0 : i32
    %gather3A_1072 = arith.constant 0 : i32
    %gather3A_1073 = tpu.memref_slice %arg6[%gather3A_1070, %gather3A_1071, %gather3A_1072] : memref<16x32x128xf32, #tpu.memory_space<vmem>> -> memref<1x32x128xf32, #tpu.memory_space<vmem>>
    %gather3A_1074 = tpu.memref_squeeze %gather3A_1073 : memref<1x32x128xf32, #tpu.memory_space<vmem>> -> memref<32x128xf32, #tpu.memory_space<vmem>>
    %gather3A_1075 = tpu.vector_load_idx %gather3A_1074[%iota3A, %broadcast_in_dim3A_1067] : memref<32x128xf32, #tpu.memory_space<vmem>>[vector<16xi32>, vector<16xi32>], vector<16xf32>,
    %gather3A_1076 = arith.constant 11 : i32
    %gather3A_1077 = arith.constant 0 : i32
    %gather3A_1078 = arith.constant 0 : i32
    %gather3A_1079 = tpu.memref_slice %arg6[%gather3A_1076, %gather3A_1077, %gather3A_1078] : memref<16x32x128xf32, #tpu.memory_space<vmem>> -> memref<1x32x128xf32, #tpu.memory_space<vmem>>
    %gather3A_1080 = tpu.memref_squeeze %gather3A_1079 : memref<1x32x128xf32, #tpu.memory_space<vmem>> -> memref<32x128xf32, #tpu.memory_space<vmem>>
    %gather3A_1081 = tpu.vector_load_idx %gather3A_1080[%add3A_5, %broadcast_in_dim3A_1067] : memref<32x128xf32, #tpu.memory_space<vmem>>[vector<16xi32>, vector<16xi32>], vector<16xf32>,
    tpu.vector_store_idx %arg7[%iota3A, %broadcast_in_dim3A_1069], %gather3A_1075 : memref<32x512xf32, #tpu.memory_space<vmem>>[vector<16xi32>, vector<16xi32>], vector<16xf32>,
    tpu.vector_store_idx %arg7[%add3A_5, %broadcast_in_dim3A_1069], %gather3A_1081 : memref<32x512xf32, #tpu.memory_space<vmem>>[vector<16xi32>, vector<16xi32>], vector<16xf32>,
    %dma_wait3A_1082 = arith.constant 12 : i32
    %dma_wait3A_1083 = arith.constant 12 : i32
    %dma_wait3A_1084 = arith.constant 0 : i32
    %dma_wait3A_1085 = arith.constant 0 : i32
    %dma_wait3A_1086 = tpu.memref_slice %arg6[%dma_wait3A_1082, %dma_wait3A_1084, %dma_wait3A_1085] : memref<16x32x128xf32, #tpu.memory_space<vmem>> -> memref<1x32x128xf32, #tpu.memory_space<vmem>>
    %dma_wait3A_1087 = tpu.memref_squeeze %dma_wait3A_1086 : memref<1x32x128xf32, #tpu.memory_space<vmem>> -> memref<32x128xf32, #tpu.memory_space<vmem>>
    %dma_wait3A_1088 = arith.constant 0 : i32
    %dma_wait3A_1089 = arith.constant 0 : i32
    %dma_wait3A_1090 = tpu.memref_slice %arg3[%dma_wait3A_1088, %dma_wait3A_1089] : memref<32x1000000xf32, #tpu.memory_space<hbm>> -> memref<32x128xf32, #tpu.memory_space<hbm>>
    %dma_wait3A_1091 = tpu.memref_slice %arg8[%dma_wait3A_1083] : memref<16x!tpu.dma_semaphore, #tpu.memory_space<semaphore_mem>> -> memref<1x!tpu.dma_semaphore, #tpu.memory_space<semaphore_mem>>
    %dma_wait3A_1092 = tpu.memref_squeeze %dma_wait3A_1091 : memref<1x!tpu.dma_semaphore, #tpu.memory_space<semaphore_mem>> -> memref<!tpu.dma_semaphore, #tpu.memory_space<semaphore_mem>>
    %dma_wait3A_1093 = arith.constant 0 : i32
    %dma_wait3A_1094 = arith.constant 0 : i32
    %dma_wait3A_1095 = tpu.memref_slice %arg6[%dma_wait3A_1082, %dma_wait3A_1093, %dma_wait3A_1094] : memref<16x32x128xf32, #tpu.memory_space<vmem>> -> memref<1x32x128xf32, #tpu.memory_space<vmem>>
    %dma_wait3A_1096 = tpu.memref_squeeze %dma_wait3A_1095 : memref<1x32x128xf32, #tpu.memory_space<vmem>> -> memref<32x128xf32, #tpu.memory_space<vmem>>
    %dma_wait3A_1097 = arith.constant 0 : i32
    %dma_wait3A_1098 = arith.constant 0 : i32
    %dma_wait3A_1099 = tpu.memref_slice %arg3[%dma_wait3A_1097, %dma_wait3A_1098] : memref<32x1000000xf32, #tpu.memory_space<hbm>> -> memref<32x128xf32, #tpu.memory_space<hbm>>
    tpu.wait_dma2 semaphore(%dma_wait3A_1092 : memref<!tpu.dma_semaphore, #tpu.memory_space<semaphore_mem>>) src(%dma_wait3A_1099 : memref<32x128xf32, #tpu.memory_space<hbm>>) dst(%dma_wait3A_1096 : memref<32x128xf32, #tpu.memory_space<vmem>>)
    %slice3A_1100 = vector.extract_strided_slice %scan3A_663 {offsets = [12], sizes = [1], strides = [1]} : vector<16xi32> to vector<1xi32>
    %squeeze3A_1101 = vector.extract %slice3A_1100[0] : i32 from vector<1xi32>
    %broadcast_in_dim3A_1102 = vector.broadcast %squeeze3A_1101 : i32 to vector<16xi32>
    %broadcast_in_dim3A_1103 = arith.constant 508 : i32
    %broadcast_in_dim3A_1104 = vector.broadcast %broadcast_in_dim3A_1103 : i32 to vector<16xi32>
    %gather3A_1105 = arith.constant 12 : i32
    %gather3A_1106 = arith.constant 0 : i32
    %gather3A_1107 = arith.constant 0 : i32
    %gather3A_1108 = tpu.memref_slice %arg6[%gather3A_1105, %gather3A_1106, %gather3A_1107] : memref<16x32x128xf32, #tpu.memory_space<vmem>> -> memref<1x32x128xf32, #tpu.memory_space<vmem>>
    %gather3A_1109 = tpu.memref_squeeze %gather3A_1108 : memref<1x32x128xf32, #tpu.memory_space<vmem>> -> memref<32x128xf32, #tpu.memory_space<vmem>>
    %gather3A_1110 = tpu.vector_load_idx %gather3A_1109[%iota3A, %broadcast_in_dim3A_1102] : memref<32x128xf32, #tpu.memory_space<vmem>>[vector<16xi32>, vector<16xi32>], vector<16xf32>,
    %gather3A_1111 = arith.constant 12 : i32
    %gather3A_1112 = arith.constant 0 : i32
    %gather3A_1113 = arith.constant 0 : i32
    %gather3A_1114 = tpu.memref_slice %arg6[%gather3A_1111, %gather3A_1112, %gather3A_1113] : memref<16x32x128xf32, #tpu.memory_space<vmem>> -> memref<1x32x128xf32, #tpu.memory_space<vmem>>
    %gather3A_1115 = tpu.memref_squeeze %gather3A_1114 : memref<1x32x128xf32, #tpu.memory_space<vmem>> -> memref<32x128xf32, #tpu.memory_space<vmem>>
    %gather3A_1116 = tpu.vector_load_idx %gather3A_1115[%add3A_5, %broadcast_in_dim3A_1102] : memref<32x128xf32, #tpu.memory_space<vmem>>[vector<16xi32>, vector<16xi32>], vector<16xf32>,
    tpu.vector_store_idx %arg7[%iota3A, %broadcast_in_dim3A_1104], %gather3A_1110 : memref<32x512xf32, #tpu.memory_space<vmem>>[vector<16xi32>, vector<16xi32>], vector<16xf32>,
    tpu.vector_store_idx %arg7[%add3A_5, %broadcast_in_dim3A_1104], %gather3A_1116 : memref<32x512xf32, #tpu.memory_space<vmem>>[vector<16xi32>, vector<16xi32>], vector<16xf32>,
    %dma_wait3A_1117 = arith.constant 13 : i32
    %dma_wait3A_1118 = arith.constant 13 : i32
    %dma_wait3A_1119 = arith.constant 0 : i32
    %dma_wait3A_1120 = arith.constant 0 : i32
    %dma_wait3A_1121 = tpu.memref_slice %arg6[%dma_wait3A_1117, %dma_wait3A_1119, %dma_wait3A_1120] : memref<16x32x128xf32, #tpu.memory_space<vmem>> -> memref<1x32x128xf32, #tpu.memory_space<vmem>>
    %dma_wait3A_1122 = tpu.memref_squeeze %dma_wait3A_1121 : memref<1x32x128xf32, #tpu.memory_space<vmem>> -> memref<32x128xf32, #tpu.memory_space<vmem>>
    %dma_wait3A_1123 = arith.constant 0 : i32
    %dma_wait3A_1124 = arith.constant 0 : i32
    %dma_wait3A_1125 = tpu.memref_slice %arg3[%dma_wait3A_1123, %dma_wait3A_1124] : memref<32x1000000xf32, #tpu.memory_space<hbm>> -> memref<32x128xf32, #tpu.memory_space<hbm>>
    %dma_wait3A_1126 = tpu.memref_slice %arg8[%dma_wait3A_1118] : memref<16x!tpu.dma_semaphore, #tpu.memory_space<semaphore_mem>> -> memref<1x!tpu.dma_semaphore, #tpu.memory_space<semaphore_mem>>
    %dma_wait3A_1127 = tpu.memref_squeeze %dma_wait3A_1126 : memref<1x!tpu.dma_semaphore, #tpu.memory_space<semaphore_mem>> -> memref<!tpu.dma_semaphore, #tpu.memory_space<semaphore_mem>>
    %dma_wait3A_1128 = arith.constant 0 : i32
    %dma_wait3A_1129 = arith.constant 0 : i32
    %dma_wait3A_1130 = tpu.memref_slice %arg6[%dma_wait3A_1117, %dma_wait3A_1128, %dma_wait3A_1129] : memref<16x32x128xf32, #tpu.memory_space<vmem>> -> memref<1x32x128xf32, #tpu.memory_space<vmem>>
    %dma_wait3A_1131 = tpu.memref_squeeze %dma_wait3A_1130 : memref<1x32x128xf32, #tpu.memory_space<vmem>> -> memref<32x128xf32, #tpu.memory_space<vmem>>
    %dma_wait3A_1132 = arith.constant 0 : i32
    %dma_wait3A_1133 = arith.constant 0 : i32
    %dma_wait3A_1134 = tpu.memref_slice %arg3[%dma_wait3A_1132, %dma_wait3A_1133] : memref<32x1000000xf32, #tpu.memory_space<hbm>> -> memref<32x128xf32, #tpu.memory_space<hbm>>
    tpu.wait_dma2 semaphore(%dma_wait3A_1127 : memref<!tpu.dma_semaphore, #tpu.memory_space<semaphore_mem>>) src(%dma_wait3A_1134 : memref<32x128xf32, #tpu.memory_space<hbm>>) dst(%dma_wait3A_1131 : memref<32x128xf32, #tpu.memory_space<vmem>>)
    %slice3A_1135 = vector.extract_strided_slice %scan3A_663 {offsets = [13], sizes = [1], strides = [1]} : vector<16xi32> to vector<1xi32>
    %squeeze3A_1136 = vector.extract %slice3A_1135[0] : i32 from vector<1xi32>
    %broadcast_in_dim3A_1137 = vector.broadcast %squeeze3A_1136 : i32 to vector<16xi32>
    %broadcast_in_dim3A_1138 = arith.constant 509 : i32
    %broadcast_in_dim3A_1139 = vector.broadcast %broadcast_in_dim3A_1138 : i32 to vector<16xi32>
    %gather3A_1140 = arith.constant 13 : i32
    %gather3A_1141 = arith.constant 0 : i32
    %gather3A_1142 = arith.constant 0 : i32
    %gather3A_1143 = tpu.memref_slice %arg6[%gather3A_1140, %gather3A_1141, %gather3A_1142] : memref<16x32x128xf32, #tpu.memory_space<vmem>> -> memref<1x32x128xf32, #tpu.memory_space<vmem>>
    %gather3A_1144 = tpu.memref_squeeze %gather3A_1143 : memref<1x32x128xf32, #tpu.memory_space<vmem>> -> memref<32x128xf32, #tpu.memory_space<vmem>>
    %gather3A_1145 = tpu.vector_load_idx %gather3A_1144[%iota3A, %broadcast_in_dim3A_1137] : memref<32x128xf32, #tpu.memory_space<vmem>>[vector<16xi32>, vector<16xi32>], vector<16xf32>,
    %gather3A_1146 = arith.constant 13 : i32
    %gather3A_1147 = arith.constant 0 : i32
    %gather3A_1148 = arith.constant 0 : i32
    %gather3A_1149 = tpu.memref_slice %arg6[%gather3A_1146, %gather3A_1147, %gather3A_1148] : memref<16x32x128xf32, #tpu.memory_space<vmem>> -> memref<1x32x128xf32, #tpu.memory_space<vmem>>
    %gather3A_1150 = tpu.memref_squeeze %gather3A_1149 : memref<1x32x128xf32, #tpu.memory_space<vmem>> -> memref<32x128xf32, #tpu.memory_space<vmem>>
    %gather3A_1151 = tpu.vector_load_idx %gather3A_1150[%add3A_5, %broadcast_in_dim3A_1137] : memref<32x128xf32, #tpu.memory_space<vmem>>[vector<16xi32>, vector<16xi32>], vector<16xf32>,
    tpu.vector_store_idx %arg7[%iota3A, %broadcast_in_dim3A_1139], %gather3A_1145 : memref<32x512xf32, #tpu.memory_space<vmem>>[vector<16xi32>, vector<16xi32>], vector<16xf32>,
    tpu.vector_store_idx %arg7[%add3A_5, %broadcast_in_dim3A_1139], %gather3A_1151 : memref<32x512xf32, #tpu.memory_space<vmem>>[vector<16xi32>, vector<16xi32>], vector<16xf32>,
    %dma_wait3A_1152 = arith.constant 14 : i32
    %dma_wait3A_1153 = arith.constant 14 : i32
    %dma_wait3A_1154 = arith.constant 0 : i32
    %dma_wait3A_1155 = arith.constant 0 : i32
    %dma_wait3A_1156 = tpu.memref_slice %arg6[%dma_wait3A_1152, %dma_wait3A_1154, %dma_wait3A_1155] : memref<16x32x128xf32, #tpu.memory_space<vmem>> -> memref<1x32x128xf32, #tpu.memory_space<vmem>>
    %dma_wait3A_1157 = tpu.memref_squeeze %dma_wait3A_1156 : memref<1x32x128xf32, #tpu.memory_space<vmem>> -> memref<32x128xf32, #tpu.memory_space<vmem>>
    %dma_wait3A_1158 = arith.constant 0 : i32
    %dma_wait3A_1159 = arith.constant 0 : i32
    %dma_wait3A_1160 = tpu.memref_slice %arg3[%dma_wait3A_1158, %dma_wait3A_1159] : memref<32x1000000xf32, #tpu.memory_space<hbm>> -> memref<32x128xf32, #tpu.memory_space<hbm>>
    %dma_wait3A_1161 = tpu.memref_slice %arg8[%dma_wait3A_1153] : memref<16x!tpu.dma_semaphore, #tpu.memory_space<semaphore_mem>> -> memref<1x!tpu.dma_semaphore, #tpu.memory_space<semaphore_mem>>
    %dma_wait3A_1162 = tpu.memref_squeeze %dma_wait3A_1161 : memref<1x!tpu.dma_semaphore, #tpu.memory_space<semaphore_mem>> -> memref<!tpu.dma_semaphore, #tpu.memory_space<semaphore_mem>>
    %dma_wait3A_1163 = arith.constant 0 : i32
    %dma_wait3A_1164 = arith.constant 0 : i32
    %dma_wait3A_1165 = tpu.memref_slice %arg6[%dma_wait3A_1152, %dma_wait3A_1163, %dma_wait3A_1164] : memref<16x32x128xf32, #tpu.memory_space<vmem>> -> memref<1x32x128xf32, #tpu.memory_space<vmem>>
    %dma_wait3A_1166 = tpu.memref_squeeze %dma_wait3A_1165 : memref<1x32x128xf32, #tpu.memory_space<vmem>> -> memref<32x128xf32, #tpu.memory_space<vmem>>
    %dma_wait3A_1167 = arith.constant 0 : i32
    %dma_wait3A_1168 = arith.constant 0 : i32
    %dma_wait3A_1169 = tpu.memref_slice %arg3[%dma_wait3A_1167, %dma_wait3A_1168] : memref<32x1000000xf32, #tpu.memory_space<hbm>> -> memref<32x128xf32, #tpu.memory_space<hbm>>
    tpu.wait_dma2 semaphore(%dma_wait3A_1162 : memref<!tpu.dma_semaphore, #tpu.memory_space<semaphore_mem>>) src(%dma_wait3A_1169 : memref<32x128xf32, #tpu.memory_space<hbm>>) dst(%dma_wait3A_1166 : memref<32x128xf32, #tpu.memory_space<vmem>>)
    %slice3A_1170 = vector.extract_strided_slice %scan3A_663 {offsets = [14], sizes = [1], strides = [1]} : vector<16xi32> to vector<1xi32>
    %squeeze3A_1171 = vector.extract %slice3A_1170[0] : i32 from vector<1xi32>
    %broadcast_in_dim3A_1172 = vector.broadcast %squeeze3A_1171 : i32 to vector<16xi32>
    %broadcast_in_dim3A_1173 = arith.constant 510 : i32
    %broadcast_in_dim3A_1174 = vector.broadcast %broadcast_in_dim3A_1173 : i32 to vector<16xi32>
    %gather3A_1175 = arith.constant 14 : i32
    %gather3A_1176 = arith.constant 0 : i32
    %gather3A_1177 = arith.constant 0 : i32
    %gather3A_1178 = tpu.memref_slice %arg6[%gather3A_1175, %gather3A_1176, %gather3A_1177] : memref<16x32x128xf32, #tpu.memory_space<vmem>> -> memref<1x32x128xf32, #tpu.memory_space<vmem>>
    %gather3A_1179 = tpu.memref_squeeze %gather3A_1178 : memref<1x32x128xf32, #tpu.memory_space<vmem>> -> memref<32x128xf32, #tpu.memory_space<vmem>>
    %gather3A_1180 = tpu.vector_load_idx %gather3A_1179[%iota3A, %broadcast_in_dim3A_1172] : memref<32x128xf32, #tpu.memory_space<vmem>>[vector<16xi32>, vector<16xi32>], vector<16xf32>,
    %gather3A_1181 = arith.constant 14 : i32
    %gather3A_1182 = arith.constant 0 : i32
    %gather3A_1183 = arith.constant 0 : i32
    %gather3A_1184 = tpu.memref_slice %arg6[%gather3A_1181, %gather3A_1182, %gather3A_1183] : memref<16x32x128xf32, #tpu.memory_space<vmem>> -> memref<1x32x128xf32, #tpu.memory_space<vmem>>
    %gather3A_1185 = tpu.memref_squeeze %gather3A_1184 : memref<1x32x128xf32, #tpu.memory_space<vmem>> -> memref<32x128xf32, #tpu.memory_space<vmem>>
    %gather3A_1186 = tpu.vector_load_idx %gather3A_1185[%add3A_5, %broadcast_in_dim3A_1172] : memref<32x128xf32, #tpu.memory_space<vmem>>[vector<16xi32>, vector<16xi32>], vector<16xf32>,
    tpu.vector_store_idx %arg7[%iota3A, %broadcast_in_dim3A_1174], %gather3A_1180 : memref<32x512xf32, #tpu.memory_space<vmem>>[vector<16xi32>, vector<16xi32>], vector<16xf32>,
    tpu.vector_store_idx %arg7[%add3A_5, %broadcast_in_dim3A_1174], %gather3A_1186 : memref<32x512xf32, #tpu.memory_space<vmem>>[vector<16xi32>, vector<16xi32>], vector<16xf32>,
    %dma_wait3A_1187 = arith.constant 15 : i32
    %dma_wait3A_1188 = arith.constant 15 : i32
    %dma_wait3A_1189 = arith.constant 0 : i32
    %dma_wait3A_1190 = arith.constant 0 : i32
    %dma_wait3A_1191 = tpu.memref_slice %arg6[%dma_wait3A_1187, %dma_wait3A_1189, %dma_wait3A_1190] : memref<16x32x128xf32, #tpu.memory_space<vmem>> -> memref<1x32x128xf32, #tpu.memory_space<vmem>>
    %dma_wait3A_1192 = tpu.memref_squeeze %dma_wait3A_1191 : memref<1x32x128xf32, #tpu.memory_space<vmem>> -> memref<32x128xf32, #tpu.memory_space<vmem>>
    %dma_wait3A_1193 = arith.constant 0 : i32
    %dma_wait3A_1194 = arith.constant 0 : i32
    %dma_wait3A_1195 = tpu.memref_slice %arg3[%dma_wait3A_1193, %dma_wait3A_1194] : memref<32x1000000xf32, #tpu.memory_space<hbm>> -> memref<32x128xf32, #tpu.memory_space<hbm>>
    %dma_wait3A_1196 = tpu.memref_slice %arg8[%dma_wait3A_1188] : memref<16x!tpu.dma_semaphore, #tpu.memory_space<semaphore_mem>> -> memref<1x!tpu.dma_semaphore, #tpu.memory_space<semaphore_mem>>
    %dma_wait3A_1197 = tpu.memref_squeeze %dma_wait3A_1196 : memref<1x!tpu.dma_semaphore, #tpu.memory_space<semaphore_mem>> -> memref<!tpu.dma_semaphore, #tpu.memory_space<semaphore_mem>>
    %dma_wait3A_1198 = arith.constant 0 : i32
    %dma_wait3A_1199 = arith.constant 0 : i32
    %dma_wait3A_1200 = tpu.memref_slice %arg6[%dma_wait3A_1187, %dma_wait3A_1198, %dma_wait3A_1199] : memref<16x32x128xf32, #tpu.memory_space<vmem>> -> memref<1x32x128xf32, #tpu.memory_space<vmem>>
    %dma_wait3A_1201 = tpu.memref_squeeze %dma_wait3A_1200 : memref<1x32x128xf32, #tpu.memory_space<vmem>> -> memref<32x128xf32, #tpu.memory_space<vmem>>
    %dma_wait3A_1202 = arith.constant 0 : i32
    %dma_wait3A_1203 = arith.constant 0 : i32
    %dma_wait3A_1204 = tpu.memref_slice %arg3[%dma_wait3A_1202, %dma_wait3A_1203] : memref<32x1000000xf32, #tpu.memory_space<hbm>> -> memref<32x128xf32, #tpu.memory_space<hbm>>
    tpu.wait_dma2 semaphore(%dma_wait3A_1197 : memref<!tpu.dma_semaphore, #tpu.memory_space<semaphore_mem>>) src(%dma_wait3A_1204 : memref<32x128xf32, #tpu.memory_space<hbm>>) dst(%dma_wait3A_1201 : memref<32x128xf32, #tpu.memory_space<vmem>>)
    %slice3A_1205 = vector.extract_strided_slice %scan3A_663 {offsets = [15], sizes = [1], strides = [1]} : vector<16xi32> to vector<1xi32>
    %squeeze3A_1206 = vector.extract %slice3A_1205[0] : i32 from vector<1xi32>
    %broadcast_in_dim3A_1207 = vector.broadcast %squeeze3A_1206 : i32 to vector<16xi32>
    %broadcast_in_dim3A_1208 = arith.constant 511 : i32
    %broadcast_in_dim3A_1209 = vector.broadcast %broadcast_in_dim3A_1208 : i32 to vector<16xi32>
    %gather3A_1210 = arith.constant 15 : i32
    %gather3A_1211 = arith.constant 0 : i32
    %gather3A_1212 = arith.constant 0 : i32
    %gather3A_1213 = tpu.memref_slice %arg6[%gather3A_1210, %gather3A_1211, %gather3A_1212] : memref<16x32x128xf32, #tpu.memory_space<vmem>> -> memref<1x32x128xf32, #tpu.memory_space<vmem>>
    %gather3A_1214 = tpu.memref_squeeze %gather3A_1213 : memref<1x32x128xf32, #tpu.memory_space<vmem>> -> memref<32x128xf32, #tpu.memory_space<vmem>>
    %gather3A_1215 = tpu.vector_load_idx %gather3A_1214[%iota3A, %broadcast_in_dim3A_1207] : memref<32x128xf32, #tpu.memory_space<vmem>>[vector<16xi32>, vector<16xi32>], vector<16xf32>,
    %gather3A_1216 = arith.constant 15 : i32
    %gather3A_1217 = arith.constant 0 : i32
    %gather3A_1218 = arith.constant 0 : i32
    %gather3A_1219 = tpu.memref_slice %arg6[%gather3A_1216, %gather3A_1217, %gather3A_1218] : memref<16x32x128xf32, #tpu.memory_space<vmem>> -> memref<1x32x128xf32, #tpu.memory_space<vmem>>
    %gather3A_1220 = tpu.memref_squeeze %gather3A_1219 : memref<1x32x128xf32, #tpu.memory_space<vmem>> -> memref<32x128xf32, #tpu.memory_space<vmem>>
    %gather3A_1221 = tpu.vector_load_idx %gather3A_1220[%add3A_5, %broadcast_in_dim3A_1207] : memref<32x128xf32, #tpu.memory_space<vmem>>[vector<16xi32>, vector<16xi32>], vector<16xf32>,
    tpu.vector_store_idx %arg7[%iota3A, %broadcast_in_dim3A_1209], %gather3A_1215 : memref<32x512xf32, #tpu.memory_space<vmem>>[vector<16xi32>, vector<16xi32>], vector<16xf32>,
    tpu.vector_store_idx %arg7[%add3A_5, %broadcast_in_dim3A_1209], %gather3A_1221 : memref<32x512xf32, #tpu.memory_space<vmem>>[vector<16xi32>, vector<16xi32>], vector<16xf32>,
    "tpu.region"() ({
      %run_scoped3A = tpu.sem_alloc : memref<!tpu.dma_semaphore, #tpu.memory_space<semaphore_mem>>
      %dma_start3A_1222 = arith.constant 0 : i32
      %dma_start3A_1223 = tpu.memref_slice %arg4[%dma_start3A_1222, %mul3A_2] : memref<32x16384xf32, #tpu.memory_space<hbm>> -> memref<32x512xf32, #tpu.memory_space<hbm>>
      %dma_start3A_1224 = arith.constant 0 : i32
      %dma_start3A_1225 = tpu.memref_slice %arg4[%dma_start3A_1224, %mul3A_2] : memref<32x16384xf32, #tpu.memory_space<hbm>> -> memref<32x512xf32, #tpu.memory_space<hbm>>
      tpu.enqueue_dma source(%arg7 : memref<32x512xf32, #tpu.memory_space<vmem>>) target(%dma_start3A_1225 : memref<32x512xf32, #tpu.memory_space<hbm>>) target_semaphore(%run_scoped3A : memref<!tpu.dma_semaphore, #tpu.memory_space<semaphore_mem>>)
      %dma_wait3A_1226 = arith.constant 0 : i32
      %dma_wait3A_1227 = tpu.memref_slice %arg4[%dma_wait3A_1226, %mul3A_2] : memref<32x16384xf32, #tpu.memory_space<hbm>> -> memref<32x512xf32, #tpu.memory_space<hbm>>
      %dma_wait3A_1228 = arith.constant 0 : i32
      %dma_wait3A_1229 = tpu.memref_slice %arg4[%dma_wait3A_1228, %mul3A_2] : memref<32x16384xf32, #tpu.memory_space<hbm>> -> memref<32x512xf32, #tpu.memory_space<hbm>>
      tpu.wait_dma2 semaphore(%run_scoped3A : memref<!tpu.dma_semaphore, #tpu.memory_space<semaphore_mem>>) src(%arg7 : memref<32x512xf32, #tpu.memory_space<vmem>>) dst(%dma_wait3A_1229 : memref<32x512xf32, #tpu.memory_space<hbm>>)
      tpu.yield
    }) : () -> ()
    return
  }
}

</mosaic_0001>

<sc_bundles>
// kernel: kernel.3.cloned.1.call-start
scs
__scs_entry_jumppad:
0x0: {  	(pc) =	sbr.rel $0x88, $3  }
0x1: {  	(tag) =	ssettag $0x0;
	lr =	simm.s32 $0x1  }
0x2: {  	[smem:$0x3F9F] =	sst lr;
	_ =	strace $0xD0000000  }
0x3: {  	_ = 	snop  }
0x4: {  	_ = 	snop  }
0x5: {  	_ = 	snop  }
0x6: {  	_ = 	snop  }
0x7: {  	_ = 	snop  }
__scs_overlays_trampoline_lowered:
0x8: {  	[smem:$0x3FAE] =	sst s0  }
0x9: {  	[smem:$0x3FAF] =	sst s1  }
0xa: {  	[smem:$0x3FB0] =	sst s2  }
0xb: {  	[smem:$0x3FB1] =	sst s3  }
0xc: {  	[smem:$0x3FB2] =	sst s4  }
0xd: {  	[smem:$0x3FB3] =	sst s5  }
0xe: {  	[smem:$0x3FB4] =	sst s6  }
0xf: {  	[smem:$0x3FB5] =	sst s7  }
0x10: {  	[smem:$0x3FB6] =	sst s8  }
0x11: {  	[smem:$0x3FB7] =	sst s9;
	s0 =	simm.s32 @!p0 $0x0  }
0x12: {  	s1 =	sld [smem:$0x3F9D];
	s0 =	simm.s32 @p0 $0x1  }
0x13: {  	[smem:$0x3FB8] =	sst s0;
	s0 =	simm.s32 @!p1 $0x0  }
0x14: {  	s2 =	sld [smem:$0x3F9C];
	s0 =	simm.s32 @p1 $0x1  }
0x15: {  	[smem:$0x3FB9] =	sst s0;
	s0 =	simm.s32 @!p2 $0x0  }
0x16: {  	s3 =	sld [smem:$0x3FDB];
	s0 =	simm.s32 @p2 $0x1  }
0x17: {  	s4 =	simm.s32 $0x1BF5;
	[smem:$0x3FBB] =	sst s0  }
0x18: {  	s0 =	sld [smem:$0x3F9E];
	_ =	swait.ge [sflag:s4], $0x0  }
0x19: {  	s7 =	sld [smem:$0x3F9F]  }
0x1a: {  	s8 =	sadd.s32 $0xFFFFE003, lr  }
0x1b: {  	s9 =	sadd.s32 $0xFFFFFEF7, lr;
	s5 =	simm.s32 $0xFFFFFFFF;
	p2 =	slt.u32 s8, $0xFFFFF086  }
0x1c: {  	p1 =	slt.u32 s9, $0xF7A;
	s5 =	simm.s32 @!p2 $0x0  }
0x1d: {  	s5 =	simm.s32 @p1 $0x1;
	p0 =	seq.s32 s7, s2  }
0x1e: {  	s7 =	smul.u32 @!p0 $0xF7A, s2;
	p2 =	seq.s32 @!p0 s5, $0x0  }
0x1f: {  	s9 =	smul.u32 $0xF7A, s1;
	s8 =	simm.s32 @!p0 $0x1BF5;
	p2 =	por !p2, p0  }
0x20: {  	[sflag:s8] =	ssyncset.s32 @!p0 $0xFFFFF086;
	s6 =	sadd.s32 @!p0 s3, s7;
	s7 =	simm.s32 @!p0 $0x108  }
0x21: {  	s3 =	sadd.s32 s3, s9;
	s6 =	sadd.s32 @!p0 $0x88, s6;
	s7 =	simm.s32 @p2 $0x1082  }
0x22: {  	[simem:s7], [sflag:s8] =	dma.local @!p0 [hbm:s6], $0xF7A  }
0x23: {  	s9 =	sor.u32 $0xD0000000, s2;
	s6 =	simm.s32 $0x108;
	_ =	swait.ge @!p0 [sflag:s8], $0x0  }
0x24: {  	s3 =	sadd.s32 $0x88, s3;
	s6 =	simm.s32 @!p1 $0x1082;
	[sflag:s4] =	ssyncset.s32 $0xFFFFF086  }
0x25: {  	[simem:s6], [sflag:s4] =	dma.local [hbm:s3], $0xF7A  }
0x26: {  	[smem:$0x3F9F] =	sst s1;
	(tag) =	ssettag s2;
	_ =	strace s9  }
0x27: {  	s1 =	sld [smem:$0x3FAF]  }
0x28: {  	s2 =	sld [smem:$0x3FB0]  }
0x29: {  	s4 =	sld [smem:$0x3FB2]  }
0x2a: {  	p0 =	seq.s32 s5, $0x0;
	s5 =	sld [smem:$0x3FB3]  }
0x2b: {  	s6 =	sld [smem:$0x3FB4]  }
0x2c: {  	s7 =	sld [smem:$0x3FB5]  }
0x2d: {  	s3 =	simm.s32 $0x108;
	s8 =	sld [smem:$0x3FB6]  }
0x2e: {  	s3 =	simm.s32 @!p0 $0x1082;
	s9 =	sld [smem:$0x3FB7]  }
0x2f: {  	lr =	sadd.s32 s0, s3;
	s0 =	sld [smem:$0x3FAE]  }
0x30: {  	s3 =	sld [smem:$0x3FB1]  }
0x31: {  	[smem:$0x3FBA] =	sst s10  }
0x32: {  	s10 =	sld [smem:$0x3FB8];
	_ =	sdelay $0x3  }
0x33: {  	p0 =	seq.s32 s10, $0x1;
	s10 =	sld [smem:$0x3FBA];
	_ =	sdelay $0x3  }
0x34: {  	[smem:$0x3FBA] =	sst s10  }
0x35: {  	s10 =	sld [smem:$0x3FB9];
	_ =	sdelay $0x3  }
0x36: {  	p1 =	seq.s32 s10, $0x1;
	s10 =	sld [smem:$0x3FBA];
	_ =	sdelay $0x3  }
0x37: {  	[smem:$0x3FBA] =	sst s10  }
0x38: {  	s10 =	sld [smem:$0x3FBB]  }
0x39: {  	_ = 	snop;
	(pc) =	sbr.ind lr, $3  }
0x3a: {  	_ = 	snop  }
0x3b: {  	_ = 	snop  }
0x3c: {  	p2 =	seq.s32 s10, $0x1;
	s10 =	sld [smem:$0x3FBA]  }
0x3d: {  	_ =	shalt  }
0x3e: {  	_ =	shalt  }
0x3f: {  	_ =	shalt  }
0x40: {  	_ =	shalt  }
0x41: {  	_ =	shalt  }
0x42: {  	_ =	shalt  }
0x43: {  	_ =	shalt  }
0x44: {  	_ =	shalt  }
0x45: {  	_ =	shalt  }
0x46: {  	_ =	shalt  }
0x47: {  	_ =	shalt  }
0x48: {  	_ =	shalt  }
0x49: {  	_ =	shalt  }
0x4a: {  	_ =	shalt  }
0x4b: {  	_ =	shalt  }
0x4c: {  	_ =	shalt  }
0x4d: {  	_ =	shalt  }
0x4e: {  	_ =	shalt  }
0x4f: {  	_ =	shalt  }
0x50: {  	_ =	shalt  }
0x51: {  	_ =	shalt  }
0x52: {  	_ =	shalt  }
0x53: {  	_ =	shalt  }
0x54: {  	_ =	shalt  }
0x55: {  	_ =	shalt  }
0x56: {  	_ =	shalt  }
0x57: {  	_ =	shalt  }
0x58: {  	_ =	shalt  }
0x59: {  	_ =	shalt  }
0x5a: {  	_ =	shalt  }
0x5b: {  	_ =	shalt  }
0x5c: {  	_ =	shalt  }
0x5d: {  	_ =	shalt  }
0x5e: {  	_ =	shalt  }
0x5f: {  	_ =	shalt  }
0x60: {  	_ =	shalt  }
0x61: {  	_ =	shalt  }
0x62: {  	_ =	shalt  }
0x63: {  	_ =	shalt  }
0x64: {  	_ =	shalt  }
0x65: {  	_ =	shalt  }
0x66: {  	_ =	shalt  }
0x67: {  	_ =	shalt  }
0x68: {  	_ =	shalt  }
0x69: {  	_ =	shalt  }
0x6a: {  	_ =	shalt  }
0x6b: {  	_ =	shalt  }
0x6c: {  	_ =	shalt  }
0x6d: {  	_ =	shalt  }
0x6e: {  	_ =	shalt  }
0x6f: {  	_ =	shalt  }
0x70: {  	_ =	shalt  }
0x71: {  	_ =	shalt  }
0x72: {  	_ =	shalt  }
0x73: {  	_ =	shalt  }
0x74: {  	_ =	shalt  }
0x75: {  	_ =	shalt  }
0x76: {  	_ =	shalt  }
0x77: {  	_ =	shalt  }
0x78: {  	_ =	shalt  }
0x79: {  	_ =	shalt  }
0x7a: {  	_ =	shalt  }
0x7b: {  	_ =	shalt  }
0x7c: {  	_ =	shalt  }
0x7d: {  	_ =	shalt  }
0x7e: {  	_ =	shalt  }
0x7f: {  	_ =	shalt  }
0x80: {  	_ =	shalt  }
0x81: {  	_ =	shalt  }
0x82: {  	_ =	shalt  }
0x83: {  	_ =	shalt  }
0x84: {  	_ =	shalt  }
0x85: {  	_ =	shalt  }
0x86: {  	_ =	shalt  }
0x87: {  	_ =	shalt  }
.Lfunc_end0:
.L_simem_size_0:
called_computation_lowered:
.L_overlay_start_0:
0x88: {  	s2 =	sld [smem:$0x3FD9]  }
0x89: {  	s3 =	sld [smem:$0x3FFE];
	_ =	sdelay $0x1  }
0x8a: {  	s1 =	srdreg.scid  }
0x8b: {  	s0 =	sand.u32 $0x1, s1  }
0x8c: {  	s18 =	sshll.u32 s0, $0xA;
	s2 =	sadd.s32 s3, s2  }
0x8d: {  	s2 =	sadd.s32 s2, s18  }
0x8e: {  	[smem:$0x3FC6] =	sst s2  }
0x8f: {  	_ = 	snop  }
0x90: {  	s2 =	sld [smem:$0x3FC9]  }
0x91: {  	s19 =	sld [smem:$0x3FC8]  }
0x92: {  	s4 =	sld [smem:$0x3FD0];
	(tm) =	ssettm $0x1  }
0x93: {  	s5 =	sld [smem:$0x3FFB];
	_ =	sdelay $0x3  }
0x94: {  	_ =	strace s5  }
0x95: {  	s5 =	sld [smem:$0x3FFC];
	_ =	sdelay $0x3  }
0x96: {  	_ =	strace s5  }
0x97: {  	s5 =	sld [smem:$0x3FFD];
	_ =	sdelay $0x3  }
0x98: {  	_ =	strace s5  }
0x99: {  	_ =	strace $0x8FFFFFFF  }
0x9a: {  	s20 =	sld [smem:$0x3FDB];
	_ =	sdelay $0x1  }
0x9b: {  	s6 =	simm.s32 $_scs_section_size  }
0x9c: {  	s7 =	simm.s32 $_size__tile_overlayer_lowered;
	s8 =	simm.s32 $_tile_overlayer_lowered  }
0x9d: {  	s23 =	simm.s32 $0x1BFF;
	s22 =	sshll.u32 s8, $0x1;
	s5 =	sadd.s32 s6, s20  }
0x9e: {  	s9 =	simm.s32 $0x0;
	s21 =	sshll.u32 s7, $0x1;
	s7 =	sadd.s32 s22, s5  }
0x9f: {  	[timem:s9], [sflag:s23] =	dma.local [hbm:s7], s21  }
0xa0: {  	_ =	swait.ge [sflag:s23], s21  }
0xa1: {  	s6 =	ssub.s32 $0x0, s21;
	[sflag:s23] =	ssyncset.done $0x0  }
0xa2: {  	[sflag:s23] =	ssyncadd.s32 s6;
	_ =	sdelay $0x1  }
0xa3: {  	s24 =	simm.s32 $0x1B8B  }
0xa4: {  	_ =	swait.ge [sflag:s24], $0x1  }
0xa5: {  	[sflag:s24] =	ssyncset.done $0x0  }
0xa6: {  	s25 =	simm.s32 $0x1B8E;
	[sflag:s24] =	ssyncadd.s32 $0xFFFFFFFF  }
0xa7: {  	s26 =	simm.s32 $execute0_lowered;
	[smem:$0x3FD2] =	sst s25  }
0xa8: {  	s6 =	sshll.u32 s26, $0x1;
	_ =	strace $0x80000046;
	[dreg:$0x1] =	wrdreg $0xFFFFFFFF  }
0xa9: {  	s28 =	simm.s32 $_size_execute0_lowered;
	s5 =	sadd.s32 s5, s6;
	[dreg:$0x0] =	wrdreg $0x0  }
0xaa: {  	s6 =	sshll.u32 s28, $0x1;
	[dreg:$0x2] =	wrdreg s5  }
0xab: {  	[dreg:$0x3] =	wrdreg s6  }
0xac: {  	[dreg:$0x4] =	wrdreg $0xC0  }
0xad: {  	_ =	task [dreg:s9], $0x5FFFF  }
0xae: {  	[dreg:$0x1] =	wrdreg $0xFFFFFFFF  }
0xaf: {  	[dreg:$0x0] =	wrdreg $0x60  }
0xb0: {  	[dreg:$0x2] =	wrdreg s2  }
0xb1: {  	[dreg:$0x3] =	wrdreg s19  }
0xb2: {  	[dreg:$0x4] =	wrdreg s4  }
0xb3: {  	[dreg:$0x5] =	wrdreg $0x9  }
0xb4: {  	_ =	task.clear_ibuf [dreg:s9], $0x6FFFF;
	_ =	strace $0x90000046  }
0xb5: {  	s29 =	simm.s32 $0x9;
	_ =	strace $0x80000048  }
0xb6: {  	_ =	swait.ge [sflag:s29], $0x1  }
0xb7: {  	[sflag:s29] =	ssyncadd.s32 $0xFFFFFFFF  }
0xb8: {  	_ =	strace $0x90000048  }
0xb9: {  	_ =	sfence  }
0xba: {  	s30 =	sld [smem:$0x0];
	_ =	sdelay $0x2  }
0xbb: {  	s31 =	sshll.u32 s1, $0xD;
	s1 =	sshrl.u32 s1, $0x2  }
0xbc: {  	s3 =	sand.u32 $0x4000, s31;
	s1 =	sadd.s32 s1, s30  }
0xbd: {  	s0 =	sor.u32 s3, s0;
	s1 =	sshll.u32 s1, $0x11  }
0xbe: {  	s0 =	sor.u32 s1, s0  }
0xbf: {  	s0 =	sadd.s32 $0x8F2B, s0  }
0xc0: {  	[sflag:s0] =	ssyncadd.remote.s32 $0x1  }
0xc1: {  	_ =	sfence.sel $0xFFFF  }
0xc2: {  	[dreg:$0x0] =	wrdreg $0xFFFFFFFF;
	(pc) =	sbr.abs _section_cstart, $3  }
0xc3: {  	[dreg:$0x1] =	wrdreg $0xFFFFFFFF  }
0xc4: {  	_ =	task.clear_ibuf [dreg:s9], $0x2FFFF;
	_ =	strace $0x9FFFFFFF  }
0xc5: {  	(tm) =	ssettm $0x7FFFFFFF  }
tec
execute0_lowered:
.L_overlay_start_1:
0x0: {  	(tag) =	ssettag $0x1  }
0x1: {  	v0 =	vimm.s32 $0x1380  }
0x2: {  	vm14 =	vcmask $0x300;
	vm13 =	vcmask $0x704;
	vm12 =	vcmask $0xB08  }
0x3: {  	vm11 =	vcmask $0xF0C;
	vm10 =	vcmask $0x1310;
	vm9 =	vcmask $0x1714  }
0x4: {  	vm8 =	vcmask $0x1B18;
	vm7 =	vcmask $0x1F1C;
	vm6 =	vcmask $0x2320  }
0x5: {  	vm5 =	vcmask $0x2724;
	vm4 =	vcmask $0x2B28;
	vm3 =	vcmask $0x2F2C  }
0x6: {  	v1 =	vlaneseq.u32;
	vm2 =	vcmask $0x3330;
	vm1 =	vcmask $0x3734  }
0x7: {  	vm0 =	vcmask $0x3B38;
	v3 =	vimm.s32 $0x3380;
	v4 =	vimm.s32 $0x1FF0  }
0x8: {  	v5 =	vimm.s32 $0x3FF0;
	v6 =	vimm.s32 $0x1FF1;
	v7 =	vimm.s32 $0x3FF1  }
0x9: {  	v8 =	vimm.s32 $0x1FF2;
	v9 =	vimm.s32 $0x3FF2;
	v10 =	vimm.s32 $0x1FF3  }
0xa: {  	v11 =	vimm.s32 $0x3FF3;
	v12 =	vimm.s32 $0x1FF4;
	v13 =	vimm.s32 $0x3FF4  }
0xb: {  	v14 =	vimm.s32 $0x1FF5;
	v15 =	vimm.s32 $0x3FF5;
	v16 =	vimm.s32 $0x1FF6  }
0xc: {  	v17 =	vimm.s32 $0x3FF6;
	v18 =	vimm.s32 $0x1FF7;
	v19 =	vimm.s32 $0x3FF7  }
0xd: {  	v20 =	vimm.s32 $0x1FF8;
	v21 =	vimm.s32 $0x3FF8;
	v22 =	vimm.s32 $0x1FF9  }
0xe: {  	v23 =	vimm.s32 $0x3FF9;
	v24 =	vimm.s32 $0x1FFA;
	v25 =	vimm.s32 $0x3FFA  }
0xf: {  	v26 =	vimm.s32 $0x1FFB;
	v27 =	vimm.s32 $0x3FFB;
	v28 =	vimm.s32 $0x1FFC  }
0x10: {  	v29 =	vimm.s32 $0x3FFC;
	v30 =	vimm.s32 $0x1FFD;
	v31 =	vimm.s32 $0x3FFD  }
0x11: {  	v32 =	vimm.s32 $0x1FFE;
	v33 =	vimm.s32 $0x3FFE;
	v34 =	vimm.s32 $0x1FFF  }
0x12: {  	v35 =	vimm.s32 $0x3FFF;
	v0 =	vsel vm14, $0x0, v0;
	v3 =	vsel vm14, $0x2000, v3  }
0x13: {  	v4 =	vsel vm14, $0xC70, v4;
	v5 =	vsel vm14, $0x2C70, v5;
	v6 =	vsel vm14, $0xC71, v6  }
0x14: {  	v7 =	vsel vm14, $0x2C71, v7;
	v8 =	vsel vm14, $0xC72, v8;
	v9 =	vsel vm14, $0x2C72, v9  }
0x15: {  	v10 =	vsel vm14, $0xC73, v10;
	v11 =	vsel vm14, $0x2C73, v11;
	v12 =	vsel vm14, $0xC74, v12  }
0x16: {  	v13 =	vsel vm14, $0x2C74, v13;
	v14 =	vsel vm14, $0xC75, v14;
	v15 =	vsel vm14, $0x2C75, v15  }
0x17: {  	v16 =	vsel vm14, $0xC76, v16;
	v17 =	vsel vm14, $0x2C76, v17;
	v18 =	vsel vm14, $0xC77, v18  }
0x18: {  	v19 =	vsel vm14, $0x2C77, v19;
	v20 =	vsel vm14, $0xC78, v20;
	v21 =	vsel vm14, $0x2C78, v21  }
0x19: {  	v22 =	vsel vm14, $0xC79, v22;
	v23 =	vsel vm14, $0x2C79, v23;
	v24 =	vsel vm14, $0xC7A, v24  }
0x1a: {  	v25 =	vsel vm14, $0x2C7A, v25;
	v26 =	vsel vm14, $0xC7B, v26;
	v27 =	vsel vm14, $0x2C7B, v27  }
0x1b: {  	v28 =	vsel vm14, $0xC7C, v28;
	v29 =	vsel vm14, $0x2C7C, v29;
	v30 =	vsel vm14, $0xC7D, v30  }
0x1c: {  	v31 =	vsel vm14, $0x2C7D, v31;
	v32 =	vsel vm14, $0xC7E, v32;
	v33 =	vsel vm14, $0x2C7E, v33  }
0x1d: {  	v34 =	vsel vm14, $0xC7F, v34;
	v35 =	vsel vm14, $0x2C7F, v35;
	v0 =	vsel vm13, $0x80, v0  }
0x1e: {  	v3 =	vsel vm13, $0x2080, v3;
	v4 =	vsel vm13, $0xCF0, v4;
	v5 =	vsel vm13, $0x2CF0, v5  }
0x1f: {  	v6 =	vsel vm13, $0xCF1, v6;
	v7 =	vsel vm13, $0x2CF1, v7;
	v8 =	vsel vm13, $0xCF2, v8  }
0x20: {  	v9 =	vsel vm13, $0x2CF2, v9;
	v10 =	vsel vm13, $0xCF3, v10;
	v11 =	vsel vm13, $0x2CF3, v11  }
0x21: {  	v12 =	vsel vm13, $0xCF4, v12;
	v13 =	vsel vm13, $0x2CF4, v13;
	v14 =	vsel vm13, $0xCF5, v14  }
0x22: {  	v15 =	vsel vm13, $0x2CF5, v15;
	v16 =	vsel vm13, $0xCF6, v16;
	v17 =	vsel vm13, $0x2CF6, v17  }
0x23: {  	v18 =	vsel vm13, $0xCF7, v18;
	v19 =	vsel vm13, $0x2CF7, v19;
	v20 =	vsel vm13, $0xCF8, v20  }
0x24: {  	v21 =	vsel vm13, $0x2CF8, v21;
	v22 =	vsel vm13, $0xCF9, v22;
	v23 =	vsel vm13, $0x2CF9, v23  }
0x25: {  	v24 =	vsel vm13, $0xCFA, v24;
	v25 =	vsel vm13, $0x2CFA, v25;
	v26 =	vsel vm13, $0xCFB, v26  }
0x26: {  	v27 =	vsel vm13, $0x2CFB, v27;
	v28 =	vsel vm13, $0xCFC, v28;
	v29 =	vsel vm13, $0x2CFC, v29  }
0x27: {  	v30 =	vsel vm13, $0xCFD, v30;
	v31 =	vsel vm13, $0x2CFD, v31;
	v32 =	vsel vm13, $0xCFE, v32  }
0x28: {  	v33 =	vsel vm13, $0x2CFE, v33;
	v34 =	vsel vm13, $0xCFF, v34;
	v35 =	vsel vm13, $0x2CFF, v35  }
0x29: {  	v0 =	vsel vm12, $0x100, v0;
	v3 =	vsel vm12, $0x2100, v3;
	v4 =	vsel vm12, $0xD70, v4  }
0x2a: {  	v5 =	vsel vm12, $0x2D70, v5;
	v6 =	vsel vm12, $0xD71, v6;
	v7 =	vsel vm12, $0x2D71, v7  }
0x2b: {  	v8 =	vsel vm12, $0xD72, v8;
	v9 =	vsel vm12, $0x2D72, v9;
	v10 =	vsel vm12, $0xD73, v10  }
0x2c: {  	v11 =	vsel vm12, $0x2D73, v11;
	v12 =	vsel vm12, $0xD74, v12;
	v13 =	vsel vm12, $0x2D74, v13  }
0x2d: {  	v14 =	vsel vm12, $0xD75, v14;
	v15 =	vsel vm12, $0x2D75, v15;
	v16 =	vsel vm12, $0xD76, v16  }
0x2e: {  	v17 =	vsel vm12, $0x2D76, v17;
	v18 =	vsel vm12, $0xD77, v18;
	v19 =	vsel vm12, $0x2D77, v19  }
0x2f: {  	v20 =	vsel vm12, $0xD78, v20;
	v21 =	vsel vm12, $0x2D78, v21;
	v22 =	vsel vm12, $0xD79, v22  }
0x30: {  	v23 =	vsel vm12, $0x2D79, v23;
	v24 =	vsel vm12, $0xD7A, v24;
	v25 =	vsel vm12, $0x2D7A, v25  }
0x31: {  	v26 =	vsel vm12, $0xD7B, v26;
	v27 =	vsel vm12, $0x2D7B, v27;
	v28 =	vsel vm12, $0xD7C, v28  }
0x32: {  	v29 =	vsel vm12, $0x2D7C, v29;
	v30 =	vsel vm12, $0xD7D, v30;
	v31 =	vsel vm12, $0x2D7D, v31  }
0x33: {  	v32 =	vsel vm12, $0xD7E, v32;
	v33 =	vsel vm12, $0x2D7E, v33;
	v34 =	vsel vm12, $0xD7F, v34  }
0x34: {  	v35 =	vsel vm12, $0x2D7F, v35;
	v0 =	vsel vm11, $0x180, v0;
	v3 =	vsel vm11, $0x2180, v3  }
0x35: {  	v4 =	vsel vm11, $0xDF0, v4;
	v5 =	vsel vm11, $0x2DF0, v5;
	v6 =	vsel vm11, $0xDF1, v6  }
0x36: {  	v7 =	vsel vm11, $0x2DF1, v7;
	v8 =	vsel vm11, $0xDF2, v8;
	v9 =	vsel vm11, $0x2DF2, v9  }
0x37: {  	v10 =	vsel vm11, $0xDF3, v10;
	v11 =	vsel vm11, $0x2DF3, v11;
	v12 =	vsel vm11, $0xDF4, v12  }
0x38: {  	v13 =	vsel vm11, $0x2DF4, v13;
	v14 =	vsel vm11, $0xDF5, v14;
	v15 =	vsel vm11, $0x2DF5, v15  }
0x39: {  	v16 =	vsel vm11, $0xDF6, v16;
	v17 =	vsel vm11, $0x2DF6, v17;
	v18 =	vsel vm11, $0xDF7, v18  }
0x3a: {  	v19 =	vsel vm11, $0x2DF7, v19;
	v20 =	vsel vm11, $0xDF8, v20;
	v21 =	vsel vm11, $0x2DF8, v21  }
0x3b: {  	v22 =	vsel vm11, $0xDF9, v22;
	v23 =	vsel vm11, $0x2DF9, v23;
	v24 =	vsel vm11, $0xDFA, v24  }
0x3c: {  	v25 =	vsel vm11, $0x2DFA, v25;
	v26 =	vsel vm11, $0xDFB, v26;
	v27 =	vsel vm11, $0x2DFB, v27  }
0x3d: {  	v28 =	vsel vm11, $0xDFC, v28;
	v29 =	vsel vm11, $0x2DFC, v29;
	v30 =	vsel vm11, $0xDFD, v30  }
0x3e: {  	v31 =	vsel vm11, $0x2DFD, v31;
	v32 =	vsel vm11, $0xDFE, v32;
	v33 =	vsel vm11, $0x2DFE, v33  }
0x3f: {  	v34 =	vsel vm11, $0xDFF, v34;
	v35 =	vsel vm11, $0x2DFF, v35;
	v0 =	vsel vm10, $0x200, v0  }
0x40: {  	v3 =	vsel vm10, $0x2200, v3;
	v4 =	vsel vm10, $0xE70, v4;
	v5 =	vsel vm10, $0x2E70, v5  }
0x41: {  	v6 =	vsel vm10, $0xE71, v6;
	v7 =	vsel vm10, $0x2E71, v7;
	v8 =	vsel vm10, $0xE72, v8  }
0x42: {  	v9 =	vsel vm10, $0x2E72, v9;
	v10 =	vsel vm10, $0xE73, v10;
	v11 =	vsel vm10, $0x2E73, v11  }
0x43: {  	v12 =	vsel vm10, $0xE74, v12;
	v13 =	vsel vm10, $0x2E74, v13;
	v14 =	vsel vm10, $0xE75, v14  }
0x44: {  	v15 =	vsel vm10, $0x2E75, v15;
	v16 =	vsel vm10, $0xE76, v16;
	v17 =	vsel vm10, $0x2E76, v17  }
0x45: {  	v18 =	vsel vm10, $0xE77, v18;
	v19 =	vsel vm10, $0x2E77, v19;
	v20 =	vsel vm10, $0xE78, v20  }
0x46: {  	v21 =	vsel vm10, $0x2E78, v21;
	v22 =	vsel vm10, $0xE79, v22;
	v23 =	vsel vm10, $0x2E79, v23  }
0x47: {  	v24 =	vsel vm10, $0xE7A, v24;
	v25 =	vsel vm10, $0x2E7A, v25;
	v26 =	vsel vm10, $0xE7B, v26  }
0x48: {  	v27 =	vsel vm10, $0x2E7B, v27;
	v28 =	vsel vm10, $0xE7C, v28;
	v29 =	vsel vm10, $0x2E7C, v29  }
0x49: {  	v30 =	vsel vm10, $0xE7D, v30;
	v31 =	vsel vm10, $0x2E7D, v31;
	v32 =	vsel vm10, $0xE7E, v32  }
0x4a: {  	v33 =	vsel vm10, $0x2E7E, v33;
	v34 =	vsel vm10, $0xE7F, v34;
	v35 =	vsel vm10, $0x2E7F, v35  }
0x4b: {  	v0 =	vsel vm9, $0x280, v0;
	v3 =	vsel vm9, $0x2280, v3;
	v4 =	vsel vm9, $0xEF0, v4  }
0x4c: {  	v5 =	vsel vm9, $0x2EF0, v5;
	v6 =	vsel vm9, $0xEF1, v6;
	v7 =	vsel vm9, $0x2EF1, v7  }
0x4d: {  	v8 =	vsel vm9, $0xEF2, v8;
	v9 =	vsel vm9, $0x2EF2, v9;
	v10 =	vsel vm9, $0xEF3, v10  }
0x4e: {  	v11 =	vsel vm9, $0x2EF3, v11;
	v12 =	vsel vm9, $0xEF4, v12;
	v13 =	vsel vm9, $0x2EF4, v13  }
0x4f: {  	v14 =	vsel vm9, $0xEF5, v14;
	v15 =	vsel vm9, $0x2EF5, v15;
	v16 =	vsel vm9, $0xEF6, v16  }
0x50: {  	v17 =	vsel vm9, $0x2EF6, v17;
	v18 =	vsel vm9, $0xEF7, v18;
	v19 =	vsel vm9, $0x2EF7, v19  }
0x51: {  	v20 =	vsel vm9, $0xEF8, v20;
	v21 =	vsel vm9, $0x2EF8, v21;
	v22 =	vsel vm9, $0xEF9, v22  }
0x52: {  	v23 =	vsel vm9, $0x2EF9, v23;
	v24 =	vsel vm9, $0xEFA, v24;
	v25 =	vsel vm9, $0x2EFA, v25  }
0x53: {  	v26 =	vsel vm9, $0xEFB, v26;
	v27 =	vsel vm9, $0x2EFB, v27;
	v28 =	vsel vm9, $0xEFC, v28  }
0x54: {  	v29 =	vsel vm9, $0x2EFC, v29;
	v30 =	vsel vm9, $0xEFD, v30;
	v31 =	vsel vm9, $0x2EFD, v31  }
0x55: {  	v32 =	vsel vm9, $0xEFE, v32;
	v33 =	vsel vm9, $0x2EFE, v33;
	v34 =	vsel vm9, $0xEFF, v34  }
0x56: {  	v35 =	vsel vm9, $0x2EFF, v35;
	v0 =	vsel vm8, $0x300, v0;
	v3 =	vsel vm8, $0x2300, v3  }
0x57: {  	v4 =	vsel vm8, $0xF70, v4;
	v5 =	vsel vm8, $0x2F70, v5;
	v6 =	vsel vm8, $0xF71, v6  }
0x58: {  	v7 =	vsel vm8, $0x2F71, v7;
	v8 =	vsel vm8, $0xF72, v8;
	v9 =	vsel vm8, $0x2F72, v9  }
0x59: {  	v10 =	vsel vm8, $0xF73, v10;
	v11 =	vsel vm8, $0x2F73, v11;
	v12 =	vsel vm8, $0xF74, v12  }
0x5a: {  	v13 =	vsel vm8, $0x2F74, v13;
	v14 =	vsel vm8, $0xF75, v14;
	v15 =	vsel vm8, $0x2F75, v15  }
0x5b: {  	v16 =	vsel vm8, $0xF76, v16;
	v17 =	vsel vm8, $0x2F76, v17;
	v18 =	vsel vm8, $0xF77, v18  }
0x5c: {  	v19 =	vsel vm8, $0x2F77, v19;
	v20 =	vsel vm8, $0xF78, v20;
	v21 =	vsel vm8, $0x2F78, v21  }
0x5d: {  	v22 =	vsel vm8, $0xF79, v22;
	v23 =	vsel vm8, $0x2F79, v23;
	v24 =	vsel vm8, $0xF7A, v24  }
0x5e: {  	v25 =	vsel vm8, $0x2F7A, v25;
	v26 =	vsel vm8, $0xF7B, v26;
	v27 =	vsel vm8, $0x2F7B, v27  }
0x5f: {  	v28 =	vsel vm8, $0xF7C, v28;
	v29 =	vsel vm8, $0x2F7C, v29;
	v30 =	vsel vm8, $0xF7D, v30  }
0x60: {  	v31 =	vsel vm8, $0x2F7D, v31;
	v32 =	vsel vm8, $0xF7E, v32;
	v33 =	vsel vm8, $0x2F7E, v33  }
0x61: {  	v34 =	vsel vm8, $0xF7F, v34;
	v35 =	vsel vm8, $0x2F7F, v35;
	v0 =	vsel vm7, $0x380, v0  }
0x62: {  	v3 =	vsel vm7, $0x2380, v3;
	v4 =	vsel vm7, $0xFF0, v4;
	v5 =	vsel vm7, $0x2FF0, v5  }
0x63: {  	v6 =	vsel vm7, $0xFF1, v6;
	v7 =	vsel vm7, $0x2FF1, v7;
	v8 =	vsel vm7, $0xFF2, v8  }
0x64: {  	v9 =	vsel vm7, $0x2FF2, v9;
	v10 =	vsel vm7, $0xFF3, v10;
	v11 =	vsel vm7, $0x2FF3, v11  }
0x65: {  	v12 =	vsel vm7, $0xFF4, v12;
	v13 =	vsel vm7, $0x2FF4, v13;
	v14 =	vsel vm7, $0xFF5, v14  }
0x66: {  	v15 =	vsel vm7, $0x2FF5, v15;
	v16 =	vsel vm7, $0xFF6, v16;
	v17 =	vsel vm7, $0x2FF6, v17  }
0x67: {  	v18 =	vsel vm7, $0xFF7, v18;
	v19 =	vsel vm7, $0x2FF7, v19;
	v20 =	vsel vm7, $0xFF8, v20  }
0x68: {  	v21 =	vsel vm7, $0x2FF8, v21;
	v22 =	vsel vm7, $0xFF9, v22;
	v23 =	vsel vm7, $0x2FF9, v23  }
0x69: {  	v24 =	vsel vm7, $0xFFA, v24;
	v25 =	vsel vm7, $0x2FFA, v25;
	v26 =	vsel vm7, $0xFFB, v26  }
0x6a: {  	v27 =	vsel vm7, $0x2FFB, v27;
	v28 =	vsel vm7, $0xFFC, v28;
	v29 =	vsel vm7, $0x2FFC, v29  }
0x6b: {  	v30 =	vsel vm7, $0xFFD, v30;
	v31 =	vsel vm7, $0x2FFD, v31;
	v32 =	vsel vm7, $0xFFE, v32  }
0x6c: {  	v33 =	vsel vm7, $0x2FFE, v33;
	v34 =	vsel vm7, $0xFFF, v34;
	v35 =	vsel vm7, $0x2FFF, v35  }
0x6d: {  	v0 =	vsel vm6, $0x1000, v0;
	v3 =	vsel vm6, $0x3000, v3;
	v4 =	vsel vm6, $0x1C70, v4  }
0x6e: {  	v5 =	vsel vm6, $0x3C70, v5;
	v6 =	vsel vm6, $0x1C71, v6;
	v7 =	vsel vm6, $0x3C71, v7  }
0x6f: {  	v8 =	vsel vm6, $0x1C72, v8;
	v9 =	vsel vm6, $0x3C72, v9;
	v10 =	vsel vm6, $0x1C73, v10  }
0x70: {  	v11 =	vsel vm6, $0x3C73, v11;
	v12 =	vsel vm6, $0x1C74, v12;
	v13 =	vsel vm6, $0x3C74, v13  }
0x71: {  	v14 =	vsel vm6, $0x1C75, v14;
	v15 =	vsel vm6, $0x3C75, v15;
	v16 =	vsel vm6, $0x1C76, v16  }
0x72: {  	v17 =	vsel vm6, $0x3C76, v17;
	v18 =	vsel vm6, $0x1C77, v18;
	v19 =	vsel vm6, $0x3C77, v19  }
0x73: {  	v20 =	vsel vm6, $0x1C78, v20;
	v21 =	vsel vm6, $0x3C78, v21;
	v22 =	vsel vm6, $0x1C79, v22  }
0x74: {  	v23 =	vsel vm6, $0x3C79, v23;
	v24 =	vsel vm6, $0x1C7A, v24;
	v25 =	vsel vm6, $0x3C7A, v25  }
0x75: {  	v26 =	vsel vm6, $0x1C7B, v26;
	v27 =	vsel vm6, $0x3C7B, v27;
	v28 =	vsel vm6, $0x1C7C, v28  }
0x76: {  	v29 =	vsel vm6, $0x3C7C, v29;
	v30 =	vsel vm6, $0x1C7D, v30;
	v31 =	vsel vm6, $0x3C7D, v31  }
0x77: {  	v32 =	vsel vm6, $0x1C7E, v32;
	v33 =	vsel vm6, $0x3C7E, v33;
	v34 =	vsel vm6, $0x1C7F, v34  }
0x78: {  	v35 =	vsel vm6, $0x3C7F, v35;
	v0 =	vsel vm5, $0x1080, v0;
	v3 =	vsel vm5, $0x3080, v3  }
0x79: {  	v4 =	vsel vm5, $0x1CF0, v4;
	v5 =	vsel vm5, $0x3CF0, v5;
	v6 =	vsel vm5, $0x1CF1, v6  }
0x7a: {  	v7 =	vsel vm5, $0x3CF1, v7;
	v8 =	vsel vm5, $0x1CF2, v8;
	v9 =	vsel vm5, $0x3CF2, v9  }
0x7b: {  	v10 =	vsel vm5, $0x1CF3, v10;
	v11 =	vsel vm5, $0x3CF3, v11;
	v12 =	vsel vm5, $0x1CF4, v12  }
0x7c: {  	v13 =	vsel vm5, $0x3CF4, v13;
	v14 =	vsel vm5, $0x1CF5, v14;
	v15 =	vsel vm5, $0x3CF5, v15  }
0x7d: {  	v16 =	vsel vm5, $0x1CF6, v16;
	v17 =	vsel vm5, $0x3CF6, v17;
	v18 =	vsel vm5, $0x1CF7, v18  }
0x7e: {  	v19 =	vsel vm5, $0x3CF7, v19;
	v20 =	vsel vm5, $0x1CF8, v20;
	v21 =	vsel vm5, $0x3CF8, v21  }
0x7f: {  	v22 =	vsel vm5, $0x1CF9, v22;
	v23 =	vsel vm5, $0x3CF9, v23;
	v24 =	vsel vm5, $0x1CFA, v24  }
0x80: {  	v25 =	vsel vm5, $0x3CFA, v25;
	v26 =	vsel vm5, $0x1CFB, v26;
	v27 =	vsel vm5, $0x3CFB, v27  }
0x81: {  	v28 =	vsel vm5, $0x1CFC, v28;
	v29 =	vsel vm5, $0x3CFC, v29;
	v30 =	vsel vm5, $0x1CFD, v30  }
0x82: {  	v31 =	vsel vm5, $0x3CFD, v31;
	v32 =	vsel vm5, $0x1CFE, v32;
	v33 =	vsel vm5, $0x3CFE, v33  }
0x83: {  	v34 =	vsel vm5, $0x1CFF, v34;
	v35 =	vsel vm5, $0x3CFF, v35;
	v0 =	vsel vm4, $0x1100, v0  }
0x84: {  	v3 =	vsel vm4, $0x3100, v3;
	v4 =	vsel vm4, $0x1D70, v4;
	v5 =	vsel vm4, $0x3D70, v5  }
0x85: {  	v6 =	vsel vm4, $0x1D71, v6;
	v7 =	vsel vm4, $0x3D71, v7;
	v8 =	vsel vm4, $0x1D72, v8  }
0x86: {  	v9 =	vsel vm4, $0x3D72, v9;
	v10 =	vsel vm4, $0x1D73, v10;
	v11 =	vsel vm4, $0x3D73, v11  }
0x87: {  	v12 =	vsel vm4, $0x1D74, v12;
	v13 =	vsel vm4, $0x3D74, v13;
	v14 =	vsel vm4, $0x1D75, v14  }
0x88: {  	v15 =	vsel vm4, $0x3D75, v15;
	v16 =	vsel vm4, $0x1D76, v16;
	v17 =	vsel vm4, $0x3D76, v17  }
0x89: {  	v18 =	vsel vm4, $0x1D77, v18;
	v19 =	vsel vm4, $0x3D77, v19;
	v20 =	vsel vm4, $0x1D78, v20  }
0x8a: {  	v21 =	vsel vm4, $0x3D78, v21;
	v22 =	vsel vm4, $0x1D79, v22;
	v23 =	vsel vm4, $0x3D79, v23  }
0x8b: {  	v24 =	vsel vm4, $0x1D7A, v24;
	v25 =	vsel vm4, $0x3D7A, v25;
	v26 =	vsel vm4, $0x1D7B, v26  }
0x8c: {  	v27 =	vsel vm4, $0x3D7B, v27;
	v28 =	vsel vm4, $0x1D7C, v28;
	v29 =	vsel vm4, $0x3D7C, v29  }
0x8d: {  	v30 =	vsel vm4, $0x1D7D, v30;
	v31 =	vsel vm4, $0x3D7D, v31;
	v32 =	vsel vm4, $0x1D7E, v32  }
0x8e: {  	v33 =	vsel vm4, $0x3D7E, v33;
	v34 =	vsel vm4, $0x1D7F, v34;
	v35 =	vsel vm4, $0x3D7F, v35  }
0x8f: {  	v2 =	vsel vm3, $0x1180, v0;
	v0 =	vmul.u32 $0x80, v1;
	v3 =	vsel vm3, $0x3180, v3  }
0x90: {  	v4 =	vsel vm3, $0x1DF0, v4;
	v5 =	vsel vm3, $0x3DF0, v5;
	v6 =	vsel vm3, $0x1DF1, v6  }
0x91: {  	v7 =	vsel vm3, $0x3DF1, v7;
	v8 =	vsel vm3, $0x1DF2, v8;
	v9 =	vsel vm3, $0x3DF2, v9  }
0x92: {  	v10 =	vsel vm3, $0x1DF3, v10;
	v11 =	vsel vm3, $0x3DF3, v11;
	v12 =	vsel vm3, $0x1DF4, v12  }
0x93: {  	v13 =	vsel vm3, $0x3DF4, v13;
	v14 =	vsel vm3, $0x1DF5, v14;
	v15 =	vsel vm3, $0x3DF5, v15  }
0x94: {  	v16 =	vsel vm3, $0x1DF6, v16;
	v17 =	vsel vm3, $0x3DF6, v17;
	v18 =	vsel vm3, $0x1DF7, v18  }
0x95: {  	v19 =	vsel vm3, $0x3DF7, v19;
	v20 =	vsel vm3, $0x1DF8, v20;
	v21 =	vsel vm3, $0x3DF8, v21  }
0x96: {  	v22 =	vsel vm3, $0x1DF9, v22;
	v23 =	vsel vm3, $0x3DF9, v23;
	v24 =	vsel vm3, $0x1DFA, v24  }
0x97: {  	v25 =	vsel vm3, $0x3DFA, v25;
	v26 =	vsel vm3, $0x1DFB, v26;
	v27 =	vsel vm3, $0x3DFB, v27  }
0x98: {  	v28 =	vsel vm3, $0x1DFC, v28;
	v29 =	vsel vm3, $0x3DFC, v29;
	v30 =	vsel vm3, $0x1DFD, v30  }
0x99: {  	v31 =	vsel vm3, $0x3DFD, v31;
	v32 =	vsel vm3, $0x1DFE, v32;
	v33 =	vsel vm3, $0x3DFE, v33  }
0x9a: {  	v34 =	vsel vm3, $0x1DFF, v34;
	v35 =	vsel vm3, $0x3DFF, v35;
	v1 =	vsel vm2, $0x1200, v2  }
0x9b: {  	v3 =	vsel vm2, $0x3200, v3;
	v4 =	vsel vm2, $0x1E70, v4;
	v5 =	vsel vm2, $0x3E70, v5  }
0x9c: {  	v6 =	vsel vm2, $0x1E71, v6;
	v7 =	vsel vm2, $0x3E71, v7;
	v8 =	vsel vm2, $0x1E72, v8  }
0x9d: {  	v9 =	vsel vm2, $0x3E72, v9;
	v10 =	vsel vm2, $0x1E73, v10;
	v11 =	vsel vm2, $0x3E73, v11  }
0x9e: {  	v12 =	vsel vm2, $0x1E74, v12;
	v13 =	vsel vm2, $0x3E74, v13;
	v14 =	vsel vm2, $0x1E75, v14  }
0x9f: {  	v15 =	vsel vm2, $0x3E75, v15;
	v16 =	vsel vm2, $0x1E76, v16;
	v17 =	vsel vm2, $0x3E76, v17  }
0xa0: {  	v18 =	vsel vm2, $0x1E77, v18;
	v19 =	vsel vm2, $0x3E77, v19;
	v20 =	vsel vm2, $0x1E78, v20  }
0xa1: {  	v21 =	vsel vm2, $0x3E78, v21;
	v22 =	vsel vm2, $0x1E79, v22;
	v23 =	vsel vm2, $0x3E79, v23  }
0xa2: {  	v24 =	vsel vm2, $0x1E7A, v24;
	v25 =	vsel vm2, $0x3E7A, v25;
	v26 =	vsel vm2, $0x1E7B, v26  }
0xa3: {  	v27 =	vsel vm2, $0x3E7B, v27;
	v28 =	vsel vm2, $0x1E7C, v28;
	v29 =	vsel vm2, $0x3E7C, v29  }
0xa4: {  	v30 =	vsel vm2, $0x1E7D, v30;
	v31 =	vsel vm2, $0x3E7D, v31;
	v32 =	vsel vm2, $0x1E7E, v32  }
0xa5: {  	v33 =	vsel vm2, $0x3E7E, v33;
	v34 =	vsel vm2, $0x1E7F, v34;
	v35 =	vsel vm2, $0x3E7F, v35  }
0xa6: {  	v2 =	vsel vm1, $0x1280, v1;
	v1 =	vor.u32 $0x800, v0;
	v3 =	vsel vm1, $0x3280, v3  }
0xa7: {  	v4 =	vsel vm1, $0x1EF0, v4;
	v5 =	vsel vm1, $0x3EF0, v5;
	v6 =	vsel vm1, $0x1EF1, v6  }
0xa8: {  	v7 =	vsel vm1, $0x3EF1, v7;
	v8 =	vsel vm1, $0x1EF2, v8;
	v9 =	vsel vm1, $0x3EF2, v9  }
0xa9: {  	v10 =	vsel vm1, $0x1EF3, v10;
	v11 =	vsel vm1, $0x3EF3, v11;
	v12 =	vsel vm1, $0x1EF4, v12  }
0xaa: {  	v13 =	vsel vm1, $0x3EF4, v13;
	v14 =	vsel vm1, $0x1EF5, v14;
	v15 =	vsel vm1, $0x3EF5, v15  }
0xab: {  	s1 =	rddreg [dreg:$0x0];
	v16 =	vsel vm1, $0x1EF6, v16;
	v17 =	vsel vm1, $0x3EF6, v17;
	v18 =	vsel vm1, $0x1EF7, v18  }
0xac: {  	s0 =	rddreg [dreg:$0x1];
	s2 =	srdreg.scid;
	v19 =	vsel vm1, $0x3EF7, v19;
	v20 =	vsel vm1, $0x1EF8, v20;
	v21 =	vsel vm1, $0x3EF8, v21  }
0xad: {  	s3 =	rddreg [dreg:$0x2];
	s4 =	stileid.u32;
	s7 =	simm.s32 $0x400;
	v22 =	vsel vm1, $0x1EF9, v22;
	v23 =	vsel vm1, $0x3EF9, v23;
	v24 =	vsel vm1, $0x1EFA, v24  }
0xae: {  	s6 =	simm.s32 $0x0;
	s9 =	simm.s32 $0x7A1400;
	s29 =	simm.s32 $0x9200;
	v25 =	vsel vm1, $0x3EFA, v25;
	v26 =	vsel vm1, $0x1EFB, v26;
	v27 =	vsel vm1, $0x3EFB, v27  }
0xaf: {  	s31 =	simm.s32 $0xA200;
	s8 =	simm.s32 $0xD200;
	s11 =	simm.s32 $0xE200;
	v28 =	vsel vm1, $0x1EFC, v28;
	v29 =	vsel vm1, $0x3EFC, v29;
	v30 =	vsel vm1, $0x1EFD, v30  }
0xb0: {  	s15 =	simm.s32 $0xF200;
	s19 =	simm.s32 $0x1;
	s21 =	simm.s32 $0x10200;
	v31 =	vsel vm1, $0x3EFD, v31;
	v32 =	vsel vm1, $0x1EFE, v32;
	v33 =	vsel vm1, $0x3EFE, v33  }
0xb1: {  	s28 =	simm.s32 $0x4;
	s30 =	simm.s32 $0x5;
	s13 =	simm.s32 $0xA;
	v34 =	vsel vm1, $0x1EFF, v34;
	v35 =	vsel vm1, $0x3EFF, v35;
	v2 =	vsel vm0, $0x1300, v2  }
0xb2: {  	s17 =	simm.s32 $0xB;
	s10 =	simm.s32 $0xC;
	s12 =	simm.s32 $0xD;
	v3 =	vsel vm0, $0x3300, v3;
	v4 =	vsel vm0, $0x1F70, v4;
	v5 =	vsel vm0, $0x3F70, v5  }
0xb3: {  	s14 =	simm.s32 $0xE;
	s16 =	simm.s32 $0xF;
	s18 =	simm.s32 $0x10;
	v6 =	vsel vm0, $0x1F71, v6;
	v7 =	vsel vm0, $0x3F71, v7;
	v8 =	vsel vm0, $0x1F72, v8  }
0xb4: {  	s22 =	simm.s32 $0x0;
	s2 =	sand.u32 $0x1, s2;
	s4 =	sshll.u32 s4, $0xA;
	v9 =	vsel vm0, $0x3F72, v9;
	v10 =	vsel vm0, $0x1F73, v10;
	v11 =	vsel vm0, $0x3F73, v11  }
0xb5: {  	[smem:$0x7FF] =	sst s6;
	s6 =	simm.s32 $0x9;
	s5 =	sshll.u32 s2, $0x9;
	v12 =	vsel vm0, $0x1F74, v12;
	v13 =	vsel vm0, $0x3F74, v13;
	v14 =	vsel vm0, $0x1F75, v14  }
0xb6: {  	s2 =	ssub.s32 $0x2, s2;
	_ =	strace $0x80000047;
	s4 =	sor.u32 s5, s4;
	v15 =	vsel vm0, $0x3F75, v15;
	v16 =	vsel vm0, $0x1F76, v16;
	v17 =	vsel vm0, $0x3F76, v17  }
0xb7: {  	s23 =	sshrl.u32 s2, $0x1;
	s5 =	simm.s32 $0x8;
	s24 =	sshrl.u32 s4, $0x3;
	v18 =	vsel vm0, $0x1F77, v18;
	v19 =	vsel vm0, $0x3F77, v19;
	v20 =	vsel vm0, $0x1F78, v20  }
0xb8: {  	s2 =	ssub.s32 s2, s23;
	s25 =	sadd.s32 s3, s4;
	s4 =	simm.s32 $0xC200;
	v21 =	vsel vm0, $0x3F78, v21;
	v22 =	vsel vm0, $0x1F79, v22;
	v23 =	vsel vm0, $0x3F79, v23  }
0xb9: {  	s23 =	simm.s32 $0x2;
	s3 =	simm.s32 $0x7;
	s1 =	sadd.s32 s1, s24;
	v24 =	vsel vm0, $0x1F7A, v24;
	v25 =	vsel vm0, $0x3F7A, v25;
	v26 =	vsel vm0, $0x1F7B, v26  }
0xba: {  	[dreg:$0x5] =	wrdreg s25;
	s24 =	simm.s32 $0x11;
	s26 =	smax.u32 s2, $0x1;
	v27 =	vsel vm0, $0x3F7B, v27;
	v28 =	vsel vm0, $0x1F7C, v28;
	v29 =	vsel vm0, $0x3F7C, v29  }
0xbb: {  	s25 =	simm.s32 $0x3;
	s2 =	simm.s32 $0x6;
	[dreg:$0x4] =	wrdreg s1;
	v30 =	vsel vm0, $0x1F7D, v30;
	v31 =	vsel vm0, $0x3F7D, v31;
	v32 =	vsel vm0, $0x1F7E, v32  }
0xbc: {  	[dreg:$0x6] =	wrdreg s26;
	s26 =	simm.s32 $0x8200;
	s1 =	simm.s32 $0xB200;
	v33 =	vsel vm0, $0x3F7E, v33;
	v34 =	vsel vm0, $0x1F7F, v34;
	v35 =	vsel vm0, $0x3F7F, v35  }
.LBB2_1:
0xbd: {  	[dreg:$0x7] =	wrdreg s22  }
0xbe: {  	s20 =	simm.s32 $0x0;
	s22 =	rddreg [dreg:$0x4]  }
0xbf: {  	[tilespmem:s20], [sflag:$0x11] =	stream.linear.gather [hbm4b:s22+s20], $0x200, $0x38;
	[tilespmem:$0x14200] =	vst v63  }
0xc0: {  	_ =	swait.ge [sflag:s24], $0x200  }
0xc1: {  	[sflag:s24] =	ssyncset.done $0x0  }
0xc2: {  	[sflag:s24] =	ssyncadd.s32 $0xFFFFFE00  }
0xc3: {  	v36 =	vld [tilespmem:$0x0];
	_ =	sdelay $0x4  }
0xc4: {  	(v2sf) =	vpush v36, $0x0;
	_ =	sdelay $0xe  }
0xc5: {  	s22 =	spop (v2sf)  }
0xc6: {  	s20 =	sand.u32 $0xFFFFF80, s22  }
0xc7: {  	s24 =	simm.s32 $0x200;
	s20 =	sadd.s32 s0, s20  }
0xc8: {  	[tilespmem:s24], [sflag:$0x1] =	stream.strided.gather [hbm4b:s20+s7], $0x800, s9, s7, $0x38;
	[tilespmem:$0x14200] =	vst v63  }
0xc9: {  	s20 =	sadd.s32 $0x1E8500, s20;
	s24 =	simm.s32 $0xA00  }
0xca: {  	[tilespmem:s24], [sflag:$0x1] =	stream.strided.gather [hbm4b:s20+s7], $0x800, s9, s7, $0x38;
	[tilespmem:$0x14200] =	vst v63  }
0xcb: {  	v48 =	vld [tilespmem:$0x0];
	_ =	sdelay $0x4  }
0xcc: {  	(v2sf) =	vpush v48, $0x1;
	_ =	sdelay $0xe  }
0xcd: {  	s22 =	spop (v2sf)  }
0xce: {  	s20 =	sand.u32 $0xFFFFF80, s22  }
0xcf: {  	s24 =	simm.s32 $0x1200;
	s20 =	sadd.s32 s0, s20  }
0xd0: {  	[tilespmem:s24], [sflag:$0x2] =	stream.strided.gather [hbm4b:s20+s7], $0x800, s9, s7, $0x38;
	[tilespmem:$0x14200] =	vst v63  }
0xd1: {  	s20 =	sadd.s32 $0x1E8500, s20;
	s24 =	simm.s32 $0x1A00  }
0xd2: {  	[tilespmem:s24], [sflag:$0x2] =	stream.strided.gather [hbm4b:s20+s7], $0x800, s9, s7, $0x38;
	[tilespmem:$0x14200] =	vst v63  }
0xd3: {  	v49 =	vld [tilespmem:$0x0];
	_ =	sdelay $0x4  }
0xd4: {  	(v2sf) =	vpush v49, $0x2;
	_ =	sdelay $0xe  }
0xd5: {  	s22 =	spop (v2sf)  }
0xd6: {  	s20 =	sand.u32 $0xFFFFF80, s22  }
0xd7: {  	s24 =	simm.s32 $0x2200;
	s20 =	sadd.s32 s0, s20  }
0xd8: {  	[tilespmem:s24], [sflag:$0x3] =	stream.strided.gather [hbm4b:s20+s7], $0x800, s9, s7, $0x38;
	[tilespmem:$0x14200] =	vst v63  }
0xd9: {  	s20 =	sadd.s32 $0x1E8500, s20;
	s24 =	simm.s32 $0x2A00  }
0xda: {  	[tilespmem:s24], [sflag:$0x3] =	stream.strided.gather [hbm4b:s20+s7], $0x800, s9, s7, $0x38;
	[tilespmem:$0x14200] =	vst v63  }
0xdb: {  	v50 =	vld [tilespmem:$0x0];
	_ =	sdelay $0x4  }
0xdc: {  	(v2sf) =	vpush v50, $0x3;
	_ =	sdelay $0xe  }
0xdd: {  	s22 =	spop (v2sf)  }
0xde: {  	s20 =	sand.u32 $0xFFFFF80, s22  }
0xdf: {  	s24 =	simm.s32 $0x3200;
	s20 =	sadd.s32 s0, s20  }
0xe0: {  	[tilespmem:s24], [sflag:$0x4] =	stream.strided.gather [hbm4b:s20+s7], $0x800, s9, s7, $0x38;
	[tilespmem:$0x14200] =	vst v63  }
0xe1: {  	s20 =	sadd.s32 $0x1E8500, s20;
	s24 =	simm.s32 $0x3A00  }
0xe2: {  	[tilespmem:s24], [sflag:$0x4] =	stream.strided.gather [hbm4b:s20+s7], $0x800, s9, s7, $0x38;
	[tilespmem:$0x14200] =	vst v63  }
0xe3: {  	v51 =	vld [tilespmem:$0x0];
	_ =	sdelay $0x4  }
0xe4: {  	(v2sf) =	vpush v51, $0x4;
	_ =	sdelay $0xe  }
0xe5: {  	s22 =	spop (v2sf)  }
0xe6: {  	s20 =	sand.u32 $0xFFFFF80, s22  }
0xe7: {  	s24 =	simm.s32 $0x4200;
	s20 =	sadd.s32 s0, s20  }
0xe8: {  	[tilespmem:s24], [sflag:$0x5] =	stream.strided.gather [hbm4b:s20+s7], $0x800, s9, s7, $0x38;
	[tilespmem:$0x14200] =	vst v63  }
0xe9: {  	s20 =	sadd.s32 $0x1E8500, s20;
	s24 =	simm.s32 $0x4A00  }
0xea: {  	[tilespmem:s24], [sflag:$0x5] =	stream.strided.gather [hbm4b:s20+s7], $0x800, s9, s7, $0x38;
	[tilespmem:$0x14200] =	vst v63  }
0xeb: {  	v52 =	vld [tilespmem:$0x0];
	_ =	sdelay $0x4  }
0xec: {  	(v2sf) =	vpush v52, $0x5;
	_ =	sdelay $0xe  }
0xed: {  	s22 =	spop (v2sf)  }
0xee: {  	s20 =	sand.u32 $0xFFFFF80, s22  }
0xef: {  	s24 =	simm.s32 $0x5200;
	s20 =	sadd.s32 s0, s20  }
0xf0: {  	[tilespmem:s24], [sflag:$0x6] =	stream.strided.gather [hbm4b:s20+s7], $0x800, s9, s7, $0x38;
	[tilespmem:$0x14200] =	vst v63  }
0xf1: {  	s20 =	sadd.s32 $0x1E8500, s20;
	s24 =	simm.s32 $0x5A00  }
0xf2: {  	[tilespmem:s24], [sflag:$0x6] =	stream.strided.gather [hbm4b:s20+s7], $0x800, s9, s7, $0x38;
	[tilespmem:$0x14200] =	vst v63  }
0xf3: {  	v53 =	vld [tilespmem:$0x0];
	_ =	sdelay $0x4  }
0xf4: {  	(v2sf) =	vpush v53, $0x6;
	_ =	sdelay $0xe  }
0xf5: {  	s22 =	spop (v2sf)  }
0xf6: {  	s20 =	sand.u32 $0xFFFFF80, s22  }
0xf7: {  	s24 =	simm.s32 $0x6200;
	s20 =	sadd.s32 s0, s20  }
0xf8: {  	[tilespmem:s24], [sflag:$0x7] =	stream.strided.gather [hbm4b:s20+s7], $0x800, s9, s7, $0x38;
	[tilespmem:$0x14200] =	vst v63  }
0xf9: {  	s20 =	sadd.s32 $0x1E8500, s20;
	s24 =	simm.s32 $0x6A00  }
0xfa: {  	[tilespmem:s24], [sflag:$0x7] =	stream.strided.gather [hbm4b:s20+s7], $0x800, s9, s7, $0x38;
	[tilespmem:$0x14200] =	vst v63  }
0xfb: {  	v54 =	vld [tilespmem:$0x0];
	_ =	sdelay $0x4  }
0xfc: {  	(v2sf) =	vpush v54, $0x7;
	_ =	sdelay $0xe  }
0xfd: {  	s22 =	spop (v2sf)  }
0xfe: {  	s20 =	sand.u32 $0xFFFFF80, s22  }
0xff: {  	s24 =	simm.s32 $0x7200;
	s20 =	sadd.s32 s0, s20  }
0x100: {  	[tilespmem:s24], [sflag:$0x8] =	stream.strided.gather [hbm4b:s20+s7], $0x800, s9, s7, $0x38;
	[tilespmem:$0x14200] =	vst v63  }
0x101: {  	s20 =	sadd.s32 $0x1E8500, s20;
	s24 =	simm.s32 $0x7A00  }
0x102: {  	[tilespmem:s24], [sflag:$0x8] =	stream.strided.gather [hbm4b:s20+s7], $0x800, s9, s7, $0x38;
	[tilespmem:$0x14200] =	vst v63  }
0x103: {  	v55 =	vld [tilespmem:$0x0];
	_ =	sdelay $0x4  }
0x104: {  	(v2sf) =	vpush v55, $0x8;
	_ =	sdelay $0xe  }
0x105: {  	s22 =	spop (v2sf)  }
0x106: {  	s20 =	sand.u32 $0xFFFFF80, s22  }
0x107: {  	s20 =	sadd.s32 s0, s20  }
0x108: {  	[tilespmem:s26], [sflag:$0x9] =	stream.strided.gather [hbm4b:s20+s7], $0x800, s9, s7, $0x38;
	[tilespmem:$0x14200] =	vst v63  }
0x109: {  	s24 =	simm.s32 $0x8A00;
	s20 =	sadd.s32 $0x1E8500, s20  }
0x10a: {  	[tilespmem:s24], [sflag:$0x9] =	stream.strided.gather [hbm4b:s20+s7], $0x800, s9, s7, $0x38;
	[tilespmem:$0x14200] =	vst v63  }
0x10b: {  	v56 =	vld [tilespmem:$0x0];
	_ =	sdelay $0x4  }
0x10c: {  	(v2sf) =	vpush v56, $0x9;
	_ =	sdelay $0xe  }
0x10d: {  	s26 =	spop (v2sf)  }
0x10e: {  	s20 =	sand.u32 $0xFFFFF80, s26  }
0x10f: {  	s20 =	sadd.s32 s0, s20  }
0x110: {  	[tilespmem:s29], [sflag:$0xA] =	stream.strided.gather [hbm4b:s20+s7], $0x800, s9, s7, $0x38;
	[tilespmem:$0x14200] =	vst v63  }
0x111: {  	s20 =	sadd.s32 $0x1E8500, s20;
	s29 =	simm.s32 $0x9A00  }
0x112: {  	[tilespmem:s29], [sflag:$0xA] =	stream.strided.gather [hbm4b:s20+s7], $0x800, s9, s7, $0x38;
	[tilespmem:$0x14200] =	vst v63  }
0x113: {  	v57 =	vld [tilespmem:$0x0];
	_ =	sdelay $0x4  }
0x114: {  	(v2sf) =	vpush v57, $0xA;
	_ =	sdelay $0xe  }
0x115: {  	s22 =	spop (v2sf)  }
0x116: {  	s20 =	sand.u32 $0xFFFFF80, s22  }
0x117: {  	s20 =	sadd.s32 s0, s20  }
0x118: {  	[tilespmem:s31], [sflag:$0xB] =	stream.strided.gather [hbm4b:s20+s7], $0x800, s9, s7, $0x38;
	[tilespmem:$0x14200] =	vst v63  }
0x119: {  	s24 =	simm.s32 $0xAA00;
	s20 =	sadd.s32 $0x1E8500, s20  }
0x11a: {  	[tilespmem:s24], [sflag:$0xB] =	stream.strided.gather [hbm4b:s20+s7], $0x800, s9, s7, $0x38;
	[tilespmem:$0x14200] =	vst v63  }
0x11b: {  	v58 =	vld [tilespmem:$0x0];
	_ =	sdelay $0x4  }
0x11c: {  	(v2sf) =	vpush v58, $0xB;
	_ =	sdelay $0xe  }
0x11d: {  	s26 =	spop (v2sf)  }
0x11e: {  	s20 =	sand.u32 $0xFFFFF80, s26  }
0x11f: {  	s20 =	sadd.s32 s0, s20  }
0x120: {  	[tilespmem:s1], [sflag:$0xC] =	stream.strided.gather [hbm4b:s20+s7], $0x800, s9, s7, $0x38;
	[tilespmem:$0x14200] =	vst v63  }
0x121: {  	s29 =	simm.s32 $0xBA00;
	s20 =	sadd.s32 $0x1E8500, s20  }
0x122: {  	[tilespmem:s29], [sflag:$0xC] =	stream.strided.gather [hbm4b:s20+s7], $0x800, s9, s7, $0x38;
	[tilespmem:$0x14200] =	vst v63  }
0x123: {  	v59 =	vld [tilespmem:$0x0];
	_ =	sdelay $0x4  }
0x124: {  	(v2sf) =	vpush v59, $0xC;
	_ =	sdelay $0xe  }
0x125: {  	s22 =	spop (v2sf)  }
0x126: {  	s20 =	sand.u32 $0xFFFFF80, s22  }
0x127: {  	s20 =	sadd.s32 s0, s20  }
0x128: {  	[tilespmem:s4], [sflag:$0xD] =	stream.strided.gather [hbm4b:s20+s7], $0x800, s9, s7, $0x38;
	[tilespmem:$0x14200] =	vst v63  }
0x129: {  	s24 =	simm.s32 $0xCA00;
	s20 =	sadd.s32 $0x1E8500, s20  }
0x12a: {  	[tilespmem:s24], [sflag:$0xD] =	stream.strided.gather [hbm4b:s20+s7], $0x800, s9, s7, $0x38;
	[tilespmem:$0x14200] =	vst v63  }
0x12b: {  	v60 =	vld [tilespmem:$0x0];
	_ =	sdelay $0x4  }
0x12c: {  	(v2sf) =	vpush v60, $0xD;
	_ =	sdelay $0xe  }
0x12d: {  	s26 =	spop (v2sf)  }
0x12e: {  	s20 =	sand.u32 $0xFFFFF80, s26  }
0x12f: {  	s20 =	sadd.s32 s0, s20  }
0x130: {  	[tilespmem:s8], [sflag:$0xE] =	stream.strided.gather [hbm4b:s20+s7], $0x800, s9, s7, $0x38;
	[tilespmem:$0x14200] =	vst v63  }
0x131: {  	s29 =	simm.s32 $0xDA00;
	s20 =	sadd.s32 $0x1E8500, s20  }
0x132: {  	[tilespmem:s29], [sflag:$0xE] =	stream.strided.gather [hbm4b:s20+s7], $0x800, s9, s7, $0x38;
	[tilespmem:$0x14200] =	vst v63  }
0x133: {  	v61 =	vld [tilespmem:$0x0];
	_ =	sdelay $0x4  }
0x134: {  	(v2sf) =	vpush v61, $0xE;
	_ =	sdelay $0xe  }
0x135: {  	s22 =	spop (v2sf)  }
0x136: {  	s20 =	sand.u32 $0xFFFFF80, s22  }
0x137: {  	s20 =	sadd.s32 s0, s20  }
0x138: {  	[tilespmem:s11], [sflag:$0xF] =	stream.strided.gather [hbm4b:s20+s7], $0x800, s9, s7, $0x38;
	[tilespmem:$0x14200] =	vst v63  }
0x139: {  	s24 =	simm.s32 $0xEA00;
	s20 =	sadd.s32 $0x1E8500, s20  }
0x13a: {  	[tilespmem:s24], [sflag:$0xF] =	stream.strided.gather [hbm4b:s20+s7], $0x800, s9, s7, $0x38;
	[tilespmem:$0x14200] =	vst v63  }
0x13b: {  	v62 =	vld [tilespmem:$0x0];
	_ =	sdelay $0x4  }
0x13c: {  	(v2sf) =	vpush v62, $0xF;
	_ =	sdelay $0xe  }
0x13d: {  	s26 =	spop (v2sf)  }
0x13e: {  	s20 =	sand.u32 $0xFFFFF80, s26  }
0x13f: {  	s20 =	sadd.s32 s0, s20  }
0x140: {  	[tilespmem:s15], [sflag:$0x10] =	stream.strided.gather [hbm4b:s20+s7], $0x800, s9, s7, $0x38;
	[tilespmem:$0x14200] =	vst v63  }
0x141: {  	s29 =	simm.s32 $0xFA00;
	s20 =	sadd.s32 $0x1E8500, s20  }
0x142: {  	[tilespmem:s29], [sflag:$0x10] =	stream.strided.gather [hbm4b:s20+s7], $0x800, s9, s7, $0x38;
	[tilespmem:$0x14200] =	vst v63  }
0x143: {  	v63 =	vld [tilespmem:$0x0];
	_ =	sdelay $0x4  }
0x144: {  	s22 =	simm.s32 $0xF;
	s20 =	simm.s32 $0x10;
	v36 =	vand.u32 $0x7F, v63  }
.LBB2_2:
0x145: {  	v38 =	vbroadcast v36, $0x0;
	_ =	sdelay $0x1  }
0x146: {  	s24 =	sadd.s32 $0xFFFFFFF1, s22;
	v39 =	vor.u32 v0, v38  }
0x147: {  	v40 =	vmov s24;
	v38 =	vor.u32 v1, v38  }
0x148: {  	v37 =	vld [tilespmem:s20+$0x0];
	_ =	swait.ge [sflag:s19], $0x1000;
	v41 =	vshll.u32 v40, $0x3  }
0x149: {  	[sflag:s19] =	ssyncset.done $0x0;
	v40 =	vand.u32 $0x70, v40;
	v41 =	vand.u32 $0xFFFFFC00, v41  }
0x14a: {  	s26 =	simm.s32 $0x200;
	[sflag:s19] =	ssyncadd.s32 $0xFFFFF000;
	v40 =	vor.u32 v40, v41  }
0x14b: {  	v41 =	vadd.s32 v2, v40;
	v39 =	vld.idx.msk [tilespmem:v39+s26+$0x0], $0xffff  }
0x14c: {  	v40 =	vadd.s32 v3, v40;
	v38 =	vld.idx.msk [tilespmem:v38+s26+$0x0], $0xffff;
	_ =	sdelay $0x3  }
0x14d: {  	[tilespmem:v41+s21+$0x0] =	vst.idx.msk $0xffff, v39  }
0x14e: {  	[tilespmem:v40+s21+$0x0] =	vst.idx.msk $0xffff, v38  }
0x14f: {  	v38 =	vld [tilespmem:s20+$0x0];
	_ =	sdelay $0x4  }
0x150: {  	(v2sf) =	vpush v38, $0x0;
	_ =	sdelay $0xe  }
0x151: {  	s29 =	spop (v2sf)  }
0x152: {  	s24 =	sand.u32 $0xFFFFF80, s29  }
0x153: {  	v44 =	vbroadcast v36, $0x1;
	s24 =	sadd.s32 s0, s24  }
0x154: {  	[tilespmem:s26], [sflag:$0x1] =	stream.strided.gather [hbm4b:s24+s7], $0x800, s9, s7, $0x38;
	[tilespmem:$0x14200] =	vst v63  }
0x155: {  	v45 =	vor.u32 v0, v44;
	s29 =	simm.s32 $0xA00;
	s24 =	sadd.s32 $0x1E8500, s24;
	s26 =	sadd.s32 $0xFFFFFFF2, s22  }
0x156: {  	v38 =	vor.u32 v1, v44;
	v46 =	vmov s26;
	[tilespmem:s29], [sflag:$0x1] =	stream.strided.gather [hbm4b:s24+s7], $0x800, s9, s7, $0x38;
	[tilespmem:$0x14200] =	vst v63  }
0x157: {  	v47 =	vshll.u32 v46, $0x3;
	_ =	swait.ge [sflag:s23], $0x1000  }
0x158: {  	v40 =	vand.u32 $0x71, v46;
	v41 =	vand.u32 $0xFFFFFC00, v47;
	[sflag:s23] =	ssyncset.done $0x0  }
0x159: {  	s26 =	simm.s32 $0x1200;
	v40 =	vor.u32 v40, v41;
	[sflag:s23] =	ssyncadd.s32 $0xFFFFF000  }
0x15a: {  	v41 =	vadd.s32 v2, v40;
	v39 =	vld.idx.msk [tilespmem:v45+s26+$0x0], $0xffff  }
0x15b: {  	v40 =	vadd.s32 v3, v40;
	v38 =	vld.idx.msk [tilespmem:v38+s26+$0x0], $0xffff;
	_ =	sdelay $0x3  }
0x15c: {  	[tilespmem:v41+s21+$0x0] =	vst.idx.msk $0xffff, v39  }
0x15d: {  	[tilespmem:v40+s21+$0x0] =	vst.idx.msk $0xffff, v38  }
0x15e: {  	v38 =	vld [tilespmem:s20+$0x0];
	_ =	sdelay $0x4  }
0x15f: {  	(v2sf) =	vpush v38, $0x1;
	_ =	sdelay $0xe  }
0x160: {  	s29 =	spop (v2sf)  }
0x161: {  	s24 =	sand.u32 $0xFFFFF80, s29  }
0x162: {  	v48 =	vbroadcast v36, $0x2;
	s24 =	sadd.s32 s0, s24  }
0x163: {  	[tilespmem:s26], [sflag:$0x2] =	stream.strided.gather [hbm4b:s24+s7], $0x800, s9, s7, $0x38;
	[tilespmem:$0x14200] =	vst v63  }
0x164: {  	v49 =	vor.u32 v0, v48;
	s29 =	simm.s32 $0x1A00;
	s24 =	sadd.s32 $0x1E8500, s24;
	s26 =	sadd.s32 $0xFFFFFFF3, s22  }
0x165: {  	v38 =	vor.u32 v1, v48;
	v50 =	vmov s26;
	[tilespmem:s29], [sflag:$0x2] =	stream.strided.gather [hbm4b:s24+s7], $0x800, s9, s7, $0x38;
	[tilespmem:$0x14200] =	vst v63  }
0x166: {  	v51 =	vshll.u32 v50, $0x3;
	_ =	swait.ge [sflag:s25], $0x1000  }
0x167: {  	v40 =	vand.u32 $0x72, v50;
	v41 =	vand.u32 $0xFFFFFC00, v51;
	[sflag:s25] =	ssyncset.done $0x0  }
0x168: {  	s26 =	simm.s32 $0x2200;
	v40 =	vor.u32 v40, v41;
	[sflag:s25] =	ssyncadd.s32 $0xFFFFF000  }
0x169: {  	v41 =	vadd.s32 v2, v40;
	v39 =	vld.idx.msk [tilespmem:v49+s26+$0x0], $0xffff  }
0x16a: {  	v40 =	vadd.s32 v3, v40;
	v38 =	vld.idx.msk [tilespmem:v38+s26+$0x0], $0xffff;
	_ =	sdelay $0x3  }
0x16b: {  	[tilespmem:v41+s21+$0x0] =	vst.idx.msk $0xffff, v39  }
0x16c: {  	[tilespmem:v40+s21+$0x0] =	vst.idx.msk $0xffff, v38  }
0x16d: {  	v38 =	vld [tilespmem:s20+$0x0];
	_ =	sdelay $0x4  }
0x16e: {  	(v2sf) =	vpush v38, $0x2;
	_ =	sdelay $0xe  }
0x16f: {  	s29 =	spop (v2sf)  }
0x170: {  	s24 =	sand.u32 $0xFFFFF80, s29  }
0x171: {  	v52 =	vbroadcast v36, $0x3;
	s24 =	sadd.s32 s0, s24  }
0x172: {  	[tilespmem:s26], [sflag:$0x3] =	stream.strided.gather [hbm4b:s24+s7], $0x800, s9, s7, $0x38;
	[tilespmem:$0x14200] =	vst v63  }
0x173: {  	v53 =	vor.u32 v0, v52;
	s29 =	simm.s32 $0x2A00;
	s24 =	sadd.s32 $0x1E8500, s24;
	s26 =	sadd.s32 $0xFFFFFFF4, s22  }
0x174: {  	v38 =	vor.u32 v1, v52;
	v54 =	vmov s26;
	[tilespmem:s29], [sflag:$0x3] =	stream.strided.gather [hbm4b:s24+s7], $0x800, s9, s7, $0x38;
	[tilespmem:$0x14200] =	vst v63  }
0x175: {  	v55 =	vshll.u32 v54, $0x3;
	_ =	swait.ge [sflag:s28], $0x1000  }
0x176: {  	v40 =	vand.u32 $0x73, v54;
	v41 =	vand.u32 $0xFFFFFC00, v55;
	[sflag:s28] =	ssyncset.done $0x0  }
0x177: {  	s26 =	simm.s32 $0x3200;
	v40 =	vor.u32 v40, v41;
	[sflag:s28] =	ssyncadd.s32 $0xFFFFF000  }
0x178: {  	v41 =	vadd.s32 v2, v40;
	v39 =	vld.idx.msk [tilespmem:v53+s26+$0x0], $0xffff  }
0x179: {  	v40 =	vadd.s32 v3, v40;
	v38 =	vld.idx.msk [tilespmem:v38+s26+$0x0], $0xffff;
	_ =	sdelay $0x3  }
0x17a: {  	[tilespmem:v41+s21+$0x0] =	vst.idx.msk $0xffff, v39  }
0x17b: {  	[tilespmem:v40+s21+$0x0] =	vst.idx.msk $0xffff, v38  }
0x17c: {  	v38 =	vld [tilespmem:s20+$0x0];
	_ =	sdelay $0x4  }
0x17d: {  	(v2sf) =	vpush v38, $0x3;
	_ =	sdelay $0xe  }
0x17e: {  	s29 =	spop (v2sf)  }
0x17f: {  	s24 =	sand.u32 $0xFFFFF80, s29  }
0x180: {  	v56 =	vbroadcast v36, $0x4;
	s24 =	sadd.s32 s0, s24  }
0x181: {  	[tilespmem:s26], [sflag:$0x4] =	stream.strided.gather [hbm4b:s24+s7], $0x800, s9, s7, $0x38;
	[tilespmem:$0x14200] =	vst v63  }
0x182: {  	v57 =	vor.u32 v0, v56;
	s29 =	simm.s32 $0x3A00;
	s24 =	sadd.s32 $0x1E8500, s24;
	s26 =	sadd.s32 $0xFFFFFFF5, s22  }
0x183: {  	v38 =	vor.u32 v1, v56;
	v58 =	vmov s26;
	[tilespmem:s29], [sflag:$0x4] =	stream.strided.gather [hbm4b:s24+s7], $0x800, s9, s7, $0x38;
	[tilespmem:$0x14200] =	vst v63  }
0x184: {  	v59 =	vshll.u32 v58, $0x3;
	_ =	swait.ge [sflag:s30], $0x1000  }
0x185: {  	v40 =	vand.u32 $0x74, v58;
	v41 =	vand.u32 $0xFFFFFC00, v59;
	[sflag:s30] =	ssyncset.done $0x0  }
0x186: {  	s26 =	simm.s32 $0x4200;
	v40 =	vor.u32 v40, v41;
	[sflag:s30] =	ssyncadd.s32 $0xFFFFF000  }
0x187: {  	v41 =	vadd.s32 v2, v40;
	v39 =	vld.idx.msk [tilespmem:v57+s26+$0x0], $0xffff  }
0x188: {  	v40 =	vadd.s32 v3, v40;
	v38 =	vld.idx.msk [tilespmem:v38+s26+$0x0], $0xffff;
	_ =	sdelay $0x3  }
0x189: {  	[tilespmem:v41+s21+$0x0] =	vst.idx.msk $0xffff, v39  }
0x18a: {  	[tilespmem:v40+s21+$0x0] =	vst.idx.msk $0xffff, v38  }
0x18b: {  	v38 =	vld [tilespmem:s20+$0x0];
	_ =	sdelay $0x4  }
0x18c: {  	(v2sf) =	vpush v38, $0x4;
	_ =	sdelay $0xe  }
0x18d: {  	s29 =	spop (v2sf)  }
0x18e: {  	s24 =	sand.u32 $0xFFFFF80, s29  }
0x18f: {  	v60 =	vbroadcast v36, $0x5;
	s24 =	sadd.s32 s0, s24  }
0x190: {  	[tilespmem:s26], [sflag:$0x5] =	stream.strided.gather [hbm4b:s24+s7], $0x800, s9, s7, $0x38;
	[tilespmem:$0x14200] =	vst v63  }
0x191: {  	v61 =	vor.u32 v0, v60;
	s29 =	simm.s32 $0x4A00;
	s24 =	sadd.s32 $0x1E8500, s24;
	s26 =	sadd.s32 $0xFFFFFFF6, s22  }
0x192: {  	v38 =	vor.u32 v1, v60;
	v62 =	vmov s26;
	[tilespmem:s29], [sflag:$0x5] =	stream.strided.gather [hbm4b:s24+s7], $0x800, s9, s7, $0x38;
	[tilespmem:$0x14200] =	vst v63  }
0x193: {  	v63 =	vshll.u32 v62, $0x3;
	_ =	swait.ge [sflag:s2], $0x1000  }
0x194: {  	v40 =	vand.u32 $0x75, v62;
	v41 =	vand.u32 $0xFFFFFC00, v63;
	[sflag:s2] =	ssyncset.done $0x0  }
0x195: {  	s26 =	simm.s32 $0x5200;
	v40 =	vor.u32 v40, v41;
	[sflag:s2] =	ssyncadd.s32 $0xFFFFF000  }
0x196: {  	v41 =	vadd.s32 v2, v40;
	v39 =	vld.idx.msk [tilespmem:v61+s26+$0x0], $0xffff  }
0x197: {  	v40 =	vadd.s32 v3, v40;
	v38 =	vld.idx.msk [tilespmem:v38+s26+$0x0], $0xffff;
	_ =	sdelay $0x3  }
0x198: {  	[tilespmem:v41+s21+$0x0] =	vst.idx.msk $0xffff, v39  }
0x199: {  	[tilespmem:v40+s21+$0x0] =	vst.idx.msk $0xffff, v38  }
0x19a: {  	v38 =	vld [tilespmem:s20+$0x0];
	_ =	sdelay $0x4  }
0x19b: {  	(v2sf) =	vpush v38, $0x5;
	_ =	sdelay $0xe  }
0x19c: {  	s29 =	spop (v2sf)  }
0x19d: {  	s24 =	sand.u32 $0xFFFFF80, s29  }
0x19e: {  	v44 =	vbroadcast v36, $0x6;
	s24 =	sadd.s32 s0, s24  }
0x19f: {  	[tilespmem:s26], [sflag:$0x6] =	stream.strided.gather [hbm4b:s24+s7], $0x800, s9, s7, $0x38;
	[tilespmem:$0x14200] =	vst v63  }
0x1a0: {  	v45 =	vor.u32 v0, v44;
	s29 =	simm.s32 $0x5A00;
	s24 =	sadd.s32 $0x1E8500, s24;
	s26 =	sadd.s32 $0xFFFFFFF7, s22  }
0x1a1: {  	v38 =	vor.u32 v1, v44;
	v46 =	vmov s26;
	[tilespmem:s29], [sflag:$0x6] =	stream.strided.gather [hbm4b:s24+s7], $0x800, s9, s7, $0x38;
	[tilespmem:$0x14200] =	vst v63  }
0x1a2: {  	v47 =	vshll.u32 v46, $0x3;
	_ =	swait.ge [sflag:s3], $0x1000  }
0x1a3: {  	v40 =	vand.u32 $0x76, v46;
	v41 =	vand.u32 $0xFFFFFC00, v47;
	[sflag:s3] =	ssyncset.done $0x0  }
0x1a4: {  	s26 =	simm.s32 $0x6200;
	v40 =	vor.u32 v40, v41;
	[sflag:s3] =	ssyncadd.s32 $0xFFFFF000  }
0x1a5: {  	v41 =	vadd.s32 v2, v40;
	v39 =	vld.idx.msk [tilespmem:v45+s26+$0x0], $0xffff  }
0x1a6: {  	v40 =	vadd.s32 v3, v40;
	v38 =	vld.idx.msk [tilespmem:v38+s26+$0x0], $0xffff;
	_ =	sdelay $0x3  }
0x1a7: {  	[tilespmem:v41+s21+$0x0] =	vst.idx.msk $0xffff, v39  }
0x1a8: {  	[tilespmem:v40+s21+$0x0] =	vst.idx.msk $0xffff, v38  }
0x1a9: {  	v38 =	vld [tilespmem:s20+$0x0];
	_ =	sdelay $0x4  }
0x1aa: {  	(v2sf) =	vpush v38, $0x6;
	_ =	sdelay $0xe  }
0x1ab: {  	s29 =	spop (v2sf)  }
0x1ac: {  	s24 =	sand.u32 $0xFFFFF80, s29  }
0x1ad: {  	v48 =	vbroadcast v36, $0x7;
	s24 =	sadd.s32 s0, s24  }
0x1ae: {  	[tilespmem:s26], [sflag:$0x7] =	stream.strided.gather [hbm4b:s24+s7], $0x800, s9, s7, $0x38;
	[tilespmem:$0x14200] =	vst v63  }
0x1af: {  	v49 =	vor.u32 v0, v48;
	s29 =	simm.s32 $0x6A00;
	s24 =	sadd.s32 $0x1E8500, s24;
	s26 =	sadd.s32 $0xFFFFFFF8, s22  }
0x1b0: {  	v38 =	vor.u32 v1, v48;
	v50 =	vmov s26;
	[tilespmem:s29], [sflag:$0x7] =	stream.strided.gather [hbm4b:s24+s7], $0x800, s9, s7, $0x38;
	[tilespmem:$0x14200] =	vst v63  }
0x1b1: {  	v51 =	vshll.u32 v50, $0x3;
	_ =	swait.ge [sflag:s5], $0x1000  }
0x1b2: {  	v40 =	vand.u32 $0x77, v50;
	v41 =	vand.u32 $0xFFFFFC00, v51;
	[sflag:s5] =	ssyncset.done $0x0  }
0x1b3: {  	s26 =	simm.s32 $0x7200;
	v40 =	vor.u32 v40, v41;
	[sflag:s5] =	ssyncadd.s32 $0xFFFFF000  }
0x1b4: {  	v41 =	vadd.s32 v2, v40;
	v39 =	vld.idx.msk [tilespmem:v49+s26+$0x0], $0xffff  }
0x1b5: {  	v40 =	vadd.s32 v3, v40;
	v38 =	vld.idx.msk [tilespmem:v38+s26+$0x0], $0xffff;
	_ =	sdelay $0x3  }
0x1b6: {  	[tilespmem:v41+s21+$0x0] =	vst.idx.msk $0xffff, v39  }
0x1b7: {  	[tilespmem:v40+s21+$0x0] =	vst.idx.msk $0xffff, v38  }
0x1b8: {  	v38 =	vld [tilespmem:s20+$0x0];
	_ =	sdelay $0x4  }
0x1b9: {  	(v2sf) =	vpush v38, $0x7;
	_ =	sdelay $0xe  }
0x1ba: {  	s29 =	spop (v2sf)  }
0x1bb: {  	s24 =	sand.u32 $0xFFFFF80, s29  }
0x1bc: {  	v52 =	vbroadcast v36, $0x8;
	s24 =	sadd.s32 s0, s24  }
0x1bd: {  	[tilespmem:s26], [sflag:$0x8] =	stream.strided.gather [hbm4b:s24+s7], $0x800, s9, s7, $0x38;
	[tilespmem:$0x14200] =	vst v63  }
0x1be: {  	v53 =	vor.u32 v0, v52;
	s29 =	simm.s32 $0x7A00;
	s24 =	sadd.s32 $0x1E8500, s24;
	s26 =	sadd.s32 $0xFFFFFFF9, s22  }
0x1bf: {  	v38 =	vor.u32 v1, v52;
	v54 =	vmov s26;
	[tilespmem:s29], [sflag:$0x8] =	stream.strided.gather [hbm4b:s24+s7], $0x800, s9, s7, $0x38;
	[tilespmem:$0x14200] =	vst v63  }
0x1c0: {  	v55 =	vshll.u32 v54, $0x3;
	_ =	swait.ge [sflag:s6], $0x1000  }
0x1c1: {  	v40 =	vand.u32 $0x78, v54;
	v41 =	vand.u32 $0xFFFFFC00, v55;
	[sflag:s6] =	ssyncset.done $0x0  }
0x1c2: {  	s26 =	simm.s32 $0x8200;
	v40 =	vor.u32 v40, v41;
	[sflag:s6] =	ssyncadd.s32 $0xFFFFF000  }
0x1c3: {  	v41 =	vadd.s32 v2, v40;
	v39 =	vld.idx.msk [tilespmem:v53+s26+$0x0], $0xffff  }
0x1c4: {  	v40 =	vadd.s32 v3, v40;
	v38 =	vld.idx.msk [tilespmem:v38+s26+$0x0], $0xffff;
	_ =	sdelay $0x3  }
0x1c5: {  	[tilespmem:v41+s21+$0x0] =	vst.idx.msk $0xffff, v39  }
0x1c6: {  	[tilespmem:v40+s21+$0x0] =	vst.idx.msk $0xffff, v38  }
0x1c7: {  	v38 =	vld [tilespmem:s20+$0x0];
	_ =	sdelay $0x4  }
0x1c8: {  	(v2sf) =	vpush v38, $0x8;
	_ =	sdelay $0xe  }
0x1c9: {  	s29 =	spop (v2sf)  }
0x1ca: {  	s24 =	sand.u32 $0xFFFFF80, s29  }
0x1cb: {  	v56 =	vbroadcast v36, $0x9;
	s24 =	sadd.s32 s0, s24  }
0x1cc: {  	[tilespmem:s26], [sflag:$0x9] =	stream.strided.gather [hbm4b:s24+s7], $0x800, s9, s7, $0x38;
	[tilespmem:$0x14200] =	vst v63  }
0x1cd: {  	v57 =	vor.u32 v0, v56;
	s29 =	simm.s32 $0x8A00;
	s24 =	sadd.s32 $0x1E8500, s24;
	s26 =	sadd.s32 $0xFFFFFFFA, s22  }
0x1ce: {  	v38 =	vor.u32 v1, v56;
	v58 =	vmov s26;
	[tilespmem:s29], [sflag:$0x9] =	stream.strided.gather [hbm4b:s24+s7], $0x800, s9, s7, $0x38;
	[tilespmem:$0x14200] =	vst v63  }
0x1cf: {  	v59 =	vshll.u32 v58, $0x3;
	_ =	swait.ge [sflag:s13], $0x1000  }
0x1d0: {  	v40 =	vand.u32 $0x79, v58;
	v41 =	vand.u32 $0xFFFFFC00, v59;
	[sflag:s13] =	ssyncset.done $0x0  }
0x1d1: {  	s26 =	simm.s32 $0x9200;
	v40 =	vor.u32 v40, v41;
	[sflag:s13] =	ssyncadd.s32 $0xFFFFF000  }
0x1d2: {  	v41 =	vadd.s32 v2, v40;
	v39 =	vld.idx.msk [tilespmem:v57+s26+$0x0], $0xffff  }
0x1d3: {  	v40 =	vadd.s32 v3, v40;
	v38 =	vld.idx.msk [tilespmem:v38+s26+$0x0], $0xffff;
	_ =	sdelay $0x3  }
0x1d4: {  	[tilespmem:v41+s21+$0x0] =	vst.idx.msk $0xffff, v39  }
0x1d5: {  	[tilespmem:v40+s21+$0x0] =	vst.idx.msk $0xffff, v38  }
0x1d6: {  	v38 =	vld [tilespmem:s20+$0x0];
	_ =	sdelay $0x4  }
0x1d7: {  	(v2sf) =	vpush v38, $0x9;
	_ =	sdelay $0xe  }
0x1d8: {  	s29 =	spop (v2sf)  }
0x1d9: {  	s24 =	sand.u32 $0xFFFFF80, s29  }
0x1da: {  	v60 =	vbroadcast v36, $0xA;
	s24 =	sadd.s32 s0, s24  }
0x1db: {  	[tilespmem:s26], [sflag:$0xA] =	stream.strided.gather [hbm4b:s24+s7], $0x800, s9, s7, $0x38;
	[tilespmem:$0x14200] =	vst v63  }
0x1dc: {  	v61 =	vor.u32 v0, v60;
	s29 =	simm.s32 $0x9A00;
	s24 =	sadd.s32 $0x1E8500, s24;
	s26 =	sadd.s32 $0xFFFFFFFB, s22  }
0x1dd: {  	v38 =	vor.u32 v1, v60;
	v62 =	vmov s26;
	[tilespmem:s29], [sflag:$0xA] =	stream.strided.gather [hbm4b:s24+s7], $0x800, s9, s7, $0x38;
	[tilespmem:$0x14200] =	vst v63  }
0x1de: {  	v63 =	vshll.u32 v62, $0x3;
	_ =	swait.ge [sflag:s17], $0x1000  }
0x1df: {  	v40 =	vand.u32 $0x7A, v62;
	v41 =	vand.u32 $0xFFFFFC00, v63;
	[sflag:s17] =	ssyncset.done $0x0  }
0x1e0: {  	v40 =	vor.u32 v40, v41;
	[sflag:s17] =	ssyncadd.s32 $0xFFFFF000  }
0x1e1: {  	v41 =	vadd.s32 v2, v40;
	v39 =	vld.idx.msk [tilespmem:v61+s31+$0x0], $0xffff  }
0x1e2: {  	v40 =	vadd.s32 v3, v40;
	v38 =	vld.idx.msk [tilespmem:v38+s31+$0x0], $0xffff;
	_ =	sdelay $0x3  }
0x1e3: {  	[tilespmem:v41+s21+$0x0] =	vst.idx.msk $0xffff, v39  }
0x1e4: {  	[tilespmem:v40+s21+$0x0] =	vst.idx.msk $0xffff, v38  }
0x1e5: {  	v38 =	vld [tilespmem:s20+$0x0];
	_ =	sdelay $0x4  }
0x1e6: {  	(v2sf) =	vpush v38, $0xA;
	_ =	sdelay $0xe  }
0x1e7: {  	s26 =	spop (v2sf)  }
0x1e8: {  	s24 =	sand.u32 $0xFFFFF80, s26  }
0x1e9: {  	v44 =	vbroadcast v36, $0xB;
	s24 =	sadd.s32 s0, s24  }
0x1ea: {  	[tilespmem:s31], [sflag:$0xB] =	stream.strided.gather [hbm4b:s24+s7], $0x800, s9, s7, $0x38;
	[tilespmem:$0x14200] =	vst v63  }
0x1eb: {  	v45 =	vor.u32 v0, v44;
	s29 =	simm.s32 $0xAA00;
	s26 =	sadd.s32 $0xFFFFFFFC, s22;
	s24 =	sadd.s32 $0x1E8500, s24  }
0x1ec: {  	v38 =	vor.u32 v1, v44;
	v46 =	vmov s26;
	[tilespmem:s29], [sflag:$0xB] =	stream.strided.gather [hbm4b:s24+s7], $0x800, s9, s7, $0x38;
	[tilespmem:$0x14200] =	vst v63  }
0x1ed: {  	v47 =	vshll.u32 v46, $0x3;
	_ =	swait.ge [sflag:s10], $0x1000  }
0x1ee: {  	v40 =	vand.u32 $0x7B, v46;
	v41 =	vand.u32 $0xFFFFFC00, v47;
	[sflag:s10] =	ssyncset.done $0x0  }
0x1ef: {  	v40 =	vor.u32 v40, v41;
	[sflag:s10] =	ssyncadd.s32 $0xFFFFF000  }
0x1f0: {  	v41 =	vadd.s32 v2, v40;
	v39 =	vld.idx.msk [tilespmem:v45+s1+$0x0], $0xffff  }
0x1f1: {  	v40 =	vadd.s32 v3, v40;
	v38 =	vld.idx.msk [tilespmem:v38+s1+$0x0], $0xffff;
	_ =	sdelay $0x3  }
0x1f2: {  	[tilespmem:v41+s21+$0x0] =	vst.idx.msk $0xffff, v39  }
0x1f3: {  	[tilespmem:v40+s21+$0x0] =	vst.idx.msk $0xffff, v38  }
0x1f4: {  	v38 =	vld [tilespmem:s20+$0x0];
	_ =	sdelay $0x4  }
0x1f5: {  	(v2sf) =	vpush v38, $0xB;
	_ =	sdelay $0xe  }
0x1f6: {  	s29 =	spop (v2sf)  }
0x1f7: {  	s24 =	sand.u32 $0xFFFFF80, s29  }
0x1f8: {  	v48 =	vbroadcast v36, $0xC;
	s24 =	sadd.s32 s0, s24  }
0x1f9: {  	[tilespmem:s1], [sflag:$0xC] =	stream.strided.gather [hbm4b:s24+s7], $0x800, s9, s7, $0x38;
	[tilespmem:$0x14200] =	vst v63  }
0x1fa: {  	v49 =	vor.u32 v0, v48;
	s26 =	sadd.s32 $0xFFFFFFFD, s22;
	s29 =	simm.s32 $0xBA00;
	s24 =	sadd.s32 $0x1E8500, s24  }
0x1fb: {  	v50 =	vmov s26;
	v38 =	vor.u32 v1, v48;
	[tilespmem:s29], [sflag:$0xC] =	stream.strided.gather [hbm4b:s24+s7], $0x800, s9, s7, $0x38;
	[tilespmem:$0x14200] =	vst v63  }
0x1fc: {  	v51 =	vshll.u32 v50, $0x3;
	_ =	swait.ge [sflag:s12], $0x1000  }
0x1fd: {  	v41 =	vand.u32 $0xFFFFFC00, v51;
	v40 =	vand.u32 $0x7C, v50;
	[sflag:s12] =	ssyncset.done $0x0  }
0x1fe: {  	v40 =	vor.u32 v40, v41;
	[sflag:s12] =	ssyncadd.s32 $0xFFFFF000  }
0x1ff: {  	v41 =	vadd.s32 v2, v40;
	v39 =	vld.idx.msk [tilespmem:v49+s4+$0x0], $0xffff  }
0x200: {  	v40 =	vadd.s32 v3, v40;
	v38 =	vld.idx.msk [tilespmem:v38+s4+$0x0], $0xffff;
	_ =	sdelay $0x3  }
0x201: {  	[tilespmem:v41+s21+$0x0] =	vst.idx.msk $0xffff, v39  }
0x202: {  	[tilespmem:v40+s21+$0x0] =	vst.idx.msk $0xffff, v38  }
0x203: {  	v38 =	vld [tilespmem:s20+$0x0];
	_ =	sdelay $0x4  }
0x204: {  	(v2sf) =	vpush v38, $0xC;
	_ =	sdelay $0xe  }
0x205: {  	s26 =	spop (v2sf)  }
0x206: {  	s24 =	sand.u32 $0xFFFFF80, s26  }
0x207: {  	v52 =	vbroadcast v36, $0xD;
	s24 =	sadd.s32 s0, s24  }
0x208: {  	[tilespmem:s4], [sflag:$0xD] =	stream.strided.gather [hbm4b:s24+s7], $0x800, s9, s7, $0x38;
	[tilespmem:$0x14200] =	vst v63  }
0x209: {  	v53 =	vor.u32 v0, v52;
	s29 =	simm.s32 $0xCA00;
	s26 =	sadd.s32 $0xFFFFFFFE, s22;
	s24 =	sadd.s32 $0x1E8500, s24  }
0x20a: {  	v38 =	vor.u32 v1, v52;
	v54 =	vmov s26;
	[tilespmem:s29], [sflag:$0xD] =	stream.strided.gather [hbm4b:s24+s7], $0x800, s9, s7, $0x38;
	[tilespmem:$0x14200] =	vst v63  }
0x20b: {  	v55 =	vshll.u32 v54, $0x3;
	_ =	swait.ge [sflag:s14], $0x1000  }
0x20c: {  	v40 =	vand.u32 $0x7D, v54;
	v41 =	vand.u32 $0xFFFFFC00, v55;
	[sflag:s14] =	ssyncset.done $0x0  }
0x20d: {  	v40 =	vor.u32 v40, v41;
	[sflag:s14] =	ssyncadd.s32 $0xFFFFF000  }
0x20e: {  	v41 =	vadd.s32 v2, v40;
	v39 =	vld.idx.msk [tilespmem:v53+s8+$0x0], $0xffff  }
0x20f: {  	v40 =	vadd.s32 v3, v40;
	v38 =	vld.idx.msk [tilespmem:v38+s8+$0x0], $0xffff;
	_ =	sdelay $0x3  }
0x210: {  	[tilespmem:v41+s21+$0x0] =	vst.idx.msk $0xffff, v39  }
0x211: {  	[tilespmem:v40+s21+$0x0] =	vst.idx.msk $0xffff, v38  }
0x212: {  	v38 =	vld [tilespmem:s20+$0x0];
	_ =	sdelay $0x4  }
0x213: {  	(v2sf) =	vpush v38, $0xD;
	_ =	sdelay $0xe  }
0x214: {  	s29 =	spop (v2sf)  }
0x215: {  	s24 =	sand.u32 $0xFFFFF80, s29  }
0x216: {  	v56 =	vbroadcast v36, $0xE;
	s24 =	sadd.s32 s0, s24  }
0x217: {  	[tilespmem:s8], [sflag:$0xE] =	stream.strided.gather [hbm4b:s24+s7], $0x800, s9, s7, $0x38;
	[tilespmem:$0x14200] =	vst v63  }
0x218: {  	v57 =	vor.u32 v0, v56;
	s26 =	sadd.s32 $0xFFFFFFFF, s22;
	s29 =	simm.s32 $0xDA00;
	s24 =	sadd.s32 $0x1E8500, s24  }
0x219: {  	v58 =	vmov s26;
	v38 =	vor.u32 v1, v56;
	[tilespmem:s29], [sflag:$0xE] =	stream.strided.gather [hbm4b:s24+s7], $0x800, s9, s7, $0x38;
	[tilespmem:$0x14200] =	vst v63  }
0x21a: {  	v59 =	vshll.u32 v58, $0x3;
	_ =	swait.ge [sflag:s16], $0x1000  }
0x21b: {  	v41 =	vand.u32 $0xFFFFFC00, v59;
	v40 =	vand.u32 $0x7E, v58;
	[sflag:s16] =	ssyncset.done $0x0  }
0x21c: {  	v40 =	vor.u32 v40, v41;
	[sflag:s16] =	ssyncadd.s32 $0xFFFFF000  }
0x21d: {  	v41 =	vadd.s32 v2, v40;
	v39 =	vld.idx.msk [tilespmem:v57+s11+$0x0], $0xffff  }
0x21e: {  	v40 =	vadd.s32 v3, v40;
	v38 =	vld.idx.msk [tilespmem:v38+s11+$0x0], $0xffff;
	_ =	sdelay $0x3  }
0x21f: {  	[tilespmem:v41+s21+$0x0] =	vst.idx.msk $0xffff, v39  }
0x220: {  	[tilespmem:v40+s21+$0x0] =	vst.idx.msk $0xffff, v38  }
0x221: {  	v38 =	vld [tilespmem:s20+$0x0];
	_ =	sdelay $0x4  }
0x222: {  	(v2sf) =	vpush v38, $0xE;
	_ =	sdelay $0xe  }
0x223: {  	s26 =	spop (v2sf)  }
0x224: {  	s24 =	sand.u32 $0xFFFFF80, s26  }
0x225: {  	v60 =	vbroadcast v36, $0xF;
	s24 =	sadd.s32 s0, s24  }
0x226: {  	[tilespmem:s11], [sflag:$0xF] =	stream.strided.gather [hbm4b:s24+s7], $0x800, s9, s7, $0x38;
	[tilespmem:$0x14200] =	vst v63  }
0x227: {  	v61 =	vor.u32 v0, v60;
	s29 =	simm.s32 $0xEA00;
	s24 =	sadd.s32 $0x1E8500, s24  }
0x228: {  	v36 =	vor.u32 v1, v60;
	v62 =	vmov s22;
	[tilespmem:s29], [sflag:$0xF] =	stream.strided.gather [hbm4b:s24+s7], $0x800, s9, s7, $0x38;
	[tilespmem:$0x14200] =	vst v63  }
0x229: {  	v63 =	vshll.u32 v62, $0x3;
	_ =	swait.ge [sflag:s18], $0x1000  }
0x22a: {  	v39 =	vand.u32 $0x7F, v62;
	v40 =	vand.u32 $0xFFFFFC00, v63;
	[sflag:s18] =	ssyncset.done $0x0  }
0x22b: {  	v39 =	vor.u32 v39, v40;
	[sflag:s18] =	ssyncadd.s32 $0xFFFFF000  }
0x22c: {  	v40 =	vadd.s32 v2, v39;
	v38 =	vld.idx.msk [tilespmem:v61+s15+$0x0], $0xffff  }
0x22d: {  	v39 =	vadd.s32 v3, v39;
	v36 =	vld.idx.msk [tilespmem:v36+s15+$0x0], $0xffff;
	_ =	sdelay $0x3  }
0x22e: {  	[tilespmem:v40+s21+$0x0] =	vst.idx.msk $0xffff, v38  }
0x22f: {  	[tilespmem:v39+s21+$0x0] =	vst.idx.msk $0xffff, v36  }
0x230: {  	v36 =	vld [tilespmem:s20+$0x0];
	_ =	sdelay $0x4  }
0x231: {  	(v2sf) =	vpush v36, $0xF;
	_ =	sdelay $0xe  }
0x232: {  	p0 =	sne.s32 s22, $0x1EF;
	s26 =	spop (v2sf)  }
.Ltmp0:
0x233: {  	s24 =	sand.u32 $0xFFFFF80, s26;
	(pc) =	sbr.rel @p0 .LBB2_2-.Ltmp0, $4  }
0x234: {  	s22 =	sadd.s32 $0x10, s22;
	s24 =	sadd.s32 s0, s24  }
0x235: {  	[tilespmem:s15], [sflag:$0x10] =	stream.strided.gather [hbm4b:s24+s7], $0x800, s9, s7, $0x38;
	[tilespmem:$0x14200] =	vst v63  }
0x236: {  	s29 =	simm.s32 $0xFA00;
	s20 =	sadd.s32 $0x10, s20;
	s24 =	sadd.s32 $0x1E8500, s24  }
0x237: {  	v36 =	vand.u32 $0x7F, v37;
	[tilespmem:s29], [sflag:$0x10] =	stream.strided.gather [hbm4b:s24+s7], $0x800, s9, s7, $0x38;
	[tilespmem:$0x14200] =	vst v63  }
0x238: {  	v37 =	vbroadcast v36, $0x0;
	_ =	sdelay $0x1  }
0x239: {  	v38 =	vor.u32 v0, v37  }
0x23a: {  	v37 =	vor.u32 v1, v37  }
0x23b: {  	_ =	swait.ge [sflag:s19], $0x1000  }
0x23c: {  	[sflag:s19] =	ssyncset.done $0x0  }
0x23d: {  	s20 =	simm.s32 $0x200;
	[sflag:s19] =	ssyncadd.s32 $0xFFFFF000  }
0x23e: {  	v38 =	vld.idx.msk [tilespmem:v38+s20+$0x0], $0xffff  }
0x23f: {  	v37 =	vld.idx.msk [tilespmem:v37+s20+$0x0], $0xffff;
	_ =	sdelay $0x1  }
0x240: {  	v39 =	vbroadcast v36, $0x1;
	_ =	sdelay $0x1  }
0x241: {  	v43 =	vor.u32 v0, v39;
	[tilespmem:v4+s21+$0x0] =	vst.idx.msk $0xffff, v38  }
0x242: {  	v44 =	vor.u32 v1, v39;
	[tilespmem:v5+s21+$0x0] =	vst.idx.msk $0xffff, v37  }
0x243: {  	_ =	swait.ge [sflag:s23], $0x1000  }
0x244: {  	[sflag:s23] =	ssyncset.done $0x0  }
0x245: {  	s26 =	simm.s32 $0x1200;
	[sflag:s23] =	ssyncadd.s32 $0xFFFFF000  }
0x246: {  	v38 =	vld.idx.msk [tilespmem:v43+s26+$0x0], $0xffff  }
0x247: {  	v37 =	vld.idx.msk [tilespmem:v44+s26+$0x0], $0xffff;
	_ =	sdelay $0x1  }
0x248: {  	v45 =	vbroadcast v36, $0x2;
	_ =	sdelay $0x1  }
0x249: {  	v46 =	vor.u32 v0, v45;
	[tilespmem:v6+s21+$0x0] =	vst.idx.msk $0xffff, v38  }
0x24a: {  	v47 =	vor.u32 v1, v45;
	[tilespmem:v7+s21+$0x0] =	vst.idx.msk $0xffff, v37  }
0x24b: {  	_ =	swait.ge [sflag:s25], $0x1000  }
0x24c: {  	[sflag:s25] =	ssyncset.done $0x0  }
0x24d: {  	s22 =	simm.s32 $0x2200;
	[sflag:s25] =	ssyncadd.s32 $0xFFFFF000  }
0x24e: {  	v38 =	vld.idx.msk [tilespmem:v46+s22+$0x0], $0xffff  }
0x24f: {  	v37 =	vld.idx.msk [tilespmem:v47+s22+$0x0], $0xffff;
	_ =	sdelay $0x1  }
0x250: {  	v48 =	vbroadcast v36, $0x3;
	_ =	sdelay $0x1  }
0x251: {  	v49 =	vor.u32 v0, v48;
	[tilespmem:v8+s21+$0x0] =	vst.idx.msk $0xffff, v38  }
0x252: {  	v50 =	vor.u32 v1, v48;
	[tilespmem:v9+s21+$0x0] =	vst.idx.msk $0xffff, v37  }
0x253: {  	_ =	swait.ge [sflag:s28], $0x1000  }
0x254: {  	[sflag:s28] =	ssyncset.done $0x0  }
0x255: {  	s24 =	simm.s32 $0x3200;
	[sflag:s28] =	ssyncadd.s32 $0xFFFFF000  }
0x256: {  	v38 =	vld.idx.msk [tilespmem:v49+s24+$0x0], $0xffff  }
0x257: {  	v37 =	vld.idx.msk [tilespmem:v50+s24+$0x0], $0xffff;
	_ =	sdelay $0x1  }
0x258: {  	v51 =	vbroadcast v36, $0x4;
	_ =	sdelay $0x1  }
0x259: {  	v52 =	vor.u32 v0, v51;
	[tilespmem:v10+s21+$0x0] =	vst.idx.msk $0xffff, v38  }
0x25a: {  	v53 =	vor.u32 v1, v51;
	[tilespmem:v11+s21+$0x0] =	vst.idx.msk $0xffff, v37  }
0x25b: {  	_ =	swait.ge [sflag:s30], $0x1000  }
0x25c: {  	[sflag:s30] =	ssyncset.done $0x0  }
0x25d: {  	s26 =	simm.s32 $0x4200;
	[sflag:s30] =	ssyncadd.s32 $0xFFFFF000  }
0x25e: {  	v38 =	vld.idx.msk [tilespmem:v52+s26+$0x0], $0xffff  }
0x25f: {  	v37 =	vld.idx.msk [tilespmem:v53+s26+$0x0], $0xffff;
	_ =	sdelay $0x1  }
0x260: {  	v54 =	vbroadcast v36, $0x5;
	_ =	sdelay $0x1  }
0x261: {  	v55 =	vor.u32 v0, v54;
	[tilespmem:v12+s21+$0x0] =	vst.idx.msk $0xffff, v38  }
0x262: {  	v56 =	vor.u32 v1, v54;
	[tilespmem:v13+s21+$0x0] =	vst.idx.msk $0xffff, v37  }
0x263: {  	_ =	swait.ge [sflag:s2], $0x1000  }
0x264: {  	[sflag:s2] =	ssyncset.done $0x0  }
0x265: {  	s22 =	simm.s32 $0x5200;
	[sflag:s2] =	ssyncadd.s32 $0xFFFFF000  }
0x266: {  	v38 =	vld.idx.msk [tilespmem:v55+s22+$0x0], $0xffff  }
0x267: {  	v37 =	vld.idx.msk [tilespmem:v56+s22+$0x0], $0xffff;
	_ =	sdelay $0x1  }
0x268: {  	v57 =	vbroadcast v36, $0x6;
	_ =	sdelay $0x1  }
0x269: {  	v58 =	vor.u32 v0, v57;
	[tilespmem:v14+s21+$0x0] =	vst.idx.msk $0xffff, v38  }
0x26a: {  	v59 =	vor.u32 v1, v57;
	[tilespmem:v15+s21+$0x0] =	vst.idx.msk $0xffff, v37  }
0x26b: {  	_ =	swait.ge [sflag:s3], $0x1000  }
0x26c: {  	[sflag:s3] =	ssyncset.done $0x0  }
0x26d: {  	s24 =	simm.s32 $0x6200;
	[sflag:s3] =	ssyncadd.s32 $0xFFFFF000  }
0x26e: {  	v38 =	vld.idx.msk [tilespmem:v58+s24+$0x0], $0xffff  }
0x26f: {  	v37 =	vld.idx.msk [tilespmem:v59+s24+$0x0], $0xffff;
	_ =	sdelay $0x1  }
0x270: {  	v60 =	vbroadcast v36, $0x7;
	_ =	sdelay $0x1  }
0x271: {  	v61 =	vor.u32 v0, v60;
	[tilespmem:v16+s21+$0x0] =	vst.idx.msk $0xffff, v38  }
0x272: {  	v62 =	vor.u32 v1, v60;
	[tilespmem:v17+s21+$0x0] =	vst.idx.msk $0xffff, v37  }
0x273: {  	_ =	swait.ge [sflag:s5], $0x1000  }
0x274: {  	[sflag:s5] =	ssyncset.done $0x0  }
0x275: {  	s26 =	simm.s32 $0x7200;
	[sflag:s5] =	ssyncadd.s32 $0xFFFFF000  }
0x276: {  	v38 =	vld.idx.msk [tilespmem:v61+s26+$0x0], $0xffff  }
0x277: {  	v37 =	vld.idx.msk [tilespmem:v62+s26+$0x0], $0xffff;
	_ =	sdelay $0x1  }
0x278: {  	v63 =	vbroadcast v36, $0x8;
	_ =	sdelay $0x1  }
0x279: {  	v41 =	vor.u32 v0, v63;
	[tilespmem:v18+s21+$0x0] =	vst.idx.msk $0xffff, v38  }
0x27a: {  	v42 =	vor.u32 v1, v63;
	[tilespmem:v19+s21+$0x0] =	vst.idx.msk $0xffff, v37  }
0x27b: {  	_ =	swait.ge [sflag:s6], $0x1000  }
0x27c: {  	[sflag:s6] =	ssyncset.done $0x0  }
0x27d: {  	s22 =	simm.s32 $0x8200;
	[sflag:s6] =	ssyncadd.s32 $0xFFFFF000  }
0x27e: {  	v38 =	vld.idx.msk [tilespmem:v41+s22+$0x0], $0xffff  }
0x27f: {  	v37 =	vld.idx.msk [tilespmem:v42+s22+$0x0], $0xffff;
	_ =	sdelay $0x1  }
0x280: {  	v43 =	vbroadcast v36, $0x9;
	_ =	sdelay $0x1  }
0x281: {  	v44 =	vor.u32 v0, v43;
	[tilespmem:v20+s21+$0x0] =	vst.idx.msk $0xffff, v38  }
0x282: {  	v45 =	vor.u32 v1, v43;
	[tilespmem:v21+s21+$0x0] =	vst.idx.msk $0xffff, v37  }
0x283: {  	_ =	swait.ge [sflag:s13], $0x1000  }
0x284: {  	[sflag:s13] =	ssyncset.done $0x0  }
0x285: {  	s24 =	simm.s32 $0x9200;
	[sflag:s13] =	ssyncadd.s32 $0xFFFFF000  }
0x286: {  	v38 =	vld.idx.msk [tilespmem:v44+s24+$0x0], $0xffff  }
0x287: {  	v37 =	vld.idx.msk [tilespmem:v45+s24+$0x0], $0xffff;
	_ =	sdelay $0x1  }
0x288: {  	v46 =	vbroadcast v36, $0xA;
	_ =	sdelay $0x1  }
0x289: {  	v47 =	vor.u32 v0, v46;
	[tilespmem:v22+s21+$0x0] =	vst.idx.msk $0xffff, v38  }
0x28a: {  	v48 =	vor.u32 v1, v46;
	[tilespmem:v23+s21+$0x0] =	vst.idx.msk $0xffff, v37  }
0x28b: {  	_ =	swait.ge [sflag:s17], $0x1000  }
0x28c: {  	[sflag:s17] =	ssyncset.done $0x0  }
0x28d: {  	[sflag:s17] =	ssyncadd.s32 $0xFFFFF000  }
0x28e: {  	v38 =	vld.idx.msk [tilespmem:v47+s31+$0x0], $0xffff  }
0x28f: {  	v37 =	vld.idx.msk [tilespmem:v48+s31+$0x0], $0xffff;
	_ =	sdelay $0x1  }
0x290: {  	v49 =	vbroadcast v36, $0xB;
	_ =	sdelay $0x1  }
0x291: {  	v50 =	vor.u32 v0, v49;
	[tilespmem:v24+s21+$0x0] =	vst.idx.msk $0xffff, v38  }
0x292: {  	v51 =	vor.u32 v1, v49;
	[tilespmem:v25+s21+$0x0] =	vst.idx.msk $0xffff, v37  }
0x293: {  	_ =	swait.ge [sflag:s10], $0x1000  }
0x294: {  	[sflag:s10] =	ssyncset.done $0x0  }
0x295: {  	[sflag:s10] =	ssyncadd.s32 $0xFFFFF000  }
0x296: {  	v38 =	vld.idx.msk [tilespmem:v50+s1+$0x0], $0xffff  }
0x297: {  	v37 =	vld.idx.msk [tilespmem:v51+s1+$0x0], $0xffff;
	_ =	sdelay $0x1  }
0x298: {  	v52 =	vbroadcast v36, $0xC;
	_ =	sdelay $0x1  }
0x299: {  	v53 =	vor.u32 v0, v52;
	[tilespmem:v26+s21+$0x0] =	vst.idx.msk $0xffff, v38  }
0x29a: {  	v54 =	vor.u32 v1, v52;
	[tilespmem:v27+s21+$0x0] =	vst.idx.msk $0xffff, v37  }
0x29b: {  	_ =	swait.ge [sflag:s12], $0x1000  }
0x29c: {  	[sflag:s12] =	ssyncset.done $0x0  }
0x29d: {  	[sflag:s12] =	ssyncadd.s32 $0xFFFFF000  }
0x29e: {  	v38 =	vld.idx.msk [tilespmem:v53+s4+$0x0], $0xffff  }
0x29f: {  	v37 =	vld.idx.msk [tilespmem:v54+s4+$0x0], $0xffff;
	_ =	sdelay $0x1  }
0x2a0: {  	v55 =	vbroadcast v36, $0xD;
	_ =	sdelay $0x1  }
0x2a1: {  	v56 =	vor.u32 v0, v55;
	[tilespmem:v28+s21+$0x0] =	vst.idx.msk $0xffff, v38  }
0x2a2: {  	v57 =	vor.u32 v1, v55;
	[tilespmem:v29+s21+$0x0] =	vst.idx.msk $0xffff, v37  }
0x2a3: {  	_ =	swait.ge [sflag:s14], $0x1000  }
0x2a4: {  	[sflag:s14] =	ssyncset.done $0x0  }
0x2a5: {  	[sflag:s14] =	ssyncadd.s32 $0xFFFFF000  }
0x2a6: {  	v38 =	vld.idx.msk [tilespmem:v56+s8+$0x0], $0xffff  }
0x2a7: {  	v37 =	vld.idx.msk [tilespmem:v57+s8+$0x0], $0xffff;
	_ =	sdelay $0x1  }
0x2a8: {  	v58 =	vbroadcast v36, $0xE;
	_ =	sdelay $0x1  }
0x2a9: {  	v59 =	vor.u32 v0, v58;
	[tilespmem:v30+s21+$0x0] =	vst.idx.msk $0xffff, v38  }
0x2aa: {  	v60 =	vor.u32 v1, v58;
	[tilespmem:v31+s21+$0x0] =	vst.idx.msk $0xffff, v37  }
0x2ab: {  	_ =	swait.ge [sflag:s16], $0x1000  }
0x2ac: {  	[sflag:s16] =	ssyncset.done $0x0  }
0x2ad: {  	[sflag:s16] =	ssyncadd.s32 $0xFFFFF000  }
0x2ae: {  	v38 =	vld.idx.msk [tilespmem:v59+s11+$0x0], $0xffff  }
0x2af: {  	v37 =	vld.idx.msk [tilespmem:v60+s11+$0x0], $0xffff;
	_ =	sdelay $0x1  }
0x2b0: {  	v61 =	vbroadcast v36, $0xF;
	_ =	sdelay $0x1  }
0x2b1: {  	v62 =	vor.u32 v0, v61;
	[tilespmem:v32+s21+$0x0] =	vst.idx.msk $0xffff, v38  }
0x2b2: {  	v36 =	vor.u32 v1, v61;
	[tilespmem:v33+s21+$0x0] =	vst.idx.msk $0xffff, v37  }
0x2b3: {  	_ =	swait.ge [sflag:s18], $0x1000  }
0x2b4: {  	[sflag:s18] =	ssyncset.done $0x0  }
0x2b5: {  	[sflag:s18] =	ssyncadd.s32 $0xFFFFF000  }
0x2b6: {  	v63 =	vld.idx.msk [tilespmem:v62+s15+$0x0], $0xffff  }
0x2b7: {  	v36 =	vld.idx.msk [tilespmem:v36+s15+$0x0], $0xffff;
	_ =	sdelay $0x3  }
0x2b8: {  	[tilespmem:v34+s21+$0x0] =	vst.idx.msk $0xffff, v63  }
0x2b9: {  	s22 =	simm.s32 $0x1000;
	s24 =	simm.s32 $0x20000;
	s20 =	rddreg [dreg:$0x5];
	[tilespmem:v35+s21+$0x0] =	vst.idx.msk $0xffff, v36  }
0x2ba: {  	[hbm4b:s20+s22] =	stream.strided.scatter [tilespmem:s21], [sflag:$0x11], $0x4000, s24, s22, $0x38;
	[tilespmem:$0x14200] =	vst v63  }
0x2bb: {  	s24 =	simm.s32 $0x11  }
0x2bc: {  	_ =	swait.ge [sflag:s24], $0x4000  }
0x2bd: {  	s20 =	rddreg [dreg:$0x7]  }
0x2be: {  	s22 =	sadd.s32 $0x1, s20;
	s20 =	rddreg [dreg:$0x6]  }
0x2bf: {  	p0 =	sne.s32 s22, s20  }
.Ltmp1:
0x2c0: {  	_ = 	snop;
	(pc) =	sbr.rel @p0 .LBB2_1-.Ltmp1, $3  }
0x2c1: {  	_ =	sdelay $0x1  }
0x2c2: {  	[sflag:s24] =	ssyncset.done $0x0  }
0x2c3: {  	s29 =	simm.s32 $0x9200;
	s26 =	simm.s32 $0x8200;
	[sflag:s24] =	ssyncadd.s32 $0xFFFFC000  }
0x2c4: {  	_ =	sfence.sel $0x180000  }
0x2c5: {  	[bflag:$0x0] =	sbarrier.arrive $0xFFFF  }
0x2c6: {  	_ =	strace $0x90000047  }
0x2c7: {  	s0 =	stileid.u32;
	[bflag:$0x2] =	sbarrier.arrive $0xFFFF  }
0x2c8: {  	p0 =	sne.s32 s0, $0x0;
	s0 =	rddreg [dreg:$0x3]  }
0x2c9: {  	s0 =	sadd.s32 @!p0 $0x100000, s0  }
0x2ca: {  	[sflag:s0] =	ssyncadd.tile.s32 @!p0 $0x1;
	_ =	shalt  }
.Lfunc_end2:
_tile_overlayer_lowered:
.L_overlay_start_2:
0x2cb: {  	(tag) =	ssettag $0x2  }
0x2cc: {  	s0 =	rddreg [dreg:$0x0];
	s2 =	stileid.u32  }
0x2cd: {  	s1 =	rddreg [dreg:$0x1];
	p0 =	sne.s32 s2, $0x0  }
0x2ce: {  	s3 =	rddreg [dreg:$0x2];
	[bflag:$0x3] =	sbarrier.arrive $0xFFFF;
	s2 =	simm.s32 @!p0 $0x1C11  }
0x2cf: {  	[timem:s3], [sflag:s2] =	dma.local @!p0 [hbm:s0], s1  }
0x2d0: {  	s0 =	simm.s32 @!p0 $0x11  }
0x2d1: {  	_ =	swait.ge @!p0 [sflag:s0], s1  }
0x2d2: {  	s1 =	ssub.s32 @!p0 $0x0, s1;
	[sflag:s0] =	ssyncset.done @!p0 $0x0  }
0x2d3: {  	[sflag:s0] =	ssyncadd.s32 @!p0 s1  }
0x2d4: {  	[bflag:$0x3] =	sbarrier.arrive $0xFFFF  }
0x2d5: {  	_ =	shalt  }

</sc_bundles>
